<compile_context>
chip_gen: v7x
topology: tpu7x:2x2x1
jax: 0.10.2.dev20260603
libtpu: 0.0.44.dev20260713+nightly
codegen_flags: <defaults>
</compile_context>

<pallas_src>
import functools

import jax
import jax.numpy as jnp
from jax import lax
from jax.experimental import pallas as pl
from jax.experimental.pallas import tpu as pltpu
from jax.experimental.pallas import tpu_sc as plsc

EMB_SIZE = 64
SCALE = 8.0
VOCAB = 1000000
CBLK = 128
W = 256
N_SLAB = (VOCAB - EMB_SIZE) // W
IPITCH = 261
GPITCH = 133


def _iota16():
    return lax.iota(jnp.int32, 16)


@functools.lru_cache(maxsize=None)
def _make_transpose_kernel():
    info = plsc.get_sparse_core_info()
    nc, ns = info.num_cores, info.num_subcores
    nw = nc * ns
    nbuf = 2
    per_w = -(-N_SLAB // nw)
    n_rounds = per_w + (-per_w) % nbuf
    n_outer = n_rounds // nbuf
    mesh = plsc.VectorSubcoreMesh(core_axis_name="c", subcore_axis_name="s")

    @functools.partial(
        pl.kernel,
        mesh=mesh,
        out_type=jax.ShapeDtypeStruct((VOCAB // 2, 2 * EMB_SIZE), jnp.float32),
        compiler_params=pltpu.CompilerParams(
            use_tc_tiling_on_sc=True, needs_layout_passes=False
        ),
        scratch_types=(
            [pltpu.VMEM((EMB_SIZE, IPITCH), jnp.float32) for _ in range(nbuf)]
            + [pltpu.VMEM((W // 2, 2 * EMB_SIZE), jnp.float32) for _ in range(nbuf)]
            + [pltpu.SemaphoreType.DMA for _ in range(2 * nbuf)]
        ),
    )
    def sc_transpose(tab_hbm, tail_hbm, packed_hbm, *scratch):
        in_buf = scratch[:nbuf]
        out_buf = scratch[nbuf : 2 * nbuf]
        isem = scratch[2 * nbuf : 3 * nbuf]
        osem = scratch[3 * nbuf : 4 * nbuf]
        wid = lax.axis_index("s") * nc + lax.axis_index("c")
        start = jnp.minimum(wid * per_w, N_SLAB - per_w)

        @pl.when(wid == 0)
        def _():
            pltpu.sync_copy(tail_hbm, out_buf[0].at[pl.ds(0, 32)])
            pltpu.sync_copy(
                out_buf[0].at[pl.ds(0, 32)],
                packed_hbm.at[pl.ds(VOCAB // 2 - 32, 32)],
            )

        def slab(k):
            return jnp.minimum(start + k, N_SLAB - 1)

        def loads(k, b):
            c0 = slab(k) * W
            return [
                pltpu.make_async_copy(
                    tab_hbm.at[g, :, pl.ds(c0, W)],
                    in_buf[b].at[pl.ds(8 * g, 8), pl.ds(0, W)],
                    isem[b],
                )
                for g in range(8)
            ]

        def store(k, b):
            return pltpu.make_async_copy(
                out_buf[b],
                packed_hbm.at[pl.ds(slab(k) * (W // 2), W // 2)],
                osem[b],
            )

        rowv = [_iota16() + 16 * g for g in range(4)]
        for b in range(nbuf):
            for cp in loads(b, b):
                cp.start()

        @pl.loop(0, n_outer)
        def outer(r):
            for b in range(nbuf):
                k = r * nbuf + b
                for cp in loads(k, b):
                    cp.wait()

                @pl.when(r > 0)
                def _():
                    store(k - nbuf, b).wait()

                @plsc.parallel_loop(0, W // 2)
                def transpose_row(u):
                    for h in range(2):
                        colv = jnp.full((16,), 0, jnp.int32) + (2 * u + h)
                        for g in range(4):
                            val = plsc.load_gather(in_buf[b], [rowv[g], colv])
                            out_buf[b][u, pl.ds(64 * h + 16 * g, 16)] = val

                @pl.when(r < n_outer - 1)
                def _():
                    for cp in loads(k + nbuf, b):
                        cp.start()

                store(k, b).start()

        for b in range(nbuf):
            store((n_outer - 1) * nbuf + b, b).wait()

    return sc_transpose


@functools.lru_cache(maxsize=None)
def _make_gather_kernel(bsz: int, seq: int):
    info = plsc.get_sparse_core_info()
    nc, ns = info.num_cores, info.num_subcores
    nw = nc * ns
    nbuf = 2
    assert bsz % (nw * CBLK) == 0
    n_outer = -(-seq // nbuf)
    mesh = plsc.VectorSubcoreMesh(core_axis_name="c", subcore_axis_name="s")

    @functools.partial(
        pl.kernel,
        mesh=mesh,
        out_type=jax.ShapeDtypeStruct((seq, EMB_SIZE, bsz), jnp.float32),
        compiler_params=pltpu.CompilerParams(
            use_tc_tiling_on_sc=True, needs_layout_passes=False
        ),
        scratch_types=(
            [
                pltpu.VMEM((seq, CBLK), jnp.int32),
                pltpu.VMEM((seq, CBLK), jnp.int32),
            ]
            + [pltpu.VMEM((CBLK, GPITCH), jnp.float32) for _ in range(nbuf)]
            + [pltpu.VMEM((EMB_SIZE, CBLK), jnp.float32) for _ in range(nbuf)]
            + [pltpu.SemaphoreType.DMA for _ in range(2 * nbuf)]
        ),
    )
    def sc_gather(packed_hbm, tok_hbm, out_hbm, idx_v, half_v, *scratch):
        gbuf = scratch[:nbuf]
        obuf = scratch[nbuf : 2 * nbuf]
        gsem = scratch[2 * nbuf : 3 * nbuf]
        ssem = scratch[3 * nbuf : 4 * nbuf]
        wid = lax.axis_index("s") * nc + lax.axis_index("c")
        col0 = wid * CBLK

        pltpu.sync_copy(tok_hbm.at[:, pl.ds(col0, CBLK)], idx_v)

        @pl.loop(0, seq)
        def halve(s):
            for m in range(8):
                sl = pl.ds(16 * m, 16)
                half_v[s, sl] = lax.shift_right_logical(idx_v[s, sl], 1)

        def pos(s):
            return jnp.minimum(s, seq - 1)

        def gather(s, b):
            return pltpu.make_async_copy(
                packed_hbm.at[half_v.at[pos(s)]],
                gbuf[b].at[:, pl.ds(0, 2 * EMB_SIZE)],
                gsem[b],
            )

        def store(s, b):
            return pltpu.make_async_copy(
                obuf[b], out_hbm.at[pos(s), :, pl.ds(col0, CBLK)], ssem[b]
            )

        rowv = [_iota16() + 16 * m for m in range(8)]
        for b in range(nbuf):
            gather(b, b).start()

        @pl.loop(0, n_outer)
        def outer(r):
            for b in range(nbuf):
                s = r * nbuf + b
                gather(s, b).wait()

                @pl.when(r > 0)
                def _():
                    store(s - nbuf, b).wait()

                parv = [
                    lax.shift_left(
                        lax.bitwise_and(idx_v[pos(s), pl.ds(16 * m, 16)], 1), 6
                    )
                    for m in range(8)
                ]

                @plsc.parallel_loop(0, EMB_SIZE)
                def reorder(e):
                    for m in range(8):
                        val = plsc.load_gather(gbuf[b], [rowv[m], parv[m] + e])
                        obuf[b][e, pl.ds(16 * m, 16)] = val * SCALE

                @pl.when(r < n_outer - 1)
                def _():
                    gather(s + nbuf, b).start()

                store(s, b).start()

        for b in range(nbuf):
            store((n_outer - 1) * nbuf + b, b).wait()

    return sc_gather


@jax.jit
def kernel(tokens, emb_table):
    bsz, seq = tokens.shape
    tab3 = emb_table.T.reshape(8, 8, VOCAB)
    tail = emb_table[VOCAB - 64 :].reshape(32, 2 * EMB_SIZE)
    packed = _make_transpose_kernel()(tab3, tail)
    tok_t = tokens.astype(jnp.int32).T
    out_phys = _make_gather_kernel(bsz, seq)(packed, tok_t)
    return jnp.transpose(out_phys, (2, 0, 1))

# --- scband reference (transcript-rebuilt; emitter-appended) ---
"""Pipeline reference for scband-token-embedding-36670430773672 (READ-ONLY COPY).

The authoritative reference and input builder live on the scoring server;
editing this copy changes nothing except your own understanding.
"""

import jax, jax.numpy as jnp
import numpy as np
import math

VOCAB_SIZE = 1000000
EMB_SIZE = 64

def setup_inputs(seed: int = 0) -> dict:
    key = jax.random.key(seed)
    k_tok, k_emb = jax.random.split(key)
    tokens = jax.random.randint(k_tok, (4096, 50), 0, VOCAB_SIZE, dtype=jnp.int64 if jax.config.jax_enable_x64 else jnp.int32)
    emb_table = jax.random.normal(k_emb, (VOCAB_SIZE, EMB_SIZE), dtype=jnp.float32)
    return {"tokens": tokens, "emb_table": emb_table}

def reference(tokens, emb_table):
    # TokenEmbedding.forward: embedding(tokens.long()) * sqrt(emb_size)
    out = jnp.take(emb_table, tokens, axis=0) * math.sqrt(EMB_SIZE)
    return out

if __name__ == "__main__":
    import jax
    _d = setup_inputs()
    print(jax.jit(kernel)(*tuple(_d.values())))

</pallas_src>

<mosaic_0001>
#map = affine_map<(d0, d1) -> (0, 0, 0)>
#map1 = affine_map<(d0, d1) -> (0, 0)>
module attributes {stable_mosaic.version = 14 : i64} {
  func.func @sc_transpose(%arg0: i32, %arg1: i32, %arg2: memref<8x8x1000000xf32, #tpu.memory_space<hbm>>, %arg3: memref<32x128xf32, #tpu.memory_space<hbm>>, %arg4: memref<500000x128xf32, #tpu.memory_space<hbm>>, %arg5: memref<64x261xf32, #tpu.memory_space<vmem>>, %arg6: memref<64x261xf32, #tpu.memory_space<vmem>>, %arg7: memref<128x128xf32, #tpu.memory_space<vmem>>, %arg8: memref<128x128xf32, #tpu.memory_space<vmem>>, %arg9: memref<!tpu.dma_semaphore, #tpu.memory_space<semaphore_mem>>, %arg10: memref<!tpu.dma_semaphore, #tpu.memory_space<semaphore_mem>>, %arg11: memref<!tpu.dma_semaphore, #tpu.memory_space<semaphore_mem>>, %arg12: memref<!tpu.dma_semaphore, #tpu.memory_space<semaphore_mem>>) attributes {dimension_semantics = [#tpu.dimension_semantics<core_parallel>, #tpu.dimension_semantics<subcore_parallel>], iteration_bounds = array<i64: 2, 16>, scalar_prefetch = 0 : i64, scratch_operands = 8 : i64, tpu.core_type = #tpu.core_type<sc_vector_subcore>, window_params = [{transform_indices = #map}, {transform_indices = #map1}, {transform_indices = #map1}]} {
    %mul3A = arith.constant 2 : i32
    %mul3A_0 = arith.muli %arg1, %mul3A : i32
    %add3A = arith.addi %mul3A_0, %arg0 : i32
    %mul3A_1 = arith.constant 123 : i32
    %mul3A_2 = arith.muli %add3A, %mul3A_1 : i32
    %min3A = arith.constant 3783 : i32
    %min3A_3 = arith.minsi %mul3A_2, %min3A : i32
    %eq3A = arith.constant 0 : i32
    %eq3A_4 = arith.cmpi eq, %add3A, %eq3A : i32
    %convert_element_type3A = arith.extui %eq3A_4 : i1 to i32
    %cond3A = arith.constant 0 : i32
    %cond3A_5 = arith.cmpi ne, %convert_element_type3A, %cond3A : i32
    scf.if %cond3A_5 {
      "tpu.region"() ({
        %run_scoped3A = tpu.sem_alloc : memref<!tpu.dma_semaphore, #tpu.memory_space<semaphore_mem>>
        %dma_start3A_263 = arith.constant 0 : i32
        %dma_start3A_264 = arith.constant 0 : i32
        %dma_start3A_265 = tpu.memref_slice %arg7[%dma_start3A_263, %dma_start3A_264] : memref<128x128xf32, #tpu.memory_space<vmem>> -> memref<32x128xf32, #tpu.memory_space<vmem>>
        %dma_start3A_266 = arith.constant 0 : i32
        %dma_start3A_267 = arith.constant 0 : i32
        %dma_start3A_268 = tpu.memref_slice %arg7[%dma_start3A_266, %dma_start3A_267] : memref<128x128xf32, #tpu.memory_space<vmem>> -> memref<32x128xf32, #tpu.memory_space<vmem>>
        tpu.enqueue_dma source(%arg3 : memref<32x128xf32, #tpu.memory_space<hbm>>) target(%dma_start3A_268 : memref<32x128xf32, #tpu.memory_space<vmem>>) target_semaphore(%run_scoped3A : memref<!tpu.dma_semaphore, #tpu.memory_space<semaphore_mem>>)
        %dma_wait3A_269 = arith.constant 0 : i32
        %dma_wait3A_270 = arith.constant 0 : i32
        %dma_wait3A_271 = tpu.memref_slice %arg7[%dma_wait3A_269, %dma_wait3A_270] : memref<128x128xf32, #tpu.memory_space<vmem>> -> memref<32x128xf32, #tpu.memory_space<vmem>>
        %dma_wait3A_272 = arith.constant 0 : i32
        %dma_wait3A_273 = arith.constant 0 : i32
        %dma_wait3A_274 = tpu.memref_slice %arg7[%dma_wait3A_272, %dma_wait3A_273] : memref<128x128xf32, #tpu.memory_space<vmem>> -> memref<32x128xf32, #tpu.memory_space<vmem>>
        tpu.wait_dma2 semaphore(%run_scoped3A : memref<!tpu.dma_semaphore, #tpu.memory_space<semaphore_mem>>) src(%arg3 : memref<32x128xf32, #tpu.memory_space<hbm>>) dst(%dma_wait3A_274 : memref<32x128xf32, #tpu.memory_space<vmem>>)
        tpu.yield
      }) : () -> ()
      "tpu.region"() ({
        %run_scoped3A = tpu.sem_alloc : memref<!tpu.dma_semaphore, #tpu.memory_space<semaphore_mem>>
        %dma_start3A_263 = arith.constant 0 : i32
        %dma_start3A_264 = arith.constant 0 : i32
        %dma_start3A_265 = tpu.memref_slice %arg7[%dma_start3A_263, %dma_start3A_264] : memref<128x128xf32, #tpu.memory_space<vmem>> -> memref<32x128xf32, #tpu.memory_space<vmem>>
        %dma_start3A_266 = arith.constant 499968 : i32
        %dma_start3A_267 = arith.constant 0 : i32
        %dma_start3A_268 = tpu.memref_slice %arg4[%dma_start3A_266, %dma_start3A_267] : memref<500000x128xf32, #tpu.memory_space<hbm>> -> memref<32x128xf32, #tpu.memory_space<hbm>>
        %dma_start3A_269 = arith.constant 499968 : i32
        %dma_start3A_270 = arith.constant 0 : i32
        %dma_start3A_271 = tpu.memref_slice %arg4[%dma_start3A_269, %dma_start3A_270] : memref<500000x128xf32, #tpu.memory_space<hbm>> -> memref<32x128xf32, #tpu.memory_space<hbm>>
        %dma_start3A_272 = arith.constant 0 : i32
        %dma_start3A_273 = arith.constant 0 : i32
        %dma_start3A_274 = tpu.memref_slice %arg7[%dma_start3A_272, %dma_start3A_273] : memref<128x128xf32, #tpu.memory_space<vmem>> -> memref<32x128xf32, #tpu.memory_space<vmem>>
        tpu.enqueue_dma source(%dma_start3A_274 : memref<32x128xf32, #tpu.memory_space<vmem>>) target(%dma_start3A_271 : memref<32x128xf32, #tpu.memory_space<hbm>>) target_semaphore(%run_scoped3A : memref<!tpu.dma_semaphore, #tpu.memory_space<semaphore_mem>>)
        %dma_wait3A_275 = arith.constant 0 : i32
        %dma_wait3A_276 = arith.constant 0 : i32
        %dma_wait3A_277 = tpu.memref_slice %arg7[%dma_wait3A_275, %dma_wait3A_276] : memref<128x128xf32, #tpu.memory_space<vmem>> -> memref<32x128xf32, #tpu.memory_space<vmem>>
        %dma_wait3A_278 = arith.constant 499968 : i32
        %dma_wait3A_279 = arith.constant 0 : i32
        %dma_wait3A_280 = tpu.memref_slice %arg4[%dma_wait3A_278, %dma_wait3A_279] : memref<500000x128xf32, #tpu.memory_space<hbm>> -> memref<32x128xf32, #tpu.memory_space<hbm>>
        %dma_wait3A_281 = arith.constant 499968 : i32
        %dma_wait3A_282 = arith.constant 0 : i32
        %dma_wait3A_283 = tpu.memref_slice %arg4[%dma_wait3A_281, %dma_wait3A_282] : memref<500000x128xf32, #tpu.memory_space<hbm>> -> memref<32x128xf32, #tpu.memory_space<hbm>>
        %dma_wait3A_284 = arith.constant 0 : i32
        %dma_wait3A_285 = arith.constant 0 : i32
        %dma_wait3A_286 = tpu.memref_slice %arg7[%dma_wait3A_284, %dma_wait3A_285] : memref<128x128xf32, #tpu.memory_space<vmem>> -> memref<32x128xf32, #tpu.memory_space<vmem>>
        tpu.wait_dma2 semaphore(%run_scoped3A : memref<!tpu.dma_semaphore, #tpu.memory_space<semaphore_mem>>) src(%dma_wait3A_286 : memref<32x128xf32, #tpu.memory_space<vmem>>) dst(%dma_wait3A_283 : memref<32x128xf32, #tpu.memory_space<hbm>>)
        tpu.yield
      }) : () -> ()
    } else {
    }
    %iota3A = tpu.iota {dimensions = array<i32: 0>} : vector<16xi32>
    %add3A_6 = arith.constant 0 : i32
    %add3A_7 = vector.broadcast %add3A_6 : i32 to vector<16xi32>
    %add3A_8 = arith.addi %iota3A, %add3A_7 : vector<16xi32>
    %iota3A_9 = tpu.iota {dimensions = array<i32: 0>} : vector<16xi32>
    %add3A_10 = arith.constant 16 : i32
    %add3A_11 = vector.broadcast %add3A_10 : i32 to vector<16xi32>
    %add3A_12 = arith.addi %iota3A_9, %add3A_11 : vector<16xi32>
    %iota3A_13 = tpu.iota {dimensions = array<i32: 0>} : vector<16xi32>
    %add3A_14 = arith.constant 32 : i32
    %add3A_15 = vector.broadcast %add3A_14 : i32 to vector<16xi32>
    %add3A_16 = arith.addi %iota3A_13, %add3A_15 : vector<16xi32>
    %iota3A_17 = tpu.iota {dimensions = array<i32: 0>} : vector<16xi32>
    %add3A_18 = arith.constant 48 : i32
    %add3A_19 = vector.broadcast %add3A_18 : i32 to vector<16xi32>
    %add3A_20 = arith.addi %iota3A_17, %add3A_19 : vector<16xi32>
    %add3A_21 = arith.constant 0 : i32
    %add3A_22 = arith.addi %min3A_3, %add3A_21 : i32
    %min3A_23 = arith.constant 3905 : i32
    %min3A_24 = arith.minsi %add3A_22, %min3A_23 : i32
    %mul3A_25 = arith.constant 256 : i32
    %mul3A_26 = arith.muli %min3A_24, %mul3A_25 : i32
    %dma_start3A = arith.constant 0 : i32
    %dma_start3A_27 = arith.constant 0 : i32
    %dma_start3A_28 = arith.constant 0 : i32
    %dma_start3A_29 = tpu.memref_slice %arg5[%dma_start3A_27, %dma_start3A_28] : memref<64x261xf32, #tpu.memory_space<vmem>> -> memref<8x256xf32, #tpu.memory_space<vmem>>
    %dma_start3A_30 = arith.constant 0 : i32
    %dma_start3A_31 = tpu.memref_slice %arg2[%dma_start3A, %dma_start3A_30, %mul3A_26] : memref<8x8x1000000xf32, #tpu.memory_space<hbm>> -> memref<1x8x256xf32, #tpu.memory_space<hbm>>
    %dma_start3A_32 = tpu.memref_squeeze %dma_start3A_31 : memref<1x8x256xf32, #tpu.memory_space<hbm>> -> memref<8x256xf32, #tpu.memory_space<hbm>>
    %dma_start3A_33 = arith.constant 0 : i32
    %dma_start3A_34 = arith.constant 0 : i32
    %dma_start3A_35 = tpu.memref_slice %arg5[%dma_start3A_33, %dma_start3A_34] : memref<64x261xf32, #tpu.memory_space<vmem>> -> memref<8x256xf32, #tpu.memory_space<vmem>>
    %dma_start3A_36 = arith.constant 0 : i32
    %dma_start3A_37 = tpu.memref_slice %arg2[%dma_start3A, %dma_start3A_36, %mul3A_26] : memref<8x8x1000000xf32, #tpu.memory_space<hbm>> -> memref<1x8x256xf32, #tpu.memory_space<hbm>>
    %dma_start3A_38 = tpu.memref_squeeze %dma_start3A_37 : memref<1x8x256xf32, #tpu.memory_space<hbm>> -> memref<8x256xf32, #tpu.memory_space<hbm>>
    tpu.enqueue_dma source(%dma_start3A_38 : memref<8x256xf32, #tpu.memory_space<hbm>>) target(%dma_start3A_35 : memref<8x256xf32, #tpu.memory_space<vmem>>) target_semaphore(%arg9 : memref<!tpu.dma_semaphore, #tpu.memory_space<semaphore_mem>>)
    %dma_start3A_39 = arith.constant 1 : i32
    %dma_start3A_40 = arith.constant 8 : i32
    %dma_start3A_41 = arith.constant 0 : i32
    %dma_start3A_42 = tpu.memref_slice %arg5[%dma_start3A_40, %dma_start3A_41] : memref<64x261xf32, #tpu.memory_space<vmem>> -> memref<8x256xf32, #tpu.memory_space<vmem>>
    %dma_start3A_43 = arith.constant 0 : i32
    %dma_start3A_44 = tpu.memref_slice %arg2[%dma_start3A_39, %dma_start3A_43, %mul3A_26] : memref<8x8x1000000xf32, #tpu.memory_space<hbm>> -> memref<1x8x256xf32, #tpu.memory_space<hbm>>
    %dma_start3A_45 = tpu.memref_squeeze %dma_start3A_44 : memref<1x8x256xf32, #tpu.memory_space<hbm>> -> memref<8x256xf32, #tpu.memory_space<hbm>>
    %dma_start3A_46 = arith.constant 8 : i32
    %dma_start3A_47 = arith.constant 0 : i32
    %dma_start3A_48 = tpu.memref_slice %arg5[%dma_start3A_46, %dma_start3A_47] : memref<64x261xf32, #tpu.memory_space<vmem>> -> memref<8x256xf32, #tpu.memory_space<vmem>>
    %dma_start3A_49 = arith.constant 0 : i32
    %dma_start3A_50 = tpu.memref_slice %arg2[%dma_start3A_39, %dma_start3A_49, %mul3A_26] : memref<8x8x1000000xf32, #tpu.memory_space<hbm>> -> memref<1x8x256xf32, #tpu.memory_space<hbm>>
    %dma_start3A_51 = tpu.memref_squeeze %dma_start3A_50 : memref<1x8x256xf32, #tpu.memory_space<hbm>> -> memref<8x256xf32, #tpu.memory_space<hbm>>
    tpu.enqueue_dma source(%dma_start3A_51 : memref<8x256xf32, #tpu.memory_space<hbm>>) target(%dma_start3A_48 : memref<8x256xf32, #tpu.memory_space<vmem>>) target_semaphore(%arg9 : memref<!tpu.dma_semaphore, #tpu.memory_space<semaphore_mem>>)
    %dma_start3A_52 = arith.constant 2 : i32
    %dma_start3A_53 = arith.constant 16 : i32
    %dma_start3A_54 = arith.constant 0 : i32
    %dma_start3A_55 = tpu.memref_slice %arg5[%dma_start3A_53, %dma_start3A_54] : memref<64x261xf32, #tpu.memory_space<vmem>> -> memref<8x256xf32, #tpu.memory_space<vmem>>
    %dma_start3A_56 = arith.constant 0 : i32
    %dma_start3A_57 = tpu.memref_slice %arg2[%dma_start3A_52, %dma_start3A_56, %mul3A_26] : memref<8x8x1000000xf32, #tpu.memory_space<hbm>> -> memref<1x8x256xf32, #tpu.memory_space<hbm>>
    %dma_start3A_58 = tpu.memref_squeeze %dma_start3A_57 : memref<1x8x256xf32, #tpu.memory_space<hbm>> -> memref<8x256xf32, #tpu.memory_space<hbm>>
    %dma_start3A_59 = arith.constant 16 : i32
    %dma_start3A_60 = arith.constant 0 : i32
    %dma_start3A_61 = tpu.memref_slice %arg5[%dma_start3A_59, %dma_start3A_60] : memref<64x261xf32, #tpu.memory_space<vmem>> -> memref<8x256xf32, #tpu.memory_space<vmem>>
    %dma_start3A_62 = arith.constant 0 : i32
    %dma_start3A_63 = tpu.memref_slice %arg2[%dma_start3A_52, %dma_start3A_62, %mul3A_26] : memref<8x8x1000000xf32, #tpu.memory_space<hbm>> -> memref<1x8x256xf32, #tpu.memory_space<hbm>>
    %dma_start3A_64 = tpu.memref_squeeze %dma_start3A_63 : memref<1x8x256xf32, #tpu.memory_space<hbm>> -> memref<8x256xf32, #tpu.memory_space<hbm>>
    tpu.enqueue_dma source(%dma_start3A_64 : memref<8x256xf32, #tpu.memory_space<hbm>>) target(%dma_start3A_61 : memref<8x256xf32, #tpu.memory_space<vmem>>) target_semaphore(%arg9 : memref<!tpu.dma_semaphore, #tpu.memory_space<semaphore_mem>>)
    %dma_start3A_65 = arith.constant 3 : i32
    %dma_start3A_66 = arith.constant 24 : i32
    %dma_start3A_67 = arith.constant 0 : i32
    %dma_start3A_68 = tpu.memref_slice %arg5[%dma_start3A_66, %dma_start3A_67] : memref<64x261xf32, #tpu.memory_space<vmem>> -> memref<8x256xf32, #tpu.memory_space<vmem>>
    %dma_start3A_69 = arith.constant 0 : i32
    %dma_start3A_70 = tpu.memref_slice %arg2[%dma_start3A_65, %dma_start3A_69, %mul3A_26] : memref<8x8x1000000xf32, #tpu.memory_space<hbm>> -> memref<1x8x256xf32, #tpu.memory_space<hbm>>
    %dma_start3A_71 = tpu.memref_squeeze %dma_start3A_70 : memref<1x8x256xf32, #tpu.memory_space<hbm>> -> memref<8x256xf32, #tpu.memory_space<hbm>>
    %dma_start3A_72 = arith.constant 24 : i32
    %dma_start3A_73 = arith.constant 0 : i32
    %dma_start3A_74 = tpu.memref_slice %arg5[%dma_start3A_72, %dma_start3A_73] : memref<64x261xf32, #tpu.memory_space<vmem>> -> memref<8x256xf32, #tpu.memory_space<vmem>>
    %dma_start3A_75 = arith.constant 0 : i32
    %dma_start3A_76 = tpu.memref_slice %arg2[%dma_start3A_65, %dma_start3A_75, %mul3A_26] : memref<8x8x1000000xf32, #tpu.memory_space<hbm>> -> memref<1x8x256xf32, #tpu.memory_space<hbm>>
    %dma_start3A_77 = tpu.memref_squeeze %dma_start3A_76 : memref<1x8x256xf32, #tpu.memory_space<hbm>> -> memref<8x256xf32, #tpu.memory_space<hbm>>
    tpu.enqueue_dma source(%dma_start3A_77 : memref<8x256xf32, #tpu.memory_space<hbm>>) target(%dma_start3A_74 : memref<8x256xf32, #tpu.memory_space<vmem>>) target_semaphore(%arg9 : memref<!tpu.dma_semaphore, #tpu.memory_space<semaphore_mem>>)
    %dma_start3A_78 = arith.constant 4 : i32
    %dma_start3A_79 = arith.constant 32 : i32
    %dma_start3A_80 = arith.constant 0 : i32
    %dma_start3A_81 = tpu.memref_slice %arg5[%dma_start3A_79, %dma_start3A_80] : memref<64x261xf32, #tpu.memory_space<vmem>> -> memref<8x256xf32, #tpu.memory_space<vmem>>
    %dma_start3A_82 = arith.constant 0 : i32
    %dma_start3A_83 = tpu.memref_slice %arg2[%dma_start3A_78, %dma_start3A_82, %mul3A_26] : memref<8x8x1000000xf32, #tpu.memory_space<hbm>> -> memref<1x8x256xf32, #tpu.memory_space<hbm>>
    %dma_start3A_84 = tpu.memref_squeeze %dma_start3A_83 : memref<1x8x256xf32, #tpu.memory_space<hbm>> -> memref<8x256xf32, #tpu.memory_space<hbm>>
    %dma_start3A_85 = arith.constant 32 : i32
    %dma_start3A_86 = arith.constant 0 : i32
    %dma_start3A_87 = tpu.memref_slice %arg5[%dma_start3A_85, %dma_start3A_86] : memref<64x261xf32, #tpu.memory_space<vmem>> -> memref<8x256xf32, #tpu.memory_space<vmem>>
    %dma_start3A_88 = arith.constant 0 : i32
    %dma_start3A_89 = tpu.memref_slice %arg2[%dma_start3A_78, %dma_start3A_88, %mul3A_26] : memref<8x8x1000000xf32, #tpu.memory_space<hbm>> -> memref<1x8x256xf32, #tpu.memory_space<hbm>>
    %dma_start3A_90 = tpu.memref_squeeze %dma_start3A_89 : memref<1x8x256xf32, #tpu.memory_space<hbm>> -> memref<8x256xf32, #tpu.memory_space<hbm>>
    tpu.enqueue_dma source(%dma_start3A_90 : memref<8x256xf32, #tpu.memory_space<hbm>>) target(%dma_start3A_87 : memref<8x256xf32, #tpu.memory_space<vmem>>) target_semaphore(%arg9 : memref<!tpu.dma_semaphore, #tpu.memory_space<semaphore_mem>>)
    %dma_start3A_91 = arith.constant 5 : i32
    %dma_start3A_92 = arith.constant 40 : i32
    %dma_start3A_93 = arith.constant 0 : i32
    %dma_start3A_94 = tpu.memref_slice %arg5[%dma_start3A_92, %dma_start3A_93] : memref<64x261xf32, #tpu.memory_space<vmem>> -> memref<8x256xf32, #tpu.memory_space<vmem>>
    %dma_start3A_95 = arith.constant 0 : i32
    %dma_start3A_96 = tpu.memref_slice %arg2[%dma_start3A_91, %dma_start3A_95, %mul3A_26] : memref<8x8x1000000xf32, #tpu.memory_space<hbm>> -> memref<1x8x256xf32, #tpu.memory_space<hbm>>
    %dma_start3A_97 = tpu.memref_squeeze %dma_start3A_96 : memref<1x8x256xf32, #tpu.memory_space<hbm>> -> memref<8x256xf32, #tpu.memory_space<hbm>>
    %dma_start3A_98 = arith.constant 40 : i32
    %dma_start3A_99 = arith.constant 0 : i32
    %dma_start3A_100 = tpu.memref_slice %arg5[%dma_start3A_98, %dma_start3A_99] : memref<64x261xf32, #tpu.memory_space<vmem>> -> memref<8x256xf32, #tpu.memory_space<vmem>>
    %dma_start3A_101 = arith.constant 0 : i32
    %dma_start3A_102 = tpu.memref_slice %arg2[%dma_start3A_91, %dma_start3A_101, %mul3A_26] : memref<8x8x1000000xf32, #tpu.memory_space<hbm>> -> memref<1x8x256xf32, #tpu.memory_space<hbm>>
    %dma_start3A_103 = tpu.memref_squeeze %dma_start3A_102 : memref<1x8x256xf32, #tpu.memory_space<hbm>> -> memref<8x256xf32, #tpu.memory_space<hbm>>
    tpu.enqueue_dma source(%dma_start3A_103 : memref<8x256xf32, #tpu.memory_space<hbm>>) target(%dma_start3A_100 : memref<8x256xf32, #tpu.memory_space<vmem>>) target_semaphore(%arg9 : memref<!tpu.dma_semaphore, #tpu.memory_space<semaphore_mem>>)
    %dma_start3A_104 = arith.constant 6 : i32
    %dma_start3A_105 = arith.constant 48 : i32
    %dma_start3A_106 = arith.constant 0 : i32
    %dma_start3A_107 = tpu.memref_slice %arg5[%dma_start3A_105, %dma_start3A_106] : memref<64x261xf32, #tpu.memory_space<vmem>> -> memref<8x256xf32, #tpu.memory_space<vmem>>
    %dma_start3A_108 = arith.constant 0 : i32
    %dma_start3A_109 = tpu.memref_slice %arg2[%dma_start3A_104, %dma_start3A_108, %mul3A_26] : memref<8x8x1000000xf32, #tpu.memory_space<hbm>> -> memref<1x8x256xf32, #tpu.memory_space<hbm>>
    %dma_start3A_110 = tpu.memref_squeeze %dma_start3A_109 : memref<1x8x256xf32, #tpu.memory_space<hbm>> -> memref<8x256xf32, #tpu.memory_space<hbm>>
    %dma_start3A_111 = arith.constant 48 : i32
    %dma_start3A_112 = arith.constant 0 : i32
    %dma_start3A_113 = tpu.memref_slice %arg5[%dma_start3A_111, %dma_start3A_112] : memref<64x261xf32, #tpu.memory_space<vmem>> -> memref<8x256xf32, #tpu.memory_space<vmem>>
    %dma_start3A_114 = arith.constant 0 : i32
    %dma_start3A_115 = tpu.memref_slice %arg2[%dma_start3A_104, %dma_start3A_114, %mul3A_26] : memref<8x8x1000000xf32, #tpu.memory_space<hbm>> -> memref<1x8x256xf32, #tpu.memory_space<hbm>>
    %dma_start3A_116 = tpu.memref_squeeze %dma_start3A_115 : memref<1x8x256xf32, #tpu.memory_space<hbm>> -> memref<8x256xf32, #tpu.memory_space<hbm>>
    tpu.enqueue_dma source(%dma_start3A_116 : memref<8x256xf32, #tpu.memory_space<hbm>>) target(%dma_start3A_113 : memref<8x256xf32, #tpu.memory_space<vmem>>) target_semaphore(%arg9 : memref<!tpu.dma_semaphore, #tpu.memory_space<semaphore_mem>>)
    %dma_start3A_117 = arith.constant 7 : i32
    %dma_start3A_118 = arith.constant 56 : i32
    %dma_start3A_119 = arith.constant 0 : i32
    %dma_start3A_120 = tpu.memref_slice %arg5[%dma_start3A_118, %dma_start3A_119] : memref<64x261xf32, #tpu.memory_space<vmem>> -> memref<8x256xf32, #tpu.memory_space<vmem>>
    %dma_start3A_121 = arith.constant 0 : i32
    %dma_start3A_122 = tpu.memref_slice %arg2[%dma_start3A_117, %dma_start3A_121, %mul3A_26] : memref<8x8x1000000xf32, #tpu.memory_space<hbm>> -> memref<1x8x256xf32, #tpu.memory_space<hbm>>
    %dma_start3A_123 = tpu.memref_squeeze %dma_start3A_122 : memref<1x8x256xf32, #tpu.memory_space<hbm>> -> memref<8x256xf32, #tpu.memory_space<hbm>>
    %dma_start3A_124 = arith.constant 56 : i32
    %dma_start3A_125 = arith.constant 0 : i32
    %dma_start3A_126 = tpu.memref_slice %arg5[%dma_start3A_124, %dma_start3A_125] : memref<64x261xf32, #tpu.memory_space<vmem>> -> memref<8x256xf32, #tpu.memory_space<vmem>>
    %dma_start3A_127 = arith.constant 0 : i32
    %dma_start3A_128 = tpu.memref_slice %arg2[%dma_start3A_117, %dma_start3A_127, %mul3A_26] : memref<8x8x1000000xf32, #tpu.memory_space<hbm>> -> memref<1x8x256xf32, #tpu.memory_space<hbm>>
    %dma_start3A_129 = tpu.memref_squeeze %dma_start3A_128 : memref<1x8x256xf32, #tpu.memory_space<hbm>> -> memref<8x256xf32, #tpu.memory_space<hbm>>
    tpu.enqueue_dma source(%dma_start3A_129 : memref<8x256xf32, #tpu.memory_space<hbm>>) target(%dma_start3A_126 : memref<8x256xf32, #tpu.memory_space<vmem>>) target_semaphore(%arg9 : memref<!tpu.dma_semaphore, #tpu.memory_space<semaphore_mem>>)
    %add3A_130 = arith.constant 1 : i32
    %add3A_131 = arith.addi %min3A_3, %add3A_130 : i32
    %min3A_132 = arith.constant 3905 : i32
    %min3A_133 = arith.minsi %add3A_131, %min3A_132 : i32
    %mul3A_134 = arith.constant 256 : i32
    %mul3A_135 = arith.muli %min3A_133, %mul3A_134 : i32
    %dma_start3A_136 = arith.constant 0 : i32
    %dma_start3A_137 = arith.constant 0 : i32
    %dma_start3A_138 = arith.constant 0 : i32
    %dma_start3A_139 = tpu.memref_slice %arg6[%dma_start3A_137, %dma_start3A_138] : memref<64x261xf32, #tpu.memory_space<vmem>> -> memref<8x256xf32, #tpu.memory_space<vmem>>
    %dma_start3A_140 = arith.constant 0 : i32
    %dma_start3A_141 = tpu.memref_slice %arg2[%dma_start3A_136, %dma_start3A_140, %mul3A_135] : memref<8x8x1000000xf32, #tpu.memory_space<hbm>> -> memref<1x8x256xf32, #tpu.memory_space<hbm>>
    %dma_start3A_142 = tpu.memref_squeeze %dma_start3A_141 : memref<1x8x256xf32, #tpu.memory_space<hbm>> -> memref<8x256xf32, #tpu.memory_space<hbm>>
    %dma_start3A_143 = arith.constant 0 : i32
    %dma_start3A_144 = arith.constant 0 : i32
    %dma_start3A_145 = tpu.memref_slice %arg6[%dma_start3A_143, %dma_start3A_144] : memref<64x261xf32, #tpu.memory_space<vmem>> -> memref<8x256xf32, #tpu.memory_space<vmem>>
    %dma_start3A_146 = arith.constant 0 : i32
    %dma_start3A_147 = tpu.memref_slice %arg2[%dma_start3A_136, %dma_start3A_146, %mul3A_135] : memref<8x8x1000000xf32, #tpu.memory_space<hbm>> -> memref<1x8x256xf32, #tpu.memory_space<hbm>>
    %dma_start3A_148 = tpu.memref_squeeze %dma_start3A_147 : memref<1x8x256xf32, #tpu.memory_space<hbm>> -> memref<8x256xf32, #tpu.memory_space<hbm>>
    tpu.enqueue_dma source(%dma_start3A_148 : memref<8x256xf32, #tpu.memory_space<hbm>>) target(%dma_start3A_145 : memref<8x256xf32, #tpu.memory_space<vmem>>) target_semaphore(%arg10 : memref<!tpu.dma_semaphore, #tpu.memory_space<semaphore_mem>>)
    %dma_start3A_149 = arith.constant 1 : i32
    %dma_start3A_150 = arith.constant 8 : i32
    %dma_start3A_151 = arith.constant 0 : i32
    %dma_start3A_152 = tpu.memref_slice %arg6[%dma_start3A_150, %dma_start3A_151] : memref<64x261xf32, #tpu.memory_space<vmem>> -> memref<8x256xf32, #tpu.memory_space<vmem>>
    %dma_start3A_153 = arith.constant 0 : i32
    %dma_start3A_154 = tpu.memref_slice %arg2[%dma_start3A_149, %dma_start3A_153, %mul3A_135] : memref<8x8x1000000xf32, #tpu.memory_space<hbm>> -> memref<1x8x256xf32, #tpu.memory_space<hbm>>
    %dma_start3A_155 = tpu.memref_squeeze %dma_start3A_154 : memref<1x8x256xf32, #tpu.memory_space<hbm>> -> memref<8x256xf32, #tpu.memory_space<hbm>>
    %dma_start3A_156 = arith.constant 8 : i32
    %dma_start3A_157 = arith.constant 0 : i32
    %dma_start3A_158 = tpu.memref_slice %arg6[%dma_start3A_156, %dma_start3A_157] : memref<64x261xf32, #tpu.memory_space<vmem>> -> memref<8x256xf32, #tpu.memory_space<vmem>>
    %dma_start3A_159 = arith.constant 0 : i32
    %dma_start3A_160 = tpu.memref_slice %arg2[%dma_start3A_149, %dma_start3A_159, %mul3A_135] : memref<8x8x1000000xf32, #tpu.memory_space<hbm>> -> memref<1x8x256xf32, #tpu.memory_space<hbm>>
    %dma_start3A_161 = tpu.memref_squeeze %dma_start3A_160 : memref<1x8x256xf32, #tpu.memory_space<hbm>> -> memref<8x256xf32, #tpu.memory_space<hbm>>
    tpu.enqueue_dma source(%dma_start3A_161 : memref<8x256xf32, #tpu.memory_space<hbm>>) target(%dma_start3A_158 : memref<8x256xf32, #tpu.memory_space<vmem>>) target_semaphore(%arg10 : memref<!tpu.dma_semaphore, #tpu.memory_space<semaphore_mem>>)
    %dma_start3A_162 = arith.constant 2 : i32
    %dma_start3A_163 = arith.constant 16 : i32
    %dma_start3A_164 = arith.constant 0 : i32
    %dma_start3A_165 = tpu.memref_slice %arg6[%dma_start3A_163, %dma_start3A_164] : memref<64x261xf32, #tpu.memory_space<vmem>> -> memref<8x256xf32, #tpu.memory_space<vmem>>
    %dma_start3A_166 = arith.constant 0 : i32
    %dma_start3A_167 = tpu.memref_slice %arg2[%dma_start3A_162, %dma_start3A_166, %mul3A_135] : memref<8x8x1000000xf32, #tpu.memory_space<hbm>> -> memref<1x8x256xf32, #tpu.memory_space<hbm>>
    %dma_start3A_168 = tpu.memref_squeeze %dma_start3A_167 : memref<1x8x256xf32, #tpu.memory_space<hbm>> -> memref<8x256xf32, #tpu.memory_space<hbm>>
    %dma_start3A_169 = arith.constant 16 : i32
    %dma_start3A_170 = arith.constant 0 : i32
    %dma_start3A_171 = tpu.memref_slice %arg6[%dma_start3A_169, %dma_start3A_170] : memref<64x261xf32, #tpu.memory_space<vmem>> -> memref<8x256xf32, #tpu.memory_space<vmem>>
    %dma_start3A_172 = arith.constant 0 : i32
    %dma_start3A_173 = tpu.memref_slice %arg2[%dma_start3A_162, %dma_start3A_172, %mul3A_135] : memref<8x8x1000000xf32, #tpu.memory_space<hbm>> -> memref<1x8x256xf32, #tpu.memory_space<hbm>>
    %dma_start3A_174 = tpu.memref_squeeze %dma_start3A_173 : memref<1x8x256xf32, #tpu.memory_space<hbm>> -> memref<8x256xf32, #tpu.memory_space<hbm>>
    tpu.enqueue_dma source(%dma_start3A_174 : memref<8x256xf32, #tpu.memory_space<hbm>>) target(%dma_start3A_171 : memref<8x256xf32, #tpu.memory_space<vmem>>) target_semaphore(%arg10 : memref<!tpu.dma_semaphore, #tpu.memory_space<semaphore_mem>>)
    %dma_start3A_175 = arith.constant 3 : i32
    %dma_start3A_176 = arith.constant 24 : i32
    %dma_start3A_177 = arith.constant 0 : i32
    %dma_start3A_178 = tpu.memref_slice %arg6[%dma_start3A_176, %dma_start3A_177] : memref<64x261xf32, #tpu.memory_space<vmem>> -> memref<8x256xf32, #tpu.memory_space<vmem>>
    %dma_start3A_179 = arith.constant 0 : i32
    %dma_start3A_180 = tpu.memref_slice %arg2[%dma_start3A_175, %dma_start3A_179, %mul3A_135] : memref<8x8x1000000xf32, #tpu.memory_space<hbm>> -> memref<1x8x256xf32, #tpu.memory_space<hbm>>
    %dma_start3A_181 = tpu.memref_squeeze %dma_start3A_180 : memref<1x8x256xf32, #tpu.memory_space<hbm>> -> memref<8x256xf32, #tpu.memory_space<hbm>>
    %dma_start3A_182 = arith.constant 24 : i32
    %dma_start3A_183 = arith.constant 0 : i32
    %dma_start3A_184 = tpu.memref_slice %arg6[%dma_start3A_182, %dma_start3A_183] : memref<64x261xf32, #tpu.memory_space<vmem>> -> memref<8x256xf32, #tpu.memory_space<vmem>>
    %dma_start3A_185 = arith.constant 0 : i32
    %dma_start3A_186 = tpu.memref_slice %arg2[%dma_start3A_175, %dma_start3A_185, %mul3A_135] : memref<8x8x1000000xf32, #tpu.memory_space<hbm>> -> memref<1x8x256xf32, #tpu.memory_space<hbm>>
    %dma_start3A_187 = tpu.memref_squeeze %dma_start3A_186 : memref<1x8x256xf32, #tpu.memory_space<hbm>> -> memref<8x256xf32, #tpu.memory_space<hbm>>
    tpu.enqueue_dma source(%dma_start3A_187 : memref<8x256xf32, #tpu.memory_space<hbm>>) target(%dma_start3A_184 : memref<8x256xf32, #tpu.memory_space<vmem>>) target_semaphore(%arg10 : memref<!tpu.dma_semaphore, #tpu.memory_space<semaphore_mem>>)
    %dma_start3A_188 = arith.constant 4 : i32
    %dma_start3A_189 = arith.constant 32 : i32
    %dma_start3A_190 = arith.constant 0 : i32
    %dma_start3A_191 = tpu.memref_slice %arg6[%dma_start3A_189, %dma_start3A_190] : memref<64x261xf32, #tpu.memory_space<vmem>> -> memref<8x256xf32, #tpu.memory_space<vmem>>
    %dma_start3A_192 = arith.constant 0 : i32
    %dma_start3A_193 = tpu.memref_slice %arg2[%dma_start3A_188, %dma_start3A_192, %mul3A_135] : memref<8x8x1000000xf32, #tpu.memory_space<hbm>> -> memref<1x8x256xf32, #tpu.memory_space<hbm>>
    %dma_start3A_194 = tpu.memref_squeeze %dma_start3A_193 : memref<1x8x256xf32, #tpu.memory_space<hbm>> -> memref<8x256xf32, #tpu.memory_space<hbm>>
    %dma_start3A_195 = arith.constant 32 : i32
    %dma_start3A_196 = arith.constant 0 : i32
    %dma_start3A_197 = tpu.memref_slice %arg6[%dma_start3A_195, %dma_start3A_196] : memref<64x261xf32, #tpu.memory_space<vmem>> -> memref<8x256xf32, #tpu.memory_space<vmem>>
    %dma_start3A_198 = arith.constant 0 : i32
    %dma_start3A_199 = tpu.memref_slice %arg2[%dma_start3A_188, %dma_start3A_198, %mul3A_135] : memref<8x8x1000000xf32, #tpu.memory_space<hbm>> -> memref<1x8x256xf32, #tpu.memory_space<hbm>>
    %dma_start3A_200 = tpu.memref_squeeze %dma_start3A_199 : memref<1x8x256xf32, #tpu.memory_space<hbm>> -> memref<8x256xf32, #tpu.memory_space<hbm>>
    tpu.enqueue_dma source(%dma_start3A_200 : memref<8x256xf32, #tpu.memory_space<hbm>>) target(%dma_start3A_197 : memref<8x256xf32, #tpu.memory_space<vmem>>) target_semaphore(%arg10 : memref<!tpu.dma_semaphore, #tpu.memory_space<semaphore_mem>>)
    %dma_start3A_201 = arith.constant 5 : i32
    %dma_start3A_202 = arith.constant 40 : i32
    %dma_start3A_203 = arith.constant 0 : i32
    %dma_start3A_204 = tpu.memref_slice %arg6[%dma_start3A_202, %dma_start3A_203] : memref<64x261xf32, #tpu.memory_space<vmem>> -> memref<8x256xf32, #tpu.memory_space<vmem>>
    %dma_start3A_205 = arith.constant 0 : i32
    %dma_start3A_206 = tpu.memref_slice %arg2[%dma_start3A_201, %dma_start3A_205, %mul3A_135] : memref<8x8x1000000xf32, #tpu.memory_space<hbm>> -> memref<1x8x256xf32, #tpu.memory_space<hbm>>
    %dma_start3A_207 = tpu.memref_squeeze %dma_start3A_206 : memref<1x8x256xf32, #tpu.memory_space<hbm>> -> memref<8x256xf32, #tpu.memory_space<hbm>>
    %dma_start3A_208 = arith.constant 40 : i32
    %dma_start3A_209 = arith.constant 0 : i32
    %dma_start3A_210 = tpu.memref_slice %arg6[%dma_start3A_208, %dma_start3A_209] : memref<64x261xf32, #tpu.memory_space<vmem>> -> memref<8x256xf32, #tpu.memory_space<vmem>>
    %dma_start3A_211 = arith.constant 0 : i32
    %dma_start3A_212 = tpu.memref_slice %arg2[%dma_start3A_201, %dma_start3A_211, %mul3A_135] : memref<8x8x1000000xf32, #tpu.memory_space<hbm>> -> memref<1x8x256xf32, #tpu.memory_space<hbm>>
    %dma_start3A_213 = tpu.memref_squeeze %dma_start3A_212 : memref<1x8x256xf32, #tpu.memory_space<hbm>> -> memref<8x256xf32, #tpu.memory_space<hbm>>
    tpu.enqueue_dma source(%dma_start3A_213 : memref<8x256xf32, #tpu.memory_space<hbm>>) target(%dma_start3A_210 : memref<8x256xf32, #tpu.memory_space<vmem>>) target_semaphore(%arg10 : memref<!tpu.dma_semaphore, #tpu.memory_space<semaphore_mem>>)
    %dma_start3A_214 = arith.constant 6 : i32
    %dma_start3A_215 = arith.constant 48 : i32
    %dma_start3A_216 = arith.constant 0 : i32
    %dma_start3A_217 = tpu.memref_slice %arg6[%dma_start3A_215, %dma_start3A_216] : memref<64x261xf32, #tpu.memory_space<vmem>> -> memref<8x256xf32, #tpu.memory_space<vmem>>
    %dma_start3A_218 = arith.constant 0 : i32
    %dma_start3A_219 = tpu.memref_slice %arg2[%dma_start3A_214, %dma_start3A_218, %mul3A_135] : memref<8x8x1000000xf32, #tpu.memory_space<hbm>> -> memref<1x8x256xf32, #tpu.memory_space<hbm>>
    %dma_start3A_220 = tpu.memref_squeeze %dma_start3A_219 : memref<1x8x256xf32, #tpu.memory_space<hbm>> -> memref<8x256xf32, #tpu.memory_space<hbm>>
    %dma_start3A_221 = arith.constant 48 : i32
    %dma_start3A_222 = arith.constant 0 : i32
    %dma_start3A_223 = tpu.memref_slice %arg6[%dma_start3A_221, %dma_start3A_222] : memref<64x261xf32, #tpu.memory_space<vmem>> -> memref<8x256xf32, #tpu.memory_space<vmem>>
    %dma_start3A_224 = arith.constant 0 : i32
    %dma_start3A_225 = tpu.memref_slice %arg2[%dma_start3A_214, %dma_start3A_224, %mul3A_135] : memref<8x8x1000000xf32, #tpu.memory_space<hbm>> -> memref<1x8x256xf32, #tpu.memory_space<hbm>>
    %dma_start3A_226 = tpu.memref_squeeze %dma_start3A_225 : memref<1x8x256xf32, #tpu.memory_space<hbm>> -> memref<8x256xf32, #tpu.memory_space<hbm>>
    tpu.enqueue_dma source(%dma_start3A_226 : memref<8x256xf32, #tpu.memory_space<hbm>>) target(%dma_start3A_223 : memref<8x256xf32, #tpu.memory_space<vmem>>) target_semaphore(%arg10 : memref<!tpu.dma_semaphore, #tpu.memory_space<semaphore_mem>>)
    %dma_start3A_227 = arith.constant 7 : i32
    %dma_start3A_228 = arith.constant 56 : i32
    %dma_start3A_229 = arith.constant 0 : i32
    %dma_start3A_230 = tpu.memref_slice %arg6[%dma_start3A_228, %dma_start3A_229] : memref<64x261xf32, #tpu.memory_space<vmem>> -> memref<8x256xf32, #tpu.memory_space<vmem>>
    %dma_start3A_231 = arith.constant 0 : i32
    %dma_start3A_232 = tpu.memref_slice %arg2[%dma_start3A_227, %dma_start3A_231, %mul3A_135] : memref<8x8x1000000xf32, #tpu.memory_space<hbm>> -> memref<1x8x256xf32, #tpu.memory_space<hbm>>
    %dma_start3A_233 = tpu.memref_squeeze %dma_start3A_232 : memref<1x8x256xf32, #tpu.memory_space<hbm>> -> memref<8x256xf32, #tpu.memory_space<hbm>>
    %dma_start3A_234 = arith.constant 56 : i32
    %dma_start3A_235 = arith.constant 0 : i32
    %dma_start3A_236 = tpu.memref_slice %arg6[%dma_start3A_234, %dma_start3A_235] : memref<64x261xf32, #tpu.memory_space<vmem>> -> memref<8x256xf32, #tpu.memory_space<vmem>>
    %dma_start3A_237 = arith.constant 0 : i32
    %dma_start3A_238 = tpu.memref_slice %arg2[%dma_start3A_227, %dma_start3A_237, %mul3A_135] : memref<8x8x1000000xf32, #tpu.memory_space<hbm>> -> memref<1x8x256xf32, #tpu.memory_space<hbm>>
    %dma_start3A_239 = tpu.memref_squeeze %dma_start3A_238 : memref<1x8x256xf32, #tpu.memory_space<hbm>> -> memref<8x256xf32, #tpu.memory_space<hbm>>
    tpu.enqueue_dma source(%dma_start3A_239 : memref<8x256xf32, #tpu.memory_space<hbm>>) target(%dma_start3A_236 : memref<8x256xf32, #tpu.memory_space<vmem>>) target_semaphore(%arg10 : memref<!tpu.dma_semaphore, #tpu.memory_space<semaphore_mem>>)
    %scan3A = arith.constant 0 : i32
    %scan3A_240 = arith.constant 62 : i32
    %scan3A_241 = arith.addi %scan3A, %scan3A_240 : i32
    %scan3A_242 = arith.constant 1 : i32
    scf.for %scan3A_263 = %scan3A to %scan3A_241 step %scan3A_242  : i32 {
      %mul3A_264 = arith.constant 1 : i32
      %mul3A_265 = arith.muli %scan3A_263, %mul3A_264 : i32
      %add3A_266 = arith.constant 0 : i32
      %add3A_267 = arith.addi %add3A_266, %mul3A_265 : i32
      %mul3A_268 = arith.constant 2 : i32
      %mul3A_269 = arith.muli %add3A_267, %mul3A_268 : i32
      %add3A_270 = arith.constant 0 : i32
      %add3A_271 = arith.addi %mul3A_269, %add3A_270 : i32
      %add3A_272 = arith.addi %min3A_3, %add3A_271 : i32
      %min3A_273 = arith.constant 3905 : i32
      %min3A_274 = arith.minsi %add3A_272, %min3A_273 : i32
      %mul3A_275 = arith.constant 256 : i32
      %mul3A_276 = arith.muli %min3A_274, %mul3A_275 : i32
      %dma_wait3A_277 = arith.constant 0 : i32
      %dma_wait3A_278 = arith.constant 0 : i32
      %dma_wait3A_279 = arith.constant 0 : i32
      %dma_wait3A_280 = tpu.memref_slice %arg5[%dma_wait3A_278, %dma_wait3A_279] : memref<64x261xf32, #tpu.memory_space<vmem>> -> memref<8x256xf32, #tpu.memory_space<vmem>>
      %dma_wait3A_281 = arith.constant 0 : i32
      %dma_wait3A_282 = tpu.memref_slice %arg2[%dma_wait3A_277, %dma_wait3A_281, %mul3A_276] : memref<8x8x1000000xf32, #tpu.memory_space<hbm>> -> memref<1x8x256xf32, #tpu.memory_space<hbm>>
      %dma_wait3A_283 = tpu.memref_squeeze %dma_wait3A_282 : memref<1x8x256xf32, #tpu.memory_space<hbm>> -> memref<8x256xf32, #tpu.memory_space<hbm>>
      %dma_wait3A_284 = arith.constant 0 : i32
      %dma_wait3A_285 = arith.constant 0 : i32
      %dma_wait3A_286 = tpu.memref_slice %arg5[%dma_wait3A_284, %dma_wait3A_285] : memref<64x261xf32, #tpu.memory_space<vmem>> -> memref<8x256xf32, #tpu.memory_space<vmem>>
      %dma_wait3A_287 = arith.constant 0 : i32
      %dma_wait3A_288 = tpu.memref_slice %arg2[%dma_wait3A_277, %dma_wait3A_287, %mul3A_276] : memref<8x8x1000000xf32, #tpu.memory_space<hbm>> -> memref<1x8x256xf32, #tpu.memory_space<hbm>>
      %dma_wait3A_289 = tpu.memref_squeeze %dma_wait3A_288 : memref<1x8x256xf32, #tpu.memory_space<hbm>> -> memref<8x256xf32, #tpu.memory_space<hbm>>
      tpu.wait_dma2 semaphore(%arg9 : memref<!tpu.dma_semaphore, #tpu.memory_space<semaphore_mem>>) src(%dma_wait3A_289 : memref<8x256xf32, #tpu.memory_space<hbm>>) dst(%dma_wait3A_286 : memref<8x256xf32, #tpu.memory_space<vmem>>)
      %dma_wait3A_290 = arith.constant 1 : i32
      %dma_wait3A_291 = arith.constant 8 : i32
      %dma_wait3A_292 = arith.constant 0 : i32
      %dma_wait3A_293 = tpu.memref_slice %arg5[%dma_wait3A_291, %dma_wait3A_292] : memref<64x261xf32, #tpu.memory_space<vmem>> -> memref<8x256xf32, #tpu.memory_space<vmem>>
      %dma_wait3A_294 = arith.constant 0 : i32
      %dma_wait3A_295 = tpu.memref_slice %arg2[%dma_wait3A_290, %dma_wait3A_294, %mul3A_276] : memref<8x8x1000000xf32, #tpu.memory_space<hbm>> -> memref<1x8x256xf32, #tpu.memory_space<hbm>>
      %dma_wait3A_296 = tpu.memref_squeeze %dma_wait3A_295 : memref<1x8x256xf32, #tpu.memory_space<hbm>> -> memref<8x256xf32, #tpu.memory_space<hbm>>
      %dma_wait3A_297 = arith.constant 8 : i32
      %dma_wait3A_298 = arith.constant 0 : i32
      %dma_wait3A_299 = tpu.memref_slice %arg5[%dma_wait3A_297, %dma_wait3A_298] : memref<64x261xf32, #tpu.memory_space<vmem>> -> memref<8x256xf32, #tpu.memory_space<vmem>>
      %dma_wait3A_300 = arith.constant 0 : i32
      %dma_wait3A_301 = tpu.memref_slice %arg2[%dma_wait3A_290, %dma_wait3A_300, %mul3A_276] : memref<8x8x1000000xf32, #tpu.memory_space<hbm>> -> memref<1x8x256xf32, #tpu.memory_space<hbm>>
      %dma_wait3A_302 = tpu.memref_squeeze %dma_wait3A_301 : memref<1x8x256xf32, #tpu.memory_space<hbm>> -> memref<8x256xf32, #tpu.memory_space<hbm>>
      tpu.wait_dma2 semaphore(%arg9 : memref<!tpu.dma_semaphore, #tpu.memory_space<semaphore_mem>>) src(%dma_wait3A_302 : memref<8x256xf32, #tpu.memory_space<hbm>>) dst(%dma_wait3A_299 : memref<8x256xf32, #tpu.memory_space<vmem>>)
      %dma_wait3A_303 = arith.constant 2 : i32
      %dma_wait3A_304 = arith.constant 16 : i32
      %dma_wait3A_305 = arith.constant 0 : i32
      %dma_wait3A_306 = tpu.memref_slice %arg5[%dma_wait3A_304, %dma_wait3A_305] : memref<64x261xf32, #tpu.memory_space<vmem>> -> memref<8x256xf32, #tpu.memory_space<vmem>>
      %dma_wait3A_307 = arith.constant 0 : i32
      %dma_wait3A_308 = tpu.memref_slice %arg2[%dma_wait3A_303, %dma_wait3A_307, %mul3A_276] : memref<8x8x1000000xf32, #tpu.memory_space<hbm>> -> memref<1x8x256xf32, #tpu.memory_space<hbm>>
      %dma_wait3A_309 = tpu.memref_squeeze %dma_wait3A_308 : memref<1x8x256xf32, #tpu.memory_space<hbm>> -> memref<8x256xf32, #tpu.memory_space<hbm>>
      %dma_wait3A_310 = arith.constant 16 : i32
      %dma_wait3A_311 = arith.constant 0 : i32
      %dma_wait3A_312 = tpu.memref_slice %arg5[%dma_wait3A_310, %dma_wait3A_311] : memref<64x261xf32, #tpu.memory_space<vmem>> -> memref<8x256xf32, #tpu.memory_space<vmem>>
      %dma_wait3A_313 = arith.constant 0 : i32
      %dma_wait3A_314 = tpu.memref_slice %arg2[%dma_wait3A_303, %dma_wait3A_313, %mul3A_276] : memref<8x8x1000000xf32, #tpu.memory_space<hbm>> -> memref<1x8x256xf32, #tpu.memory_space<hbm>>
      %dma_wait3A_315 = tpu.memref_squeeze %dma_wait3A_314 : memref<1x8x256xf32, #tpu.memory_space<hbm>> -> memref<8x256xf32, #tpu.memory_space<hbm>>
      tpu.wait_dma2 semaphore(%arg9 : memref<!tpu.dma_semaphore, #tpu.memory_space<semaphore_mem>>) src(%dma_wait3A_315 : memref<8x256xf32, #tpu.memory_space<hbm>>) dst(%dma_wait3A_312 : memref<8x256xf32, #tpu.memory_space<vmem>>)
      %dma_wait3A_316 = arith.constant 3 : i32
      %dma_wait3A_317 = arith.constant 24 : i32
      %dma_wait3A_318 = arith.constant 0 : i32
      %dma_wait3A_319 = tpu.memref_slice %arg5[%dma_wait3A_317, %dma_wait3A_318] : memref<64x261xf32, #tpu.memory_space<vmem>> -> memref<8x256xf32, #tpu.memory_space<vmem>>
      %dma_wait3A_320 = arith.constant 0 : i32
      %dma_wait3A_321 = tpu.memref_slice %arg2[%dma_wait3A_316, %dma_wait3A_320, %mul3A_276] : memref<8x8x1000000xf32, #tpu.memory_space<hbm>> -> memref<1x8x256xf32, #tpu.memory_space<hbm>>
      %dma_wait3A_322 = tpu.memref_squeeze %dma_wait3A_321 : memref<1x8x256xf32, #tpu.memory_space<hbm>> -> memref<8x256xf32, #tpu.memory_space<hbm>>
      %dma_wait3A_323 = arith.constant 24 : i32
      %dma_wait3A_324 = arith.constant 0 : i32
      %dma_wait3A_325 = tpu.memref_slice %arg5[%dma_wait3A_323, %dma_wait3A_324] : memref<64x261xf32, #tpu.memory_space<vmem>> -> memref<8x256xf32, #tpu.memory_space<vmem>>
      %dma_wait3A_326 = arith.constant 0 : i32
      %dma_wait3A_327 = tpu.memref_slice %arg2[%dma_wait3A_316, %dma_wait3A_326, %mul3A_276] : memref<8x8x1000000xf32, #tpu.memory_space<hbm>> -> memref<1x8x256xf32, #tpu.memory_space<hbm>>
      %dma_wait3A_328 = tpu.memref_squeeze %dma_wait3A_327 : memref<1x8x256xf32, #tpu.memory_space<hbm>> -> memref<8x256xf32, #tpu.memory_space<hbm>>
      tpu.wait_dma2 semaphore(%arg9 : memref<!tpu.dma_semaphore, #tpu.memory_space<semaphore_mem>>) src(%dma_wait3A_328 : memref<8x256xf32, #tpu.memory_space<hbm>>) dst(%dma_wait3A_325 : memref<8x256xf32, #tpu.memory_space<vmem>>)
      %dma_wait3A_329 = arith.constant 4 : i32
      %dma_wait3A_330 = arith.constant 32 : i32
      %dma_wait3A_331 = arith.constant 0 : i32
      %dma_wait3A_332 = tpu.memref_slice %arg5[%dma_wait3A_330, %dma_wait3A_331] : memref<64x261xf32, #tpu.memory_space<vmem>> -> memref<8x256xf32, #tpu.memory_space<vmem>>
      %dma_wait3A_333 = arith.constant 0 : i32
      %dma_wait3A_334 = tpu.memref_slice %arg2[%dma_wait3A_329, %dma_wait3A_333, %mul3A_276] : memref<8x8x1000000xf32, #tpu.memory_space<hbm>> -> memref<1x8x256xf32, #tpu.memory_space<hbm>>
      %dma_wait3A_335 = tpu.memref_squeeze %dma_wait3A_334 : memref<1x8x256xf32, #tpu.memory_space<hbm>> -> memref<8x256xf32, #tpu.memory_space<hbm>>
      %dma_wait3A_336 = arith.constant 32 : i32
      %dma_wait3A_337 = arith.constant 0 : i32
      %dma_wait3A_338 = tpu.memref_slice %arg5[%dma_wait3A_336, %dma_wait3A_337] : memref<64x261xf32, #tpu.memory_space<vmem>> -> memref<8x256xf32, #tpu.memory_space<vmem>>
      %dma_wait3A_339 = arith.constant 0 : i32
      %dma_wait3A_340 = tpu.memref_slice %arg2[%dma_wait3A_329, %dma_wait3A_339, %mul3A_276] : memref<8x8x1000000xf32, #tpu.memory_space<hbm>> -> memref<1x8x256xf32, #tpu.memory_space<hbm>>
      %dma_wait3A_341 = tpu.memref_squeeze %dma_wait3A_340 : memref<1x8x256xf32, #tpu.memory_space<hbm>> -> memref<8x256xf32, #tpu.memory_space<hbm>>
      tpu.wait_dma2 semaphore(%arg9 : memref<!tpu.dma_semaphore, #tpu.memory_space<semaphore_mem>>) src(%dma_wait3A_341 : memref<8x256xf32, #tpu.memory_space<hbm>>) dst(%dma_wait3A_338 : memref<8x256xf32, #tpu.memory_space<vmem>>)
      %dma_wait3A_342 = arith.constant 5 : i32
      %dma_wait3A_343 = arith.constant 40 : i32
      %dma_wait3A_344 = arith.constant 0 : i32
      %dma_wait3A_345 = tpu.memref_slice %arg5[%dma_wait3A_343, %dma_wait3A_344] : memref<64x261xf32, #tpu.memory_space<vmem>> -> memref<8x256xf32, #tpu.memory_space<vmem>>
      %dma_wait3A_346 = arith.constant 0 : i32
      %dma_wait3A_347 = tpu.memref_slice %arg2[%dma_wait3A_342, %dma_wait3A_346, %mul3A_276] : memref<8x8x1000000xf32, #tpu.memory_space<hbm>> -> memref<1x8x256xf32, #tpu.memory_space<hbm>>
      %dma_wait3A_348 = tpu.memref_squeeze %dma_wait3A_347 : memref<1x8x256xf32, #tpu.memory_space<hbm>> -> memref<8x256xf32, #tpu.memory_space<hbm>>
      %dma_wait3A_349 = arith.constant 40 : i32
      %dma_wait3A_350 = arith.constant 0 : i32
      %dma_wait3A_351 = tpu.memref_slice %arg5[%dma_wait3A_349, %dma_wait3A_350] : memref<64x261xf32, #tpu.memory_space<vmem>> -> memref<8x256xf32, #tpu.memory_space<vmem>>
      %dma_wait3A_352 = arith.constant 0 : i32
      %dma_wait3A_353 = tpu.memref_slice %arg2[%dma_wait3A_342, %dma_wait3A_352, %mul3A_276] : memref<8x8x1000000xf32, #tpu.memory_space<hbm>> -> memref<1x8x256xf32, #tpu.memory_space<hbm>>
      %dma_wait3A_354 = tpu.memref_squeeze %dma_wait3A_353 : memref<1x8x256xf32, #tpu.memory_space<hbm>> -> memref<8x256xf32, #tpu.memory_space<hbm>>
      tpu.wait_dma2 semaphore(%arg9 : memref<!tpu.dma_semaphore, #tpu.memory_space<semaphore_mem>>) src(%dma_wait3A_354 : memref<8x256xf32, #tpu.memory_space<hbm>>) dst(%dma_wait3A_351 : memref<8x256xf32, #tpu.memory_space<vmem>>)
      %dma_wait3A_355 = arith.constant 6 : i32
      %dma_wait3A_356 = arith.constant 48 : i32
      %dma_wait3A_357 = arith.constant 0 : i32
      %dma_wait3A_358 = tpu.memref_slice %arg5[%dma_wait3A_356, %dma_wait3A_357] : memref<64x261xf32, #tpu.memory_space<vmem>> -> memref<8x256xf32, #tpu.memory_space<vmem>>
      %dma_wait3A_359 = arith.constant 0 : i32
      %dma_wait3A_360 = tpu.memref_slice %arg2[%dma_wait3A_355, %dma_wait3A_359, %mul3A_276] : memref<8x8x1000000xf32, #tpu.memory_space<hbm>> -> memref<1x8x256xf32, #tpu.memory_space<hbm>>
      %dma_wait3A_361 = tpu.memref_squeeze %dma_wait3A_360 : memref<1x8x256xf32, #tpu.memory_space<hbm>> -> memref<8x256xf32, #tpu.memory_space<hbm>>
      %dma_wait3A_362 = arith.constant 48 : i32
      %dma_wait3A_363 = arith.constant 0 : i32
      %dma_wait3A_364 = tpu.memref_slice %arg5[%dma_wait3A_362, %dma_wait3A_363] : memref<64x261xf32, #tpu.memory_space<vmem>> -> memref<8x256xf32, #tpu.memory_space<vmem>>
      %dma_wait3A_365 = arith.constant 0 : i32
      %dma_wait3A_366 = tpu.memref_slice %arg2[%dma_wait3A_355, %dma_wait3A_365, %mul3A_276] : memref<8x8x1000000xf32, #tpu.memory_space<hbm>> -> memref<1x8x256xf32, #tpu.memory_space<hbm>>
      %dma_wait3A_367 = tpu.memref_squeeze %dma_wait3A_366 : memref<1x8x256xf32, #tpu.memory_space<hbm>> -> memref<8x256xf32, #tpu.memory_space<hbm>>
      tpu.wait_dma2 semaphore(%arg9 : memref<!tpu.dma_semaphore, #tpu.memory_space<semaphore_mem>>) src(%dma_wait3A_367 : memref<8x256xf32, #tpu.memory_space<hbm>>) dst(%dma_wait3A_364 : memref<8x256xf32, #tpu.memory_space<vmem>>)
      %dma_wait3A_368 = arith.constant 7 : i32
      %dma_wait3A_369 = arith.constant 56 : i32
      %dma_wait3A_370 = arith.constant 0 : i32
      %dma_wait3A_371 = tpu.memref_slice %arg5[%dma_wait3A_369, %dma_wait3A_370] : memref<64x261xf32, #tpu.memory_space<vmem>> -> memref<8x256xf32, #tpu.memory_space<vmem>>
      %dma_wait3A_372 = arith.constant 0 : i32
      %dma_wait3A_373 = tpu.memref_slice %arg2[%dma_wait3A_368, %dma_wait3A_372, %mul3A_276] : memref<8x8x1000000xf32, #tpu.memory_space<hbm>> -> memref<1x8x256xf32, #tpu.memory_space<hbm>>
      %dma_wait3A_374 = tpu.memref_squeeze %dma_wait3A_373 : memref<1x8x256xf32, #tpu.memory_space<hbm>> -> memref<8x256xf32, #tpu.memory_space<hbm>>
      %dma_wait3A_375 = arith.constant 56 : i32
      %dma_wait3A_376 = arith.constant 0 : i32
      %dma_wait3A_377 = tpu.memref_slice %arg5[%dma_wait3A_375, %dma_wait3A_376] : memref<64x261xf32, #tpu.memory_space<vmem>> -> memref<8x256xf32, #tpu.memory_space<vmem>>
      %dma_wait3A_378 = arith.constant 0 : i32
      %dma_wait3A_379 = tpu.memref_slice %arg2[%dma_wait3A_368, %dma_wait3A_378, %mul3A_276] : memref<8x8x1000000xf32, #tpu.memory_space<hbm>> -> memref<1x8x256xf32, #tpu.memory_space<hbm>>
      %dma_wait3A_380 = tpu.memref_squeeze %dma_wait3A_379 : memref<1x8x256xf32, #tpu.memory_space<hbm>> -> memref<8x256xf32, #tpu.memory_space<hbm>>
      tpu.wait_dma2 semaphore(%arg9 : memref<!tpu.dma_semaphore, #tpu.memory_space<semaphore_mem>>) src(%dma_wait3A_380 : memref<8x256xf32, #tpu.memory_space<hbm>>) dst(%dma_wait3A_377 : memref<8x256xf32, #tpu.memory_space<vmem>>)
      %gt3A = arith.constant 0 : i32
      %gt3A_381 = arith.cmpi sgt, %add3A_267, %gt3A : i32
      %convert_element_type3A_382 = arith.extui %gt3A_381 : i1 to i32
      %cond3A_383 = arith.constant 0 : i32
      %cond3A_384 = arith.cmpi ne, %convert_element_type3A_382, %cond3A_383 : i32
      scf.if %cond3A_384 {
        %sub3A = arith.constant 2 : i32
        %sub3A_535 = arith.subi %add3A_271, %sub3A : i32
        %add3A_536 = arith.addi %min3A_3, %sub3A_535 : i32
        %min3A_537 = arith.constant 3905 : i32
        %min3A_538 = arith.minsi %add3A_536, %min3A_537 : i32
        %mul3A_539 = arith.constant 128 : i32
        %mul3A_540 = arith.muli %min3A_538, %mul3A_539 : i32
        %dma_wait3A_541 = arith.constant 0 : i32
        %dma_wait3A_542 = tpu.memref_slice %arg4[%mul3A_540, %dma_wait3A_541] : memref<500000x128xf32, #tpu.memory_space<hbm>> -> memref<128x128xf32, #tpu.memory_space<hbm>>
        %dma_wait3A_543 = arith.constant 0 : i32
        %dma_wait3A_544 = tpu.memref_slice %arg4[%mul3A_540, %dma_wait3A_543] : memref<500000x128xf32, #tpu.memory_space<hbm>> -> memref<128x128xf32, #tpu.memory_space<hbm>>
        tpu.wait_dma2 semaphore(%arg11 : memref<!tpu.dma_semaphore, #tpu.memory_space<semaphore_mem>>) src(%arg7 : memref<128x128xf32, #tpu.memory_space<vmem>>) dst(%dma_wait3A_544 : memref<128x128xf32, #tpu.memory_space<hbm>>)
      } else {
      }
      %parallel_loop3A = arith.constant 0 : i32
      %parallel_loop3A_385 = arith.constant 128 : i32
      %parallel_loop3A_386 = arith.constant 1 : i32
      scf.for %parallel_loop3A_535 = %parallel_loop3A to %parallel_loop3A_385 step %parallel_loop3A_386  : i32 {
        %parallel_loop3A_536 = arith.constant 0 : i32
        %parallel_loop3A_537 = vector.broadcast %parallel_loop3A_536 : i32 to vector<16xi32>
        %parallel_loop3A_538 = arith.constant 2 : i32
        %parallel_loop3A_539 = arith.muli %parallel_loop3A_538, %parallel_loop3A_535 : i32
        %parallel_loop3A_540 = arith.constant 0 : i32
        %parallel_loop3A_541 = arith.addi %parallel_loop3A_539, %parallel_loop3A_540 : i32
        %parallel_loop3A_542 = vector.broadcast %parallel_loop3A_541 : i32 to vector<16xi32>
        %parallel_loop3A_543 = arith.addi %parallel_loop3A_537, %parallel_loop3A_542 : vector<16xi32>
        %parallel_loop3A_544 = tpu.vector_load_idx %arg5[%add3A_8, %parallel_loop3A_543] : memref<64x261xf32, #tpu.memory_space<vmem>>[vector<16xi32>, vector<16xi32>], vector<16xf32>,
        %parallel_loop3A_545 = arith.index_cast %parallel_loop3A_535 : i32 to index
        %parallel_loop3A_546 = arith.constant 0 : index
        %parallel_loop3A_547 = tpu.vector_load %arg7[%parallel_loop3A_545, %parallel_loop3A_546] {strides = array<i32>} : memref<128x128xf32, #tpu.memory_space<vmem>>, vector<16xf32>,
        tpu.vector_store %arg7[%parallel_loop3A_545, %parallel_loop3A_546], %parallel_loop3A_544 {strides = array<i32>} : memref<128x128xf32, #tpu.memory_space<vmem>>, vector<16xf32>,
        %parallel_loop3A_548 = tpu.vector_load_idx %arg5[%add3A_12, %parallel_loop3A_543] : memref<64x261xf32, #tpu.memory_space<vmem>>[vector<16xi32>, vector<16xi32>], vector<16xf32>,
        %parallel_loop3A_549 = arith.index_cast %parallel_loop3A_535 : i32 to index
        %parallel_loop3A_550 = arith.constant 16 : index
        %parallel_loop3A_551 = tpu.vector_load %arg7[%parallel_loop3A_549, %parallel_loop3A_550] {strides = array<i32>} : memref<128x128xf32, #tpu.memory_space<vmem>>, vector<16xf32>,
        tpu.vector_store %arg7[%parallel_loop3A_549, %parallel_loop3A_550], %parallel_loop3A_548 {strides = array<i32>} : memref<128x128xf32, #tpu.memory_space<vmem>>, vector<16xf32>,
        %parallel_loop3A_552 = tpu.vector_load_idx %arg5[%add3A_16, %parallel_loop3A_543] : memref<64x261xf32, #tpu.memory_space<vmem>>[vector<16xi32>, vector<16xi32>], vector<16xf32>,
        %parallel_loop3A_553 = arith.index_cast %parallel_loop3A_535 : i32 to index
        %parallel_loop3A_554 = arith.constant 32 : index
        %parallel_loop3A_555 = tpu.vector_load %arg7[%parallel_loop3A_553, %parallel_loop3A_554] {strides = array<i32>} : memref<128x128xf32, #tpu.memory_space<vmem>>, vector<16xf32>,
        tpu.vector_store %arg7[%parallel_loop3A_553, %parallel_loop3A_554], %parallel_loop3A_552 {strides = array<i32>} : memref<128x128xf32, #tpu.memory_space<vmem>>, vector<16xf32>,
        %parallel_loop3A_556 = tpu.vector_load_idx %arg5[%add3A_20, %parallel_loop3A_543] : memref<64x261xf32, #tpu.memory_space<vmem>>[vector<16xi32>, vector<16xi32>], vector<16xf32>,
        %parallel_loop3A_557 = arith.index_cast %parallel_loop3A_535 : i32 to index
        %parallel_loop3A_558 = arith.constant 48 : index
        %parallel_loop3A_559 = tpu.vector_load %arg7[%parallel_loop3A_557, %parallel_loop3A_558] {strides = array<i32>} : memref<128x128xf32, #tpu.memory_space<vmem>>, vector<16xf32>,
        tpu.vector_store %arg7[%parallel_loop3A_557, %parallel_loop3A_558], %parallel_loop3A_556 {strides = array<i32>} : memref<128x128xf32, #tpu.memory_space<vmem>>, vector<16xf32>,
        %parallel_loop3A_560 = arith.constant 0 : i32
        %parallel_loop3A_561 = vector.broadcast %parallel_loop3A_560 : i32 to vector<16xi32>
        %parallel_loop3A_562 = arith.constant 2 : i32
        %parallel_loop3A_563 = arith.muli %parallel_loop3A_562, %parallel_loop3A_535 : i32
        %parallel_loop3A_564 = arith.constant 1 : i32
        %parallel_loop3A_565 = arith.addi %parallel_loop3A_563, %parallel_loop3A_564 : i32
        %parallel_loop3A_566 = vector.broadcast %parallel_loop3A_565 : i32 to vector<16xi32>
        %parallel_loop3A_567 = arith.addi %parallel_loop3A_561, %parallel_loop3A_566 : vector<16xi32>
        %parallel_loop3A_568 = tpu.vector_load_idx %arg5[%add3A_8, %parallel_loop3A_567] : memref<64x261xf32, #tpu.memory_space<vmem>>[vector<16xi32>, vector<16xi32>], vector<16xf32>,
        %parallel_loop3A_569 = arith.index_cast %parallel_loop3A_535 : i32 to index
        %parallel_loop3A_570 = arith.constant 64 : index
        %parallel_loop3A_571 = tpu.vector_load %arg7[%parallel_loop3A_569, %parallel_loop3A_570] {strides = array<i32>} : memref<128x128xf32, #tpu.memory_space<vmem>>, vector<16xf32>,
        tpu.vector_store %arg7[%parallel_loop3A_569, %parallel_loop3A_570], %parallel_loop3A_568 {strides = array<i32>} : memref<128x128xf32, #tpu.memory_space<vmem>>, vector<16xf32>,
        %parallel_loop3A_572 = tpu.vector_load_idx %arg5[%add3A_12, %parallel_loop3A_567] : memref<64x261xf32, #tpu.memory_space<vmem>>[vector<16xi32>, vector<16xi32>], vector<16xf32>,
        %parallel_loop3A_573 = arith.index_cast %parallel_loop3A_535 : i32 to index
        %parallel_loop3A_574 = arith.constant 80 : index
        %parallel_loop3A_575 = tpu.vector_load %arg7[%parallel_loop3A_573, %parallel_loop3A_574] {strides = array<i32>} : memref<128x128xf32, #tpu.memory_space<vmem>>, vector<16xf32>,
        tpu.vector_store %arg7[%parallel_loop3A_573, %parallel_loop3A_574], %parallel_loop3A_572 {strides = array<i32>} : memref<128x128xf32, #tpu.memory_space<vmem>>, vector<16xf32>,
        %parallel_loop3A_576 = tpu.vector_load_idx %arg5[%add3A_16, %parallel_loop3A_567] : memref<64x261xf32, #tpu.memory_space<vmem>>[vector<16xi32>, vector<16xi32>], vector<16xf32>,
        %parallel_loop3A_577 = arith.index_cast %parallel_loop3A_535 : i32 to index
        %parallel_loop3A_578 = arith.constant 96 : index
        %parallel_loop3A_579 = tpu.vector_load %arg7[%parallel_loop3A_577, %parallel_loop3A_578] {strides = array<i32>} : memref<128x128xf32, #tpu.memory_space<vmem>>, vector<16xf32>,
        tpu.vector_store %arg7[%parallel_loop3A_577, %parallel_loop3A_578], %parallel_loop3A_576 {strides = array<i32>} : memref<128x128xf32, #tpu.memory_space<vmem>>, vector<16xf32>,
        %parallel_loop3A_580 = tpu.vector_load_idx %arg5[%add3A_20, %parallel_loop3A_567] : memref<64x261xf32, #tpu.memory_space<vmem>>[vector<16xi32>, vector<16xi32>], vector<16xf32>,
        %parallel_loop3A_581 = arith.index_cast %parallel_loop3A_535 : i32 to index
        %parallel_loop3A_582 = arith.constant 112 : index
        %parallel_loop3A_583 = tpu.vector_load %arg7[%parallel_loop3A_581, %parallel_loop3A_582] {strides = array<i32>} : memref<128x128xf32, #tpu.memory_space<vmem>>, vector<16xf32>,
        tpu.vector_store %arg7[%parallel_loop3A_581, %parallel_loop3A_582], %parallel_loop3A_580 {strides = array<i32>} : memref<128x128xf32, #tpu.memory_space<vmem>>, vector<16xf32>,
      } {sc.loop_unroll_factor = 1 : i64, sc.parallel_access}
      %lt3A = arith.constant 61 : i32
      %lt3A_387 = arith.cmpi slt, %add3A_267, %lt3A : i32
      %convert_element_type3A_388 = arith.extui %lt3A_387 : i1 to i32
      %cond3A_389 = arith.constant 0 : i32
      %cond3A_390 = arith.cmpi ne, %convert_element_type3A_388, %cond3A_389 : i32
      scf.if %cond3A_390 {
        %add3A_535 = arith.constant 2 : i32
        %add3A_536 = arith.addi %add3A_271, %add3A_535 : i32
        %add3A_537 = arith.addi %min3A_3, %add3A_536 : i32
        %min3A_538 = arith.constant 3905 : i32
        %min3A_539 = arith.minsi %add3A_537, %min3A_538 : i32
        %mul3A_540 = arith.constant 256 : i32
        %mul3A_541 = arith.muli %min3A_539, %mul3A_540 : i32
        %dma_start3A_542 = arith.constant 0 : i32
        %dma_start3A_543 = arith.constant 0 : i32
        %dma_start3A_544 = arith.constant 0 : i32
        %dma_start3A_545 = tpu.memref_slice %arg5[%dma_start3A_543, %dma_start3A_544] : memref<64x261xf32, #tpu.memory_space<vmem>> -> memref<8x256xf32, #tpu.memory_space<vmem>>
        %dma_start3A_546 = arith.constant 0 : i32
        %dma_start3A_547 = tpu.memref_slice %arg2[%dma_start3A_542, %dma_start3A_546, %mul3A_541] : memref<8x8x1000000xf32, #tpu.memory_space<hbm>> -> memref<1x8x256xf32, #tpu.memory_space<hbm>>
        %dma_start3A_548 = tpu.memref_squeeze %dma_start3A_547 : memref<1x8x256xf32, #tpu.memory_space<hbm>> -> memref<8x256xf32, #tpu.memory_space<hbm>>
        %dma_start3A_549 = arith.constant 0 : i32
        %dma_start3A_550 = arith.constant 0 : i32
        %dma_start3A_551 = tpu.memref_slice %arg5[%dma_start3A_549, %dma_start3A_550] : memref<64x261xf32, #tpu.memory_space<vmem>> -> memref<8x256xf32, #tpu.memory_space<vmem>>
        %dma_start3A_552 = arith.constant 0 : i32
        %dma_start3A_553 = tpu.memref_slice %arg2[%dma_start3A_542, %dma_start3A_552, %mul3A_541] : memref<8x8x1000000xf32, #tpu.memory_space<hbm>> -> memref<1x8x256xf32, #tpu.memory_space<hbm>>
        %dma_start3A_554 = tpu.memref_squeeze %dma_start3A_553 : memref<1x8x256xf32, #tpu.memory_space<hbm>> -> memref<8x256xf32, #tpu.memory_space<hbm>>
        tpu.enqueue_dma source(%dma_start3A_554 : memref<8x256xf32, #tpu.memory_space<hbm>>) target(%dma_start3A_551 : memref<8x256xf32, #tpu.memory_space<vmem>>) target_semaphore(%arg9 : memref<!tpu.dma_semaphore, #tpu.memory_space<semaphore_mem>>)
        %dma_start3A_555 = arith.constant 1 : i32
        %dma_start3A_556 = arith.constant 8 : i32
        %dma_start3A_557 = arith.constant 0 : i32
        %dma_start3A_558 = tpu.memref_slice %arg5[%dma_start3A_556, %dma_start3A_557] : memref<64x261xf32, #tpu.memory_space<vmem>> -> memref<8x256xf32, #tpu.memory_space<vmem>>
        %dma_start3A_559 = arith.constant 0 : i32
        %dma_start3A_560 = tpu.memref_slice %arg2[%dma_start3A_555, %dma_start3A_559, %mul3A_541] : memref<8x8x1000000xf32, #tpu.memory_space<hbm>> -> memref<1x8x256xf32, #tpu.memory_space<hbm>>
        %dma_start3A_561 = tpu.memref_squeeze %dma_start3A_560 : memref<1x8x256xf32, #tpu.memory_space<hbm>> -> memref<8x256xf32, #tpu.memory_space<hbm>>
        %dma_start3A_562 = arith.constant 8 : i32
        %dma_start3A_563 = arith.constant 0 : i32
        %dma_start3A_564 = tpu.memref_slice %arg5[%dma_start3A_562, %dma_start3A_563] : memref<64x261xf32, #tpu.memory_space<vmem>> -> memref<8x256xf32, #tpu.memory_space<vmem>>
        %dma_start3A_565 = arith.constant 0 : i32
        %dma_start3A_566 = tpu.memref_slice %arg2[%dma_start3A_555, %dma_start3A_565, %mul3A_541] : memref<8x8x1000000xf32, #tpu.memory_space<hbm>> -> memref<1x8x256xf32, #tpu.memory_space<hbm>>
        %dma_start3A_567 = tpu.memref_squeeze %dma_start3A_566 : memref<1x8x256xf32, #tpu.memory_space<hbm>> -> memref<8x256xf32, #tpu.memory_space<hbm>>
        tpu.enqueue_dma source(%dma_start3A_567 : memref<8x256xf32, #tpu.memory_space<hbm>>) target(%dma_start3A_564 : memref<8x256xf32, #tpu.memory_space<vmem>>) target_semaphore(%arg9 : memref<!tpu.dma_semaphore, #tpu.memory_space<semaphore_mem>>)
        %dma_start3A_568 = arith.constant 2 : i32
        %dma_start3A_569 = arith.constant 16 : i32
        %dma_start3A_570 = arith.constant 0 : i32
        %dma_start3A_571 = tpu.memref_slice %arg5[%dma_start3A_569, %dma_start3A_570] : memref<64x261xf32, #tpu.memory_space<vmem>> -> memref<8x256xf32, #tpu.memory_space<vmem>>
        %dma_start3A_572 = arith.constant 0 : i32
        %dma_start3A_573 = tpu.memref_slice %arg2[%dma_start3A_568, %dma_start3A_572, %mul3A_541] : memref<8x8x1000000xf32, #tpu.memory_space<hbm>> -> memref<1x8x256xf32, #tpu.memory_space<hbm>>
        %dma_start3A_574 = tpu.memref_squeeze %dma_start3A_573 : memref<1x8x256xf32, #tpu.memory_space<hbm>> -> memref<8x256xf32, #tpu.memory_space<hbm>>
        %dma_start3A_575 = arith.constant 16 : i32
        %dma_start3A_576 = arith.constant 0 : i32
        %dma_start3A_577 = tpu.memref_slice %arg5[%dma_start3A_575, %dma_start3A_576] : memref<64x261xf32, #tpu.memory_space<vmem>> -> memref<8x256xf32, #tpu.memory_space<vmem>>
        %dma_start3A_578 = arith.constant 0 : i32
        %dma_start3A_579 = tpu.memref_slice %arg2[%dma_start3A_568, %dma_start3A_578, %mul3A_541] : memref<8x8x1000000xf32, #tpu.memory_space<hbm>> -> memref<1x8x256xf32, #tpu.memory_space<hbm>>
        %dma_start3A_580 = tpu.memref_squeeze %dma_start3A_579 : memref<1x8x256xf32, #tpu.memory_space<hbm>> -> memref<8x256xf32, #tpu.memory_space<hbm>>
        tpu.enqueue_dma source(%dma_start3A_580 : memref<8x256xf32, #tpu.memory_space<hbm>>) target(%dma_start3A_577 : memref<8x256xf32, #tpu.memory_space<vmem>>) target_semaphore(%arg9 : memref<!tpu.dma_semaphore, #tpu.memory_space<semaphore_mem>>)
        %dma_start3A_581 = arith.constant 3 : i32
        %dma_start3A_582 = arith.constant 24 : i32
        %dma_start3A_583 = arith.constant 0 : i32
        %dma_start3A_584 = tpu.memref_slice %arg5[%dma_start3A_582, %dma_start3A_583] : memref<64x261xf32, #tpu.memory_space<vmem>> -> memref<8x256xf32, #tpu.memory_space<vmem>>
        %dma_start3A_585 = arith.constant 0 : i32
        %dma_start3A_586 = tpu.memref_slice %arg2[%dma_start3A_581, %dma_start3A_585, %mul3A_541] : memref<8x8x1000000xf32, #tpu.memory_space<hbm>> -> memref<1x8x256xf32, #tpu.memory_space<hbm>>
        %dma_start3A_587 = tpu.memref_squeeze %dma_start3A_586 : memref<1x8x256xf32, #tpu.memory_space<hbm>> -> memref<8x256xf32, #tpu.memory_space<hbm>>
        %dma_start3A_588 = arith.constant 24 : i32
        %dma_start3A_589 = arith.constant 0 : i32
        %dma_start3A_590 = tpu.memref_slice %arg5[%dma_start3A_588, %dma_start3A_589] : memref<64x261xf32, #tpu.memory_space<vmem>> -> memref<8x256xf32, #tpu.memory_space<vmem>>
        %dma_start3A_591 = arith.constant 0 : i32
        %dma_start3A_592 = tpu.memref_slice %arg2[%dma_start3A_581, %dma_start3A_591, %mul3A_541] : memref<8x8x1000000xf32, #tpu.memory_space<hbm>> -> memref<1x8x256xf32, #tpu.memory_space<hbm>>
        %dma_start3A_593 = tpu.memref_squeeze %dma_start3A_592 : memref<1x8x256xf32, #tpu.memory_space<hbm>> -> memref<8x256xf32, #tpu.memory_space<hbm>>
        tpu.enqueue_dma source(%dma_start3A_593 : memref<8x256xf32, #tpu.memory_space<hbm>>) target(%dma_start3A_590 : memref<8x256xf32, #tpu.memory_space<vmem>>) target_semaphore(%arg9 : memref<!tpu.dma_semaphore, #tpu.memory_space<semaphore_mem>>)
        %dma_start3A_594 = arith.constant 4 : i32
        %dma_start3A_595 = arith.constant 32 : i32
        %dma_start3A_596 = arith.constant 0 : i32
        %dma_start3A_597 = tpu.memref_slice %arg5[%dma_start3A_595, %dma_start3A_596] : memref<64x261xf32, #tpu.memory_space<vmem>> -> memref<8x256xf32, #tpu.memory_space<vmem>>
        %dma_start3A_598 = arith.constant 0 : i32
        %dma_start3A_599 = tpu.memref_slice %arg2[%dma_start3A_594, %dma_start3A_598, %mul3A_541] : memref<8x8x1000000xf32, #tpu.memory_space<hbm>> -> memref<1x8x256xf32, #tpu.memory_space<hbm>>
        %dma_start3A_600 = tpu.memref_squeeze %dma_start3A_599 : memref<1x8x256xf32, #tpu.memory_space<hbm>> -> memref<8x256xf32, #tpu.memory_space<hbm>>
        %dma_start3A_601 = arith.constant 32 : i32
        %dma_start3A_602 = arith.constant 0 : i32
        %dma_start3A_603 = tpu.memref_slice %arg5[%dma_start3A_601, %dma_start3A_602] : memref<64x261xf32, #tpu.memory_space<vmem>> -> memref<8x256xf32, #tpu.memory_space<vmem>>
        %dma_start3A_604 = arith.constant 0 : i32
        %dma_start3A_605 = tpu.memref_slice %arg2[%dma_start3A_594, %dma_start3A_604, %mul3A_541] : memref<8x8x1000000xf32, #tpu.memory_space<hbm>> -> memref<1x8x256xf32, #tpu.memory_space<hbm>>
        %dma_start3A_606 = tpu.memref_squeeze %dma_start3A_605 : memref<1x8x256xf32, #tpu.memory_space<hbm>> -> memref<8x256xf32, #tpu.memory_space<hbm>>
        tpu.enqueue_dma source(%dma_start3A_606 : memref<8x256xf32, #tpu.memory_space<hbm>>) target(%dma_start3A_603 : memref<8x256xf32, #tpu.memory_space<vmem>>) target_semaphore(%arg9 : memref<!tpu.dma_semaphore, #tpu.memory_space<semaphore_mem>>)
        %dma_start3A_607 = arith.constant 5 : i32
        %dma_start3A_608 = arith.constant 40 : i32
        %dma_start3A_609 = arith.constant 0 : i32
        %dma_start3A_610 = tpu.memref_slice %arg5[%dma_start3A_608, %dma_start3A_609] : memref<64x261xf32, #tpu.memory_space<vmem>> -> memref<8x256xf32, #tpu.memory_space<vmem>>
        %dma_start3A_611 = arith.constant 0 : i32
        %dma_start3A_612 = tpu.memref_slice %arg2[%dma_start3A_607, %dma_start3A_611, %mul3A_541] : memref<8x8x1000000xf32, #tpu.memory_space<hbm>> -> memref<1x8x256xf32, #tpu.memory_space<hbm>>
        %dma_start3A_613 = tpu.memref_squeeze %dma_start3A_612 : memref<1x8x256xf32, #tpu.memory_space<hbm>> -> memref<8x256xf32, #tpu.memory_space<hbm>>
        %dma_start3A_614 = arith.constant 40 : i32
        %dma_start3A_615 = arith.constant 0 : i32
        %dma_start3A_616 = tpu.memref_slice %arg5[%dma_start3A_614, %dma_start3A_615] : memref<64x261xf32, #tpu.memory_space<vmem>> -> memref<8x256xf32, #tpu.memory_space<vmem>>
        %dma_start3A_617 = arith.constant 0 : i32
        %dma_start3A_618 = tpu.memref_slice %arg2[%dma_start3A_607, %dma_start3A_617, %mul3A_541] : memref<8x8x1000000xf32, #tpu.memory_space<hbm>> -> memref<1x8x256xf32, #tpu.memory_space<hbm>>
        %dma_start3A_619 = tpu.memref_squeeze %dma_start3A_618 : memref<1x8x256xf32, #tpu.memory_space<hbm>> -> memref<8x256xf32, #tpu.memory_space<hbm>>
        tpu.enqueue_dma source(%dma_start3A_619 : memref<8x256xf32, #tpu.memory_space<hbm>>) target(%dma_start3A_616 : memref<8x256xf32, #tpu.memory_space<vmem>>) target_semaphore(%arg9 : memref<!tpu.dma_semaphore, #tpu.memory_space<semaphore_mem>>)
        %dma_start3A_620 = arith.constant 6 : i32
        %dma_start3A_621 = arith.constant 48 : i32
        %dma_start3A_622 = arith.constant 0 : i32
        %dma_start3A_623 = tpu.memref_slice %arg5[%dma_start3A_621, %dma_start3A_622] : memref<64x261xf32, #tpu.memory_space<vmem>> -> memref<8x256xf32, #tpu.memory_space<vmem>>
        %dma_start3A_624 = arith.constant 0 : i32
        %dma_start3A_625 = tpu.memref_slice %arg2[%dma_start3A_620, %dma_start3A_624, %mul3A_541] : memref<8x8x1000000xf32, #tpu.memory_space<hbm>> -> memref<1x8x256xf32, #tpu.memory_space<hbm>>
        %dma_start3A_626 = tpu.memref_squeeze %dma_start3A_625 : memref<1x8x256xf32, #tpu.memory_space<hbm>> -> memref<8x256xf32, #tpu.memory_space<hbm>>
        %dma_start3A_627 = arith.constant 48 : i32
        %dma_start3A_628 = arith.constant 0 : i32
        %dma_start3A_629 = tpu.memref_slice %arg5[%dma_start3A_627, %dma_start3A_628] : memref<64x261xf32, #tpu.memory_space<vmem>> -> memref<8x256xf32, #tpu.memory_space<vmem>>
        %dma_start3A_630 = arith.constant 0 : i32
        %dma_start3A_631 = tpu.memref_slice %arg2[%dma_start3A_620, %dma_start3A_630, %mul3A_541] : memref<8x8x1000000xf32, #tpu.memory_space<hbm>> -> memref<1x8x256xf32, #tpu.memory_space<hbm>>
        %dma_start3A_632 = tpu.memref_squeeze %dma_start3A_631 : memref<1x8x256xf32, #tpu.memory_space<hbm>> -> memref<8x256xf32, #tpu.memory_space<hbm>>
        tpu.enqueue_dma source(%dma_start3A_632 : memref<8x256xf32, #tpu.memory_space<hbm>>) target(%dma_start3A_629 : memref<8x256xf32, #tpu.memory_space<vmem>>) target_semaphore(%arg9 : memref<!tpu.dma_semaphore, #tpu.memory_space<semaphore_mem>>)
        %dma_start3A_633 = arith.constant 7 : i32
        %dma_start3A_634 = arith.constant 56 : i32
        %dma_start3A_635 = arith.constant 0 : i32
        %dma_start3A_636 = tpu.memref_slice %arg5[%dma_start3A_634, %dma_start3A_635] : memref<64x261xf32, #tpu.memory_space<vmem>> -> memref<8x256xf32, #tpu.memory_space<vmem>>
        %dma_start3A_637 = arith.constant 0 : i32
        %dma_start3A_638 = tpu.memref_slice %arg2[%dma_start3A_633, %dma_start3A_637, %mul3A_541] : memref<8x8x1000000xf32, #tpu.memory_space<hbm>> -> memref<1x8x256xf32, #tpu.memory_space<hbm>>
        %dma_start3A_639 = tpu.memref_squeeze %dma_start3A_638 : memref<1x8x256xf32, #tpu.memory_space<hbm>> -> memref<8x256xf32, #tpu.memory_space<hbm>>
        %dma_start3A_640 = arith.constant 56 : i32
        %dma_start3A_641 = arith.constant 0 : i32
        %dma_start3A_642 = tpu.memref_slice %arg5[%dma_start3A_640, %dma_start3A_641] : memref<64x261xf32, #tpu.memory_space<vmem>> -> memref<8x256xf32, #tpu.memory_space<vmem>>
        %dma_start3A_643 = arith.constant 0 : i32
        %dma_start3A_644 = tpu.memref_slice %arg2[%dma_start3A_633, %dma_start3A_643, %mul3A_541] : memref<8x8x1000000xf32, #tpu.memory_space<hbm>> -> memref<1x8x256xf32, #tpu.memory_space<hbm>>
        %dma_start3A_645 = tpu.memref_squeeze %dma_start3A_644 : memref<1x8x256xf32, #tpu.memory_space<hbm>> -> memref<8x256xf32, #tpu.memory_space<hbm>>
        tpu.enqueue_dma source(%dma_start3A_645 : memref<8x256xf32, #tpu.memory_space<hbm>>) target(%dma_start3A_642 : memref<8x256xf32, #tpu.memory_space<vmem>>) target_semaphore(%arg9 : memref<!tpu.dma_semaphore, #tpu.memory_space<semaphore_mem>>)
      } else {
      }
      %add3A_391 = arith.addi %min3A_3, %add3A_271 : i32
      %min3A_392 = arith.constant 3905 : i32
      %min3A_393 = arith.minsi %add3A_391, %min3A_392 : i32
      %mul3A_394 = arith.constant 128 : i32
      %mul3A_395 = arith.muli %min3A_393, %mul3A_394 : i32
      %dma_start3A_396 = arith.constant 0 : i32
      %dma_start3A_397 = tpu.memref_slice %arg4[%mul3A_395, %dma_start3A_396] : memref<500000x128xf32, #tpu.memory_space<hbm>> -> memref<128x128xf32, #tpu.memory_space<hbm>>
      %dma_start3A_398 = arith.constant 0 : i32
      %dma_start3A_399 = tpu.memref_slice %arg4[%mul3A_395, %dma_start3A_398] : memref<500000x128xf32, #tpu.memory_space<hbm>> -> memref<128x128xf32, #tpu.memory_space<hbm>>
      tpu.enqueue_dma source(%arg7 : memref<128x128xf32, #tpu.memory_space<vmem>>) target(%dma_start3A_399 : memref<128x128xf32, #tpu.memory_space<hbm>>) target_semaphore(%arg11 : memref<!tpu.dma_semaphore, #tpu.memory_space<semaphore_mem>>)
      %mul3A_400 = arith.constant 2 : i32
      %mul3A_401 = arith.muli %add3A_267, %mul3A_400 : i32
      %add3A_402 = arith.constant 1 : i32
      %add3A_403 = arith.addi %mul3A_401, %add3A_402 : i32
      %add3A_404 = arith.addi %min3A_3, %add3A_403 : i32
      %min3A_405 = arith.constant 3905 : i32
      %min3A_406 = arith.minsi %add3A_404, %min3A_405 : i32
      %mul3A_407 = arith.constant 256 : i32
      %mul3A_408 = arith.muli %min3A_406, %mul3A_407 : i32
      %dma_wait3A_409 = arith.constant 0 : i32
      %dma_wait3A_410 = arith.constant 0 : i32
      %dma_wait3A_411 = arith.constant 0 : i32
      %dma_wait3A_412 = tpu.memref_slice %arg6[%dma_wait3A_410, %dma_wait3A_411] : memref<64x261xf32, #tpu.memory_space<vmem>> -> memref<8x256xf32, #tpu.memory_space<vmem>>
      %dma_wait3A_413 = arith.constant 0 : i32
      %dma_wait3A_414 = tpu.memref_slice %arg2[%dma_wait3A_409, %dma_wait3A_413, %mul3A_408] : memref<8x8x1000000xf32, #tpu.memory_space<hbm>> -> memref<1x8x256xf32, #tpu.memory_space<hbm>>
      %dma_wait3A_415 = tpu.memref_squeeze %dma_wait3A_414 : memref<1x8x256xf32, #tpu.memory_space<hbm>> -> memref<8x256xf32, #tpu.memory_space<hbm>>
      %dma_wait3A_416 = arith.constant 0 : i32
      %dma_wait3A_417 = arith.constant 0 : i32
      %dma_wait3A_418 = tpu.memref_slice %arg6[%dma_wait3A_416, %dma_wait3A_417] : memref<64x261xf32, #tpu.memory_space<vmem>> -> memref<8x256xf32, #tpu.memory_space<vmem>>
      %dma_wait3A_419 = arith.constant 0 : i32
      %dma_wait3A_420 = tpu.memref_slice %arg2[%dma_wait3A_409, %dma_wait3A_419, %mul3A_408] : memref<8x8x1000000xf32, #tpu.memory_space<hbm>> -> memref<1x8x256xf32, #tpu.memory_space<hbm>>
      %dma_wait3A_421 = tpu.memref_squeeze %dma_wait3A_420 : memref<1x8x256xf32, #tpu.memory_space<hbm>> -> memref<8x256xf32, #tpu.memory_space<hbm>>
      tpu.wait_dma2 semaphore(%arg10 : memref<!tpu.dma_semaphore, #tpu.memory_space<semaphore_mem>>) src(%dma_wait3A_421 : memref<8x256xf32, #tpu.memory_space<hbm>>) dst(%dma_wait3A_418 : memref<8x256xf32, #tpu.memory_space<vmem>>)
      %dma_wait3A_422 = arith.constant 1 : i32
      %dma_wait3A_423 = arith.constant 8 : i32
      %dma_wait3A_424 = arith.constant 0 : i32
      %dma_wait3A_425 = tpu.memref_slice %arg6[%dma_wait3A_423, %dma_wait3A_424] : memref<64x261xf32, #tpu.memory_space<vmem>> -> memref<8x256xf32, #tpu.memory_space<vmem>>
      %dma_wait3A_426 = arith.constant 0 : i32
      %dma_wait3A_427 = tpu.memref_slice %arg2[%dma_wait3A_422, %dma_wait3A_426, %mul3A_408] : memref<8x8x1000000xf32, #tpu.memory_space<hbm>> -> memref<1x8x256xf32, #tpu.memory_space<hbm>>
      %dma_wait3A_428 = tpu.memref_squeeze %dma_wait3A_427 : memref<1x8x256xf32, #tpu.memory_space<hbm>> -> memref<8x256xf32, #tpu.memory_space<hbm>>
      %dma_wait3A_429 = arith.constant 8 : i32
      %dma_wait3A_430 = arith.constant 0 : i32
      %dma_wait3A_431 = tpu.memref_slice %arg6[%dma_wait3A_429, %dma_wait3A_430] : memref<64x261xf32, #tpu.memory_space<vmem>> -> memref<8x256xf32, #tpu.memory_space<vmem>>
      %dma_wait3A_432 = arith.constant 0 : i32
      %dma_wait3A_433 = tpu.memref_slice %arg2[%dma_wait3A_422, %dma_wait3A_432, %mul3A_408] : memref<8x8x1000000xf32, #tpu.memory_space<hbm>> -> memref<1x8x256xf32, #tpu.memory_space<hbm>>
      %dma_wait3A_434 = tpu.memref_squeeze %dma_wait3A_433 : memref<1x8x256xf32, #tpu.memory_space<hbm>> -> memref<8x256xf32, #tpu.memory_space<hbm>>
      tpu.wait_dma2 semaphore(%arg10 : memref<!tpu.dma_semaphore, #tpu.memory_space<semaphore_mem>>) src(%dma_wait3A_434 : memref<8x256xf32, #tpu.memory_space<hbm>>) dst(%dma_wait3A_431 : memref<8x256xf32, #tpu.memory_space<vmem>>)
      %dma_wait3A_435 = arith.constant 2 : i32
      %dma_wait3A_436 = arith.constant 16 : i32
      %dma_wait3A_437 = arith.constant 0 : i32
      %dma_wait3A_438 = tpu.memref_slice %arg6[%dma_wait3A_436, %dma_wait3A_437] : memref<64x261xf32, #tpu.memory_space<vmem>> -> memref<8x256xf32, #tpu.memory_space<vmem>>
      %dma_wait3A_439 = arith.constant 0 : i32
      %dma_wait3A_440 = tpu.memref_slice %arg2[%dma_wait3A_435, %dma_wait3A_439, %mul3A_408] : memref<8x8x1000000xf32, #tpu.memory_space<hbm>> -> memref<1x8x256xf32, #tpu.memory_space<hbm>>
      %dma_wait3A_441 = tpu.memref_squeeze %dma_wait3A_440 : memref<1x8x256xf32, #tpu.memory_space<hbm>> -> memref<8x256xf32, #tpu.memory_space<hbm>>
      %dma_wait3A_442 = arith.constant 16 : i32
      %dma_wait3A_443 = arith.constant 0 : i32
      %dma_wait3A_444 = tpu.memref_slice %arg6[%dma_wait3A_442, %dma_wait3A_443] : memref<64x261xf32, #tpu.memory_space<vmem>> -> memref<8x256xf32, #tpu.memory_space<vmem>>
      %dma_wait3A_445 = arith.constant 0 : i32
      %dma_wait3A_446 = tpu.memref_slice %arg2[%dma_wait3A_435, %dma_wait3A_445, %mul3A_408] : memref<8x8x1000000xf32, #tpu.memory_space<hbm>> -> memref<1x8x256xf32, #tpu.memory_space<hbm>>
      %dma_wait3A_447 = tpu.memref_squeeze %dma_wait3A_446 : memref<1x8x256xf32, #tpu.memory_space<hbm>> -> memref<8x256xf32, #tpu.memory_space<hbm>>
      tpu.wait_dma2 semaphore(%arg10 : memref<!tpu.dma_semaphore, #tpu.memory_space<semaphore_mem>>) src(%dma_wait3A_447 : memref<8x256xf32, #tpu.memory_space<hbm>>) dst(%dma_wait3A_444 : memref<8x256xf32, #tpu.memory_space<vmem>>)
      %dma_wait3A_448 = arith.constant 3 : i32
      %dma_wait3A_449 = arith.constant 24 : i32
      %dma_wait3A_450 = arith.constant 0 : i32
      %dma_wait3A_451 = tpu.memref_slice %arg6[%dma_wait3A_449, %dma_wait3A_450] : memref<64x261xf32, #tpu.memory_space<vmem>> -> memref<8x256xf32, #tpu.memory_space<vmem>>
      %dma_wait3A_452 = arith.constant 0 : i32
      %dma_wait3A_453 = tpu.memref_slice %arg2[%dma_wait3A_448, %dma_wait3A_452, %mul3A_408] : memref<8x8x1000000xf32, #tpu.memory_space<hbm>> -> memref<1x8x256xf32, #tpu.memory_space<hbm>>
      %dma_wait3A_454 = tpu.memref_squeeze %dma_wait3A_453 : memref<1x8x256xf32, #tpu.memory_space<hbm>> -> memref<8x256xf32, #tpu.memory_space<hbm>>
      %dma_wait3A_455 = arith.constant 24 : i32
      %dma_wait3A_456 = arith.constant 0 : i32
      %dma_wait3A_457 = tpu.memref_slice %arg6[%dma_wait3A_455, %dma_wait3A_456] : memref<64x261xf32, #tpu.memory_space<vmem>> -> memref<8x256xf32, #tpu.memory_space<vmem>>
      %dma_wait3A_458 = arith.constant 0 : i32
      %dma_wait3A_459 = tpu.memref_slice %arg2[%dma_wait3A_448, %dma_wait3A_458, %mul3A_408] : memref<8x8x1000000xf32, #tpu.memory_space<hbm>> -> memref<1x8x256xf32, #tpu.memory_space<hbm>>
      %dma_wait3A_460 = tpu.memref_squeeze %dma_wait3A_459 : memref<1x8x256xf32, #tpu.memory_space<hbm>> -> memref<8x256xf32, #tpu.memory_space<hbm>>
      tpu.wait_dma2 semaphore(%arg10 : memref<!tpu.dma_semaphore, #tpu.memory_space<semaphore_mem>>) src(%dma_wait3A_460 : memref<8x256xf32, #tpu.memory_space<hbm>>) dst(%dma_wait3A_457 : memref<8x256xf32, #tpu.memory_space<vmem>>)
      %dma_wait3A_461 = arith.constant 4 : i32
      %dma_wait3A_462 = arith.constant 32 : i32
      %dma_wait3A_463 = arith.constant 0 : i32
      %dma_wait3A_464 = tpu.memref_slice %arg6[%dma_wait3A_462, %dma_wait3A_463] : memref<64x261xf32, #tpu.memory_space<vmem>> -> memref<8x256xf32, #tpu.memory_space<vmem>>
      %dma_wait3A_465 = arith.constant 0 : i32
      %dma_wait3A_466 = tpu.memref_slice %arg2[%dma_wait3A_461, %dma_wait3A_465, %mul3A_408] : memref<8x8x1000000xf32, #tpu.memory_space<hbm>> -> memref<1x8x256xf32, #tpu.memory_space<hbm>>
      %dma_wait3A_467 = tpu.memref_squeeze %dma_wait3A_466 : memref<1x8x256xf32, #tpu.memory_space<hbm>> -> memref<8x256xf32, #tpu.memory_space<hbm>>
      %dma_wait3A_468 = arith.constant 32 : i32
      %dma_wait3A_469 = arith.constant 0 : i32
      %dma_wait3A_470 = tpu.memref_slice %arg6[%dma_wait3A_468, %dma_wait3A_469] : memref<64x261xf32, #tpu.memory_space<vmem>> -> memref<8x256xf32, #tpu.memory_space<vmem>>
      %dma_wait3A_471 = arith.constant 0 : i32
      %dma_wait3A_472 = tpu.memref_slice %arg2[%dma_wait3A_461, %dma_wait3A_471, %mul3A_408] : memref<8x8x1000000xf32, #tpu.memory_space<hbm>> -> memref<1x8x256xf32, #tpu.memory_space<hbm>>
      %dma_wait3A_473 = tpu.memref_squeeze %dma_wait3A_472 : memref<1x8x256xf32, #tpu.memory_space<hbm>> -> memref<8x256xf32, #tpu.memory_space<hbm>>
      tpu.wait_dma2 semaphore(%arg10 : memref<!tpu.dma_semaphore, #tpu.memory_space<semaphore_mem>>) src(%dma_wait3A_473 : memref<8x256xf32, #tpu.memory_space<hbm>>) dst(%dma_wait3A_470 : memref<8x256xf32, #tpu.memory_space<vmem>>)
      %dma_wait3A_474 = arith.constant 5 : i32
      %dma_wait3A_475 = arith.constant 40 : i32
      %dma_wait3A_476 = arith.constant 0 : i32
      %dma_wait3A_477 = tpu.memref_slice %arg6[%dma_wait3A_475, %dma_wait3A_476] : memref<64x261xf32, #tpu.memory_space<vmem>> -> memref<8x256xf32, #tpu.memory_space<vmem>>
      %dma_wait3A_478 = arith.constant 0 : i32
      %dma_wait3A_479 = tpu.memref_slice %arg2[%dma_wait3A_474, %dma_wait3A_478, %mul3A_408] : memref<8x8x1000000xf32, #tpu.memory_space<hbm>> -> memref<1x8x256xf32, #tpu.memory_space<hbm>>
      %dma_wait3A_480 = tpu.memref_squeeze %dma_wait3A_479 : memref<1x8x256xf32, #tpu.memory_space<hbm>> -> memref<8x256xf32, #tpu.memory_space<hbm>>
      %dma_wait3A_481 = arith.constant 40 : i32
      %dma_wait3A_482 = arith.constant 0 : i32
      %dma_wait3A_483 = tpu.memref_slice %arg6[%dma_wait3A_481, %dma_wait3A_482] : memref<64x261xf32, #tpu.memory_space<vmem>> -> memref<8x256xf32, #tpu.memory_space<vmem>>
      %dma_wait3A_484 = arith.constant 0 : i32
      %dma_wait3A_485 = tpu.memref_slice %arg2[%dma_wait3A_474, %dma_wait3A_484, %mul3A_408] : memref<8x8x1000000xf32, #tpu.memory_space<hbm>> -> memref<1x8x256xf32, #tpu.memory_space<hbm>>
      %dma_wait3A_486 = tpu.memref_squeeze %dma_wait3A_485 : memref<1x8x256xf32, #tpu.memory_space<hbm>> -> memref<8x256xf32, #tpu.memory_space<hbm>>
      tpu.wait_dma2 semaphore(%arg10 : memref<!tpu.dma_semaphore, #tpu.memory_space<semaphore_mem>>) src(%dma_wait3A_486 : memref<8x256xf32, #tpu.memory_space<hbm>>) dst(%dma_wait3A_483 : memref<8x256xf32, #tpu.memory_space<vmem>>)
      %dma_wait3A_487 = arith.constant 6 : i32
      %dma_wait3A_488 = arith.constant 48 : i32
      %dma_wait3A_489 = arith.constant 0 : i32
      %dma_wait3A_490 = tpu.memref_slice %arg6[%dma_wait3A_488, %dma_wait3A_489] : memref<64x261xf32, #tpu.memory_space<vmem>> -> memref<8x256xf32, #tpu.memory_space<vmem>>
      %dma_wait3A_491 = arith.constant 0 : i32
      %dma_wait3A_492 = tpu.memref_slice %arg2[%dma_wait3A_487, %dma_wait3A_491, %mul3A_408] : memref<8x8x1000000xf32, #tpu.memory_space<hbm>> -> memref<1x8x256xf32, #tpu.memory_space<hbm>>
      %dma_wait3A_493 = tpu.memref_squeeze %dma_wait3A_492 : memref<1x8x256xf32, #tpu.memory_space<hbm>> -> memref<8x256xf32, #tpu.memory_space<hbm>>
      %dma_wait3A_494 = arith.constant 48 : i32
      %dma_wait3A_495 = arith.constant 0 : i32
      %dma_wait3A_496 = tpu.memref_slice %arg6[%dma_wait3A_494, %dma_wait3A_495] : memref<64x261xf32, #tpu.memory_space<vmem>> -> memref<8x256xf32, #tpu.memory_space<vmem>>
      %dma_wait3A_497 = arith.constant 0 : i32
      %dma_wait3A_498 = tpu.memref_slice %arg2[%dma_wait3A_487, %dma_wait3A_497, %mul3A_408] : memref<8x8x1000000xf32, #tpu.memory_space<hbm>> -> memref<1x8x256xf32, #tpu.memory_space<hbm>>
      %dma_wait3A_499 = tpu.memref_squeeze %dma_wait3A_498 : memref<1x8x256xf32, #tpu.memory_space<hbm>> -> memref<8x256xf32, #tpu.memory_space<hbm>>
      tpu.wait_dma2 semaphore(%arg10 : memref<!tpu.dma_semaphore, #tpu.memory_space<semaphore_mem>>) src(%dma_wait3A_499 : memref<8x256xf32, #tpu.memory_space<hbm>>) dst(%dma_wait3A_496 : memref<8x256xf32, #tpu.memory_space<vmem>>)
      %dma_wait3A_500 = arith.constant 7 : i32
      %dma_wait3A_501 = arith.constant 56 : i32
      %dma_wait3A_502 = arith.constant 0 : i32
      %dma_wait3A_503 = tpu.memref_slice %arg6[%dma_wait3A_501, %dma_wait3A_502] : memref<64x261xf32, #tpu.memory_space<vmem>> -> memref<8x256xf32, #tpu.memory_space<vmem>>
      %dma_wait3A_504 = arith.constant 0 : i32
      %dma_wait3A_505 = tpu.memref_slice %arg2[%dma_wait3A_500, %dma_wait3A_504, %mul3A_408] : memref<8x8x1000000xf32, #tpu.memory_space<hbm>> -> memref<1x8x256xf32, #tpu.memory_space<hbm>>
      %dma_wait3A_506 = tpu.memref_squeeze %dma_wait3A_505 : memref<1x8x256xf32, #tpu.memory_space<hbm>> -> memref<8x256xf32, #tpu.memory_space<hbm>>
      %dma_wait3A_507 = arith.constant 56 : i32
      %dma_wait3A_508 = arith.constant 0 : i32
      %dma_wait3A_509 = tpu.memref_slice %arg6[%dma_wait3A_507, %dma_wait3A_508] : memref<64x261xf32, #tpu.memory_space<vmem>> -> memref<8x256xf32, #tpu.memory_space<vmem>>
      %dma_wait3A_510 = arith.constant 0 : i32
      %dma_wait3A_511 = tpu.memref_slice %arg2[%dma_wait3A_500, %dma_wait3A_510, %mul3A_408] : memref<8x8x1000000xf32, #tpu.memory_space<hbm>> -> memref<1x8x256xf32, #tpu.memory_space<hbm>>
      %dma_wait3A_512 = tpu.memref_squeeze %dma_wait3A_511 : memref<1x8x256xf32, #tpu.memory_space<hbm>> -> memref<8x256xf32, #tpu.memory_space<hbm>>
      tpu.wait_dma2 semaphore(%arg10 : memref<!tpu.dma_semaphore, #tpu.memory_space<semaphore_mem>>) src(%dma_wait3A_512 : memref<8x256xf32, #tpu.memory_space<hbm>>) dst(%dma_wait3A_509 : memref<8x256xf32, #tpu.memory_space<vmem>>)
      %gt3A_513 = arith.constant 0 : i32
      %gt3A_514 = arith.cmpi sgt, %add3A_267, %gt3A_513 : i32
      %convert_element_type3A_515 = arith.extui %gt3A_514 : i1 to i32
      %cond3A_516 = arith.constant 0 : i32
      %cond3A_517 = arith.cmpi ne, %convert_element_type3A_515, %cond3A_516 : i32
      scf.if %cond3A_517 {
        %sub3A = arith.constant 2 : i32
        %sub3A_535 = arith.subi %add3A_403, %sub3A : i32
        %add3A_536 = arith.addi %min3A_3, %sub3A_535 : i32
        %min3A_537 = arith.constant 3905 : i32
        %min3A_538 = arith.minsi %add3A_536, %min3A_537 : i32
        %mul3A_539 = arith.constant 128 : i32
        %mul3A_540 = arith.muli %min3A_538, %mul3A_539 : i32
        %dma_wait3A_541 = arith.constant 0 : i32
        %dma_wait3A_542 = tpu.memref_slice %arg4[%mul3A_540, %dma_wait3A_541] : memref<500000x128xf32, #tpu.memory_space<hbm>> -> memref<128x128xf32, #tpu.memory_space<hbm>>
        %dma_wait3A_543 = arith.constant 0 : i32
        %dma_wait3A_544 = tpu.memref_slice %arg4[%mul3A_540, %dma_wait3A_543] : memref<500000x128xf32, #tpu.memory_space<hbm>> -> memref<128x128xf32, #tpu.memory_space<hbm>>
        tpu.wait_dma2 semaphore(%arg12 : memref<!tpu.dma_semaphore, #tpu.memory_space<semaphore_mem>>) src(%arg8 : memref<128x128xf32, #tpu.memory_space<vmem>>) dst(%dma_wait3A_544 : memref<128x128xf32, #tpu.memory_space<hbm>>)
      } else {
      }
      %parallel_loop3A_518 = arith.constant 0 : i32
      %parallel_loop3A_519 = arith.constant 128 : i32
      %parallel_loop3A_520 = arith.constant 1 : i32
      scf.for %parallel_loop3A_535 = %parallel_loop3A_518 to %parallel_loop3A_519 step %parallel_loop3A_520  : i32 {
        %parallel_loop3A_536 = arith.constant 0 : i32
        %parallel_loop3A_537 = vector.broadcast %parallel_loop3A_536 : i32 to vector<16xi32>
        %parallel_loop3A_538 = arith.constant 2 : i32
        %parallel_loop3A_539 = arith.muli %parallel_loop3A_538, %parallel_loop3A_535 : i32
        %parallel_loop3A_540 = arith.constant 0 : i32
        %parallel_loop3A_541 = arith.addi %parallel_loop3A_539, %parallel_loop3A_540 : i32
        %parallel_loop3A_542 = vector.broadcast %parallel_loop3A_541 : i32 to vector<16xi32>
        %parallel_loop3A_543 = arith.addi %parallel_loop3A_537, %parallel_loop3A_542 : vector<16xi32>
        %parallel_loop3A_544 = tpu.vector_load_idx %arg6[%add3A_8, %parallel_loop3A_543] : memref<64x261xf32, #tpu.memory_space<vmem>>[vector<16xi32>, vector<16xi32>], vector<16xf32>,
        %parallel_loop3A_545 = arith.index_cast %parallel_loop3A_535 : i32 to index
        %parallel_loop3A_546 = arith.constant 0 : index
        %parallel_loop3A_547 = tpu.vector_load %arg8[%parallel_loop3A_545, %parallel_loop3A_546] {strides = array<i32>} : memref<128x128xf32, #tpu.memory_space<vmem>>, vector<16xf32>,
        tpu.vector_store %arg8[%parallel_loop3A_545, %parallel_loop3A_546], %parallel_loop3A_544 {strides = array<i32>} : memref<128x128xf32, #tpu.memory_space<vmem>>, vector<16xf32>,
        %parallel_loop3A_548 = tpu.vector_load_idx %arg6[%add3A_12, %parallel_loop3A_543] : memref<64x261xf32, #tpu.memory_space<vmem>>[vector<16xi32>, vector<16xi32>], vector<16xf32>,
        %parallel_loop3A_549 = arith.index_cast %parallel_loop3A_535 : i32 to index
        %parallel_loop3A_550 = arith.constant 16 : index
        %parallel_loop3A_551 = tpu.vector_load %arg8[%parallel_loop3A_549, %parallel_loop3A_550] {strides = array<i32>} : memref<128x128xf32, #tpu.memory_space<vmem>>, vector<16xf32>,
        tpu.vector_store %arg8[%parallel_loop3A_549, %parallel_loop3A_550], %parallel_loop3A_548 {strides = array<i32>} : memref<128x128xf32, #tpu.memory_space<vmem>>, vector<16xf32>,
        %parallel_loop3A_552 = tpu.vector_load_idx %arg6[%add3A_16, %parallel_loop3A_543] : memref<64x261xf32, #tpu.memory_space<vmem>>[vector<16xi32>, vector<16xi32>], vector<16xf32>,
        %parallel_loop3A_553 = arith.index_cast %parallel_loop3A_535 : i32 to index
        %parallel_loop3A_554 = arith.constant 32 : index
        %parallel_loop3A_555 = tpu.vector_load %arg8[%parallel_loop3A_553, %parallel_loop3A_554] {strides = array<i32>} : memref<128x128xf32, #tpu.memory_space<vmem>>, vector<16xf32>,
        tpu.vector_store %arg8[%parallel_loop3A_553, %parallel_loop3A_554], %parallel_loop3A_552 {strides = array<i32>} : memref<128x128xf32, #tpu.memory_space<vmem>>, vector<16xf32>,
        %parallel_loop3A_556 = tpu.vector_load_idx %arg6[%add3A_20, %parallel_loop3A_543] : memref<64x261xf32, #tpu.memory_space<vmem>>[vector<16xi32>, vector<16xi32>], vector<16xf32>,
        %parallel_loop3A_557 = arith.index_cast %parallel_loop3A_535 : i32 to index
        %parallel_loop3A_558 = arith.constant 48 : index
        %parallel_loop3A_559 = tpu.vector_load %arg8[%parallel_loop3A_557, %parallel_loop3A_558] {strides = array<i32>} : memref<128x128xf32, #tpu.memory_space<vmem>>, vector<16xf32>,
        tpu.vector_store %arg8[%parallel_loop3A_557, %parallel_loop3A_558], %parallel_loop3A_556 {strides = array<i32>} : memref<128x128xf32, #tpu.memory_space<vmem>>, vector<16xf32>,
        %parallel_loop3A_560 = arith.constant 0 : i32
        %parallel_loop3A_561 = vector.broadcast %parallel_loop3A_560 : i32 to vector<16xi32>
        %parallel_loop3A_562 = arith.constant 2 : i32
        %parallel_loop3A_563 = arith.muli %parallel_loop3A_562, %parallel_loop3A_535 : i32
        %parallel_loop3A_564 = arith.constant 1 : i32
        %parallel_loop3A_565 = arith.addi %parallel_loop3A_563, %parallel_loop3A_564 : i32
        %parallel_loop3A_566 = vector.broadcast %parallel_loop3A_565 : i32 to vector<16xi32>
        %parallel_loop3A_567 = arith.addi %parallel_loop3A_561, %parallel_loop3A_566 : vector<16xi32>
        %parallel_loop3A_568 = tpu.vector_load_idx %arg6[%add3A_8, %parallel_loop3A_567] : memref<64x261xf32, #tpu.memory_space<vmem>>[vector<16xi32>, vector<16xi32>], vector<16xf32>,
        %parallel_loop3A_569 = arith.index_cast %parallel_loop3A_535 : i32 to index
        %parallel_loop3A_570 = arith.constant 64 : index
        %parallel_loop3A_571 = tpu.vector_load %arg8[%parallel_loop3A_569, %parallel_loop3A_570] {strides = array<i32>} : memref<128x128xf32, #tpu.memory_space<vmem>>, vector<16xf32>,
        tpu.vector_store %arg8[%parallel_loop3A_569, %parallel_loop3A_570], %parallel_loop3A_568 {strides = array<i32>} : memref<128x128xf32, #tpu.memory_space<vmem>>, vector<16xf32>,
        %parallel_loop3A_572 = tpu.vector_load_idx %arg6[%add3A_12, %parallel_loop3A_567] : memref<64x261xf32, #tpu.memory_space<vmem>>[vector<16xi32>, vector<16xi32>], vector<16xf32>,
        %parallel_loop3A_573 = arith.index_cast %parallel_loop3A_535 : i32 to index
        %parallel_loop3A_574 = arith.constant 80 : index
        %parallel_loop3A_575 = tpu.vector_load %arg8[%parallel_loop3A_573, %parallel_loop3A_574] {strides = array<i32>} : memref<128x128xf32, #tpu.memory_space<vmem>>, vector<16xf32>,
        tpu.vector_store %arg8[%parallel_loop3A_573, %parallel_loop3A_574], %parallel_loop3A_572 {strides = array<i32>} : memref<128x128xf32, #tpu.memory_space<vmem>>, vector<16xf32>,
        %parallel_loop3A_576 = tpu.vector_load_idx %arg6[%add3A_16, %parallel_loop3A_567] : memref<64x261xf32, #tpu.memory_space<vmem>>[vector<16xi32>, vector<16xi32>], vector<16xf32>,
        %parallel_loop3A_577 = arith.index_cast %parallel_loop3A_535 : i32 to index
        %parallel_loop3A_578 = arith.constant 96 : index
        %parallel_loop3A_579 = tpu.vector_load %arg8[%parallel_loop3A_577, %parallel_loop3A_578] {strides = array<i32>} : memref<128x128xf32, #tpu.memory_space<vmem>>, vector<16xf32>,
        tpu.vector_store %arg8[%parallel_loop3A_577, %parallel_loop3A_578], %parallel_loop3A_576 {strides = array<i32>} : memref<128x128xf32, #tpu.memory_space<vmem>>, vector<16xf32>,
        %parallel_loop3A_580 = tpu.vector_load_idx %arg6[%add3A_20, %parallel_loop3A_567] : memref<64x261xf32, #tpu.memory_space<vmem>>[vector<16xi32>, vector<16xi32>], vector<16xf32>,
        %parallel_loop3A_581 = arith.index_cast %parallel_loop3A_535 : i32 to index
        %parallel_loop3A_582 = arith.constant 112 : index
        %parallel_loop3A_583 = tpu.vector_load %arg8[%parallel_loop3A_581, %parallel_loop3A_582] {strides = array<i32>} : memref<128x128xf32, #tpu.memory_space<vmem>>, vector<16xf32>,
        tpu.vector_store %arg8[%parallel_loop3A_581, %parallel_loop3A_582], %parallel_loop3A_580 {strides = array<i32>} : memref<128x128xf32, #tpu.memory_space<vmem>>, vector<16xf32>,
      } {sc.loop_unroll_factor = 1 : i64, sc.parallel_access}
      %lt3A_521 = arith.constant 61 : i32
      %lt3A_522 = arith.cmpi slt, %add3A_267, %lt3A_521 : i32
      %convert_element_type3A_523 = arith.extui %lt3A_522 : i1 to i32
      %cond3A_524 = arith.constant 0 : i32
      %cond3A_525 = arith.cmpi ne, %convert_element_type3A_523, %cond3A_524 : i32
      scf.if %cond3A_525 {
        %add3A_535 = arith.constant 2 : i32
        %add3A_536 = arith.addi %add3A_403, %add3A_535 : i32
        %add3A_537 = arith.addi %min3A_3, %add3A_536 : i32
        %min3A_538 = arith.constant 3905 : i32
        %min3A_539 = arith.minsi %add3A_537, %min3A_538 : i32
        %mul3A_540 = arith.constant 256 : i32
        %mul3A_541 = arith.muli %min3A_539, %mul3A_540 : i32
        %dma_start3A_542 = arith.constant 0 : i32
        %dma_start3A_543 = arith.constant 0 : i32
        %dma_start3A_544 = arith.constant 0 : i32
        %dma_start3A_545 = tpu.memref_slice %arg6[%dma_start3A_543, %dma_start3A_544] : memref<64x261xf32, #tpu.memory_space<vmem>> -> memref<8x256xf32, #tpu.memory_space<vmem>>
        %dma_start3A_546 = arith.constant 0 : i32
        %dma_start3A_547 = tpu.memref_slice %arg2[%dma_start3A_542, %dma_start3A_546, %mul3A_541] : memref<8x8x1000000xf32, #tpu.memory_space<hbm>> -> memref<1x8x256xf32, #tpu.memory_space<hbm>>
        %dma_start3A_548 = tpu.memref_squeeze %dma_start3A_547 : memref<1x8x256xf32, #tpu.memory_space<hbm>> -> memref<8x256xf32, #tpu.memory_space<hbm>>
        %dma_start3A_549 = arith.constant 0 : i32
        %dma_start3A_550 = arith.constant 0 : i32
        %dma_start3A_551 = tpu.memref_slice %arg6[%dma_start3A_549, %dma_start3A_550] : memref<64x261xf32, #tpu.memory_space<vmem>> -> memref<8x256xf32, #tpu.memory_space<vmem>>
        %dma_start3A_552 = arith.constant 0 : i32
        %dma_start3A_553 = tpu.memref_slice %arg2[%dma_start3A_542, %dma_start3A_552, %mul3A_541] : memref<8x8x1000000xf32, #tpu.memory_space<hbm>> -> memref<1x8x256xf32, #tpu.memory_space<hbm>>
        %dma_start3A_554 = tpu.memref_squeeze %dma_start3A_553 : memref<1x8x256xf32, #tpu.memory_space<hbm>> -> memref<8x256xf32, #tpu.memory_space<hbm>>
        tpu.enqueue_dma source(%dma_start3A_554 : memref<8x256xf32, #tpu.memory_space<hbm>>) target(%dma_start3A_551 : memref<8x256xf32, #tpu.memory_space<vmem>>) target_semaphore(%arg10 : memref<!tpu.dma_semaphore, #tpu.memory_space<semaphore_mem>>)
        %dma_start3A_555 = arith.constant 1 : i32
        %dma_start3A_556 = arith.constant 8 : i32
        %dma_start3A_557 = arith.constant 0 : i32
        %dma_start3A_558 = tpu.memref_slice %arg6[%dma_start3A_556, %dma_start3A_557] : memref<64x261xf32, #tpu.memory_space<vmem>> -> memref<8x256xf32, #tpu.memory_space<vmem>>
        %dma_start3A_559 = arith.constant 0 : i32
        %dma_start3A_560 = tpu.memref_slice %arg2[%dma_start3A_555, %dma_start3A_559, %mul3A_541] : memref<8x8x1000000xf32, #tpu.memory_space<hbm>> -> memref<1x8x256xf32, #tpu.memory_space<hbm>>
        %dma_start3A_561 = tpu.memref_squeeze %dma_start3A_560 : memref<1x8x256xf32, #tpu.memory_space<hbm>> -> memref<8x256xf32, #tpu.memory_space<hbm>>
        %dma_start3A_562 = arith.constant 8 : i32
        %dma_start3A_563 = arith.constant 0 : i32
        %dma_start3A_564 = tpu.memref_slice %arg6[%dma_start3A_562, %dma_start3A_563] : memref<64x261xf32, #tpu.memory_space<vmem>> -> memref<8x256xf32, #tpu.memory_space<vmem>>
        %dma_start3A_565 = arith.constant 0 : i32
        %dma_start3A_566 = tpu.memref_slice %arg2[%dma_start3A_555, %dma_start3A_565, %mul3A_541] : memref<8x8x1000000xf32, #tpu.memory_space<hbm>> -> memref<1x8x256xf32, #tpu.memory_space<hbm>>
        %dma_start3A_567 = tpu.memref_squeeze %dma_start3A_566 : memref<1x8x256xf32, #tpu.memory_space<hbm>> -> memref<8x256xf32, #tpu.memory_space<hbm>>
        tpu.enqueue_dma source(%dma_start3A_567 : memref<8x256xf32, #tpu.memory_space<hbm>>) target(%dma_start3A_564 : memref<8x256xf32, #tpu.memory_space<vmem>>) target_semaphore(%arg10 : memref<!tpu.dma_semaphore, #tpu.memory_space<semaphore_mem>>)
        %dma_start3A_568 = arith.constant 2 : i32
        %dma_start3A_569 = arith.constant 16 : i32
        %dma_start3A_570 = arith.constant 0 : i32
        %dma_start3A_571 = tpu.memref_slice %arg6[%dma_start3A_569, %dma_start3A_570] : memref<64x261xf32, #tpu.memory_space<vmem>> -> memref<8x256xf32, #tpu.memory_space<vmem>>
        %dma_start3A_572 = arith.constant 0 : i32
        %dma_start3A_573 = tpu.memref_slice %arg2[%dma_start3A_568, %dma_start3A_572, %mul3A_541] : memref<8x8x1000000xf32, #tpu.memory_space<hbm>> -> memref<1x8x256xf32, #tpu.memory_space<hbm>>
        %dma_start3A_574 = tpu.memref_squeeze %dma_start3A_573 : memref<1x8x256xf32, #tpu.memory_space<hbm>> -> memref<8x256xf32, #tpu.memory_space<hbm>>
        %dma_start3A_575 = arith.constant 16 : i32
        %dma_start3A_576 = arith.constant 0 : i32
        %dma_start3A_577 = tpu.memref_slice %arg6[%dma_start3A_575, %dma_start3A_576] : memref<64x261xf32, #tpu.memory_space<vmem>> -> memref<8x256xf32, #tpu.memory_space<vmem>>
        %dma_start3A_578 = arith.constant 0 : i32
        %dma_start3A_579 = tpu.memref_slice %arg2[%dma_start3A_568, %dma_start3A_578, %mul3A_541] : memref<8x8x1000000xf32, #tpu.memory_space<hbm>> -> memref<1x8x256xf32, #tpu.memory_space<hbm>>
        %dma_start3A_580 = tpu.memref_squeeze %dma_start3A_579 : memref<1x8x256xf32, #tpu.memory_space<hbm>> -> memref<8x256xf32, #tpu.memory_space<hbm>>
        tpu.enqueue_dma source(%dma_start3A_580 : memref<8x256xf32, #tpu.memory_space<hbm>>) target(%dma_start3A_577 : memref<8x256xf32, #tpu.memory_space<vmem>>) target_semaphore(%arg10 : memref<!tpu.dma_semaphore, #tpu.memory_space<semaphore_mem>>)
        %dma_start3A_581 = arith.constant 3 : i32
        %dma_start3A_582 = arith.constant 24 : i32
        %dma_start3A_583 = arith.constant 0 : i32
        %dma_start3A_584 = tpu.memref_slice %arg6[%dma_start3A_582, %dma_start3A_583] : memref<64x261xf32, #tpu.memory_space<vmem>> -> memref<8x256xf32, #tpu.memory_space<vmem>>
        %dma_start3A_585 = arith.constant 0 : i32
        %dma_start3A_586 = tpu.memref_slice %arg2[%dma_start3A_581, %dma_start3A_585, %mul3A_541] : memref<8x8x1000000xf32, #tpu.memory_space<hbm>> -> memref<1x8x256xf32, #tpu.memory_space<hbm>>
        %dma_start3A_587 = tpu.memref_squeeze %dma_start3A_586 : memref<1x8x256xf32, #tpu.memory_space<hbm>> -> memref<8x256xf32, #tpu.memory_space<hbm>>
        %dma_start3A_588 = arith.constant 24 : i32
        %dma_start3A_589 = arith.constant 0 : i32
        %dma_start3A_590 = tpu.memref_slice %arg6[%dma_start3A_588, %dma_start3A_589] : memref<64x261xf32, #tpu.memory_space<vmem>> -> memref<8x256xf32, #tpu.memory_space<vmem>>
        %dma_start3A_591 = arith.constant 0 : i32
        %dma_start3A_592 = tpu.memref_slice %arg2[%dma_start3A_581, %dma_start3A_591, %mul3A_541] : memref<8x8x1000000xf32, #tpu.memory_space<hbm>> -> memref<1x8x256xf32, #tpu.memory_space<hbm>>
        %dma_start3A_593 = tpu.memref_squeeze %dma_start3A_592 : memref<1x8x256xf32, #tpu.memory_space<hbm>> -> memref<8x256xf32, #tpu.memory_space<hbm>>
        tpu.enqueue_dma source(%dma_start3A_593 : memref<8x256xf32, #tpu.memory_space<hbm>>) target(%dma_start3A_590 : memref<8x256xf32, #tpu.memory_space<vmem>>) target_semaphore(%arg10 : memref<!tpu.dma_semaphore, #tpu.memory_space<semaphore_mem>>)
        %dma_start3A_594 = arith.constant 4 : i32
        %dma_start3A_595 = arith.constant 32 : i32
        %dma_start3A_596 = arith.constant 0 : i32
        %dma_start3A_597 = tpu.memref_slice %arg6[%dma_start3A_595, %dma_start3A_596] : memref<64x261xf32, #tpu.memory_space<vmem>> -> memref<8x256xf32, #tpu.memory_space<vmem>>
        %dma_start3A_598 = arith.constant 0 : i32
        %dma_start3A_599 = tpu.memref_slice %arg2[%dma_start3A_594, %dma_start3A_598, %mul3A_541] : memref<8x8x1000000xf32, #tpu.memory_space<hbm>> -> memref<1x8x256xf32, #tpu.memory_space<hbm>>
        %dma_start3A_600 = tpu.memref_squeeze %dma_start3A_599 : memref<1x8x256xf32, #tpu.memory_space<hbm>> -> memref<8x256xf32, #tpu.memory_space<hbm>>
        %dma_start3A_601 = arith.constant 32 : i32
        %dma_start3A_602 = arith.constant 0 : i32
        %dma_start3A_603 = tpu.memref_slice %arg6[%dma_start3A_601, %dma_start3A_602] : memref<64x261xf32, #tpu.memory_space<vmem>> -> memref<8x256xf32, #tpu.memory_space<vmem>>
        %dma_start3A_604 = arith.constant 0 : i32
        %dma_start3A_605 = tpu.memref_slice %arg2[%dma_start3A_594, %dma_start3A_604, %mul3A_541] : memref<8x8x1000000xf32, #tpu.memory_space<hbm>> -> memref<1x8x256xf32, #tpu.memory_space<hbm>>
        %dma_start3A_606 = tpu.memref_squeeze %dma_start3A_605 : memref<1x8x256xf32, #tpu.memory_space<hbm>> -> memref<8x256xf32, #tpu.memory_space<hbm>>
        tpu.enqueue_dma source(%dma_start3A_606 : memref<8x256xf32, #tpu.memory_space<hbm>>) target(%dma_start3A_603 : memref<8x256xf32, #tpu.memory_space<vmem>>) target_semaphore(%arg10 : memref<!tpu.dma_semaphore, #tpu.memory_space<semaphore_mem>>)
        %dma_start3A_607 = arith.constant 5 : i32
        %dma_start3A_608 = arith.constant 40 : i32
        %dma_start3A_609 = arith.constant 0 : i32
        %dma_start3A_610 = tpu.memref_slice %arg6[%dma_start3A_608, %dma_start3A_609] : memref<64x261xf32, #tpu.memory_space<vmem>> -> memref<8x256xf32, #tpu.memory_space<vmem>>
        %dma_start3A_611 = arith.constant 0 : i32
        %dma_start3A_612 = tpu.memref_slice %arg2[%dma_start3A_607, %dma_start3A_611, %mul3A_541] : memref<8x8x1000000xf32, #tpu.memory_space<hbm>> -> memref<1x8x256xf32, #tpu.memory_space<hbm>>
        %dma_start3A_613 = tpu.memref_squeeze %dma_start3A_612 : memref<1x8x256xf32, #tpu.memory_space<hbm>> -> memref<8x256xf32, #tpu.memory_space<hbm>>
        %dma_start3A_614 = arith.constant 40 : i32
        %dma_start3A_615 = arith.constant 0 : i32
        %dma_start3A_616 = tpu.memref_slice %arg6[%dma_start3A_614, %dma_start3A_615] : memref<64x261xf32, #tpu.memory_space<vmem>> -> memref<8x256xf32, #tpu.memory_space<vmem>>
        %dma_start3A_617 = arith.constant 0 : i32
        %dma_start3A_618 = tpu.memref_slice %arg2[%dma_start3A_607, %dma_start3A_617, %mul3A_541] : memref<8x8x1000000xf32, #tpu.memory_space<hbm>> -> memref<1x8x256xf32, #tpu.memory_space<hbm>>
        %dma_start3A_619 = tpu.memref_squeeze %dma_start3A_618 : memref<1x8x256xf32, #tpu.memory_space<hbm>> -> memref<8x256xf32, #tpu.memory_space<hbm>>
        tpu.enqueue_dma source(%dma_start3A_619 : memref<8x256xf32, #tpu.memory_space<hbm>>) target(%dma_start3A_616 : memref<8x256xf32, #tpu.memory_space<vmem>>) target_semaphore(%arg10 : memref<!tpu.dma_semaphore, #tpu.memory_space<semaphore_mem>>)
        %dma_start3A_620 = arith.constant 6 : i32
        %dma_start3A_621 = arith.constant 48 : i32
        %dma_start3A_622 = arith.constant 0 : i32
        %dma_start3A_623 = tpu.memref_slice %arg6[%dma_start3A_621, %dma_start3A_622] : memref<64x261xf32, #tpu.memory_space<vmem>> -> memref<8x256xf32, #tpu.memory_space<vmem>>
        %dma_start3A_624 = arith.constant 0 : i32
        %dma_start3A_625 = tpu.memref_slice %arg2[%dma_start3A_620, %dma_start3A_624, %mul3A_541] : memref<8x8x1000000xf32, #tpu.memory_space<hbm>> -> memref<1x8x256xf32, #tpu.memory_space<hbm>>
        %dma_start3A_626 = tpu.memref_squeeze %dma_start3A_625 : memref<1x8x256xf32, #tpu.memory_space<hbm>> -> memref<8x256xf32, #tpu.memory_space<hbm>>
        %dma_start3A_627 = arith.constant 48 : i32
        %dma_start3A_628 = arith.constant 0 : i32
        %dma_start3A_629 = tpu.memref_slice %arg6[%dma_start3A_627, %dma_start3A_628] : memref<64x261xf32, #tpu.memory_space<vmem>> -> memref<8x256xf32, #tpu.memory_space<vmem>>
        %dma_start3A_630 = arith.constant 0 : i32
        %dma_start3A_631 = tpu.memref_slice %arg2[%dma_start3A_620, %dma_start3A_630, %mul3A_541] : memref<8x8x1000000xf32, #tpu.memory_space<hbm>> -> memref<1x8x256xf32, #tpu.memory_space<hbm>>
        %dma_start3A_632 = tpu.memref_squeeze %dma_start3A_631 : memref<1x8x256xf32, #tpu.memory_space<hbm>> -> memref<8x256xf32, #tpu.memory_space<hbm>>
        tpu.enqueue_dma source(%dma_start3A_632 : memref<8x256xf32, #tpu.memory_space<hbm>>) target(%dma_start3A_629 : memref<8x256xf32, #tpu.memory_space<vmem>>) target_semaphore(%arg10 : memref<!tpu.dma_semaphore, #tpu.memory_space<semaphore_mem>>)
        %dma_start3A_633 = arith.constant 7 : i32
        %dma_start3A_634 = arith.constant 56 : i32
        %dma_start3A_635 = arith.constant 0 : i32
        %dma_start3A_636 = tpu.memref_slice %arg6[%dma_start3A_634, %dma_start3A_635] : memref<64x261xf32, #tpu.memory_space<vmem>> -> memref<8x256xf32, #tpu.memory_space<vmem>>
        %dma_start3A_637 = arith.constant 0 : i32
        %dma_start3A_638 = tpu.memref_slice %arg2[%dma_start3A_633, %dma_start3A_637, %mul3A_541] : memref<8x8x1000000xf32, #tpu.memory_space<hbm>> -> memref<1x8x256xf32, #tpu.memory_space<hbm>>
        %dma_start3A_639 = tpu.memref_squeeze %dma_start3A_638 : memref<1x8x256xf32, #tpu.memory_space<hbm>> -> memref<8x256xf32, #tpu.memory_space<hbm>>
        %dma_start3A_640 = arith.constant 56 : i32
        %dma_start3A_641 = arith.constant 0 : i32
        %dma_start3A_642 = tpu.memref_slice %arg6[%dma_start3A_640, %dma_start3A_641] : memref<64x261xf32, #tpu.memory_space<vmem>> -> memref<8x256xf32, #tpu.memory_space<vmem>>
        %dma_start3A_643 = arith.constant 0 : i32
        %dma_start3A_644 = tpu.memref_slice %arg2[%dma_start3A_633, %dma_start3A_643, %mul3A_541] : memref<8x8x1000000xf32, #tpu.memory_space<hbm>> -> memref<1x8x256xf32, #tpu.memory_space<hbm>>
        %dma_start3A_645 = tpu.memref_squeeze %dma_start3A_644 : memref<1x8x256xf32, #tpu.memory_space<hbm>> -> memref<8x256xf32, #tpu.memory_space<hbm>>
        tpu.enqueue_dma source(%dma_start3A_645 : memref<8x256xf32, #tpu.memory_space<hbm>>) target(%dma_start3A_642 : memref<8x256xf32, #tpu.memory_space<vmem>>) target_semaphore(%arg10 : memref<!tpu.dma_semaphore, #tpu.memory_space<semaphore_mem>>)
      } else {
      }
      %add3A_526 = arith.addi %min3A_3, %add3A_403 : i32
      %min3A_527 = arith.constant 3905 : i32
      %min3A_528 = arith.minsi %add3A_526, %min3A_527 : i32
      %mul3A_529 = arith.constant 128 : i32
      %mul3A_530 = arith.muli %min3A_528, %mul3A_529 : i32
      %dma_start3A_531 = arith.constant 0 : i32
      %dma_start3A_532 = tpu.memref_slice %arg4[%mul3A_530, %dma_start3A_531] : memref<500000x128xf32, #tpu.memory_space<hbm>> -> memref<128x128xf32, #tpu.memory_space<hbm>>
      %dma_start3A_533 = arith.constant 0 : i32
      %dma_start3A_534 = tpu.memref_slice %arg4[%mul3A_530, %dma_start3A_533] : memref<500000x128xf32, #tpu.memory_space<hbm>> -> memref<128x128xf32, #tpu.memory_space<hbm>>
      tpu.enqueue_dma source(%arg8 : memref<128x128xf32, #tpu.memory_space<vmem>>) target(%dma_start3A_534 : memref<128x128xf32, #tpu.memory_space<hbm>>) target_semaphore(%arg12 : memref<!tpu.dma_semaphore, #tpu.memory_space<semaphore_mem>>)
    }
    %scan3A_243 = arith.constant 62 : i32
    %add3A_244 = arith.constant 122 : i32
    %add3A_245 = arith.addi %min3A_3, %add3A_244 : i32
    %min3A_246 = arith.constant 3905 : i32
    %min3A_247 = arith.minsi %add3A_245, %min3A_246 : i32
    %mul3A_248 = arith.constant 128 : i32
    %mul3A_249 = arith.muli %min3A_247, %mul3A_248 : i32
    %dma_wait3A = arith.constant 0 : i32
    %dma_wait3A_250 = tpu.memref_slice %arg4[%mul3A_249, %dma_wait3A] : memref<500000x128xf32, #tpu.memory_space<hbm>> -> memref<128x128xf32, #tpu.memory_space<hbm>>
    %dma_wait3A_251 = arith.constant 0 : i32
    %dma_wait3A_252 = tpu.memref_slice %arg4[%mul3A_249, %dma_wait3A_251] : memref<500000x128xf32, #tpu.memory_space<hbm>> -> memref<128x128xf32, #tpu.memory_space<hbm>>
    tpu.wait_dma2 semaphore(%arg11 : memref<!tpu.dma_semaphore, #tpu.memory_space<semaphore_mem>>) src(%arg7 : memref<128x128xf32, #tpu.memory_space<vmem>>) dst(%dma_wait3A_252 : memref<128x128xf32, #tpu.memory_space<hbm>>)
    %add3A_253 = arith.constant 123 : i32
    %add3A_254 = arith.addi %min3A_3, %add3A_253 : i32
    %min3A_255 = arith.constant 3905 : i32
    %min3A_256 = arith.minsi %add3A_254, %min3A_255 : i32
    %mul3A_257 = arith.constant 128 : i32
    %mul3A_258 = arith.muli %min3A_256, %mul3A_257 : i32
    %dma_wait3A_259 = arith.constant 0 : i32
    %dma_wait3A_260 = tpu.memref_slice %arg4[%mul3A_258, %dma_wait3A_259] : memref<500000x128xf32, #tpu.memory_space<hbm>> -> memref<128x128xf32, #tpu.memory_space<hbm>>
    %dma_wait3A_261 = arith.constant 0 : i32
    %dma_wait3A_262 = tpu.memref_slice %arg4[%mul3A_258, %dma_wait3A_261] : memref<500000x128xf32, #tpu.memory_space<hbm>> -> memref<128x128xf32, #tpu.memory_space<hbm>>
    tpu.wait_dma2 semaphore(%arg12 : memref<!tpu.dma_semaphore, #tpu.memory_space<semaphore_mem>>) src(%arg8 : memref<128x128xf32, #tpu.memory_space<vmem>>) dst(%dma_wait3A_262 : memref<128x128xf32, #tpu.memory_space<hbm>>)
    return
  }
}

#map = affine_map<(d0, d1) -> (0, 0)>
#map1 = affine_map<(d0, d1) -> (0, 0, 0)>
module attributes {stable_mosaic.version = 14 : i64} {
  func.func @sc_gather(%arg0: i32, %arg1: i32, %arg2: memref<500000x128xf32, #tpu.memory_space<hbm>>, %arg3: memref<50x4096xi32, #tpu.memory_space<hbm>>, %arg4: memref<50x64x4096xf32, #tpu.memory_space<hbm>>, %arg5: memref<50x128xi32, #tpu.memory_space<vmem>>, %arg6: memref<50x128xi32, #tpu.memory_space<vmem>>, %arg7: memref<128x133xf32, #tpu.memory_space<vmem>>, %arg8: memref<128x133xf32, #tpu.memory_space<vmem>>, %arg9: memref<64x128xf32, #tpu.memory_space<vmem>>, %arg10: memref<64x128xf32, #tpu.memory_space<vmem>>, %arg11: memref<!tpu.dma_semaphore, #tpu.memory_space<semaphore_mem>>, %arg12: memref<!tpu.dma_semaphore, #tpu.memory_space<semaphore_mem>>, %arg13: memref<!tpu.dma_semaphore, #tpu.memory_space<semaphore_mem>>, %arg14: memref<!tpu.dma_semaphore, #tpu.memory_space<semaphore_mem>>) attributes {dimension_semantics = [#tpu.dimension_semantics<core_parallel>, #tpu.dimension_semantics<subcore_parallel>], iteration_bounds = array<i64: 2, 16>, scalar_prefetch = 0 : i64, scratch_operands = 10 : i64, tpu.core_type = #tpu.core_type<sc_vector_subcore>, window_params = [{transform_indices = #map}, {transform_indices = #map}, {transform_indices = #map1}]} {
    %mul3A = arith.constant 2 : i32
    %mul3A_0 = arith.muli %arg1, %mul3A : i32
    %add3A = arith.addi %mul3A_0, %arg0 : i32
    %mul3A_1 = arith.constant 128 : i32
    %mul3A_2 = arith.muli %add3A, %mul3A_1 : i32
    "tpu.region"() ({
      %run_scoped3A = tpu.sem_alloc : memref<!tpu.dma_semaphore, #tpu.memory_space<semaphore_mem>>
      %dma_start3A_82 = arith.constant 0 : i32
      %dma_start3A_83 = tpu.memref_slice %arg3[%dma_start3A_82, %mul3A_2] : memref<50x4096xi32, #tpu.memory_space<hbm>> -> memref<50x128xi32, #tpu.memory_space<hbm>>
      %dma_start3A_84 = arith.constant 0 : i32
      %dma_start3A_85 = tpu.memref_slice %arg3[%dma_start3A_84, %mul3A_2] : memref<50x4096xi32, #tpu.memory_space<hbm>> -> memref<50x128xi32, #tpu.memory_space<hbm>>
      tpu.enqueue_dma source(%dma_start3A_85 : memref<50x128xi32, #tpu.memory_space<hbm>>) target(%arg5 : memref<50x128xi32, #tpu.memory_space<vmem>>) target_semaphore(%run_scoped3A : memref<!tpu.dma_semaphore, #tpu.memory_space<semaphore_mem>>)
      %dma_wait3A_86 = arith.constant 0 : i32
      %dma_wait3A_87 = tpu.memref_slice %arg3[%dma_wait3A_86, %mul3A_2] : memref<50x4096xi32, #tpu.memory_space<hbm>> -> memref<50x128xi32, #tpu.memory_space<hbm>>
      %dma_wait3A_88 = arith.constant 0 : i32
      %dma_wait3A_89 = tpu.memref_slice %arg3[%dma_wait3A_88, %mul3A_2] : memref<50x4096xi32, #tpu.memory_space<hbm>> -> memref<50x128xi32, #tpu.memory_space<hbm>>
      tpu.wait_dma2 semaphore(%run_scoped3A : memref<!tpu.dma_semaphore, #tpu.memory_space<semaphore_mem>>) src(%dma_wait3A_89 : memref<50x128xi32, #tpu.memory_space<hbm>>) dst(%arg5 : memref<50x128xi32, #tpu.memory_space<vmem>>)
      tpu.yield
    }) : () -> ()
    %scan3A = arith.constant 0 : i32
    %scan3A_3 = arith.constant 50 : i32
    %scan3A_4 = arith.addi %scan3A, %scan3A_3 : i32
    %scan3A_5 = arith.constant 1 : i32
    scf.for %scan3A_82 = %scan3A to %scan3A_4 step %scan3A_5  : i32 {
      %mul3A_83 = arith.constant 1 : i32
      %mul3A_84 = arith.muli %scan3A_82, %mul3A_83 : i32
      %add3A_85 = arith.constant 0 : i32
      %add3A_86 = arith.addi %add3A_85, %mul3A_84 : i32
      %get3A = arith.index_cast %add3A_86 : i32 to index
      %get3A_87 = arith.constant 0 : index
      %get3A_88 = tpu.vector_load %arg5[%get3A, %get3A_87] {strides = array<i32>} : memref<50x128xi32, #tpu.memory_space<vmem>>, vector<16xi32>,
      %shift_right_logical3A = arith.constant 1 : i32
      %shift_right_logical3A_89 = vector.broadcast %shift_right_logical3A : i32 to vector<16xi32>
      %shift_right_logical3A_90 = arith.shrui %get3A_88, %shift_right_logical3A_89 : vector<16xi32>
      %swap3A = arith.index_cast %add3A_86 : i32 to index
      %swap3A_91 = arith.constant 0 : index
      %swap3A_92 = tpu.vector_load %arg6[%swap3A, %swap3A_91] {strides = array<i32>} : memref<50x128xi32, #tpu.memory_space<vmem>>, vector<16xi32>,
      tpu.vector_store %arg6[%swap3A, %swap3A_91], %shift_right_logical3A_90 {strides = array<i32>} : memref<50x128xi32, #tpu.memory_space<vmem>>, vector<16xi32>,
      %get3A_93 = arith.index_cast %add3A_86 : i32 to index
      %get3A_94 = arith.constant 16 : index
      %get3A_95 = tpu.vector_load %arg5[%get3A_93, %get3A_94] {strides = array<i32>} : memref<50x128xi32, #tpu.memory_space<vmem>>, vector<16xi32>,
      %shift_right_logical3A_96 = arith.constant 1 : i32
      %shift_right_logical3A_97 = vector.broadcast %shift_right_logical3A_96 : i32 to vector<16xi32>
      %shift_right_logical3A_98 = arith.shrui %get3A_95, %shift_right_logical3A_97 : vector<16xi32>
      %swap3A_99 = arith.index_cast %add3A_86 : i32 to index
      %swap3A_100 = arith.constant 16 : index
      %swap3A_101 = tpu.vector_load %arg6[%swap3A_99, %swap3A_100] {strides = array<i32>} : memref<50x128xi32, #tpu.memory_space<vmem>>, vector<16xi32>,
      tpu.vector_store %arg6[%swap3A_99, %swap3A_100], %shift_right_logical3A_98 {strides = array<i32>} : memref<50x128xi32, #tpu.memory_space<vmem>>, vector<16xi32>,
      %get3A_102 = arith.index_cast %add3A_86 : i32 to index
      %get3A_103 = arith.constant 32 : index
      %get3A_104 = tpu.vector_load %arg5[%get3A_102, %get3A_103] {strides = array<i32>} : memref<50x128xi32, #tpu.memory_space<vmem>>, vector<16xi32>,
      %shift_right_logical3A_105 = arith.constant 1 : i32
      %shift_right_logical3A_106 = vector.broadcast %shift_right_logical3A_105 : i32 to vector<16xi32>
      %shift_right_logical3A_107 = arith.shrui %get3A_104, %shift_right_logical3A_106 : vector<16xi32>
      %swap3A_108 = arith.index_cast %add3A_86 : i32 to index
      %swap3A_109 = arith.constant 32 : index
      %swap3A_110 = tpu.vector_load %arg6[%swap3A_108, %swap3A_109] {strides = array<i32>} : memref<50x128xi32, #tpu.memory_space<vmem>>, vector<16xi32>,
      tpu.vector_store %arg6[%swap3A_108, %swap3A_109], %shift_right_logical3A_107 {strides = array<i32>} : memref<50x128xi32, #tpu.memory_space<vmem>>, vector<16xi32>,
      %get3A_111 = arith.index_cast %add3A_86 : i32 to index
      %get3A_112 = arith.constant 48 : index
      %get3A_113 = tpu.vector_load %arg5[%get3A_111, %get3A_112] {strides = array<i32>} : memref<50x128xi32, #tpu.memory_space<vmem>>, vector<16xi32>,
      %shift_right_logical3A_114 = arith.constant 1 : i32
      %shift_right_logical3A_115 = vector.broadcast %shift_right_logical3A_114 : i32 to vector<16xi32>
      %shift_right_logical3A_116 = arith.shrui %get3A_113, %shift_right_logical3A_115 : vector<16xi32>
      %swap3A_117 = arith.index_cast %add3A_86 : i32 to index
      %swap3A_118 = arith.constant 48 : index
      %swap3A_119 = tpu.vector_load %arg6[%swap3A_117, %swap3A_118] {strides = array<i32>} : memref<50x128xi32, #tpu.memory_space<vmem>>, vector<16xi32>,
      tpu.vector_store %arg6[%swap3A_117, %swap3A_118], %shift_right_logical3A_116 {strides = array<i32>} : memref<50x128xi32, #tpu.memory_space<vmem>>, vector<16xi32>,
      %get3A_120 = arith.index_cast %add3A_86 : i32 to index
      %get3A_121 = arith.constant 64 : index
      %get3A_122 = tpu.vector_load %arg5[%get3A_120, %get3A_121] {strides = array<i32>} : memref<50x128xi32, #tpu.memory_space<vmem>>, vector<16xi32>,
      %shift_right_logical3A_123 = arith.constant 1 : i32
      %shift_right_logical3A_124 = vector.broadcast %shift_right_logical3A_123 : i32 to vector<16xi32>
      %shift_right_logical3A_125 = arith.shrui %get3A_122, %shift_right_logical3A_124 : vector<16xi32>
      %swap3A_126 = arith.index_cast %add3A_86 : i32 to index
      %swap3A_127 = arith.constant 64 : index
      %swap3A_128 = tpu.vector_load %arg6[%swap3A_126, %swap3A_127] {strides = array<i32>} : memref<50x128xi32, #tpu.memory_space<vmem>>, vector<16xi32>,
      tpu.vector_store %arg6[%swap3A_126, %swap3A_127], %shift_right_logical3A_125 {strides = array<i32>} : memref<50x128xi32, #tpu.memory_space<vmem>>, vector<16xi32>,
      %get3A_129 = arith.index_cast %add3A_86 : i32 to index
      %get3A_130 = arith.constant 80 : index
      %get3A_131 = tpu.vector_load %arg5[%get3A_129, %get3A_130] {strides = array<i32>} : memref<50x128xi32, #tpu.memory_space<vmem>>, vector<16xi32>,
      %shift_right_logical3A_132 = arith.constant 1 : i32
      %shift_right_logical3A_133 = vector.broadcast %shift_right_logical3A_132 : i32 to vector<16xi32>
      %shift_right_logical3A_134 = arith.shrui %get3A_131, %shift_right_logical3A_133 : vector<16xi32>
      %swap3A_135 = arith.index_cast %add3A_86 : i32 to index
      %swap3A_136 = arith.constant 80 : index
      %swap3A_137 = tpu.vector_load %arg6[%swap3A_135, %swap3A_136] {strides = array<i32>} : memref<50x128xi32, #tpu.memory_space<vmem>>, vector<16xi32>,
      tpu.vector_store %arg6[%swap3A_135, %swap3A_136], %shift_right_logical3A_134 {strides = array<i32>} : memref<50x128xi32, #tpu.memory_space<vmem>>, vector<16xi32>,
      %get3A_138 = arith.index_cast %add3A_86 : i32 to index
      %get3A_139 = arith.constant 96 : index
      %get3A_140 = tpu.vector_load %arg5[%get3A_138, %get3A_139] {strides = array<i32>} : memref<50x128xi32, #tpu.memory_space<vmem>>, vector<16xi32>,
      %shift_right_logical3A_141 = arith.constant 1 : i32
      %shift_right_logical3A_142 = vector.broadcast %shift_right_logical3A_141 : i32 to vector<16xi32>
      %shift_right_logical3A_143 = arith.shrui %get3A_140, %shift_right_logical3A_142 : vector<16xi32>
      %swap3A_144 = arith.index_cast %add3A_86 : i32 to index
      %swap3A_145 = arith.constant 96 : index
      %swap3A_146 = tpu.vector_load %arg6[%swap3A_144, %swap3A_145] {strides = array<i32>} : memref<50x128xi32, #tpu.memory_space<vmem>>, vector<16xi32>,
      tpu.vector_store %arg6[%swap3A_144, %swap3A_145], %shift_right_logical3A_143 {strides = array<i32>} : memref<50x128xi32, #tpu.memory_space<vmem>>, vector<16xi32>,
      %get3A_147 = arith.index_cast %add3A_86 : i32 to index
      %get3A_148 = arith.constant 112 : index
      %get3A_149 = tpu.vector_load %arg5[%get3A_147, %get3A_148] {strides = array<i32>} : memref<50x128xi32, #tpu.memory_space<vmem>>, vector<16xi32>,
      %shift_right_logical3A_150 = arith.constant 1 : i32
      %shift_right_logical3A_151 = vector.broadcast %shift_right_logical3A_150 : i32 to vector<16xi32>
      %shift_right_logical3A_152 = arith.shrui %get3A_149, %shift_right_logical3A_151 : vector<16xi32>
      %swap3A_153 = arith.index_cast %add3A_86 : i32 to index
      %swap3A_154 = arith.constant 112 : index
      %swap3A_155 = tpu.vector_load %arg6[%swap3A_153, %swap3A_154] {strides = array<i32>} : memref<50x128xi32, #tpu.memory_space<vmem>>, vector<16xi32>,
      tpu.vector_store %arg6[%swap3A_153, %swap3A_154], %shift_right_logical3A_152 {strides = array<i32>} : memref<50x128xi32, #tpu.memory_space<vmem>>, vector<16xi32>,
    }
    %scan3A_6 = arith.constant 50 : i32
    %iota3A = tpu.iota {dimensions = array<i32: 0>} : vector<16xi32>
    %add3A_7 = arith.constant 0 : i32
    %add3A_8 = vector.broadcast %add3A_7 : i32 to vector<16xi32>
    %add3A_9 = arith.addi %iota3A, %add3A_8 : vector<16xi32>
    %iota3A_10 = tpu.iota {dimensions = array<i32: 0>} : vector<16xi32>
    %add3A_11 = arith.constant 16 : i32
    %add3A_12 = vector.broadcast %add3A_11 : i32 to vector<16xi32>
    %add3A_13 = arith.addi %iota3A_10, %add3A_12 : vector<16xi32>
    %iota3A_14 = tpu.iota {dimensions = array<i32: 0>} : vector<16xi32>
    %add3A_15 = arith.constant 32 : i32
    %add3A_16 = vector.broadcast %add3A_15 : i32 to vector<16xi32>
    %add3A_17 = arith.addi %iota3A_14, %add3A_16 : vector<16xi32>
    %iota3A_18 = tpu.iota {dimensions = array<i32: 0>} : vector<16xi32>
    %add3A_19 = arith.constant 48 : i32
    %add3A_20 = vector.broadcast %add3A_19 : i32 to vector<16xi32>
    %add3A_21 = arith.addi %iota3A_18, %add3A_20 : vector<16xi32>
    %iota3A_22 = tpu.iota {dimensions = array<i32: 0>} : vector<16xi32>
    %add3A_23 = arith.constant 64 : i32
    %add3A_24 = vector.broadcast %add3A_23 : i32 to vector<16xi32>
    %add3A_25 = arith.addi %iota3A_22, %add3A_24 : vector<16xi32>
    %iota3A_26 = tpu.iota {dimensions = array<i32: 0>} : vector<16xi32>
    %add3A_27 = arith.constant 80 : i32
    %add3A_28 = vector.broadcast %add3A_27 : i32 to vector<16xi32>
    %add3A_29 = arith.addi %iota3A_26, %add3A_28 : vector<16xi32>
    %iota3A_30 = tpu.iota {dimensions = array<i32: 0>} : vector<16xi32>
    %add3A_31 = arith.constant 96 : i32
    %add3A_32 = vector.broadcast %add3A_31 : i32 to vector<16xi32>
    %add3A_33 = arith.addi %iota3A_30, %add3A_32 : vector<16xi32>
    %iota3A_34 = tpu.iota {dimensions = array<i32: 0>} : vector<16xi32>
    %add3A_35 = arith.constant 112 : i32
    %add3A_36 = vector.broadcast %add3A_35 : i32 to vector<16xi32>
    %add3A_37 = arith.addi %iota3A_34, %add3A_36 : vector<16xi32>
    %min3A = arith.constant 0 : i32
    %min3A_38 = arith.constant 49 : i32
    %min3A_39 = arith.minsi %min3A, %min3A_38 : i32
    %dma_start3A = arith.constant 0 : i32
    %dma_start3A_40 = arith.constant 0 : i32
    %dma_start3A_41 = tpu.memref_slice %arg7[%dma_start3A, %dma_start3A_40] : memref<128x133xf32, #tpu.memory_space<vmem>> -> memref<128x128xf32, #tpu.memory_space<vmem>>
    %dma_start3A_42 = arith.constant 0 : i32
    %dma_start3A_43 = tpu.memref_slice %arg6[%min3A_39, %dma_start3A_42] : memref<50x128xi32, #tpu.memory_space<vmem>> -> memref<1x128xi32, #tpu.memory_space<vmem>>
    %dma_start3A_44 = tpu.memref_squeeze %dma_start3A_43 : memref<1x128xi32, #tpu.memory_space<vmem>> -> memref<128xi32, #tpu.memory_space<vmem>>
    %dma_start3A_45 = arith.constant 0 : i32
    %dma_start3A_46 = arith.constant 0 : i32
    %dma_start3A_47 = tpu.memref_slice %arg2[%dma_start3A_45, %dma_start3A_46] : memref<500000x128xf32, #tpu.memory_space<hbm>> -> memref<500000x128xf32, #tpu.memory_space<hbm>>
    tpu.enqueue_indirect_dma source(%dma_start3A_47 : memref<500000x128xf32, #tpu.memory_space<hbm>>) target(%dma_start3A_41 : memref<128x128xf32, #tpu.memory_space<vmem>>) offsets(%dma_start3A_44 : memref<128xi32, #tpu.memory_space<vmem>>) semaphore(%arg11 : memref<!tpu.dma_semaphore, #tpu.memory_space<semaphore_mem>>)
    %min3A_48 = arith.constant 1 : i32
    %min3A_49 = arith.constant 49 : i32
    %min3A_50 = arith.minsi %min3A_48, %min3A_49 : i32
    %dma_start3A_51 = arith.constant 0 : i32
    %dma_start3A_52 = arith.constant 0 : i32
    %dma_start3A_53 = tpu.memref_slice %arg8[%dma_start3A_51, %dma_start3A_52] : memref<128x133xf32, #tpu.memory_space<vmem>> -> memref<128x128xf32, #tpu.memory_space<vmem>>
    %dma_start3A_54 = arith.constant 0 : i32
    %dma_start3A_55 = tpu.memref_slice %arg6[%min3A_50, %dma_start3A_54] : memref<50x128xi32, #tpu.memory_space<vmem>> -> memref<1x128xi32, #tpu.memory_space<vmem>>
    %dma_start3A_56 = tpu.memref_squeeze %dma_start3A_55 : memref<1x128xi32, #tpu.memory_space<vmem>> -> memref<128xi32, #tpu.memory_space<vmem>>
    %dma_start3A_57 = arith.constant 0 : i32
    %dma_start3A_58 = arith.constant 0 : i32
    %dma_start3A_59 = tpu.memref_slice %arg2[%dma_start3A_57, %dma_start3A_58] : memref<500000x128xf32, #tpu.memory_space<hbm>> -> memref<500000x128xf32, #tpu.memory_space<hbm>>
    tpu.enqueue_indirect_dma source(%dma_start3A_59 : memref<500000x128xf32, #tpu.memory_space<hbm>>) target(%dma_start3A_53 : memref<128x128xf32, #tpu.memory_space<vmem>>) offsets(%dma_start3A_56 : memref<128xi32, #tpu.memory_space<vmem>>) semaphore(%arg12 : memref<!tpu.dma_semaphore, #tpu.memory_space<semaphore_mem>>)
    %scan3A_60 = arith.constant 0 : i32
    %scan3A_61 = arith.constant 25 : i32
    %scan3A_62 = arith.addi %scan3A_60, %scan3A_61 : i32
    %scan3A_63 = arith.constant 1 : i32
    scf.for %scan3A_82 = %scan3A_60 to %scan3A_62 step %scan3A_63  : i32 {
      %mul3A_83 = arith.constant 1 : i32
      %mul3A_84 = arith.muli %scan3A_82, %mul3A_83 : i32
      %add3A_85 = arith.constant 0 : i32
      %add3A_86 = arith.addi %add3A_85, %mul3A_84 : i32
      %mul3A_87 = arith.constant 2 : i32
      %mul3A_88 = arith.muli %add3A_86, %mul3A_87 : i32
      %add3A_89 = arith.constant 0 : i32
      %add3A_90 = arith.addi %mul3A_88, %add3A_89 : i32
      %min3A_91 = arith.constant 49 : i32
      %min3A_92 = arith.minsi %add3A_90, %min3A_91 : i32
      %dma_wait3A_93 = arith.constant 0 : i32
      %dma_wait3A_94 = arith.constant 0 : i32
      %dma_wait3A_95 = tpu.memref_slice %arg7[%dma_wait3A_93, %dma_wait3A_94] : memref<128x133xf32, #tpu.memory_space<vmem>> -> memref<128x128xf32, #tpu.memory_space<vmem>>
      %dma_wait3A_96 = arith.constant 0 : i32
      %dma_wait3A_97 = tpu.memref_slice %arg6[%min3A_92, %dma_wait3A_96] : memref<50x128xi32, #tpu.memory_space<vmem>> -> memref<1x128xi32, #tpu.memory_space<vmem>>
      %dma_wait3A_98 = tpu.memref_squeeze %dma_wait3A_97 : memref<1x128xi32, #tpu.memory_space<vmem>> -> memref<128xi32, #tpu.memory_space<vmem>>
      %dma_wait3A_99 = arith.constant 0 : i32
      %dma_wait3A_100 = arith.constant 0 : i32
      %dma_wait3A_101 = tpu.memref_slice %arg2[%dma_wait3A_99, %dma_wait3A_100] : memref<500000x128xf32, #tpu.memory_space<hbm>> -> memref<500000x128xf32, #tpu.memory_space<hbm>>
      tpu.wait_indirect_dma semaphore(%arg11 : memref<!tpu.dma_semaphore, #tpu.memory_space<semaphore_mem>>) src(%dma_wait3A_101 : memref<500000x128xf32, #tpu.memory_space<hbm>>) dst(%dma_wait3A_95 : memref<128x128xf32, #tpu.memory_space<vmem>>)
      %gt3A = arith.constant 0 : i32
      %gt3A_102 = arith.cmpi sgt, %add3A_86, %gt3A : i32
      %convert_element_type3A = arith.extui %gt3A_102 : i1 to i32
      %cond3A = arith.constant 0 : i32
      %cond3A_103 = arith.cmpi ne, %convert_element_type3A, %cond3A : i32
      scf.if %cond3A_103 {
        %sub3A = arith.constant 2 : i32
        %sub3A_327 = arith.subi %add3A_90, %sub3A : i32
        %min3A_328 = arith.constant 49 : i32
        %min3A_329 = arith.minsi %sub3A_327, %min3A_328 : i32
        %dma_wait3A_330 = arith.constant 0 : i32
        %dma_wait3A_331 = tpu.memref_slice %arg4[%min3A_329, %dma_wait3A_330, %mul3A_2] : memref<50x64x4096xf32, #tpu.memory_space<hbm>> -> memref<1x64x128xf32, #tpu.memory_space<hbm>>
        %dma_wait3A_332 = tpu.memref_squeeze %dma_wait3A_331 : memref<1x64x128xf32, #tpu.memory_space<hbm>> -> memref<64x128xf32, #tpu.memory_space<hbm>>
        %dma_wait3A_333 = arith.constant 0 : i32
        %dma_wait3A_334 = tpu.memref_slice %arg4[%min3A_329, %dma_wait3A_333, %mul3A_2] : memref<50x64x4096xf32, #tpu.memory_space<hbm>> -> memref<1x64x128xf32, #tpu.memory_space<hbm>>
        %dma_wait3A_335 = tpu.memref_squeeze %dma_wait3A_334 : memref<1x64x128xf32, #tpu.memory_space<hbm>> -> memref<64x128xf32, #tpu.memory_space<hbm>>
        tpu.wait_dma2 semaphore(%arg13 : memref<!tpu.dma_semaphore, #tpu.memory_space<semaphore_mem>>) src(%arg9 : memref<64x128xf32, #tpu.memory_space<vmem>>) dst(%dma_wait3A_335 : memref<64x128xf32, #tpu.memory_space<hbm>>)
      } else {
      }
      %min3A_104 = arith.constant 49 : i32
      %min3A_105 = arith.minsi %add3A_90, %min3A_104 : i32
      %get3A = arith.index_cast %min3A_105 : i32 to index
      %get3A_106 = arith.constant 0 : index
      %get3A_107 = tpu.vector_load %arg5[%get3A, %get3A_106] {strides = array<i32>} : memref<50x128xi32, #tpu.memory_space<vmem>>, vector<16xi32>,
      %and3A = arith.constant 1 : i32
      %and3A_108 = vector.broadcast %and3A : i32 to vector<16xi32>
      %and3A_109 = arith.andi %get3A_107, %and3A_108 : vector<16xi32>
      %shift_left3A = arith.constant 6 : i32
      %shift_left3A_110 = vector.broadcast %shift_left3A : i32 to vector<16xi32>
      %shift_left3A_111 = arith.shli %and3A_109, %shift_left3A_110 : vector<16xi32>
      %min3A_112 = arith.constant 49 : i32
      %min3A_113 = arith.minsi %add3A_90, %min3A_112 : i32
      %get3A_114 = arith.index_cast %min3A_113 : i32 to index
      %get3A_115 = arith.constant 16 : index
      %get3A_116 = tpu.vector_load %arg5[%get3A_114, %get3A_115] {strides = array<i32>} : memref<50x128xi32, #tpu.memory_space<vmem>>, vector<16xi32>,
      %and3A_117 = arith.constant 1 : i32
      %and3A_118 = vector.broadcast %and3A_117 : i32 to vector<16xi32>
      %and3A_119 = arith.andi %get3A_116, %and3A_118 : vector<16xi32>
      %shift_left3A_120 = arith.constant 6 : i32
      %shift_left3A_121 = vector.broadcast %shift_left3A_120 : i32 to vector<16xi32>
      %shift_left3A_122 = arith.shli %and3A_119, %shift_left3A_121 : vector<16xi32>
      %min3A_123 = arith.constant 49 : i32
      %min3A_124 = arith.minsi %add3A_90, %min3A_123 : i32
      %get3A_125 = arith.index_cast %min3A_124 : i32 to index
      %get3A_126 = arith.constant 32 : index
      %get3A_127 = tpu.vector_load %arg5[%get3A_125, %get3A_126] {strides = array<i32>} : memref<50x128xi32, #tpu.memory_space<vmem>>, vector<16xi32>,
      %and3A_128 = arith.constant 1 : i32
      %and3A_129 = vector.broadcast %and3A_128 : i32 to vector<16xi32>
      %and3A_130 = arith.andi %get3A_127, %and3A_129 : vector<16xi32>
      %shift_left3A_131 = arith.constant 6 : i32
      %shift_left3A_132 = vector.broadcast %shift_left3A_131 : i32 to vector<16xi32>
      %shift_left3A_133 = arith.shli %and3A_130, %shift_left3A_132 : vector<16xi32>
      %min3A_134 = arith.constant 49 : i32
      %min3A_135 = arith.minsi %add3A_90, %min3A_134 : i32
      %get3A_136 = arith.index_cast %min3A_135 : i32 to index
      %get3A_137 = arith.constant 48 : index
      %get3A_138 = tpu.vector_load %arg5[%get3A_136, %get3A_137] {strides = array<i32>} : memref<50x128xi32, #tpu.memory_space<vmem>>, vector<16xi32>,
      %and3A_139 = arith.constant 1 : i32
      %and3A_140 = vector.broadcast %and3A_139 : i32 to vector<16xi32>
      %and3A_141 = arith.andi %get3A_138, %and3A_140 : vector<16xi32>
      %shift_left3A_142 = arith.constant 6 : i32
      %shift_left3A_143 = vector.broadcast %shift_left3A_142 : i32 to vector<16xi32>
      %shift_left3A_144 = arith.shli %and3A_141, %shift_left3A_143 : vector<16xi32>
      %min3A_145 = arith.constant 49 : i32
      %min3A_146 = arith.minsi %add3A_90, %min3A_145 : i32
      %get3A_147 = arith.index_cast %min3A_146 : i32 to index
      %get3A_148 = arith.constant 64 : index
      %get3A_149 = tpu.vector_load %arg5[%get3A_147, %get3A_148] {strides = array<i32>} : memref<50x128xi32, #tpu.memory_space<vmem>>, vector<16xi32>,
      %and3A_150 = arith.constant 1 : i32
      %and3A_151 = vector.broadcast %and3A_150 : i32 to vector<16xi32>
      %and3A_152 = arith.andi %get3A_149, %and3A_151 : vector<16xi32>
      %shift_left3A_153 = arith.constant 6 : i32
      %shift_left3A_154 = vector.broadcast %shift_left3A_153 : i32 to vector<16xi32>
      %shift_left3A_155 = arith.shli %and3A_152, %shift_left3A_154 : vector<16xi32>
      %min3A_156 = arith.constant 49 : i32
      %min3A_157 = arith.minsi %add3A_90, %min3A_156 : i32
      %get3A_158 = arith.index_cast %min3A_157 : i32 to index
      %get3A_159 = arith.constant 80 : index
      %get3A_160 = tpu.vector_load %arg5[%get3A_158, %get3A_159] {strides = array<i32>} : memref<50x128xi32, #tpu.memory_space<vmem>>, vector<16xi32>,
      %and3A_161 = arith.constant 1 : i32
      %and3A_162 = vector.broadcast %and3A_161 : i32 to vector<16xi32>
      %and3A_163 = arith.andi %get3A_160, %and3A_162 : vector<16xi32>
      %shift_left3A_164 = arith.constant 6 : i32
      %shift_left3A_165 = vector.broadcast %shift_left3A_164 : i32 to vector<16xi32>
      %shift_left3A_166 = arith.shli %and3A_163, %shift_left3A_165 : vector<16xi32>
      %min3A_167 = arith.constant 49 : i32
      %min3A_168 = arith.minsi %add3A_90, %min3A_167 : i32
      %get3A_169 = arith.index_cast %min3A_168 : i32 to index
      %get3A_170 = arith.constant 96 : index
      %get3A_171 = tpu.vector_load %arg5[%get3A_169, %get3A_170] {strides = array<i32>} : memref<50x128xi32, #tpu.memory_space<vmem>>, vector<16xi32>,
      %and3A_172 = arith.constant 1 : i32
      %and3A_173 = vector.broadcast %and3A_172 : i32 to vector<16xi32>
      %and3A_174 = arith.andi %get3A_171, %and3A_173 : vector<16xi32>
      %shift_left3A_175 = arith.constant 6 : i32
      %shift_left3A_176 = vector.broadcast %shift_left3A_175 : i32 to vector<16xi32>
      %shift_left3A_177 = arith.shli %and3A_174, %shift_left3A_176 : vector<16xi32>
      %min3A_178 = arith.constant 49 : i32
      %min3A_179 = arith.minsi %add3A_90, %min3A_178 : i32
      %get3A_180 = arith.index_cast %min3A_179 : i32 to index
      %get3A_181 = arith.constant 112 : index
      %get3A_182 = tpu.vector_load %arg5[%get3A_180, %get3A_181] {strides = array<i32>} : memref<50x128xi32, #tpu.memory_space<vmem>>, vector<16xi32>,
      %and3A_183 = arith.constant 1 : i32
      %and3A_184 = vector.broadcast %and3A_183 : i32 to vector<16xi32>
      %and3A_185 = arith.andi %get3A_182, %and3A_184 : vector<16xi32>
      %shift_left3A_186 = arith.constant 6 : i32
      %shift_left3A_187 = vector.broadcast %shift_left3A_186 : i32 to vector<16xi32>
      %shift_left3A_188 = arith.shli %and3A_185, %shift_left3A_187 : vector<16xi32>
      %parallel_loop3A = arith.constant 0 : i32
      %parallel_loop3A_189 = arith.constant 64 : i32
      %parallel_loop3A_190 = arith.constant 1 : i32
      scf.for %parallel_loop3A_327 = %parallel_loop3A to %parallel_loop3A_189 step %parallel_loop3A_190  : i32 {
        %parallel_loop3A_328 = vector.broadcast %parallel_loop3A_327 : i32 to vector<16xi32>
        %parallel_loop3A_329 = arith.addi %shift_left3A_111, %parallel_loop3A_328 : vector<16xi32>
        %parallel_loop3A_330 = tpu.vector_load_idx %arg7[%add3A_9, %parallel_loop3A_329] : memref<128x133xf32, #tpu.memory_space<vmem>>[vector<16xi32>, vector<16xi32>], vector<16xf32>,
        %parallel_loop3A_331 = arith.constant 8.000000e+00 : f32
        %parallel_loop3A_332 = vector.broadcast %parallel_loop3A_331 : f32 to vector<16xf32>
        %parallel_loop3A_333 = arith.mulf %parallel_loop3A_330, %parallel_loop3A_332 : vector<16xf32>
        %parallel_loop3A_334 = arith.index_cast %parallel_loop3A_327 : i32 to index
        %parallel_loop3A_335 = arith.constant 0 : index
        %parallel_loop3A_336 = tpu.vector_load %arg9[%parallel_loop3A_334, %parallel_loop3A_335] {strides = array<i32>} : memref<64x128xf32, #tpu.memory_space<vmem>>, vector<16xf32>,
        tpu.vector_store %arg9[%parallel_loop3A_334, %parallel_loop3A_335], %parallel_loop3A_333 {strides = array<i32>} : memref<64x128xf32, #tpu.memory_space<vmem>>, vector<16xf32>,
        %parallel_loop3A_337 = vector.broadcast %parallel_loop3A_327 : i32 to vector<16xi32>
        %parallel_loop3A_338 = arith.addi %shift_left3A_122, %parallel_loop3A_337 : vector<16xi32>
        %parallel_loop3A_339 = tpu.vector_load_idx %arg7[%add3A_13, %parallel_loop3A_338] : memref<128x133xf32, #tpu.memory_space<vmem>>[vector<16xi32>, vector<16xi32>], vector<16xf32>,
        %parallel_loop3A_340 = arith.constant 8.000000e+00 : f32
        %parallel_loop3A_341 = vector.broadcast %parallel_loop3A_340 : f32 to vector<16xf32>
        %parallel_loop3A_342 = arith.mulf %parallel_loop3A_339, %parallel_loop3A_341 : vector<16xf32>
        %parallel_loop3A_343 = arith.index_cast %parallel_loop3A_327 : i32 to index
        %parallel_loop3A_344 = arith.constant 16 : index
        %parallel_loop3A_345 = tpu.vector_load %arg9[%parallel_loop3A_343, %parallel_loop3A_344] {strides = array<i32>} : memref<64x128xf32, #tpu.memory_space<vmem>>, vector<16xf32>,
        tpu.vector_store %arg9[%parallel_loop3A_343, %parallel_loop3A_344], %parallel_loop3A_342 {strides = array<i32>} : memref<64x128xf32, #tpu.memory_space<vmem>>, vector<16xf32>,
        %parallel_loop3A_346 = vector.broadcast %parallel_loop3A_327 : i32 to vector<16xi32>
        %parallel_loop3A_347 = arith.addi %shift_left3A_133, %parallel_loop3A_346 : vector<16xi32>
        %parallel_loop3A_348 = tpu.vector_load_idx %arg7[%add3A_17, %parallel_loop3A_347] : memref<128x133xf32, #tpu.memory_space<vmem>>[vector<16xi32>, vector<16xi32>], vector<16xf32>,
        %parallel_loop3A_349 = arith.constant 8.000000e+00 : f32
        %parallel_loop3A_350 = vector.broadcast %parallel_loop3A_349 : f32 to vector<16xf32>
        %parallel_loop3A_351 = arith.mulf %parallel_loop3A_348, %parallel_loop3A_350 : vector<16xf32>
        %parallel_loop3A_352 = arith.index_cast %parallel_loop3A_327 : i32 to index
        %parallel_loop3A_353 = arith.constant 32 : index
        %parallel_loop3A_354 = tpu.vector_load %arg9[%parallel_loop3A_352, %parallel_loop3A_353] {strides = array<i32>} : memref<64x128xf32, #tpu.memory_space<vmem>>, vector<16xf32>,
        tpu.vector_store %arg9[%parallel_loop3A_352, %parallel_loop3A_353], %parallel_loop3A_351 {strides = array<i32>} : memref<64x128xf32, #tpu.memory_space<vmem>>, vector<16xf32>,
        %parallel_loop3A_355 = vector.broadcast %parallel_loop3A_327 : i32 to vector<16xi32>
        %parallel_loop3A_356 = arith.addi %shift_left3A_144, %parallel_loop3A_355 : vector<16xi32>
        %parallel_loop3A_357 = tpu.vector_load_idx %arg7[%add3A_21, %parallel_loop3A_356] : memref<128x133xf32, #tpu.memory_space<vmem>>[vector<16xi32>, vector<16xi32>], vector<16xf32>,
        %parallel_loop3A_358 = arith.constant 8.000000e+00 : f32
        %parallel_loop3A_359 = vector.broadcast %parallel_loop3A_358 : f32 to vector<16xf32>
        %parallel_loop3A_360 = arith.mulf %parallel_loop3A_357, %parallel_loop3A_359 : vector<16xf32>
        %parallel_loop3A_361 = arith.index_cast %parallel_loop3A_327 : i32 to index
        %parallel_loop3A_362 = arith.constant 48 : index
        %parallel_loop3A_363 = tpu.vector_load %arg9[%parallel_loop3A_361, %parallel_loop3A_362] {strides = array<i32>} : memref<64x128xf32, #tpu.memory_space<vmem>>, vector<16xf32>,
        tpu.vector_store %arg9[%parallel_loop3A_361, %parallel_loop3A_362], %parallel_loop3A_360 {strides = array<i32>} : memref<64x128xf32, #tpu.memory_space<vmem>>, vector<16xf32>,
        %parallel_loop3A_364 = vector.broadcast %parallel_loop3A_327 : i32 to vector<16xi32>
        %parallel_loop3A_365 = arith.addi %shift_left3A_155, %parallel_loop3A_364 : vector<16xi32>
        %parallel_loop3A_366 = tpu.vector_load_idx %arg7[%add3A_25, %parallel_loop3A_365] : memref<128x133xf32, #tpu.memory_space<vmem>>[vector<16xi32>, vector<16xi32>], vector<16xf32>,
        %parallel_loop3A_367 = arith.constant 8.000000e+00 : f32
        %parallel_loop3A_368 = vector.broadcast %parallel_loop3A_367 : f32 to vector<16xf32>
        %parallel_loop3A_369 = arith.mulf %parallel_loop3A_366, %parallel_loop3A_368 : vector<16xf32>
        %parallel_loop3A_370 = arith.index_cast %parallel_loop3A_327 : i32 to index
        %parallel_loop3A_371 = arith.constant 64 : index
        %parallel_loop3A_372 = tpu.vector_load %arg9[%parallel_loop3A_370, %parallel_loop3A_371] {strides = array<i32>} : memref<64x128xf32, #tpu.memory_space<vmem>>, vector<16xf32>,
        tpu.vector_store %arg9[%parallel_loop3A_370, %parallel_loop3A_371], %parallel_loop3A_369 {strides = array<i32>} : memref<64x128xf32, #tpu.memory_space<vmem>>, vector<16xf32>,
        %parallel_loop3A_373 = vector.broadcast %parallel_loop3A_327 : i32 to vector<16xi32>
        %parallel_loop3A_374 = arith.addi %shift_left3A_166, %parallel_loop3A_373 : vector<16xi32>
        %parallel_loop3A_375 = tpu.vector_load_idx %arg7[%add3A_29, %parallel_loop3A_374] : memref<128x133xf32, #tpu.memory_space<vmem>>[vector<16xi32>, vector<16xi32>], vector<16xf32>,
        %parallel_loop3A_376 = arith.constant 8.000000e+00 : f32
        %parallel_loop3A_377 = vector.broadcast %parallel_loop3A_376 : f32 to vector<16xf32>
        %parallel_loop3A_378 = arith.mulf %parallel_loop3A_375, %parallel_loop3A_377 : vector<16xf32>
        %parallel_loop3A_379 = arith.index_cast %parallel_loop3A_327 : i32 to index
        %parallel_loop3A_380 = arith.constant 80 : index
        %parallel_loop3A_381 = tpu.vector_load %arg9[%parallel_loop3A_379, %parallel_loop3A_380] {strides = array<i32>} : memref<64x128xf32, #tpu.memory_space<vmem>>, vector<16xf32>,
        tpu.vector_store %arg9[%parallel_loop3A_379, %parallel_loop3A_380], %parallel_loop3A_378 {strides = array<i32>} : memref<64x128xf32, #tpu.memory_space<vmem>>, vector<16xf32>,
        %parallel_loop3A_382 = vector.broadcast %parallel_loop3A_327 : i32 to vector<16xi32>
        %parallel_loop3A_383 = arith.addi %shift_left3A_177, %parallel_loop3A_382 : vector<16xi32>
        %parallel_loop3A_384 = tpu.vector_load_idx %arg7[%add3A_33, %parallel_loop3A_383] : memref<128x133xf32, #tpu.memory_space<vmem>>[vector<16xi32>, vector<16xi32>], vector<16xf32>,
        %parallel_loop3A_385 = arith.constant 8.000000e+00 : f32
        %parallel_loop3A_386 = vector.broadcast %parallel_loop3A_385 : f32 to vector<16xf32>
        %parallel_loop3A_387 = arith.mulf %parallel_loop3A_384, %parallel_loop3A_386 : vector<16xf32>
        %parallel_loop3A_388 = arith.index_cast %parallel_loop3A_327 : i32 to index
        %parallel_loop3A_389 = arith.constant 96 : index
        %parallel_loop3A_390 = tpu.vector_load %arg9[%parallel_loop3A_388, %parallel_loop3A_389] {strides = array<i32>} : memref<64x128xf32, #tpu.memory_space<vmem>>, vector<16xf32>,
        tpu.vector_store %arg9[%parallel_loop3A_388, %parallel_loop3A_389], %parallel_loop3A_387 {strides = array<i32>} : memref<64x128xf32, #tpu.memory_space<vmem>>, vector<16xf32>,
        %parallel_loop3A_391 = vector.broadcast %parallel_loop3A_327 : i32 to vector<16xi32>
        %parallel_loop3A_392 = arith.addi %shift_left3A_188, %parallel_loop3A_391 : vector<16xi32>
        %parallel_loop3A_393 = tpu.vector_load_idx %arg7[%add3A_37, %parallel_loop3A_392] : memref<128x133xf32, #tpu.memory_space<vmem>>[vector<16xi32>, vector<16xi32>], vector<16xf32>,
        %parallel_loop3A_394 = arith.constant 8.000000e+00 : f32
        %parallel_loop3A_395 = vector.broadcast %parallel_loop3A_394 : f32 to vector<16xf32>
        %parallel_loop3A_396 = arith.mulf %parallel_loop3A_393, %parallel_loop3A_395 : vector<16xf32>
        %parallel_loop3A_397 = arith.index_cast %parallel_loop3A_327 : i32 to index
        %parallel_loop3A_398 = arith.constant 112 : index
        %parallel_loop3A_399 = tpu.vector_load %arg9[%parallel_loop3A_397, %parallel_loop3A_398] {strides = array<i32>} : memref<64x128xf32, #tpu.memory_space<vmem>>, vector<16xf32>,
        tpu.vector_store %arg9[%parallel_loop3A_397, %parallel_loop3A_398], %parallel_loop3A_396 {strides = array<i32>} : memref<64x128xf32, #tpu.memory_space<vmem>>, vector<16xf32>,
      } {sc.loop_unroll_factor = 1 : i64, sc.parallel_access}
      %lt3A = arith.constant 24 : i32
      %lt3A_191 = arith.cmpi slt, %add3A_86, %lt3A : i32
      %convert_element_type3A_192 = arith.extui %lt3A_191 : i1 to i32
      %cond3A_193 = arith.constant 0 : i32
      %cond3A_194 = arith.cmpi ne, %convert_element_type3A_192, %cond3A_193 : i32
      scf.if %cond3A_194 {
        %add3A_327 = arith.constant 2 : i32
        %add3A_328 = arith.addi %add3A_90, %add3A_327 : i32
        %min3A_329 = arith.constant 49 : i32
        %min3A_330 = arith.minsi %add3A_328, %min3A_329 : i32
        %dma_start3A_331 = arith.constant 0 : i32
        %dma_start3A_332 = arith.constant 0 : i32
        %dma_start3A_333 = tpu.memref_slice %arg7[%dma_start3A_331, %dma_start3A_332] : memref<128x133xf32, #tpu.memory_space<vmem>> -> memref<128x128xf32, #tpu.memory_space<vmem>>
        %dma_start3A_334 = arith.constant 0 : i32
        %dma_start3A_335 = tpu.memref_slice %arg6[%min3A_330, %dma_start3A_334] : memref<50x128xi32, #tpu.memory_space<vmem>> -> memref<1x128xi32, #tpu.memory_space<vmem>>
        %dma_start3A_336 = tpu.memref_squeeze %dma_start3A_335 : memref<1x128xi32, #tpu.memory_space<vmem>> -> memref<128xi32, #tpu.memory_space<vmem>>
        %dma_start3A_337 = arith.constant 0 : i32
        %dma_start3A_338 = arith.constant 0 : i32
        %dma_start3A_339 = tpu.memref_slice %arg2[%dma_start3A_337, %dma_start3A_338] : memref<500000x128xf32, #tpu.memory_space<hbm>> -> memref<500000x128xf32, #tpu.memory_space<hbm>>
        tpu.enqueue_indirect_dma source(%dma_start3A_339 : memref<500000x128xf32, #tpu.memory_space<hbm>>) target(%dma_start3A_333 : memref<128x128xf32, #tpu.memory_space<vmem>>) offsets(%dma_start3A_336 : memref<128xi32, #tpu.memory_space<vmem>>) semaphore(%arg11 : memref<!tpu.dma_semaphore, #tpu.memory_space<semaphore_mem>>)
      } else {
      }
      %min3A_195 = arith.constant 49 : i32
      %min3A_196 = arith.minsi %add3A_90, %min3A_195 : i32
      %dma_start3A_197 = arith.constant 0 : i32
      %dma_start3A_198 = tpu.memref_slice %arg4[%min3A_196, %dma_start3A_197, %mul3A_2] : memref<50x64x4096xf32, #tpu.memory_space<hbm>> -> memref<1x64x128xf32, #tpu.memory_space<hbm>>
      %dma_start3A_199 = tpu.memref_squeeze %dma_start3A_198 : memref<1x64x128xf32, #tpu.memory_space<hbm>> -> memref<64x128xf32, #tpu.memory_space<hbm>>
      %dma_start3A_200 = arith.constant 0 : i32
      %dma_start3A_201 = tpu.memref_slice %arg4[%min3A_196, %dma_start3A_200, %mul3A_2] : memref<50x64x4096xf32, #tpu.memory_space<hbm>> -> memref<1x64x128xf32, #tpu.memory_space<hbm>>
      %dma_start3A_202 = tpu.memref_squeeze %dma_start3A_201 : memref<1x64x128xf32, #tpu.memory_space<hbm>> -> memref<64x128xf32, #tpu.memory_space<hbm>>
      tpu.enqueue_dma source(%arg9 : memref<64x128xf32, #tpu.memory_space<vmem>>) target(%dma_start3A_202 : memref<64x128xf32, #tpu.memory_space<hbm>>) target_semaphore(%arg13 : memref<!tpu.dma_semaphore, #tpu.memory_space<semaphore_mem>>)
      %mul3A_203 = arith.constant 2 : i32
      %mul3A_204 = arith.muli %add3A_86, %mul3A_203 : i32
      %add3A_205 = arith.constant 1 : i32
      %add3A_206 = arith.addi %mul3A_204, %add3A_205 : i32
      %min3A_207 = arith.constant 49 : i32
      %min3A_208 = arith.minsi %add3A_206, %min3A_207 : i32
      %dma_wait3A_209 = arith.constant 0 : i32
      %dma_wait3A_210 = arith.constant 0 : i32
      %dma_wait3A_211 = tpu.memref_slice %arg8[%dma_wait3A_209, %dma_wait3A_210] : memref<128x133xf32, #tpu.memory_space<vmem>> -> memref<128x128xf32, #tpu.memory_space<vmem>>
      %dma_wait3A_212 = arith.constant 0 : i32
      %dma_wait3A_213 = tpu.memref_slice %arg6[%min3A_208, %dma_wait3A_212] : memref<50x128xi32, #tpu.memory_space<vmem>> -> memref<1x128xi32, #tpu.memory_space<vmem>>
      %dma_wait3A_214 = tpu.memref_squeeze %dma_wait3A_213 : memref<1x128xi32, #tpu.memory_space<vmem>> -> memref<128xi32, #tpu.memory_space<vmem>>
      %dma_wait3A_215 = arith.constant 0 : i32
      %dma_wait3A_216 = arith.constant 0 : i32
      %dma_wait3A_217 = tpu.memref_slice %arg2[%dma_wait3A_215, %dma_wait3A_216] : memref<500000x128xf32, #tpu.memory_space<hbm>> -> memref<500000x128xf32, #tpu.memory_space<hbm>>
      tpu.wait_indirect_dma semaphore(%arg12 : memref<!tpu.dma_semaphore, #tpu.memory_space<semaphore_mem>>) src(%dma_wait3A_217 : memref<500000x128xf32, #tpu.memory_space<hbm>>) dst(%dma_wait3A_211 : memref<128x128xf32, #tpu.memory_space<vmem>>)
      %gt3A_218 = arith.constant 0 : i32
      %gt3A_219 = arith.cmpi sgt, %add3A_86, %gt3A_218 : i32
      %convert_element_type3A_220 = arith.extui %gt3A_219 : i1 to i32
      %cond3A_221 = arith.constant 0 : i32
      %cond3A_222 = arith.cmpi ne, %convert_element_type3A_220, %cond3A_221 : i32
      scf.if %cond3A_222 {
        %sub3A = arith.constant 2 : i32
        %sub3A_327 = arith.subi %add3A_206, %sub3A : i32
        %min3A_328 = arith.constant 49 : i32
        %min3A_329 = arith.minsi %sub3A_327, %min3A_328 : i32
        %dma_wait3A_330 = arith.constant 0 : i32
        %dma_wait3A_331 = tpu.memref_slice %arg4[%min3A_329, %dma_wait3A_330, %mul3A_2] : memref<50x64x4096xf32, #tpu.memory_space<hbm>> -> memref<1x64x128xf32, #tpu.memory_space<hbm>>
        %dma_wait3A_332 = tpu.memref_squeeze %dma_wait3A_331 : memref<1x64x128xf32, #tpu.memory_space<hbm>> -> memref<64x128xf32, #tpu.memory_space<hbm>>
        %dma_wait3A_333 = arith.constant 0 : i32
        %dma_wait3A_334 = tpu.memref_slice %arg4[%min3A_329, %dma_wait3A_333, %mul3A_2] : memref<50x64x4096xf32, #tpu.memory_space<hbm>> -> memref<1x64x128xf32, #tpu.memory_space<hbm>>
        %dma_wait3A_335 = tpu.memref_squeeze %dma_wait3A_334 : memref<1x64x128xf32, #tpu.memory_space<hbm>> -> memref<64x128xf32, #tpu.memory_space<hbm>>
        tpu.wait_dma2 semaphore(%arg14 : memref<!tpu.dma_semaphore, #tpu.memory_space<semaphore_mem>>) src(%arg10 : memref<64x128xf32, #tpu.memory_space<vmem>>) dst(%dma_wait3A_335 : memref<64x128xf32, #tpu.memory_space<hbm>>)
      } else {
      }
      %min3A_223 = arith.constant 49 : i32
      %min3A_224 = arith.minsi %add3A_206, %min3A_223 : i32
      %get3A_225 = arith.index_cast %min3A_224 : i32 to index
      %get3A_226 = arith.constant 0 : index
      %get3A_227 = tpu.vector_load %arg5[%get3A_225, %get3A_226] {strides = array<i32>} : memref<50x128xi32, #tpu.memory_space<vmem>>, vector<16xi32>,
      %and3A_228 = arith.constant 1 : i32
      %and3A_229 = vector.broadcast %and3A_228 : i32 to vector<16xi32>
      %and3A_230 = arith.andi %get3A_227, %and3A_229 : vector<16xi32>
      %shift_left3A_231 = arith.constant 6 : i32
      %shift_left3A_232 = vector.broadcast %shift_left3A_231 : i32 to vector<16xi32>
      %shift_left3A_233 = arith.shli %and3A_230, %shift_left3A_232 : vector<16xi32>
      %min3A_234 = arith.constant 49 : i32
      %min3A_235 = arith.minsi %add3A_206, %min3A_234 : i32
      %get3A_236 = arith.index_cast %min3A_235 : i32 to index
      %get3A_237 = arith.constant 16 : index
      %get3A_238 = tpu.vector_load %arg5[%get3A_236, %get3A_237] {strides = array<i32>} : memref<50x128xi32, #tpu.memory_space<vmem>>, vector<16xi32>,
      %and3A_239 = arith.constant 1 : i32
      %and3A_240 = vector.broadcast %and3A_239 : i32 to vector<16xi32>
      %and3A_241 = arith.andi %get3A_238, %and3A_240 : vector<16xi32>
      %shift_left3A_242 = arith.constant 6 : i32
      %shift_left3A_243 = vector.broadcast %shift_left3A_242 : i32 to vector<16xi32>
      %shift_left3A_244 = arith.shli %and3A_241, %shift_left3A_243 : vector<16xi32>
      %min3A_245 = arith.constant 49 : i32
      %min3A_246 = arith.minsi %add3A_206, %min3A_245 : i32
      %get3A_247 = arith.index_cast %min3A_246 : i32 to index
      %get3A_248 = arith.constant 32 : index
      %get3A_249 = tpu.vector_load %arg5[%get3A_247, %get3A_248] {strides = array<i32>} : memref<50x128xi32, #tpu.memory_space<vmem>>, vector<16xi32>,
      %and3A_250 = arith.constant 1 : i32
      %and3A_251 = vector.broadcast %and3A_250 : i32 to vector<16xi32>
      %and3A_252 = arith.andi %get3A_249, %and3A_251 : vector<16xi32>
      %shift_left3A_253 = arith.constant 6 : i32
      %shift_left3A_254 = vector.broadcast %shift_left3A_253 : i32 to vector<16xi32>
      %shift_left3A_255 = arith.shli %and3A_252, %shift_left3A_254 : vector<16xi32>
      %min3A_256 = arith.constant 49 : i32
      %min3A_257 = arith.minsi %add3A_206, %min3A_256 : i32
      %get3A_258 = arith.index_cast %min3A_257 : i32 to index
      %get3A_259 = arith.constant 48 : index
      %get3A_260 = tpu.vector_load %arg5[%get3A_258, %get3A_259] {strides = array<i32>} : memref<50x128xi32, #tpu.memory_space<vmem>>, vector<16xi32>,
      %and3A_261 = arith.constant 1 : i32
      %and3A_262 = vector.broadcast %and3A_261 : i32 to vector<16xi32>
      %and3A_263 = arith.andi %get3A_260, %and3A_262 : vector<16xi32>
      %shift_left3A_264 = arith.constant 6 : i32
      %shift_left3A_265 = vector.broadcast %shift_left3A_264 : i32 to vector<16xi32>
      %shift_left3A_266 = arith.shli %and3A_263, %shift_left3A_265 : vector<16xi32>
      %min3A_267 = arith.constant 49 : i32
      %min3A_268 = arith.minsi %add3A_206, %min3A_267 : i32
      %get3A_269 = arith.index_cast %min3A_268 : i32 to index
      %get3A_270 = arith.constant 64 : index
      %get3A_271 = tpu.vector_load %arg5[%get3A_269, %get3A_270] {strides = array<i32>} : memref<50x128xi32, #tpu.memory_space<vmem>>, vector<16xi32>,
      %and3A_272 = arith.constant 1 : i32
      %and3A_273 = vector.broadcast %and3A_272 : i32 to vector<16xi32>
      %and3A_274 = arith.andi %get3A_271, %and3A_273 : vector<16xi32>
      %shift_left3A_275 = arith.constant 6 : i32
      %shift_left3A_276 = vector.broadcast %shift_left3A_275 : i32 to vector<16xi32>
      %shift_left3A_277 = arith.shli %and3A_274, %shift_left3A_276 : vector<16xi32>
      %min3A_278 = arith.constant 49 : i32
      %min3A_279 = arith.minsi %add3A_206, %min3A_278 : i32
      %get3A_280 = arith.index_cast %min3A_279 : i32 to index
      %get3A_281 = arith.constant 80 : index
      %get3A_282 = tpu.vector_load %arg5[%get3A_280, %get3A_281] {strides = array<i32>} : memref<50x128xi32, #tpu.memory_space<vmem>>, vector<16xi32>,
      %and3A_283 = arith.constant 1 : i32
      %and3A_284 = vector.broadcast %and3A_283 : i32 to vector<16xi32>
      %and3A_285 = arith.andi %get3A_282, %and3A_284 : vector<16xi32>
      %shift_left3A_286 = arith.constant 6 : i32
      %shift_left3A_287 = vector.broadcast %shift_left3A_286 : i32 to vector<16xi32>
      %shift_left3A_288 = arith.shli %and3A_285, %shift_left3A_287 : vector<16xi32>
      %min3A_289 = arith.constant 49 : i32
      %min3A_290 = arith.minsi %add3A_206, %min3A_289 : i32
      %get3A_291 = arith.index_cast %min3A_290 : i32 to index
      %get3A_292 = arith.constant 96 : index
      %get3A_293 = tpu.vector_load %arg5[%get3A_291, %get3A_292] {strides = array<i32>} : memref<50x128xi32, #tpu.memory_space<vmem>>, vector<16xi32>,
      %and3A_294 = arith.constant 1 : i32
      %and3A_295 = vector.broadcast %and3A_294 : i32 to vector<16xi32>
      %and3A_296 = arith.andi %get3A_293, %and3A_295 : vector<16xi32>
      %shift_left3A_297 = arith.constant 6 : i32
      %shift_left3A_298 = vector.broadcast %shift_left3A_297 : i32 to vector<16xi32>
      %shift_left3A_299 = arith.shli %and3A_296, %shift_left3A_298 : vector<16xi32>
      %min3A_300 = arith.constant 49 : i32
      %min3A_301 = arith.minsi %add3A_206, %min3A_300 : i32
      %get3A_302 = arith.index_cast %min3A_301 : i32 to index
      %get3A_303 = arith.constant 112 : index
      %get3A_304 = tpu.vector_load %arg5[%get3A_302, %get3A_303] {strides = array<i32>} : memref<50x128xi32, #tpu.memory_space<vmem>>, vector<16xi32>,
      %and3A_305 = arith.constant 1 : i32
      %and3A_306 = vector.broadcast %and3A_305 : i32 to vector<16xi32>
      %and3A_307 = arith.andi %get3A_304, %and3A_306 : vector<16xi32>
      %shift_left3A_308 = arith.constant 6 : i32
      %shift_left3A_309 = vector.broadcast %shift_left3A_308 : i32 to vector<16xi32>
      %shift_left3A_310 = arith.shli %and3A_307, %shift_left3A_309 : vector<16xi32>
      %parallel_loop3A_311 = arith.constant 0 : i32
      %parallel_loop3A_312 = arith.constant 64 : i32
      %parallel_loop3A_313 = arith.constant 1 : i32
      scf.for %parallel_loop3A_327 = %parallel_loop3A_311 to %parallel_loop3A_312 step %parallel_loop3A_313  : i32 {
        %parallel_loop3A_328 = vector.broadcast %parallel_loop3A_327 : i32 to vector<16xi32>
        %parallel_loop3A_329 = arith.addi %shift_left3A_233, %parallel_loop3A_328 : vector<16xi32>
        %parallel_loop3A_330 = tpu.vector_load_idx %arg8[%add3A_9, %parallel_loop3A_329] : memref<128x133xf32, #tpu.memory_space<vmem>>[vector<16xi32>, vector<16xi32>], vector<16xf32>,
        %parallel_loop3A_331 = arith.constant 8.000000e+00 : f32
        %parallel_loop3A_332 = vector.broadcast %parallel_loop3A_331 : f32 to vector<16xf32>
        %parallel_loop3A_333 = arith.mulf %parallel_loop3A_330, %parallel_loop3A_332 : vector<16xf32>
        %parallel_loop3A_334 = arith.index_cast %parallel_loop3A_327 : i32 to index
        %parallel_loop3A_335 = arith.constant 0 : index
        %parallel_loop3A_336 = tpu.vector_load %arg10[%parallel_loop3A_334, %parallel_loop3A_335] {strides = array<i32>} : memref<64x128xf32, #tpu.memory_space<vmem>>, vector<16xf32>,
        tpu.vector_store %arg10[%parallel_loop3A_334, %parallel_loop3A_335], %parallel_loop3A_333 {strides = array<i32>} : memref<64x128xf32, #tpu.memory_space<vmem>>, vector<16xf32>,
        %parallel_loop3A_337 = vector.broadcast %parallel_loop3A_327 : i32 to vector<16xi32>
        %parallel_loop3A_338 = arith.addi %shift_left3A_244, %parallel_loop3A_337 : vector<16xi32>
        %parallel_loop3A_339 = tpu.vector_load_idx %arg8[%add3A_13, %parallel_loop3A_338] : memref<128x133xf32, #tpu.memory_space<vmem>>[vector<16xi32>, vector<16xi32>], vector<16xf32>,
        %parallel_loop3A_340 = arith.constant 8.000000e+00 : f32
        %parallel_loop3A_341 = vector.broadcast %parallel_loop3A_340 : f32 to vector<16xf32>
        %parallel_loop3A_342 = arith.mulf %parallel_loop3A_339, %parallel_loop3A_341 : vector<16xf32>
        %parallel_loop3A_343 = arith.index_cast %parallel_loop3A_327 : i32 to index
        %parallel_loop3A_344 = arith.constant 16 : index
        %parallel_loop3A_345 = tpu.vector_load %arg10[%parallel_loop3A_343, %parallel_loop3A_344] {strides = array<i32>} : memref<64x128xf32, #tpu.memory_space<vmem>>, vector<16xf32>,
        tpu.vector_store %arg10[%parallel_loop3A_343, %parallel_loop3A_344], %parallel_loop3A_342 {strides = array<i32>} : memref<64x128xf32, #tpu.memory_space<vmem>>, vector<16xf32>,
        %parallel_loop3A_346 = vector.broadcast %parallel_loop3A_327 : i32 to vector<16xi32>
        %parallel_loop3A_347 = arith.addi %shift_left3A_255, %parallel_loop3A_346 : vector<16xi32>
        %parallel_loop3A_348 = tpu.vector_load_idx %arg8[%add3A_17, %parallel_loop3A_347] : memref<128x133xf32, #tpu.memory_space<vmem>>[vector<16xi32>, vector<16xi32>], vector<16xf32>,
        %parallel_loop3A_349 = arith.constant 8.000000e+00 : f32
        %parallel_loop3A_350 = vector.broadcast %parallel_loop3A_349 : f32 to vector<16xf32>
        %parallel_loop3A_351 = arith.mulf %parallel_loop3A_348, %parallel_loop3A_350 : vector<16xf32>
        %parallel_loop3A_352 = arith.index_cast %parallel_loop3A_327 : i32 to index
        %parallel_loop3A_353 = arith.constant 32 : index
        %parallel_loop3A_354 = tpu.vector_load %arg10[%parallel_loop3A_352, %parallel_loop3A_353] {strides = array<i32>} : memref<64x128xf32, #tpu.memory_space<vmem>>, vector<16xf32>,
        tpu.vector_store %arg10[%parallel_loop3A_352, %parallel_loop3A_353], %parallel_loop3A_351 {strides = array<i32>} : memref<64x128xf32, #tpu.memory_space<vmem>>, vector<16xf32>,
        %parallel_loop3A_355 = vector.broadcast %parallel_loop3A_327 : i32 to vector<16xi32>
        %parallel_loop3A_356 = arith.addi %shift_left3A_266, %parallel_loop3A_355 : vector<16xi32>
        %parallel_loop3A_357 = tpu.vector_load_idx %arg8[%add3A_21, %parallel_loop3A_356] : memref<128x133xf32, #tpu.memory_space<vmem>>[vector<16xi32>, vector<16xi32>], vector<16xf32>,
        %parallel_loop3A_358 = arith.constant 8.000000e+00 : f32
        %parallel_loop3A_359 = vector.broadcast %parallel_loop3A_358 : f32 to vector<16xf32>
        %parallel_loop3A_360 = arith.mulf %parallel_loop3A_357, %parallel_loop3A_359 : vector<16xf32>
        %parallel_loop3A_361 = arith.index_cast %parallel_loop3A_327 : i32 to index
        %parallel_loop3A_362 = arith.constant 48 : index
        %parallel_loop3A_363 = tpu.vector_load %arg10[%parallel_loop3A_361, %parallel_loop3A_362] {strides = array<i32>} : memref<64x128xf32, #tpu.memory_space<vmem>>, vector<16xf32>,
        tpu.vector_store %arg10[%parallel_loop3A_361, %parallel_loop3A_362], %parallel_loop3A_360 {strides = array<i32>} : memref<64x128xf32, #tpu.memory_space<vmem>>, vector<16xf32>,
        %parallel_loop3A_364 = vector.broadcast %parallel_loop3A_327 : i32 to vector<16xi32>
        %parallel_loop3A_365 = arith.addi %shift_left3A_277, %parallel_loop3A_364 : vector<16xi32>
        %parallel_loop3A_366 = tpu.vector_load_idx %arg8[%add3A_25, %parallel_loop3A_365] : memref<128x133xf32, #tpu.memory_space<vmem>>[vector<16xi32>, vector<16xi32>], vector<16xf32>,
        %parallel_loop3A_367 = arith.constant 8.000000e+00 : f32
        %parallel_loop3A_368 = vector.broadcast %parallel_loop3A_367 : f32 to vector<16xf32>
        %parallel_loop3A_369 = arith.mulf %parallel_loop3A_366, %parallel_loop3A_368 : vector<16xf32>
        %parallel_loop3A_370 = arith.index_cast %parallel_loop3A_327 : i32 to index
        %parallel_loop3A_371 = arith.constant 64 : index
        %parallel_loop3A_372 = tpu.vector_load %arg10[%parallel_loop3A_370, %parallel_loop3A_371] {strides = array<i32>} : memref<64x128xf32, #tpu.memory_space<vmem>>, vector<16xf32>,
        tpu.vector_store %arg10[%parallel_loop3A_370, %parallel_loop3A_371], %parallel_loop3A_369 {strides = array<i32>} : memref<64x128xf32, #tpu.memory_space<vmem>>, vector<16xf32>,
        %parallel_loop3A_373 = vector.broadcast %parallel_loop3A_327 : i32 to vector<16xi32>
        %parallel_loop3A_374 = arith.addi %shift_left3A_288, %parallel_loop3A_373 : vector<16xi32>
        %parallel_loop3A_375 = tpu.vector_load_idx %arg8[%add3A_29, %parallel_loop3A_374] : memref<128x133xf32, #tpu.memory_space<vmem>>[vector<16xi32>, vector<16xi32>], vector<16xf32>,
        %parallel_loop3A_376 = arith.constant 8.000000e+00 : f32
        %parallel_loop3A_377 = vector.broadcast %parallel_loop3A_376 : f32 to vector<16xf32>
        %parallel_loop3A_378 = arith.mulf %parallel_loop3A_375, %parallel_loop3A_377 : vector<16xf32>
        %parallel_loop3A_379 = arith.index_cast %parallel_loop3A_327 : i32 to index
        %parallel_loop3A_380 = arith.constant 80 : index
        %parallel_loop3A_381 = tpu.vector_load %arg10[%parallel_loop3A_379, %parallel_loop3A_380] {strides = array<i32>} : memref<64x128xf32, #tpu.memory_space<vmem>>, vector<16xf32>,
        tpu.vector_store %arg10[%parallel_loop3A_379, %parallel_loop3A_380], %parallel_loop3A_378 {strides = array<i32>} : memref<64x128xf32, #tpu.memory_space<vmem>>, vector<16xf32>,
        %parallel_loop3A_382 = vector.broadcast %parallel_loop3A_327 : i32 to vector<16xi32>
        %parallel_loop3A_383 = arith.addi %shift_left3A_299, %parallel_loop3A_382 : vector<16xi32>
        %parallel_loop3A_384 = tpu.vector_load_idx %arg8[%add3A_33, %parallel_loop3A_383] : memref<128x133xf32, #tpu.memory_space<vmem>>[vector<16xi32>, vector<16xi32>], vector<16xf32>,
        %parallel_loop3A_385 = arith.constant 8.000000e+00 : f32
        %parallel_loop3A_386 = vector.broadcast %parallel_loop3A_385 : f32 to vector<16xf32>
        %parallel_loop3A_387 = arith.mulf %parallel_loop3A_384, %parallel_loop3A_386 : vector<16xf32>
        %parallel_loop3A_388 = arith.index_cast %parallel_loop3A_327 : i32 to index
        %parallel_loop3A_389 = arith.constant 96 : index
        %parallel_loop3A_390 = tpu.vector_load %arg10[%parallel_loop3A_388, %parallel_loop3A_389] {strides = array<i32>} : memref<64x128xf32, #tpu.memory_space<vmem>>, vector<16xf32>,
        tpu.vector_store %arg10[%parallel_loop3A_388, %parallel_loop3A_389], %parallel_loop3A_387 {strides = array<i32>} : memref<64x128xf32, #tpu.memory_space<vmem>>, vector<16xf32>,
        %parallel_loop3A_391 = vector.broadcast %parallel_loop3A_327 : i32 to vector<16xi32>
        %parallel_loop3A_392 = arith.addi %shift_left3A_310, %parallel_loop3A_391 : vector<16xi32>
        %parallel_loop3A_393 = tpu.vector_load_idx %arg8[%add3A_37, %parallel_loop3A_392] : memref<128x133xf32, #tpu.memory_space<vmem>>[vector<16xi32>, vector<16xi32>], vector<16xf32>,
        %parallel_loop3A_394 = arith.constant 8.000000e+00 : f32
        %parallel_loop3A_395 = vector.broadcast %parallel_loop3A_394 : f32 to vector<16xf32>
        %parallel_loop3A_396 = arith.mulf %parallel_loop3A_393, %parallel_loop3A_395 : vector<16xf32>
        %parallel_loop3A_397 = arith.index_cast %parallel_loop3A_327 : i32 to index
        %parallel_loop3A_398 = arith.constant 112 : index
        %parallel_loop3A_399 = tpu.vector_load %arg10[%parallel_loop3A_397, %parallel_loop3A_398] {strides = array<i32>} : memref<64x128xf32, #tpu.memory_space<vmem>>, vector<16xf32>,
        tpu.vector_store %arg10[%parallel_loop3A_397, %parallel_loop3A_398], %parallel_loop3A_396 {strides = array<i32>} : memref<64x128xf32, #tpu.memory_space<vmem>>, vector<16xf32>,
      } {sc.loop_unroll_factor = 1 : i64, sc.parallel_access}
      %lt3A_314 = arith.constant 24 : i32
      %lt3A_315 = arith.cmpi slt, %add3A_86, %lt3A_314 : i32
      %convert_element_type3A_316 = arith.extui %lt3A_315 : i1 to i32
      %cond3A_317 = arith.constant 0 : i32
      %cond3A_318 = arith.cmpi ne, %convert_element_type3A_316, %cond3A_317 : i32
      scf.if %cond3A_318 {
        %add3A_327 = arith.constant 2 : i32
        %add3A_328 = arith.addi %add3A_206, %add3A_327 : i32
        %min3A_329 = arith.constant 49 : i32
        %min3A_330 = arith.minsi %add3A_328, %min3A_329 : i32
        %dma_start3A_331 = arith.constant 0 : i32
        %dma_start3A_332 = arith.constant 0 : i32
        %dma_start3A_333 = tpu.memref_slice %arg8[%dma_start3A_331, %dma_start3A_332] : memref<128x133xf32, #tpu.memory_space<vmem>> -> memref<128x128xf32, #tpu.memory_space<vmem>>
        %dma_start3A_334 = arith.constant 0 : i32
        %dma_start3A_335 = tpu.memref_slice %arg6[%min3A_330, %dma_start3A_334] : memref<50x128xi32, #tpu.memory_space<vmem>> -> memref<1x128xi32, #tpu.memory_space<vmem>>
        %dma_start3A_336 = tpu.memref_squeeze %dma_start3A_335 : memref<1x128xi32, #tpu.memory_space<vmem>> -> memref<128xi32, #tpu.memory_space<vmem>>
        %dma_start3A_337 = arith.constant 0 : i32
        %dma_start3A_338 = arith.constant 0 : i32
        %dma_start3A_339 = tpu.memref_slice %arg2[%dma_start3A_337, %dma_start3A_338] : memref<500000x128xf32, #tpu.memory_space<hbm>> -> memref<500000x128xf32, #tpu.memory_space<hbm>>
        tpu.enqueue_indirect_dma source(%dma_start3A_339 : memref<500000x128xf32, #tpu.memory_space<hbm>>) target(%dma_start3A_333 : memref<128x128xf32, #tpu.memory_space<vmem>>) offsets(%dma_start3A_336 : memref<128xi32, #tpu.memory_space<vmem>>) semaphore(%arg12 : memref<!tpu.dma_semaphore, #tpu.memory_space<semaphore_mem>>)
      } else {
      }
      %min3A_319 = arith.constant 49 : i32
      %min3A_320 = arith.minsi %add3A_206, %min3A_319 : i32
      %dma_start3A_321 = arith.constant 0 : i32
      %dma_start3A_322 = tpu.memref_slice %arg4[%min3A_320, %dma_start3A_321, %mul3A_2] : memref<50x64x4096xf32, #tpu.memory_space<hbm>> -> memref<1x64x128xf32, #tpu.memory_space<hbm>>
      %dma_start3A_323 = tpu.memref_squeeze %dma_start3A_322 : memref<1x64x128xf32, #tpu.memory_space<hbm>> -> memref<64x128xf32, #tpu.memory_space<hbm>>
      %dma_start3A_324 = arith.constant 0 : i32
      %dma_start3A_325 = tpu.memref_slice %arg4[%min3A_320, %dma_start3A_324, %mul3A_2] : memref<50x64x4096xf32, #tpu.memory_space<hbm>> -> memref<1x64x128xf32, #tpu.memory_space<hbm>>
      %dma_start3A_326 = tpu.memref_squeeze %dma_start3A_325 : memref<1x64x128xf32, #tpu.memory_space<hbm>> -> memref<64x128xf32, #tpu.memory_space<hbm>>
      tpu.enqueue_dma source(%arg10 : memref<64x128xf32, #tpu.memory_space<vmem>>) target(%dma_start3A_326 : memref<64x128xf32, #tpu.memory_space<hbm>>) target_semaphore(%arg14 : memref<!tpu.dma_semaphore, #tpu.memory_space<semaphore_mem>>)
    }
    %scan3A_64 = arith.constant 25 : i32
    %min3A_65 = arith.constant 48 : i32
    %min3A_66 = arith.constant 49 : i32
    %min3A_67 = arith.minsi %min3A_65, %min3A_66 : i32
    %dma_wait3A = arith.constant 0 : i32
    %dma_wait3A_68 = tpu.memref_slice %arg4[%min3A_67, %dma_wait3A, %mul3A_2] : memref<50x64x4096xf32, #tpu.memory_space<hbm>> -> memref<1x64x128xf32, #tpu.memory_space<hbm>>
    %dma_wait3A_69 = tpu.memref_squeeze %dma_wait3A_68 : memref<1x64x128xf32, #tpu.memory_space<hbm>> -> memref<64x128xf32, #tpu.memory_space<hbm>>
    %dma_wait3A_70 = arith.constant 0 : i32
    %dma_wait3A_71 = tpu.memref_slice %arg4[%min3A_67, %dma_wait3A_70, %mul3A_2] : memref<50x64x4096xf32, #tpu.memory_space<hbm>> -> memref<1x64x128xf32, #tpu.memory_space<hbm>>
    %dma_wait3A_72 = tpu.memref_squeeze %dma_wait3A_71 : memref<1x64x128xf32, #tpu.memory_space<hbm>> -> memref<64x128xf32, #tpu.memory_space<hbm>>
    tpu.wait_dma2 semaphore(%arg13 : memref<!tpu.dma_semaphore, #tpu.memory_space<semaphore_mem>>) src(%arg9 : memref<64x128xf32, #tpu.memory_space<vmem>>) dst(%dma_wait3A_72 : memref<64x128xf32, #tpu.memory_space<hbm>>)
    %min3A_73 = arith.constant 49 : i32
    %min3A_74 = arith.constant 49 : i32
    %min3A_75 = arith.minsi %min3A_73, %min3A_74 : i32
    %dma_wait3A_76 = arith.constant 0 : i32
    %dma_wait3A_77 = tpu.memref_slice %arg4[%min3A_75, %dma_wait3A_76, %mul3A_2] : memref<50x64x4096xf32, #tpu.memory_space<hbm>> -> memref<1x64x128xf32, #tpu.memory_space<hbm>>
    %dma_wait3A_78 = tpu.memref_squeeze %dma_wait3A_77 : memref<1x64x128xf32, #tpu.memory_space<hbm>> -> memref<64x128xf32, #tpu.memory_space<hbm>>
    %dma_wait3A_79 = arith.constant 0 : i32
    %dma_wait3A_80 = tpu.memref_slice %arg4[%min3A_75, %dma_wait3A_79, %mul3A_2] : memref<50x64x4096xf32, #tpu.memory_space<hbm>> -> memref<1x64x128xf32, #tpu.memory_space<hbm>>
    %dma_wait3A_81 = tpu.memref_squeeze %dma_wait3A_80 : memref<1x64x128xf32, #tpu.memory_space<hbm>> -> memref<64x128xf32, #tpu.memory_space<hbm>>
    tpu.wait_dma2 semaphore(%arg14 : memref<!tpu.dma_semaphore, #tpu.memory_space<semaphore_mem>>) src(%arg10 : memref<64x128xf32, #tpu.memory_space<vmem>>) dst(%dma_wait3A_81 : memref<64x128xf32, #tpu.memory_space<hbm>>)
    return
  }
}

</mosaic_0001>

<sc_bundles>
// kernel: kernel.4.cloned.1.call-start
scs
__scs_entry_jumppad:
0x0: {  	(pc) =	sbr.rel $0x88, $3  }
0x1: {  	(tag) =	ssettag $0x0;
	lr =	simm.s32 $0x1  }
0x2: {  	[smem:$0x3F9F] =	sst lr;
	_ =	strace $0xD0000000  }
0x3: {  	_ = 	snop  }
0x4: {  	_ = 	snop  }
0x5: {  	_ = 	snop  }
0x6: {  	_ = 	snop  }
0x7: {  	_ = 	snop  }
__scs_overlays_trampoline_lowered:
0x8: {  	[smem:$0x3FAE] =	sst s0  }
0x9: {  	[smem:$0x3FAF] =	sst s1  }
0xa: {  	[smem:$0x3FB0] =	sst s2  }
0xb: {  	[smem:$0x3FB1] =	sst s3  }
0xc: {  	[smem:$0x3FB2] =	sst s4  }
0xd: {  	[smem:$0x3FB3] =	sst s5  }
0xe: {  	[smem:$0x3FB4] =	sst s6  }
0xf: {  	[smem:$0x3FB5] =	sst s7  }
0x10: {  	[smem:$0x3FB6] =	sst s8  }
0x11: {  	[smem:$0x3FB7] =	sst s9;
	s0 =	simm.s32 @!p0 $0x0  }
0x12: {  	s1 =	sld [smem:$0x3F9D];
	s0 =	simm.s32 @p0 $0x1  }
0x13: {  	[smem:$0x3FB8] =	sst s0;
	s0 =	simm.s32 @!p1 $0x0  }
0x14: {  	s2 =	sld [smem:$0x3F9C];
	s0 =	simm.s32 @p1 $0x1  }
0x15: {  	[smem:$0x3FB9] =	sst s0;
	s0 =	simm.s32 @!p2 $0x0  }
0x16: {  	s3 =	sld [smem:$0x3FDB];
	s0 =	simm.s32 @p2 $0x1  }
0x17: {  	s4 =	simm.s32 $0x1BF5;
	[smem:$0x3FBB] =	sst s0  }
0x18: {  	s0 =	sld [smem:$0x3F9E];
	_ =	swait.ge [sflag:s4], $0x0  }
0x19: {  	s7 =	sld [smem:$0x3F9F]  }
0x1a: {  	s8 =	sadd.s32 $0xFFFFE003, lr  }
0x1b: {  	s9 =	sadd.s32 $0xFFFFFEF7, lr;
	s5 =	simm.s32 $0xFFFFFFFF;
	p2 =	slt.u32 s8, $0xFFFFF086  }
0x1c: {  	p1 =	slt.u32 s9, $0xF7A;
	s5 =	simm.s32 @!p2 $0x0  }
0x1d: {  	s5 =	simm.s32 @p1 $0x1;
	p0 =	seq.s32 s7, s2  }
0x1e: {  	s7 =	smul.u32 @!p0 $0xF7A, s2;
	p2 =	seq.s32 @!p0 s5, $0x0  }
0x1f: {  	s9 =	smul.u32 $0xF7A, s1;
	s8 =	simm.s32 @!p0 $0x1BF5;
	p2 =	por !p2, p0  }
0x20: {  	[sflag:s8] =	ssyncset.s32 @!p0 $0xFFFFF086;
	s6 =	sadd.s32 @!p0 s3, s7;
	s7 =	simm.s32 @!p0 $0x108  }
0x21: {  	s3 =	sadd.s32 s3, s9;
	s6 =	sadd.s32 @!p0 $0x88, s6;
	s7 =	simm.s32 @p2 $0x1082  }
0x22: {  	[simem:s7], [sflag:s8] =	dma.local @!p0 [hbm:s6], $0xF7A  }
0x23: {  	s9 =	sor.u32 $0xD0000000, s2;
	s6 =	simm.s32 $0x108;
	_ =	swait.ge @!p0 [sflag:s8], $0x0  }
0x24: {  	s3 =	sadd.s32 $0x88, s3;
	s6 =	simm.s32 @!p1 $0x1082;
	[sflag:s4] =	ssyncset.s32 $0xFFFFF086  }
0x25: {  	[simem:s6], [sflag:s4] =	dma.local [hbm:s3], $0xF7A  }
0x26: {  	[smem:$0x3F9F] =	sst s1;
	(tag) =	ssettag s2;
	_ =	strace s9  }
0x27: {  	s1 =	sld [smem:$0x3FAF]  }
0x28: {  	s2 =	sld [smem:$0x3FB0]  }
0x29: {  	s4 =	sld [smem:$0x3FB2]  }
0x2a: {  	p0 =	seq.s32 s5, $0x0;
	s5 =	sld [smem:$0x3FB3]  }
0x2b: {  	s6 =	sld [smem:$0x3FB4]  }
0x2c: {  	s7 =	sld [smem:$0x3FB5]  }
0x2d: {  	s3 =	simm.s32 $0x108;
	s8 =	sld [smem:$0x3FB6]  }
0x2e: {  	s3 =	simm.s32 @!p0 $0x1082;
	s9 =	sld [smem:$0x3FB7]  }
0x2f: {  	lr =	sadd.s32 s0, s3;
	s0 =	sld [smem:$0x3FAE]  }
0x30: {  	s3 =	sld [smem:$0x3FB1]  }
0x31: {  	[smem:$0x3FBA] =	sst s10  }
0x32: {  	s10 =	sld [smem:$0x3FB8];
	_ =	sdelay $0x3  }
0x33: {  	p0 =	seq.s32 s10, $0x1;
	s10 =	sld [smem:$0x3FBA];
	_ =	sdelay $0x3  }
0x34: {  	[smem:$0x3FBA] =	sst s10  }
0x35: {  	s10 =	sld [smem:$0x3FB9];
	_ =	sdelay $0x3  }
0x36: {  	p1 =	seq.s32 s10, $0x1;
	s10 =	sld [smem:$0x3FBA];
	_ =	sdelay $0x3  }
0x37: {  	[smem:$0x3FBA] =	sst s10  }
0x38: {  	s10 =	sld [smem:$0x3FBB]  }
0x39: {  	_ = 	snop;
	(pc) =	sbr.ind lr, $3  }
0x3a: {  	_ = 	snop  }
0x3b: {  	_ = 	snop  }
0x3c: {  	p2 =	seq.s32 s10, $0x1;
	s10 =	sld [smem:$0x3FBA]  }
0x3d: {  	_ =	shalt  }
0x3e: {  	_ =	shalt  }
0x3f: {  	_ =	shalt  }
0x40: {  	_ =	shalt  }
0x41: {  	_ =	shalt  }
0x42: {  	_ =	shalt  }
0x43: {  	_ =	shalt  }
0x44: {  	_ =	shalt  }
0x45: {  	_ =	shalt  }
0x46: {  	_ =	shalt  }
0x47: {  	_ =	shalt  }
0x48: {  	_ =	shalt  }
0x49: {  	_ =	shalt  }
0x4a: {  	_ =	shalt  }
0x4b: {  	_ =	shalt  }
0x4c: {  	_ =	shalt  }
0x4d: {  	_ =	shalt  }
0x4e: {  	_ =	shalt  }
0x4f: {  	_ =	shalt  }
0x50: {  	_ =	shalt  }
0x51: {  	_ =	shalt  }
0x52: {  	_ =	shalt  }
0x53: {  	_ =	shalt  }
0x54: {  	_ =	shalt  }
0x55: {  	_ =	shalt  }
0x56: {  	_ =	shalt  }
0x57: {  	_ =	shalt  }
0x58: {  	_ =	shalt  }
0x59: {  	_ =	shalt  }
0x5a: {  	_ =	shalt  }
0x5b: {  	_ =	shalt  }
0x5c: {  	_ =	shalt  }
0x5d: {  	_ =	shalt  }
0x5e: {  	_ =	shalt  }
0x5f: {  	_ =	shalt  }
0x60: {  	_ =	shalt  }
0x61: {  	_ =	shalt  }
0x62: {  	_ =	shalt  }
0x63: {  	_ =	shalt  }
0x64: {  	_ =	shalt  }
0x65: {  	_ =	shalt  }
0x66: {  	_ =	shalt  }
0x67: {  	_ =	shalt  }
0x68: {  	_ =	shalt  }
0x69: {  	_ =	shalt  }
0x6a: {  	_ =	shalt  }
0x6b: {  	_ =	shalt  }
0x6c: {  	_ =	shalt  }
0x6d: {  	_ =	shalt  }
0x6e: {  	_ =	shalt  }
0x6f: {  	_ =	shalt  }
0x70: {  	_ =	shalt  }
0x71: {  	_ =	shalt  }
0x72: {  	_ =	shalt  }
0x73: {  	_ =	shalt  }
0x74: {  	_ =	shalt  }
0x75: {  	_ =	shalt  }
0x76: {  	_ =	shalt  }
0x77: {  	_ =	shalt  }
0x78: {  	_ =	shalt  }
0x79: {  	_ =	shalt  }
0x7a: {  	_ =	shalt  }
0x7b: {  	_ =	shalt  }
0x7c: {  	_ =	shalt  }
0x7d: {  	_ =	shalt  }
0x7e: {  	_ =	shalt  }
0x7f: {  	_ =	shalt  }
0x80: {  	_ =	shalt  }
0x81: {  	_ =	shalt  }
0x82: {  	_ =	shalt  }
0x83: {  	_ =	shalt  }
0x84: {  	_ =	shalt  }
0x85: {  	_ =	shalt  }
0x86: {  	_ =	shalt  }
0x87: {  	_ =	shalt  }
.Lfunc_end0:
.L_simem_size_0:
called_computation_lowered:
.L_overlay_start_0:
0x88: {  	s2 =	sld [smem:$0x3FD9]  }
0x89: {  	s3 =	sld [smem:$0x3FFE];
	_ =	sdelay $0x1  }
0x8a: {  	s1 =	srdreg.scid  }
0x8b: {  	s0 =	sand.u32 $0x1, s1  }
0x8c: {  	s17 =	sshll.u32 s0, $0xA;
	s2 =	sadd.s32 s3, s2  }
0x8d: {  	s2 =	sadd.s32 s2, s17  }
0x8e: {  	[smem:$0x3FC6] =	sst s2  }
0x8f: {  	_ = 	snop  }
0x90: {  	s2 =	sld [smem:$0x3FC8]  }
0x91: {  	s18 =	sld [smem:$0x3FD0];
	(tm) =	ssettm $0x1  }
0x92: {  	s4 =	sld [smem:$0x3FFB];
	_ =	sdelay $0x3  }
0x93: {  	_ =	strace s4  }
0x94: {  	s4 =	sld [smem:$0x3FFC];
	_ =	sdelay $0x3  }
0x95: {  	_ =	strace s4  }
0x96: {  	s4 =	sld [smem:$0x3FFD];
	_ =	sdelay $0x3  }
0x97: {  	_ =	strace s4  }
0x98: {  	_ =	strace $0x8FFFFFFF  }
0x99: {  	s19 =	sld [smem:$0x3FDB];
	_ =	sdelay $0x1  }
0x9a: {  	s5 =	simm.s32 $_scs_section_size  }
0x9b: {  	s6 =	simm.s32 $_size__tile_overlayer_lowered;
	s7 =	simm.s32 $_tile_overlayer_lowered  }
0x9c: {  	s22 =	simm.s32 $0x1BFF;
	s21 =	sshll.u32 s7, $0x1;
	s4 =	sadd.s32 s5, s19  }
0x9d: {  	s8 =	simm.s32 $0x0;
	s20 =	sshll.u32 s6, $0x1;
	s6 =	sadd.s32 s21, s4  }
0x9e: {  	[timem:s8], [sflag:s22] =	dma.local [hbm:s6], s20  }
0x9f: {  	_ =	swait.ge [sflag:s22], s20  }
0xa0: {  	s5 =	ssub.s32 $0x0, s20;
	[sflag:s22] =	ssyncset.done $0x0  }
0xa1: {  	[sflag:s22] =	ssyncadd.s32 s5;
	_ =	sdelay $0x1  }
0xa2: {  	s23 =	simm.s32 $0x1B8B  }
0xa3: {  	_ =	swait.ge [sflag:s23], $0x1  }
0xa4: {  	[sflag:s23] =	ssyncset.done $0x0  }
0xa5: {  	s25 =	simm.s32 $0x1B8E;
	s24 =	sld [smem:$0x3FFE];
	[sflag:s23] =	ssyncadd.s32 $0xFFFFFFFF  }
0xa6: {  	s26 =	simm.s32 $execute0_lowered;
	[smem:$0x3FD2] =	sst s25  }
0xa7: {  	s6 =	sshll.u32 s26, $0x1;
	_ =	strace $0x80000046;
	[dreg:$0x1] =	wrdreg $0xFFFFFFFF  }
0xa8: {  	s28 =	simm.s32 $_size_execute0_lowered;
	s4 =	sadd.s32 s4, s6;
	[dreg:$0x0] =	wrdreg $0x0  }
0xa9: {  	s6 =	sshll.u32 s28, $0x1;
	[dreg:$0x2] =	wrdreg s4  }
0xaa: {  	[dreg:$0x3] =	wrdreg s6  }
0xab: {  	[dreg:$0x4] =	wrdreg $0xC0  }
0xac: {  	_ =	task [dreg:s8], $0x5FFFF  }
0xad: {  	[dreg:$0x1] =	wrdreg $0xFFFFFFFF  }
0xae: {  	[dreg:$0x0] =	wrdreg $0x60  }
0xaf: {  	[dreg:$0x2] =	wrdreg s2  }
0xb0: {  	[dreg:$0x3] =	wrdreg s18  }
0xb1: {  	[dreg:$0x4] =	wrdreg s24  }
0xb2: {  	[dreg:$0x5] =	wrdreg $0x9  }
0xb3: {  	_ =	task.clear_ibuf [dreg:s8], $0x6FFFF;
	_ =	strace $0x90000046  }
0xb4: {  	s29 =	simm.s32 $0x9;
	_ =	strace $0x80000048  }
0xb5: {  	_ =	swait.ge [sflag:s29], $0x1  }
0xb6: {  	[sflag:s29] =	ssyncadd.s32 $0xFFFFFFFF  }
0xb7: {  	_ =	strace $0x90000048  }
0xb8: {  	_ =	sfence  }
0xb9: {  	s30 =	sld [smem:$0x0];
	_ =	sdelay $0x2  }
0xba: {  	s31 =	sshll.u32 s1, $0xD;
	s1 =	sshrl.u32 s1, $0x2  }
0xbb: {  	s3 =	sand.u32 $0x4000, s31;
	s1 =	sadd.s32 s1, s30  }
0xbc: {  	s0 =	sor.u32 s3, s0;
	s1 =	sshll.u32 s1, $0x11  }
0xbd: {  	s0 =	sor.u32 s1, s0  }
0xbe: {  	s0 =	sadd.s32 $0x8F2B, s0  }
0xbf: {  	[sflag:s0] =	ssyncadd.remote.s32 $0x1  }
0xc0: {  	_ =	sfence.sel $0xFFFF  }
0xc1: {  	[dreg:$0x0] =	wrdreg $0xFFFFFFFF;
	(pc) =	sbr.abs _section_cstart, $3  }
0xc2: {  	[dreg:$0x1] =	wrdreg $0xFFFFFFFF  }
0xc3: {  	_ =	task.clear_ibuf [dreg:s8], $0x2FFFF;
	_ =	strace $0x9FFFFFFF  }
0xc4: {  	(tm) =	ssettm $0x7FFFFFFF  }
0xc5: {  	_ =	shalt  }
tec
execute0_lowered:
.L_overlay_start_1:
0x0: {  	(tag) =	ssettag $0x1  }
0x1: {  	v0 =	vimm.s32 $0xF80  }
0x2: {  	vm14 =	vcmask $0x300;
	vm13 =	vcmask $0x704;
	vm12 =	vcmask $0xB08  }
0x3: {  	vm11 =	vcmask $0xF0C;
	vm10 =	vcmask $0x1310;
	vm9 =	vcmask $0x1714;
	s0 =	srdreg.scid;
	s1 =	stileid.u32  }
0x4: {  	vm7 =	vcmask $0x1B18;
	vm8 =	vcmask $0x1F1C;
	vm6 =	vcmask $0x2320;
	s2 =	sand.u32 $0x1, s0;
	s9 =	sshll.u32 s1, $0x1  }
0x5: {  	vm5 =	vcmask $0x2724;
	s7 =	rddreg [dreg:$0x2];
	vm4 =	vcmask $0x2B28;
	s4 =	simm.s32 $0x0;
	vm3 =	vcmask $0x2F2C;
	s0 =	sor.u32 s2, s9  }
0x6: {  	vm2 =	vcmask $0x3330;
	vm1 =	vcmask $0x3734;
	vm0 =	vcmask $0x3B38;
	s1 =	rddreg [dreg:$0x0];
	s2 =	ssub.s32 $0x2, s2;
	s3 =	smul.u32 $0x7B, s0  }
0x7: {  	v1 =	vimm.s32 $0x2780;
	v2 =	vimm.s32 $0x3F80;
	v3 =	vimm.s32 $0x5780;
	[smem:$0x7FF] =	sst s4;
	s14 =	sadd.s32 $0x7A1800, s7;
	s18 =	sshrl.u32 s2, $0x1  }
0x8: {  	v0 =	vsel vm14, $0x0, v0;
	v1 =	vsel vm14, $0x1800, v1;
	v2 =	vsel vm14, $0x3000, v2;
	_ =	strace $0x80000047;
	s2 =	ssub.s32 s2, s18;
	s5 =	smin.u32 s3, $0xEC7  }
0x9: {  	v3 =	vsel vm14, $0x4800, v3;
	v0 =	vsel vm13, $0x80, v0;
	[dreg:$0xa] =	wrdreg s14;
	v1 =	vsel vm13, $0x1880, v1;
	s26 =	smax.u32 s2, $0x1;
	s3 =	sshll.u32 s5, $0x8  }
0xa: {  	v2 =	vsel vm13, $0x3080, v2;
	v3 =	vsel vm13, $0x4880, v3;
	v0 =	vsel vm12, $0x100, v0;
	[dreg:$0x15] =	wrdreg s26;
	s6 =	sadd.s32 s1, s3  }
0xb: {  	v1 =	vsel vm12, $0x1900, v1;
	v2 =	vsel vm12, $0x3100, v2;
	v3 =	vsel vm12, $0x4900, v3;
	s3 =	sadd.s32 $0x1E8500, s6;
	[dreg:$0x4] =	wrdreg s6  }
0xc: {  	v0 =	vsel vm11, $0x180, v0;
	v1 =	vsel vm11, $0x1980, v1;
	v2 =	vsel vm11, $0x3180, v2;
	s10 =	sadd.s32 $0x2DC780, s6;
	[dreg:$0x5] =	wrdreg s3  }
0xd: {  	v3 =	vsel vm11, $0x4980, v3;
	v0 =	vsel vm10, $0x200, v0;
	v1 =	vsel vm10, $0x1A00, v1;
	s11 =	sadd.s32 $0x3D0A00, s6;
	[dreg:$0x6] =	wrdreg s10  }
0xe: {  	v2 =	vsel vm10, $0x3200, v2;
	v3 =	vsel vm10, $0x4A00, v3;
	v0 =	vsel vm9, $0x280, v0;
	s12 =	sadd.s32 $0x4C4C80, s6;
	[dreg:$0x7] =	wrdreg s11  }
0xf: {  	v1 =	vsel vm9, $0x1A80, v1;
	v2 =	vsel vm9, $0x3280, v2;
	v3 =	vsel vm9, $0x4A80, v3;
	s13 =	sadd.s32 $0x5B8F00, s6;
	[dreg:$0x8] =	wrdreg s12  }
0x10: {  	v0 =	vsel vm7, $0x300, v0;
	v1 =	vsel vm7, $0x1B00, v1;
	v2 =	vsel vm7, $0x3300, v2;
	s15 =	sadd.s32 $0x6AD180, s6;
	[dreg:$0x9] =	wrdreg s13  }
0x11: {  	v3 =	vsel vm7, $0x4B00, v3;
	v0 =	vsel vm8, $0x380, v0;
	s16 =	sadd.s32 $0x1E8600, s6;
	v1 =	vsel vm8, $0x1B80, v1;
	[dreg:$0xb] =	wrdreg s15  }
0x12: {  	s30 =	simm.s32 $0x6000;
	s17 =	sadd.s32 $0x2DC880, s6;
	v2 =	vsel vm8, $0x3380, v2;
	v3 =	vsel vm8, $0x4B80, v3;
	v0 =	vsel vm6, $0xC00, v0;
	[dreg:$0xc] =	wrdreg s16  }
0x13: {  	s29 =	simm.s32 $0x2;
	s19 =	sadd.s32 $0xF4280, s6;
	[dreg:$0xd] =	wrdreg s17;
	v1 =	vsel vm6, $0x2400, v1;
	v2 =	vsel vm6, $0x3C00, v2;
	v3 =	vsel vm6, $0x5400, v3  }
0x14: {  	s31 =	simm.s32 $0x10000;
	s20 =	sadd.s32 $0x3D0B00, s6;
	[dreg:$0xe] =	wrdreg s19;
	v0 =	vsel vm5, $0xC80, v0;
	v1 =	vsel vm5, $0x2480, v1;
	v2 =	vsel vm5, $0x3C80, v2  }
0x15: {  	s8 =	simm.s32 $0x0;
	s21 =	sadd.s32 $0xF4380, s6;
	[dreg:$0xf] =	wrdreg s20;
	v3 =	vsel vm5, $0x5480, v3;
	v0 =	vsel vm4, $0xD00, v0;
	v1 =	vsel vm4, $0x2500, v1  }
0x16: {  	p0 =	sne.s32 s0, $0x0;
	s22 =	sadd.s32 $0x4C4D80, s6;
	[dreg:$0x10] =	wrdreg s21;
	v2 =	vsel vm4, $0x3D00, v2;
	v3 =	vsel vm4, $0x5500, v3;
	v0 =	vsel vm3, $0xD80, v0  }
0x17: {  	s0 =	simm.s32 $0x1;
	s23 =	sadd.s32 $0x100, s6;
	[dreg:$0x11] =	wrdreg s22;
	v1 =	vsel vm3, $0x2580, v1;
	v2 =	vsel vm3, $0x3D80, v2;
	v3 =	vsel vm3, $0x5580, v3  }
0x18: {  	s2 =	simm.s32 $0xC000;
	s24 =	sadd.s32 $0x5B9000, s6;
	[dreg:$0x12] =	wrdreg s23;
	v0 =	vsel vm2, $0xE00, v0;
	v1 =	vsel vm2, $0x2600, v1;
	v2 =	vsel vm2, $0x3E00, v2  }
0x19: {  	s26 =	sadd.s32 $0x1, s5;
	s25 =	sadd.s32 $0x6AD280, s6;
	[dreg:$0x13] =	wrdreg s24;
	v3 =	vsel vm2, $0x5600, v3;
	v0 =	vsel vm1, $0xE80, v0;
	v1 =	vsel vm1, $0x2680, v1  }
0x1a: {  	s28 =	sadd.s32 $0x3, s5;
	s15 =	sadd.s32 $0x800, s7;
	[dreg:$0x14] =	wrdreg s25;
	v2 =	vsel vm1, $0x3E80, v2;
	v3 =	vsel vm1, $0x5680, v3;
	v0 =	vsel vm0, $0xF00, v0  }
0x1b: {  	s24 =	sadd.s32 $0x2, s5;
	s3 =	simm.s32 $0x3;
	s7 =	simm.s32 $0x4;
	v1 =	vsel vm0, $0x2700, v1;
	v2 =	vsel vm0, $0x3F00, v2;
	v3 =	vsel vm0, $0x5700, v3  }
.LBB2_1:
0x1c: {  	s9 =	simm.s32 @!p0 $0x0  }
0x1d: {  	s10 =	simm.s32 @!p0 $0xC000;
	s6 =	rddreg [dreg:$0x1];
	s11 =	simm.s32 @!p0 $0x5  }
0x1e: {  	[tilespmem:s10], [sflag:$0x5] =	stream.linear.gather @!p0 [hbm4b:s6+s9], $0x1000, $0x38;
	[tilespmem:$0x14000] =	vst v63  }
0x1f: {  	_ =	swait.ge @!p0 [sflag:s11], $0x1000  }
0x20: {  	[sflag:s11] =	ssyncset.done @!p0 $0x0  }
0x21: {  	s6 =	rddreg [dreg:$0xa];
	[sflag:s11] =	ssyncadd.s32 @!p0 $0xFFFFF000  }
0x22: {  	[hbm4b:s6+s9] =	stream.linear.scatter @!p0 [tilespmem:s10], [sflag:$0x5], $0x1000, $0x38;
	[tilespmem:$0x14000] =	vst v63  }
0x23: {  	_ =	swait.ge @!p0 [sflag:s11], $0x1000  }
0x24: {  	[sflag:s11] =	ssyncset.done @!p0 $0x0  }
0x25: {  	s9 =	rddreg [dreg:$0x4];
	[sflag:s11] =	ssyncadd.s32 @!p0 $0xFFFFF000  }
0x26: {  	[tilespmem:s4], [sflag:$0x1] =	stream.linear.gather [hbm4b:s9+s4], $0x800, $0x38;
	[tilespmem:$0x14000] =	vst v63  }
0x27: {  	s10 =	rddreg [dreg:$0xe];
	s11 =	simm.s32 $0xC00  }
0x28: {  	[tilespmem:s11], [sflag:$0x1] =	stream.linear.gather [hbm4b:s10+s4], $0x800, $0x38;
	[tilespmem:$0x14000] =	vst v63  }
0x29: {  	s13 =	simm.s32 $0x1800;
	s12 =	rddreg [dreg:$0x5]  }
0x2a: {  	[tilespmem:s13], [sflag:$0x1] =	stream.linear.gather [hbm4b:s12+s4], $0x800, $0x38;
	[tilespmem:$0x14000] =	vst v63  }
0x2b: {  	s16 =	simm.s32 $0x2400;
	s14 =	rddreg [dreg:$0x6]  }
0x2c: {  	[tilespmem:s16], [sflag:$0x1] =	stream.linear.gather [hbm4b:s14+s4], $0x800, $0x38;
	[tilespmem:$0x14000] =	vst v63  }
0x2d: {  	s18 =	simm.s32 $0x3000;
	s17 =	rddreg [dreg:$0x7]  }
0x2e: {  	[tilespmem:s18], [sflag:$0x1] =	stream.linear.gather [hbm4b:s17+s4], $0x800, $0x38;
	[tilespmem:$0x14000] =	vst v63  }
0x2f: {  	s20 =	simm.s32 $0x3C00;
	s19 =	rddreg [dreg:$0x8]  }
0x30: {  	[tilespmem:s20], [sflag:$0x1] =	stream.linear.gather [hbm4b:s19+s4], $0x800, $0x38;
	[tilespmem:$0x14000] =	vst v63  }
0x31: {  	s22 =	simm.s32 $0x4800;
	s21 =	rddreg [dreg:$0x9]  }
0x32: {  	[tilespmem:s22], [sflag:$0x1] =	stream.linear.gather [hbm4b:s21+s4], $0x800, $0x38;
	[tilespmem:$0x14000] =	vst v63  }
0x33: {  	s25 =	simm.s32 $0x5400;
	s23 =	rddreg [dreg:$0xb]  }
0x34: {  	[tilespmem:s25], [sflag:$0x1] =	stream.linear.gather [hbm4b:s23+s4], $0x800, $0x38;
	[tilespmem:$0x14000] =	vst v63  }
0x35: {  	s9 =	rddreg [dreg:$0x12]  }
0x36: {  	[tilespmem:s30], [sflag:$0x2] =	stream.linear.gather [hbm4b:s9+s4], $0x800, $0x38;
	[tilespmem:$0x14000] =	vst v63  }
0x37: {  	s10 =	rddreg [dreg:$0x10];
	s11 =	simm.s32 $0x6C00  }
0x38: {  	[tilespmem:s11], [sflag:$0x2] =	stream.linear.gather [hbm4b:s10+s4], $0x800, $0x38;
	[tilespmem:$0x14000] =	vst v63  }
0x39: {  	s12 =	rddreg [dreg:$0xc];
	s13 =	simm.s32 $0x7800  }
0x3a: {  	[tilespmem:s13], [sflag:$0x2] =	stream.linear.gather [hbm4b:s12+s4], $0x800, $0x38;
	[tilespmem:$0x14000] =	vst v63  }
0x3b: {  	s14 =	rddreg [dreg:$0xd];
	s16 =	simm.s32 $0x8400  }
0x3c: {  	[tilespmem:s16], [sflag:$0x2] =	stream.linear.gather [hbm4b:s14+s4], $0x800, $0x38;
	[tilespmem:$0x14000] =	vst v63  }
0x3d: {  	s17 =	rddreg [dreg:$0xf];
	s18 =	simm.s32 $0x9000  }
0x3e: {  	[tilespmem:s18], [sflag:$0x2] =	stream.linear.gather [hbm4b:s17+s4], $0x800, $0x38;
	[tilespmem:$0x14000] =	vst v63  }
0x3f: {  	s19 =	rddreg [dreg:$0x11];
	s20 =	simm.s32 $0x9C00  }
0x40: {  	[tilespmem:s20], [sflag:$0x2] =	stream.linear.gather [hbm4b:s19+s4], $0x800, $0x38;
	[tilespmem:$0x14000] =	vst v63  }
0x41: {  	s21 =	rddreg [dreg:$0x13];
	s22 =	simm.s32 $0xA800  }
0x42: {  	[tilespmem:s22], [sflag:$0x2] =	stream.linear.gather [hbm4b:s21+s4], $0x800, $0x38;
	[tilespmem:$0x14000] =	vst v63  }
0x43: {  	s23 =	rddreg [dreg:$0x14];
	s25 =	simm.s32 $0xB400;
	s9 =	simm.s32 $0x0  }
0x44: {  	[tilespmem:s25], [sflag:$0x2] =	stream.linear.gather [hbm4b:s23+s4], $0x800, $0x38;
	[tilespmem:$0x14000] =	vst v63  }
.LBB2_2:
0x45: {  	_ =	swait.ge [sflag:s0], $0x800  }
0x46: {  	[sflag:s0] =	ssyncset.done $0x0  }
0x47: {  	[sflag:s0] =	ssyncadd.s32 $0xFFFFF800  }
0x48: {  	_ =	swait.ge [sflag:s0], $0x800  }
0x49: {  	[sflag:s0] =	ssyncset.done $0x0  }
0x4a: {  	[sflag:s0] =	ssyncadd.s32 $0xFFFFF800  }
0x4b: {  	_ =	swait.ge [sflag:s0], $0x800  }
0x4c: {  	[sflag:s0] =	ssyncset.done $0x0  }
0x4d: {  	[sflag:s0] =	ssyncadd.s32 $0xFFFFF800  }
0x4e: {  	_ =	swait.ge [sflag:s0], $0x800  }
0x4f: {  	[sflag:s0] =	ssyncset.done $0x0  }
0x50: {  	[sflag:s0] =	ssyncadd.s32 $0xFFFFF800  }
0x51: {  	_ =	swait.ge [sflag:s0], $0x800  }
0x52: {  	[sflag:s0] =	ssyncset.done $0x0  }
0x53: {  	[sflag:s0] =	ssyncadd.s32 $0xFFFFF800  }
0x54: {  	_ =	swait.ge [sflag:s0], $0x800  }
0x55: {  	[sflag:s0] =	ssyncset.done $0x0  }
0x56: {  	s10 =	simm.s32 $0x0;
	[sflag:s0] =	ssyncadd.s32 $0xFFFFF800  }
0x57: {  	v4 =	vmov s10;
	_ =	swait.ge [sflag:s0], $0x800  }
0x58: {  	v5 =	vshll.u32 v4, $0x3;
	[sflag:s0] =	ssyncset.done $0x0  }
0x59: {  	v4 =	vand.u32 $0x7E, v4;
	v5 =	vand.u32 $0x400, v5;
	[sflag:s0] =	ssyncadd.s32 $0xFFFFF800  }
0x5a: {  	v4 =	vor.u32 v4, v5;
	_ =	swait.ge [sflag:s0], $0x800  }
0x5b: {  	p2 =	seq.s32 s9, $0x0;
	v5 =	vadd.s32 v0, v4;
	[sflag:s0] =	ssyncset.done $0x0  }
0x5c: {  	s10 =	simm.s32 @!p2 $0x3;
	[sflag:s0] =	ssyncadd.s32 $0xFFFFF800  }
0x5d: {  	s11 =	simm.s32 $0x2;
	_ =	swait.ge @!p2 [sflag:s10], $0x4000  }
0x5e: {  	v6 =	vmov s11;
	[sflag:s10] =	ssyncset.done @!p2 $0x0  }
0x5f: {  	v7 =	vshll.u32 v6, $0x3;
	[sflag:s10] =	ssyncadd.s32 @!p2 $0xFFFFC000  }
0x60: {  	v6 =	vand.u32 $0x7E, v6;
	v7 =	vand.u32 $0x400, v7;
	v5 =	vld.idx.msk [tilespmem:v5+s4+$0x0], $0xffff  }
0x61: {  	v6 =	vor.u32 v6, v7;
	v7 =	vadd.s32 v1, v4  }
0x62: {  	v8 =	vadd.s32 v0, v6;
	_ =	sdelay $0x1  }
0x63: {  	s14 =	simm.s32 $0xC040;
	s19 =	simm.s32 $0x4  }
0x64: {  	[tilespmem:s14+$0xFFFFFFC0] =	vst v5;
	v5 =	vmov s19  }
0x65: {  	v7 =	vld.idx.msk [tilespmem:v7+s4+$0x0], $0xffff;
	v9 =	vshll.u32 v5, $0x3  }
0x66: {  	v10 =	vadd.s32 v2, v4;
	v8 =	vld.idx.msk [tilespmem:v8+s4+$0x0], $0xffff;
	v5 =	vand.u32 $0x7E, v5;
	v9 =	vand.u32 $0x400, v9  }
0x67: {  	v9 =	vor.u32 v5, v9;
	v5 =	vadd.s32 v1, v6  }
0x68: {  	v11 =	vadd.s32 v0, v9;
	_ =	sdelay $0x1  }
0x69: {  	s20 =	simm.s32 $0x6;
	s12 =	simm.s32 $0xC0C0;
	[tilespmem:s14+$0xFFFFFFD0] =	vst v7  }
0x6a: {  	[tilespmem:s12+$0xFFFFFFC0] =	vst v8;
	v8 =	vmov s20;
	v7 =	vld.idx.msk [tilespmem:v10+s4+$0x0], $0xffff  }
0x6b: {  	v4 =	vadd.s32 v3, v4;
	v10 =	vshll.u32 v8, $0x3;
	v5 =	vld.idx.msk [tilespmem:v5+s4+$0x0], $0xffff  }
0x6c: {  	s21 =	simm.s32 $0x1;
	v12 =	vadd.s32 v2, v6;
	v8 =	vand.u32 $0x7E, v8;
	v10 =	vand.u32 $0x400, v10;
	v11 =	vld.idx.msk [tilespmem:v11+s4+$0x0], $0xffff  }
0x6d: {  	v13 =	vmov s21;
	v10 =	vor.u32 v8, v10;
	v8 =	vadd.s32 v1, v9  }
0x6e: {  	v15 =	vshll.u32 v13, $0x3;
	v14 =	vadd.s32 v0, v10  }
0x6f: {  	[tilespmem:s14+$0xFFFFFFE0] =	vst v7;
	v7 =	vand.u32 $0x7F, v13;
	v13 =	vand.u32 $0x400, v15  }
0x70: {  	s11 =	simm.s32 $0xC140;
	s19 =	simm.s32 $0x8;
	[tilespmem:s12+$0xFFFFFFD0] =	vst v5;
	v4 =	vld.idx.msk [tilespmem:v4+s4+$0x0], $0xffff;
	v7 =	vor.u32 v7, v13  }
0x71: {  	[tilespmem:s11+$0xFFFFFFC0] =	vst v11;
	v5 =	vld.idx.msk [tilespmem:v12+s4+$0x0], $0xffff;
	v11 =	vmov s19;
	v12 =	vadd.s32 v0, v7  }
0x72: {  	v15 =	vadd.s32 v3, v6;
	v8 =	vld.idx.msk [tilespmem:v8+s4+$0x0], $0xffff;
	v13 =	vshll.u32 v11, $0x3  }
0x73: {  	s22 =	simm.s32 $0x3;
	v14 =	vld.idx.msk [tilespmem:v14+s4+$0x0], $0xffff;
	v6 =	vand.u32 $0x7E, v11;
	v11 =	vand.u32 $0x400, v13;
	v13 =	vadd.s32 v2, v9  }
0x74: {  	v16 =	vmov s22;
	v6 =	vor.u32 v6, v11;
	v11 =	vadd.s32 v1, v10  }
0x75: {  	v17 =	vadd.s32 v0, v6;
	[tilespmem:s14+$0xFFFFFFF0] =	vst v4;
	v4 =	vshll.u32 v16, $0x3  }
0x76: {  	[tilespmem:s12+$0xFFFFFFE0] =	vst v5;
	v12 =	vld.idx.msk [tilespmem:v12+s4+$0x0], $0xffff;
	v5 =	vand.u32 $0x7F, v16;
	v4 =	vand.u32 $0x400, v4  }
0x77: {  	s13 =	simm.s32 $0xC1C0;
	s20 =	simm.s32 $0xA;
	[tilespmem:s11+$0xFFFFFFD0] =	vst v8;
	v15 =	vld.idx.msk [tilespmem:v15+s4+$0x0], $0xffff;
	v5 =	vor.u32 v5, v4;
	v4 =	vadd.s32 v1, v7  }
0x78: {  	[tilespmem:s13+$0xFFFFFFC0] =	vst v14;
	v8 =	vmov s20;
	v13 =	vld.idx.msk [tilespmem:v13+s4+$0x0], $0xffff;
	v14 =	vadd.s32 v0, v5  }
0x79: {  	v9 =	vadd.s32 v3, v9;
	v16 =	vshll.u32 v8, $0x3;
	v11 =	vld.idx.msk [tilespmem:v11+s4+$0x0], $0xffff  }
0x7a: {  	s23 =	simm.s32 $0x5;
	v18 =	vadd.s32 v2, v10;
	v8 =	vand.u32 $0x7E, v8;
	v16 =	vand.u32 $0x400, v16;
	v17 =	vld.idx.msk [tilespmem:v17+s4+$0x0], $0xffff  }
0x7b: {  	v8 =	vor.u32 v8, v16;
	v16 =	vadd.s32 v1, v6;
	[tilespmem:s14+$0x0] =	vst v12;
	v12 =	vmov s23  }
0x7c: {  	v19 =	vadd.s32 v0, v8;
	[tilespmem:s12+$0xFFFFFFF0] =	vst v15;
	v15 =	vld.idx.msk [tilespmem:v4+s4+$0x0], $0xffff;
	v4 =	vshll.u32 v12, $0x3  }
0x7d: {  	v12 =	vand.u32 $0x7F, v12;
	[tilespmem:s11+$0xFFFFFFE0] =	vst v13;
	v13 =	vld.idx.msk [tilespmem:v14+s4+$0x0], $0xffff;
	v4 =	vand.u32 $0x400, v4;
	v14 =	vadd.s32 v2, v7  }
0x7e: {  	s16 =	simm.s32 $0xC240;
	s21 =	simm.s32 $0xC;
	[tilespmem:s13+$0xFFFFFFD0] =	vst v11;
	v9 =	vld.idx.msk [tilespmem:v9+s4+$0x0], $0xffff;
	v4 =	vor.u32 v12, v4;
	v12 =	vadd.s32 v1, v5  }
0x7f: {  	v11 =	vmov s21;
	[tilespmem:s16+$0xFFFFFFC0] =	vst v17;
	v21 =	vld.idx.msk [tilespmem:v18+s4+$0x0], $0xffff;
	v22 =	vadd.s32 v0, v4  }
0x80: {  	v10 =	vadd.s32 v3, v10;
	v17 =	vshll.u32 v11, $0x3;
	v16 =	vld.idx.msk [tilespmem:v16+s4+$0x0], $0xffff  }
0x81: {  	v23 =	vadd.s32 v2, v6;
	v11 =	vand.u32 $0x7E, v11;
	v19 =	vld.idx.msk [tilespmem:v19+s4+$0x0], $0xffff;
	[tilespmem:s14+$0x10] =	vst v15;
	v15 =	vand.u32 $0x400, v17  }
0x82: {  	s25 =	simm.s32 $0x7;
	v24 =	vadd.s32 v1, v8;
	[tilespmem:s12+$0x0] =	vst v13;
	v17 =	vld.idx.msk [tilespmem:v14+s4+$0x0], $0xffff;
	v11 =	vor.u32 v11, v15  }
0x83: {  	v14 =	vmov s25;
	[tilespmem:s11+$0xFFFFFFF0] =	vst v9;
	v18 =	vld.idx.msk [tilespmem:v12+s4+$0x0], $0xffff;
	v20 =	vadd.s32 v0, v11  }
0x84: {  	v15 =	vadd.s32 v3, v7;
	v9 =	vshll.u32 v14, $0x3;
	[tilespmem:s13+$0xFFFFFFE0] =	vst v21;
	v13 =	vld.idx.msk [tilespmem:v22+s4+$0x0], $0xffff  }
0x85: {  	s18 =	simm.s32 $0xC2C0;
	v7 =	vand.u32 $0x7F, v14;
	v9 =	vand.u32 $0x400, v9;
	[tilespmem:s16+$0xFFFFFFD0] =	vst v16;
	v12 =	vld.idx.msk [tilespmem:v10+s4+$0x0], $0xffff;
	v16 =	vadd.s32 v2, v5  }
0x86: {  	s10 =	sshll.u32 s9, $0x1;
	s25 =	simm.s32 $0xE;
	[tilespmem:s18+$0xFFFFFFC0] =	vst v19;
	v7 =	vor.u32 v7, v9;
	v9 =	vadd.s32 v1, v4;
	v14 =	vld.idx.msk [tilespmem:v23+s4+$0x0], $0xffff  }
0x87: {  	s22 =	simm.s32 $0x10;
	s17 =	sadd.s32 s5, s10;
	v21 =	vmov s25;
	v19 =	vld.idx.msk [tilespmem:v24+s4+$0x0], $0xffff;
	v10 =	vadd.s32 v0, v7  }
.LBB2_3:
0x88: {  	p1 =	sne.s32 s22, $0xFE;
	v22 =	vshll.u32 v21, $0x3;
	v23 =	vld.idx.msk [tilespmem:v20+s4+$0x0], $0xffff;
	v24 =	vadd.s32 v3, v6;
	[tilespmem:s14+$0x20] =	vst v17;
	v6 =	vmovc v8;
	v8 =	vmov v11;
	s23 =	smov.u32 s11;
	s11 =	smov.u32 s13  }
0x89: {  	v11 =	vand.u32 $0x7E, v21;
	s13 =	smov.u32 s16;
	s16 =	smov.u32 s18;
	v17 =	vand.u32 $0x400, v22;
	v21 =	vadd.s32 v2, v6;
	[tilespmem:s12+$0x10] =	vst v18;
	v22 =	vld.idx.msk [tilespmem:v15+s4+$0x0], $0xffff  }
0x8a: {  	s6 =	sadd.s32 $0x1, s19;
	s19 =	smov.u32 s20;
	s20 =	smov.u32 s21;
	v25 =	vadd.s32 v1, v8;
	v11 =	vor.u32 v11, v17;
	[tilespmem:s23+$0x0] =	vst v13;
	v17 =	vld.idx.msk [tilespmem:v16+s4+$0x0], $0xffff  }
.Ltmp0:
0x8b: {  	s21 =	smov.u32 s25;
	s25 =	smov.u32 s22;
	v16 =	vmov s6;
	v20 =	vadd.s32 v0, v11;
	[tilespmem:s11+$0xFFFFFFF0] =	vst v12;
	v18 =	vld.idx.msk [tilespmem:v9+s4+$0x0], $0xffff;
	(pc) =	sbr.rel @p1 .LBB2_3-.Ltmp0, $4  }
0x8c: {  	v15 =	vadd.s32 v3, v5;
	v5 =	vmovc v4;
	v4 =	vmov v7;
	v9 =	vshll.u32 v16, $0x3;
	[tilespmem:s13+$0xFFFFFFE0] =	vst v14;
	v13 =	vld.idx.msk [tilespmem:v10+s4+$0x0], $0xffff  }
0x8d: {  	s18 =	sadd.s32 $0x80, s18;
	v7 =	vand.u32 $0x7F, v16;
	v16 =	vadd.s32 v2, v5;
	v9 =	vand.u32 $0x400, v9;
	[tilespmem:s16+$0xFFFFFFD0] =	vst v19;
	v12 =	vld.idx.msk [tilespmem:v24+s4+$0x0], $0xffff  }
0x8e: {  	v7 =	vor.u32 v7, v9;
	v9 =	vadd.s32 v1, v4;
	[tilespmem:s18+$0xFFFFFFC0] =	vst v23;
	v14 =	vld.idx.msk [tilespmem:v21+s4+$0x0], $0xffff  }
0x8f: {  	s22 =	sadd.s32 $0x2, s22;
	v21 =	vmov s25;
	v10 =	vadd.s32 v0, v7;
	v19 =	vld.idx.msk [tilespmem:v25+s4+$0x0], $0xffff;
	[tilespmem:s14+$0x30] =	vst v22;
	s14 =	smov.u32 s12;
	s12 =	smov.u32 s23  }
0x90: {  	v22 =	vshll.u32 v21, $0x3  }
0x91: {  	v21 =	vand.u32 $0x7E, v21;
	v22 =	vand.u32 $0x400, v22  }
0x92: {  	v21 =	vor.u32 v21, v22  }
0x93: {  	v22 =	vadd.s32 v0, v21;
	_ =	sdelay $0x3  }
0x94: {  	v20 =	vld.idx.msk [tilespmem:v20+s4+$0x0], $0xffff  }
0x95: {  	v23 =	vadd.s32 v1, v11;
	v22 =	vld.idx.msk [tilespmem:v22+s4+$0x0], $0xffff  }
0x96: {  	v24 =	vadd.s32 v1, v21;
	_ =	sdelay $0x1  }
0x97: {  	s23 =	sadd.s32 $0x80, s18  }
0x98: {  	s22 =	sadd.s32 $0x80, s23;
	[tilespmem:s23+$0xFFFFFFC0] =	vst v20  }
0x99: {  	v20 =	vadd.s32 v2, v8;
	v23 =	vld.idx.msk [tilespmem:v23+s4+$0x0], $0xffff;
	[tilespmem:s22+$0xFFFFFFC0] =	vst v22  }
0x9a: {  	[tilespmem:s14+$0x20] =	vst v17;
	v22 =	vadd.s32 v2, v11;
	v24 =	vld.idx.msk [tilespmem:v24+s4+$0x0], $0xffff  }
0x9b: {  	[tilespmem:s12+$0x10] =	vst v18;
	v17 =	vadd.s32 v2, v21  }
0x9c: {  	s6 =	sadd.s32 $0x1, s19;
	[tilespmem:s11+$0x0] =	vst v13  }
0x9d: {  	v18 =	vmov s6;
	v15 =	vld.idx.msk [tilespmem:v15+s4+$0x0], $0xffff;
	[tilespmem:s18+$0xFFFFFFD0] =	vst v19  }
0x9e: {  	v6 =	vadd.s32 v3, v6;
	s20 =	sadd.s32 $0x1, s20;
	v21 =	vadd.s32 v3, v21;
	v19 =	vshll.u32 v18, $0x3;
	v20 =	vld.idx.msk [tilespmem:v20+s4+$0x0], $0xffff;
	[tilespmem:s23+$0xFFFFFFD0] =	vst v23  }
0x9f: {  	v18 =	vand.u32 $0x7F, v18;
	v8 =	vadd.s32 v3, v8;
	v23 =	vmov s20;
	v22 =	vld.idx.msk [tilespmem:v22+s4+$0x0], $0xffff;
	[tilespmem:s22+$0xFFFFFFD0] =	vst v24  }
0xa0: {  	s21 =	sadd.s32 $0x1, s21;
	[tilespmem:s13+$0xFFFFFFF0] =	vst v12;
	v19 =	vand.u32 $0x400, v19;
	v13 =	vshll.u32 v23, $0x3;
	v11 =	vadd.s32 v3, v11;
	v17 =	vld.idx.msk [tilespmem:v17+s4+$0x0], $0xffff  }
0xa1: {  	s25 =	sadd.s32 $0x1, s25;
	[tilespmem:s16+$0xFFFFFFE0] =	vst v14;
	v14 =	vld.idx.msk [tilespmem:v16+s4+$0x0], $0xffff;
	v16 =	vor.u32 v18, v19;
	v12 =	vand.u32 $0x400, v13;
	v13 =	vmov s21  }
0xa2: {  	v19 =	vmov s25;
	v23 =	vand.u32 $0x7F, v23;
	v18 =	vshll.u32 v13, $0x3  }
0xa3: {  	v6 =	vld.idx.msk [tilespmem:v6+s4+$0x0], $0xffff;
	v12 =	vor.u32 v23, v12;
	v13 =	vand.u32 $0x7F, v13;
	[tilespmem:s18+$0xFFFFFFE0] =	vst v20;
	v18 =	vand.u32 $0x400, v18  }
0xa4: {  	v20 =	vadd.s32 v0, v16;
	v8 =	vld.idx.msk [tilespmem:v8+s4+$0x0], $0xffff;
	v13 =	vor.u32 v13, v18;
	v18 =	vshll.u32 v19, $0x3;
	[tilespmem:s23+$0xFFFFFFE0] =	vst v22  }
0xa5: {  	v18 =	vand.u32 $0x400, v18;
	v22 =	vadd.s32 v0, v12;
	v11 =	vld.idx.msk [tilespmem:v11+s4+$0x0], $0xffff;
	[tilespmem:s22+$0xFFFFFFE0] =	vst v17;
	v17 =	vand.u32 $0x7F, v19  }
0xa6: {  	[tilespmem:s14+$0x30] =	vst v15;
	v15 =	vadd.s32 v0, v13;
	v19 =	vld.idx.msk [tilespmem:v21+s4+$0x0], $0xffff;
	v17 =	vor.u32 v17, v18  }
0xa7: {  	v9 =	vld.idx.msk [tilespmem:v9+s4+$0x0], $0xffff;
	[tilespmem:s12+$0x20] =	vst v14;
	v14 =	vadd.s32 v0, v17  }
0xa8: {  	v5 =	vadd.s32 v3, v5;
	v10 =	vld.idx.msk [tilespmem:v10+s4+$0x0], $0xffff;
	[tilespmem:s16+$0xFFFFFFF0] =	vst v6  }
0xa9: {  	v6 =	vadd.s32 v1, v7;
	[tilespmem:s18+$0xFFFFFFF0] =	vst v8;
	v18 =	vld.idx.msk [tilespmem:v20+s4+$0x0], $0xffff  }
0xaa: {  	v8 =	vadd.s32 v1, v16;
	v20 =	vld.idx.msk [tilespmem:v22+s4+$0x0], $0xffff;
	[tilespmem:s23+$0xFFFFFFF0] =	vst v11  }
0xab: {  	v11 =	vadd.s32 v1, v12;
	v15 =	vld.idx.msk [tilespmem:v15+s4+$0x0], $0xffff;
	[tilespmem:s22+$0xFFFFFFF0] =	vst v19  }
0xac: {  	[tilespmem:s11+$0x10] =	vst v9;
	v9 =	vadd.s32 v1, v13;
	v14 =	vld.idx.msk [tilespmem:v14+s4+$0x0], $0xffff  }
0xad: {  	[tilespmem:s13+$0x0] =	vst v10;
	v5 =	vld.idx.msk [tilespmem:v5+s4+$0x0], $0xffff;
	v10 =	vadd.s32 v1, v17  }
0xae: {  	v6 =	vld.idx.msk [tilespmem:v6+s4+$0x0], $0xffff;
	v19 =	vadd.s32 v2, v4;
	[tilespmem:s16+$0x0] =	vst v18  }
0xaf: {  	v18 =	vadd.s32 v2, v7;
	v8 =	vld.idx.msk [tilespmem:v8+s4+$0x0], $0xffff;
	[tilespmem:s18+$0x0] =	vst v20  }
0xb0: {  	v20 =	vadd.s32 v2, v16;
	v11 =	vld.idx.msk [tilespmem:v11+s4+$0x0], $0xffff;
	[tilespmem:s23+$0x0] =	vst v15  }
0xb1: {  	v15 =	vadd.s32 v2, v12;
	v9 =	vld.idx.msk [tilespmem:v9+s4+$0x0], $0xffff;
	[tilespmem:s22+$0x0] =	vst v14  }
0xb2: {  	[tilespmem:s12+$0x30] =	vst v5;
	v5 =	vadd.s32 v2, v13;
	v10 =	vld.idx.msk [tilespmem:v10+s4+$0x0], $0xffff  }
0xb3: {  	[tilespmem:s13+$0x10] =	vst v6;
	v6 =	vadd.s32 v2, v17;
	v14 =	vld.idx.msk [tilespmem:v19+s4+$0x0], $0xffff  }
0xb4: {  	v4 =	vadd.s32 v3, v4;
	v18 =	vld.idx.msk [tilespmem:v18+s4+$0x0], $0xffff;
	[tilespmem:s16+$0x10] =	vst v8  }
0xb5: {  	v7 =	vadd.s32 v3, v7;
	v8 =	vld.idx.msk [tilespmem:v20+s4+$0x0], $0xffff;
	[tilespmem:s18+$0x10] =	vst v11  }
0xb6: {  	v11 =	vadd.s32 v3, v16;
	v15 =	vld.idx.msk [tilespmem:v15+s4+$0x0], $0xffff;
	[tilespmem:s23+$0x10] =	vst v9  }
0xb7: {  	v9 =	vadd.s32 v3, v12;
	v5 =	vld.idx.msk [tilespmem:v5+s4+$0x0], $0xffff;
	[tilespmem:s22+$0x10] =	vst v10  }
0xb8: {  	[tilespmem:s11+$0x20] =	vst v14;
	v10 =	vadd.s32 v3, v13;
	v6 =	vld.idx.msk [tilespmem:v6+s4+$0x0], $0xffff  }
0xb9: {  	[tilespmem:s13+$0x20] =	vst v18;
	v12 =	vadd.s32 v3, v17;
	v4 =	vld.idx.msk [tilespmem:v4+s4+$0x0], $0xffff  }
0xba: {  	v7 =	vld.idx.msk [tilespmem:v7+s4+$0x0], $0xffff;
	[tilespmem:s16+$0x20] =	vst v8  }
0xbb: {  	v8 =	vld.idx.msk [tilespmem:v11+s4+$0x0], $0xffff;
	[tilespmem:s18+$0x20] =	vst v15  }
0xbc: {  	v9 =	vld.idx.msk [tilespmem:v9+s4+$0x0], $0xffff;
	[tilespmem:s23+$0x20] =	vst v5  }
0xbd: {  	v5 =	vld.idx.msk [tilespmem:v10+s4+$0x0], $0xffff;
	[tilespmem:s22+$0x20] =	vst v6  }
0xbe: {  	[tilespmem:s11+$0x30] =	vst v4;
	v4 =	vld.idx.msk [tilespmem:v12+s4+$0x0], $0xffff  }
0xbf: {  	p1 =	seq.s32 s9, $0x3D;
	[tilespmem:s13+$0x30] =	vst v7  }
0xc0: {  	s6 =	sadd.s32 @!p1 s10, s24;
	[tilespmem:s16+$0x30] =	vst v8  }
0xc1: {  	s6 =	smin.u32 @!p1 s6, $0xF41;
	[tilespmem:s18+$0x30] =	vst v9  }
0xc2: {  	s6 =	sshll.u32 @!p1 s6, $0x8;
	[tilespmem:s23+$0x30] =	vst v5  }
0xc3: {  	s6 =	sadd.s32 @!p1 s1, s6;
	s11 =	simm.s32 @!p1 $0x0;
	[tilespmem:s22+$0x30] =	vst v4  }
0xc4: {  	[tilespmem:s11], [sflag:$0x1] =	stream.linear.gather @!p1 [hbm4b:s6+s11], $0x800, $0x38;
	[tilespmem:$0x14000] =	vst v63  }
0xc5: {  	s12 =	sadd.s32 @!p1 $0xF4280, s6;
	s13 =	simm.s32 @!p1 $0xC00  }
0xc6: {  	[tilespmem:s13], [sflag:$0x1] =	stream.linear.gather @!p1 [hbm4b:s12+s11], $0x800, $0x38;
	[tilespmem:$0x14000] =	vst v63  }
0xc7: {  	s12 =	sadd.s32 @!p1 $0x1E8500, s6;
	s13 =	simm.s32 @!p1 $0x1800  }
0xc8: {  	[tilespmem:s13], [sflag:$0x1] =	stream.linear.gather @!p1 [hbm4b:s12+s11], $0x800, $0x38;
	[tilespmem:$0x14000] =	vst v63  }
0xc9: {  	s12 =	sadd.s32 @!p1 $0x2DC780, s6;
	s13 =	simm.s32 @!p1 $0x2400  }
0xca: {  	[tilespmem:s13], [sflag:$0x1] =	stream.linear.gather @!p1 [hbm4b:s12+s11], $0x800, $0x38;
	[tilespmem:$0x14000] =	vst v63  }
0xcb: {  	s12 =	sadd.s32 @!p1 $0x3D0A00, s6;
	s13 =	simm.s32 @!p1 $0x3000  }
0xcc: {  	[tilespmem:s13], [sflag:$0x1] =	stream.linear.gather @!p1 [hbm4b:s12+s11], $0x800, $0x38;
	[tilespmem:$0x14000] =	vst v63  }
0xcd: {  	s12 =	sadd.s32 @!p1 $0x4C4C80, s6;
	s13 =	simm.s32 @!p1 $0x3C00  }
0xce: {  	[tilespmem:s13], [sflag:$0x1] =	stream.linear.gather @!p1 [hbm4b:s12+s11], $0x800, $0x38;
	[tilespmem:$0x14000] =	vst v63  }
0xcf: {  	s12 =	sadd.s32 @!p1 $0x5B8F00, s6;
	s13 =	simm.s32 @!p1 $0x4800  }
0xd0: {  	[tilespmem:s13], [sflag:$0x1] =	stream.linear.gather @!p1 [hbm4b:s12+s11], $0x800, $0x38;
	[tilespmem:$0x14000] =	vst v63  }
0xd1: {  	s6 =	sadd.s32 @!p1 $0x6AD180, s6;
	s12 =	simm.s32 @!p1 $0x5400;
	s13 =	sshll.u32 s17, $0xB  }
0xd2: {  	[tilespmem:s12], [sflag:$0x1] =	stream.linear.gather @!p1 [hbm4b:s6+s11], $0x800, $0x38;
	[tilespmem:$0x14000] =	vst v63  }
0xd3: {  	s6 =	sadd.s32 s15, s13  }
0xd4: {  	[hbm4b:s6+s4] =	stream.linear.scatter [tilespmem:s2], [sflag:$0x3], $0x4000, $0x38;
	[tilespmem:$0x14000] =	vst v63  }
0xd5: {  	_ =	swait.ge [sflag:s29], $0x800  }
0xd6: {  	[sflag:s29] =	ssyncset.done $0x0  }
0xd7: {  	[sflag:s29] =	ssyncadd.s32 $0xFFFFF800  }
0xd8: {  	_ =	swait.ge [sflag:s29], $0x800  }
0xd9: {  	[sflag:s29] =	ssyncset.done $0x0  }
0xda: {  	[sflag:s29] =	ssyncadd.s32 $0xFFFFF800  }
0xdb: {  	_ =	swait.ge [sflag:s29], $0x800  }
0xdc: {  	[sflag:s29] =	ssyncset.done $0x0  }
0xdd: {  	[sflag:s29] =	ssyncadd.s32 $0xFFFFF800  }
0xde: {  	_ =	swait.ge [sflag:s29], $0x800  }
0xdf: {  	[sflag:s29] =	ssyncset.done $0x0  }
0xe0: {  	[sflag:s29] =	ssyncadd.s32 $0xFFFFF800  }
0xe1: {  	_ =	swait.ge [sflag:s29], $0x800  }
0xe2: {  	[sflag:s29] =	ssyncset.done $0x0  }
0xe3: {  	[sflag:s29] =	ssyncadd.s32 $0xFFFFF800  }
0xe4: {  	_ =	swait.ge [sflag:s29], $0x800  }
0xe5: {  	[sflag:s29] =	ssyncset.done $0x0  }
0xe6: {  	s14 =	simm.s32 $0x0;
	[sflag:s29] =	ssyncadd.s32 $0xFFFFF800  }
0xe7: {  	v4 =	vmov s14;
	_ =	swait.ge [sflag:s29], $0x800  }
0xe8: {  	v5 =	vshll.u32 v4, $0x3;
	[sflag:s29] =	ssyncset.done $0x0  }
0xe9: {  	v4 =	vand.u32 $0x7E, v4;
	v5 =	vand.u32 $0x400, v5;
	[sflag:s29] =	ssyncadd.s32 $0xFFFFF800  }
0xea: {  	v4 =	vor.u32 v4, v5;
	_ =	swait.ge [sflag:s29], $0x800  }
0xeb: {  	v5 =	vadd.s32 v0, v4;
	[sflag:s29] =	ssyncset.done $0x0  }
0xec: {  	s6 =	simm.s32 @!p2 $0x4;
	[sflag:s29] =	ssyncadd.s32 $0xFFFFF800  }
0xed: {  	s16 =	simm.s32 $0x2;
	_ =	swait.ge @!p2 [sflag:s6], $0x4000  }
0xee: {  	v6 =	vmov s16;
	[sflag:s6] =	ssyncset.done @!p2 $0x0  }
0xef: {  	v7 =	vshll.u32 v6, $0x3;
	[sflag:s6] =	ssyncadd.s32 @!p2 $0xFFFFC000  }
0xf0: {  	v6 =	vand.u32 $0x7E, v6;
	v7 =	vand.u32 $0x400, v7;
	v5 =	vld.idx.msk [tilespmem:v5+s30+$0x0], $0xffff  }
0xf1: {  	v6 =	vor.u32 v6, v7;
	v7 =	vadd.s32 v1, v4  }
0xf2: {  	v8 =	vadd.s32 v0, v6;
	_ =	sdelay $0x1  }
0xf3: {  	s14 =	simm.s32 $0x10040;
	s17 =	simm.s32 $0x4  }
0xf4: {  	[tilespmem:s14+$0xFFFFFFC0] =	vst v5;
	v5 =	vmov s17  }
0xf5: {  	v7 =	vld.idx.msk [tilespmem:v7+s30+$0x0], $0xffff;
	v9 =	vshll.u32 v5, $0x3  }
0xf6: {  	v10 =	vadd.s32 v2, v4;
	v8 =	vld.idx.msk [tilespmem:v8+s30+$0x0], $0xffff;
	v5 =	vand.u32 $0x7E, v5;
	v9 =	vand.u32 $0x400, v9  }
0xf7: {  	v9 =	vor.u32 v5, v9;
	v5 =	vadd.s32 v1, v6  }
0xf8: {  	v11 =	vadd.s32 v0, v9;
	_ =	sdelay $0x1  }
0xf9: {  	s18 =	simm.s32 $0x6;
	s12 =	simm.s32 $0x100C0;
	[tilespmem:s14+$0xFFFFFFD0] =	vst v7  }
0xfa: {  	[tilespmem:s12+$0xFFFFFFC0] =	vst v8;
	v8 =	vmov s18;
	v7 =	vld.idx.msk [tilespmem:v10+s30+$0x0], $0xffff  }
0xfb: {  	v4 =	vadd.s32 v3, v4;
	v10 =	vshll.u32 v8, $0x3;
	v5 =	vld.idx.msk [tilespmem:v5+s30+$0x0], $0xffff  }
0xfc: {  	s19 =	simm.s32 $0x1;
	v12 =	vadd.s32 v2, v6;
	v8 =	vand.u32 $0x7E, v8;
	v10 =	vand.u32 $0x400, v10;
	v11 =	vld.idx.msk [tilespmem:v11+s30+$0x0], $0xffff  }
0xfd: {  	v13 =	vmov s19;
	v10 =	vor.u32 v8, v10;
	v8 =	vadd.s32 v1, v9  }
0xfe: {  	v15 =	vshll.u32 v13, $0x3;
	v14 =	vadd.s32 v0, v10  }
0xff: {  	[tilespmem:s14+$0xFFFFFFE0] =	vst v7;
	v7 =	vand.u32 $0x7F, v13;
	v13 =	vand.u32 $0x400, v15  }
0x100: {  	s19 =	simm.s32 $0x8;
	s11 =	simm.s32 $0x10140;
	[tilespmem:s12+$0xFFFFFFD0] =	vst v5;
	v4 =	vld.idx.msk [tilespmem:v4+s30+$0x0], $0xffff;
	v7 =	vor.u32 v7, v13  }
0x101: {  	[tilespmem:s11+$0xFFFFFFC0] =	vst v11;
	v5 =	vld.idx.msk [tilespmem:v12+s30+$0x0], $0xffff;
	v11 =	vmov s19;
	v12 =	vadd.s32 v0, v7  }
0x102: {  	v15 =	vadd.s32 v3, v6;
	v8 =	vld.idx.msk [tilespmem:v8+s30+$0x0], $0xffff;
	v13 =	vshll.u32 v11, $0x3  }
0x103: {  	s20 =	simm.s32 $0x3;
	v14 =	vld.idx.msk [tilespmem:v14+s30+$0x0], $0xffff;
	v6 =	vand.u32 $0x7E, v11;
	v11 =	vand.u32 $0x400, v13;
	v13 =	vadd.s32 v2, v9  }
0x104: {  	v16 =	vmov s20;
	v6 =	vor.u32 v6, v11;
	v11 =	vadd.s32 v1, v10  }
0x105: {  	v17 =	vadd.s32 v0, v6;
	[tilespmem:s14+$0xFFFFFFF0] =	vst v4;
	v4 =	vshll.u32 v16, $0x3  }
0x106: {  	[tilespmem:s12+$0xFFFFFFE0] =	vst v5;
	v12 =	vld.idx.msk [tilespmem:v12+s30+$0x0], $0xffff;
	v5 =	vand.u32 $0x7F, v16;
	v4 =	vand.u32 $0x400, v4  }
0x107: {  	s20 =	simm.s32 $0xA;
	s13 =	simm.s32 $0x101C0;
	[tilespmem:s11+$0xFFFFFFD0] =	vst v8;
	v15 =	vld.idx.msk [tilespmem:v15+s30+$0x0], $0xffff;
	v5 =	vor.u32 v5, v4;
	v4 =	vadd.s32 v1, v7  }
0x108: {  	[tilespmem:s13+$0xFFFFFFC0] =	vst v14;
	v8 =	vmov s20;
	v13 =	vld.idx.msk [tilespmem:v13+s30+$0x0], $0xffff;
	v14 =	vadd.s32 v0, v5  }
0x109: {  	v9 =	vadd.s32 v3, v9;
	v16 =	vshll.u32 v8, $0x3;
	v11 =	vld.idx.msk [tilespmem:v11+s30+$0x0], $0xffff  }
0x10a: {  	s21 =	simm.s32 $0x5;
	v18 =	vadd.s32 v2, v10;
	v8 =	vand.u32 $0x7E, v8;
	v16 =	vand.u32 $0x400, v16;
	v17 =	vld.idx.msk [tilespmem:v17+s30+$0x0], $0xffff  }
0x10b: {  	v8 =	vor.u32 v8, v16;
	v16 =	vadd.s32 v1, v6;
	[tilespmem:s14+$0x0] =	vst v12;
	v12 =	vmov s21  }
0x10c: {  	v19 =	vadd.s32 v0, v8;
	[tilespmem:s12+$0xFFFFFFF0] =	vst v15;
	v15 =	vld.idx.msk [tilespmem:v4+s30+$0x0], $0xffff;
	v4 =	vshll.u32 v12, $0x3  }
0x10d: {  	v12 =	vand.u32 $0x7F, v12;
	[tilespmem:s11+$0xFFFFFFE0] =	vst v13;
	v13 =	vld.idx.msk [tilespmem:v14+s30+$0x0], $0xffff;
	v4 =	vand.u32 $0x400, v4;
	v14 =	vadd.s32 v2, v7  }
0x10e: {  	s16 =	simm.s32 $0x10240;
	s21 =	simm.s32 $0xC;
	[tilespmem:s13+$0xFFFFFFD0] =	vst v11;
	v9 =	vld.idx.msk [tilespmem:v9+s30+$0x0], $0xffff;
	v4 =	vor.u32 v12, v4;
	v12 =	vadd.s32 v1, v5  }
0x10f: {  	v11 =	vmov s21;
	[tilespmem:s16+$0xFFFFFFC0] =	vst v17;
	v21 =	vld.idx.msk [tilespmem:v18+s30+$0x0], $0xffff;
	v22 =	vadd.s32 v0, v4  }
0x110: {  	v10 =	vadd.s32 v3, v10;
	v17 =	vshll.u32 v11, $0x3;
	v16 =	vld.idx.msk [tilespmem:v16+s30+$0x0], $0xffff  }
0x111: {  	v23 =	vadd.s32 v2, v6;
	v11 =	vand.u32 $0x7E, v11;
	v19 =	vld.idx.msk [tilespmem:v19+s30+$0x0], $0xffff;
	[tilespmem:s14+$0x10] =	vst v15;
	v15 =	vand.u32 $0x400, v17  }
0x112: {  	s22 =	simm.s32 $0x7;
	v63 =	vadd.s32 v1, v8;
	[tilespmem:s12+$0x0] =	vst v13;
	v17 =	vld.idx.msk [tilespmem:v14+s30+$0x0], $0xffff;
	v11 =	vor.u32 v11, v15  }
0x113: {  	v14 =	vmov s22;
	[tilespmem:s11+$0xFFFFFFF0] =	vst v9;
	v18 =	vld.idx.msk [tilespmem:v12+s30+$0x0], $0xffff;
	v20 =	vadd.s32 v0, v11  }
0x114: {  	v15 =	vadd.s32 v3, v7;
	v9 =	vshll.u32 v14, $0x3;
	[tilespmem:s13+$0xFFFFFFE0] =	vst v21;
	v13 =	vld.idx.msk [tilespmem:v22+s30+$0x0], $0xffff  }
0x115: {  	s18 =	simm.s32 $0x102C0;
	v7 =	vand.u32 $0x7F, v14;
	v9 =	vand.u32 $0x400, v9;
	[tilespmem:s16+$0xFFFFFFD0] =	vst v16;
	v12 =	vld.idx.msk [tilespmem:v10+s30+$0x0], $0xffff;
	v16 =	vadd.s32 v2, v5  }
0x116: {  	s25 =	simm.s32 $0xE;
	s23 =	sadd.s32 s10, s26;
	[tilespmem:s18+$0xFFFFFFC0] =	vst v19;
	v7 =	vor.u32 v7, v9;
	v9 =	vadd.s32 v1, v4;
	v14 =	vld.idx.msk [tilespmem:v23+s30+$0x0], $0xffff  }
0x117: {  	s17 =	smin.u32 s23, $0xF41;
	s22 =	simm.s32 $0x10;
	v21 =	vmov s25;
	v19 =	vld.idx.msk [tilespmem:v63+s30+$0x0], $0xffff;
	v10 =	vadd.s32 v0, v7  }
.LBB2_5:
0x118: {  	p2 =	sne.s32 s22, $0xFE;
	v22 =	vshll.u32 v21, $0x3;
	v23 =	vld.idx.msk [tilespmem:v20+s30+$0x0], $0xffff;
	v24 =	vadd.s32 v3, v6;
	[tilespmem:s14+$0x20] =	vst v17;
	v6 =	vmovc v8;
	v8 =	vmov v11;
	s6 =	smov.u32 s11;
	s11 =	smov.u32 s13  }
0x119: {  	v11 =	vand.u32 $0x7E, v21;
	s13 =	smov.u32 s16;
	s16 =	smov.u32 s18;
	v17 =	vand.u32 $0x400, v22;
	v21 =	vadd.s32 v2, v6;
	[tilespmem:s12+$0x10] =	vst v18;
	v22 =	vld.idx.msk [tilespmem:v15+s30+$0x0], $0xffff  }
0x11a: {  	s23 =	sadd.s32 $0x1, s19;
	s19 =	smov.u32 s20;
	s20 =	smov.u32 s21;
	v25 =	vadd.s32 v1, v8;
	v11 =	vor.u32 v11, v17;
	[tilespmem:s6+$0x0] =	vst v13;
	v17 =	vld.idx.msk [tilespmem:v16+s30+$0x0], $0xffff  }
.Ltmp1:
0x11b: {  	s21 =	smov.u32 s25;
	s25 =	smov.u32 s22;
	v16 =	vmov s23;
	v20 =	vadd.s32 v0, v11;
	[tilespmem:s11+$0xFFFFFFF0] =	vst v12;
	v18 =	vld.idx.msk [tilespmem:v9+s30+$0x0], $0xffff;
	(pc) =	sbr.rel @p2 .LBB2_5-.Ltmp1, $4  }
0x11c: {  	v15 =	vadd.s32 v3, v5;
	v5 =	vmovc v4;
	v4 =	vmov v7;
	v9 =	vshll.u32 v16, $0x3;
	[tilespmem:s13+$0xFFFFFFE0] =	vst v14;
	v13 =	vld.idx.msk [tilespmem:v10+s30+$0x0], $0xffff  }
0x11d: {  	s18 =	sadd.s32 $0x80, s18;
	v7 =	vand.u32 $0x7F, v16;
	v16 =	vadd.s32 v2, v5;
	v9 =	vand.u32 $0x400, v9;
	[tilespmem:s16+$0xFFFFFFD0] =	vst v19;
	v12 =	vld.idx.msk [tilespmem:v24+s30+$0x0], $0xffff  }
0x11e: {  	v7 =	vor.u32 v7, v9;
	v9 =	vadd.s32 v1, v4;
	[tilespmem:s18+$0xFFFFFFC0] =	vst v23;
	v14 =	vld.idx.msk [tilespmem:v21+s30+$0x0], $0xffff  }
0x11f: {  	s22 =	sadd.s32 $0x2, s22;
	v21 =	vmov s25;
	v10 =	vadd.s32 v0, v7;
	v19 =	vld.idx.msk [tilespmem:v25+s30+$0x0], $0xffff;
	[tilespmem:s14+$0x30] =	vst v22;
	s14 =	smov.u32 s12;
	s12 =	smov.u32 s6  }
0x120: {  	v22 =	vshll.u32 v21, $0x3  }
0x121: {  	v61 =	vand.u32 $0x7E, v21;
	v22 =	vand.u32 $0x400, v22  }
0x122: {  	v21 =	vor.u32 v61, v22  }
0x123: {  	v22 =	vadd.s32 v0, v21;
	_ =	sdelay $0x3  }
0x124: {  	v20 =	vld.idx.msk [tilespmem:v20+s30+$0x0], $0xffff  }
0x125: {  	v23 =	vadd.s32 v1, v11;
	v22 =	vld.idx.msk [tilespmem:v22+s30+$0x0], $0xffff  }
0x126: {  	v24 =	vadd.s32 v1, v21;
	_ =	sdelay $0x1  }
0x127: {  	s23 =	sadd.s32 $0x80, s18  }
0x128: {  	s22 =	sadd.s32 $0x80, s23;
	[tilespmem:s23+$0xFFFFFFC0] =	vst v20  }
0x129: {  	v62 =	vadd.s32 v2, v8;
	v23 =	vld.idx.msk [tilespmem:v23+s30+$0x0], $0xffff;
	[tilespmem:s22+$0xFFFFFFC0] =	vst v22  }
0x12a: {  	v63 =	vadd.s32 v2, v11;
	v24 =	vld.idx.msk [tilespmem:v24+s30+$0x0], $0xffff  }
0x12b: {  	[tilespmem:s14+$0x20] =	vst v17;
	v26 =	vadd.s32 v2, v21  }
0x12c: {  	[tilespmem:s12+$0x10] =	vst v18  }
0x12d: {  	s6 =	sadd.s32 $0x1, s19;
	s19 =	sadd.s32 $0x1, s20;
	v6 =	vadd.s32 v3, v6;
	[tilespmem:s18+$0xFFFFFFD0] =	vst v19  }
0x12e: {  	v30 =	vadd.s32 v3, v8;
	s20 =	sadd.s32 $0x1, s21;
	s21 =	sadd.s32 $0x1, s25;
	v27 =	vmov s6;
	v28 =	vmov s19;
	v20 =	vld.idx.msk [tilespmem:v62+s30+$0x0], $0xffff;
	[tilespmem:s23+$0xFFFFFFD0] =	vst v23  }
0x12f: {  	v32 =	vadd.s32 v3, v11;
	v34 =	vmov s20;
	v38 =	vmov s21;
	v22 =	vld.idx.msk [tilespmem:v63+s30+$0x0], $0xffff;
	[tilespmem:s22+$0xFFFFFFD0] =	vst v24  }
0x130: {  	[tilespmem:s11+$0x0] =	vst v13;
	v29 =	vshll.u32 v27, $0x3;
	v18 =	vand.u32 $0x7F, v27;
	v31 =	vshll.u32 v28, $0x3;
	v17 =	vld.idx.msk [tilespmem:v26+s30+$0x0], $0xffff  }
0x131: {  	v15 =	vld.idx.msk [tilespmem:v15+s30+$0x0], $0xffff;
	[tilespmem:s13+$0xFFFFFFF0] =	vst v12;
	v37 =	vshll.u32 v34, $0x3;
	v13 =	vand.u32 $0x7F, v34;
	v21 =	vadd.s32 v3, v21  }
0x132: {  	v35 =	vld.idx.msk [tilespmem:v16+s30+$0x0], $0xffff;
	v40 =	vshll.u32 v38, $0x3;
	v42 =	vand.u32 $0x7F, v38;
	[tilespmem:s16+$0xFFFFFFE0] =	vst v14;
	v23 =	vand.u32 $0x400, v29  }
0x133: {  	v33 =	vand.u32 $0x400, v31;
	v19 =	vand.u32 $0x7F, v28;
	v6 =	vld.idx.msk [tilespmem:v6+s30+$0x0], $0xffff;
	[tilespmem:s18+$0xFFFFFFE0] =	vst v20;
	v36 =	vor.u32 v18, v23  }
0x134: {  	v12 =	vor.u32 v19, v33;
	v8 =	vld.idx.msk [tilespmem:v30+s30+$0x0], $0xffff;
	v18 =	vand.u32 $0x400, v37;
	v39 =	vadd.s32 v0, v36;
	[tilespmem:s23+$0xFFFFFFE0] =	vst v22  }
0x135: {  	v41 =	vadd.s32 v0, v12;
	v13 =	vor.u32 v13, v18;
	v18 =	vand.u32 $0x400, v40;
	v11 =	vld.idx.msk [tilespmem:v32+s30+$0x0], $0xffff;
	[tilespmem:s22+$0xFFFFFFE0] =	vst v17  }
0x136: {  	[tilespmem:s14+$0x30] =	vst v15;
	v43 =	vadd.s32 v0, v13;
	v17 =	vor.u32 v42, v18;
	v44 =	vld.idx.msk [tilespmem:v21+s30+$0x0], $0xffff  }
0x137: {  	v9 =	vld.idx.msk [tilespmem:v9+s30+$0x0], $0xffff;
	[tilespmem:s12+$0x20] =	vst v35;
	v45 =	vadd.s32 v0, v17  }
0x138: {  	v5 =	vadd.s32 v3, v5;
	v10 =	vld.idx.msk [tilespmem:v10+s30+$0x0], $0xffff;
	[tilespmem:s16+$0xFFFFFFF0] =	vst v6  }
0x139: {  	v46 =	vadd.s32 v1, v7;
	[tilespmem:s18+$0xFFFFFFF0] =	vst v8;
	v47 =	vld.idx.msk [tilespmem:v39+s30+$0x0], $0xffff  }
0x13a: {  	v48 =	vadd.s32 v1, v36;
	v49 =	vld.idx.msk [tilespmem:v41+s30+$0x0], $0xffff;
	[tilespmem:s23+$0xFFFFFFF0] =	vst v11  }
0x13b: {  	v50 =	vadd.s32 v1, v12;
	v15 =	vld.idx.msk [tilespmem:v43+s30+$0x0], $0xffff;
	[tilespmem:s22+$0xFFFFFFF0] =	vst v44  }
0x13c: {  	[tilespmem:s11+$0x10] =	vst v9;
	v51 =	vadd.s32 v1, v13;
	v14 =	vld.idx.msk [tilespmem:v45+s30+$0x0], $0xffff  }
0x13d: {  	v5 =	vld.idx.msk [tilespmem:v5+s30+$0x0], $0xffff;
	[tilespmem:s13+$0x0] =	vst v10;
	v52 =	vadd.s32 v1, v17  }
0x13e: {  	v53 =	vadd.s32 v2, v4;
	v6 =	vld.idx.msk [tilespmem:v46+s30+$0x0], $0xffff;
	[tilespmem:s16+$0x0] =	vst v47  }
0x13f: {  	v54 =	vadd.s32 v2, v7;
	[tilespmem:s18+$0x0] =	vst v49;
	v8 =	vld.idx.msk [tilespmem:v48+s30+$0x0], $0xffff  }
0x140: {  	v55 =	vadd.s32 v2, v36;
	v11 =	vld.idx.msk [tilespmem:v50+s30+$0x0], $0xffff;
	[tilespmem:s23+$0x0] =	vst v15  }
0x141: {  	v56 =	vadd.s32 v2, v12;
	v9 =	vld.idx.msk [tilespmem:v51+s30+$0x0], $0xffff;
	[tilespmem:s22+$0x0] =	vst v14  }
0x142: {  	[tilespmem:s12+$0x30] =	vst v5;
	v5 =	vadd.s32 v2, v13;
	v10 =	vld.idx.msk [tilespmem:v52+s30+$0x0], $0xffff  }
0x143: {  	v57 =	vld.idx.msk [tilespmem:v53+s30+$0x0], $0xffff;
	[tilespmem:s13+$0x10] =	vst v6;
	v58 =	vadd.s32 v2, v17  }
0x144: {  	v4 =	vadd.s32 v3, v4;
	v18 =	vld.idx.msk [tilespmem:v54+s30+$0x0], $0xffff;
	[tilespmem:s16+$0x10] =	vst v8  }
0x145: {  	v59 =	vadd.s32 v3, v7;
	[tilespmem:s18+$0x10] =	vst v11;
	v8 =	vld.idx.msk [tilespmem:v55+s30+$0x0], $0xffff  }
0x146: {  	v60 =	vadd.s32 v3, v36;
	v15 =	vld.idx.msk [tilespmem:v56+s30+$0x0], $0xffff;
	[tilespmem:s23+$0x10] =	vst v9  }
0x147: {  	v61 =	vadd.s32 v3, v12;
	v5 =	vld.idx.msk [tilespmem:v5+s30+$0x0], $0xffff;
	[tilespmem:s22+$0x10] =	vst v10  }
0x148: {  	[tilespmem:s11+$0x20] =	vst v57;
	v62 =	vadd.s32 v3, v13;
	v6 =	vld.idx.msk [tilespmem:v58+s30+$0x0], $0xffff  }
0x149: {  	v4 =	vld.idx.msk [tilespmem:v4+s30+$0x0], $0xffff;
	v63 =	vadd.s32 v3, v17;
	[tilespmem:s13+$0x20] =	vst v18  }
0x14a: {  	v7 =	vld.idx.msk [tilespmem:v59+s30+$0x0], $0xffff;
	[tilespmem:s16+$0x20] =	vst v8  }
0x14b: {  	[tilespmem:s18+$0x20] =	vst v15;
	v8 =	vld.idx.msk [tilespmem:v60+s30+$0x0], $0xffff  }
0x14c: {  	v9 =	vld.idx.msk [tilespmem:v61+s30+$0x0], $0xffff;
	[tilespmem:s23+$0x20] =	vst v5  }
0x14d: {  	v5 =	vld.idx.msk [tilespmem:v62+s30+$0x0], $0xffff;
	[tilespmem:s22+$0x20] =	vst v6  }
0x14e: {  	[tilespmem:s11+$0x30] =	vst v4;
	v4 =	vld.idx.msk [tilespmem:v63+s30+$0x0], $0xffff  }
0x14f: {  	[tilespmem:s13+$0x30] =	vst v7  }
0x150: {  	s6 =	sadd.s32 @!p1 s10, s28;
	[tilespmem:s16+$0x30] =	vst v8  }
0x151: {  	s6 =	smin.u32 @!p1 s6, $0xF41;
	[tilespmem:s18+$0x30] =	vst v9  }
0x152: {  	s6 =	sshll.u32 @!p1 s6, $0x8;
	[tilespmem:s23+$0x30] =	vst v5  }
0x153: {  	s10 =	simm.s32 @!p1 $0x0;
	s6 =	sadd.s32 @!p1 s1, s6;
	s11 =	simm.s32 @!p1 $0x6000;
	[tilespmem:s22+$0x30] =	vst v4  }
0x154: {  	[tilespmem:s11], [sflag:$0x2] =	stream.linear.gather @!p1 [hbm4b:s6+s10], $0x800, $0x38;
	[tilespmem:$0x14000] =	vst v63  }
0x155: {  	s12 =	simm.s32 @!p1 $0x6C00;
	s11 =	sadd.s32 @!p1 $0xF4280, s6  }
0x156: {  	[tilespmem:s12], [sflag:$0x2] =	stream.linear.gather @!p1 [hbm4b:s11+s10], $0x800, $0x38;
	[tilespmem:$0x14000] =	vst v63  }
0x157: {  	s11 =	sadd.s32 @!p1 $0x1E8500, s6;
	s12 =	simm.s32 @!p1 $0x7800  }
0x158: {  	[tilespmem:s12], [sflag:$0x2] =	stream.linear.gather @!p1 [hbm4b:s11+s10], $0x800, $0x38;
	[tilespmem:$0x14000] =	vst v63  }
0x159: {  	s11 =	sadd.s32 @!p1 $0x2DC780, s6;
	s12 =	simm.s32 @!p1 $0x8400  }
0x15a: {  	[tilespmem:s12], [sflag:$0x2] =	stream.linear.gather @!p1 [hbm4b:s11+s10], $0x800, $0x38;
	[tilespmem:$0x14000] =	vst v63  }
0x15b: {  	s11 =	sadd.s32 @!p1 $0x3D0A00, s6;
	s12 =	simm.s32 @!p1 $0x9000  }
0x15c: {  	[tilespmem:s12], [sflag:$0x2] =	stream.linear.gather @!p1 [hbm4b:s11+s10], $0x800, $0x38;
	[tilespmem:$0x14000] =	vst v63  }
0x15d: {  	s11 =	sadd.s32 @!p1 $0x4C4C80, s6;
	s12 =	simm.s32 @!p1 $0x9C00  }
0x15e: {  	[tilespmem:s12], [sflag:$0x2] =	stream.linear.gather @!p1 [hbm4b:s11+s10], $0x800, $0x38;
	[tilespmem:$0x14000] =	vst v63  }
0x15f: {  	s11 =	sadd.s32 @!p1 $0x5B8F00, s6;
	s12 =	simm.s32 @!p1 $0xA800  }
0x160: {  	[tilespmem:s12], [sflag:$0x2] =	stream.linear.gather @!p1 [hbm4b:s11+s10], $0x800, $0x38;
	[tilespmem:$0x14000] =	vst v63  }
0x161: {  	s9 =	sadd.s32 $0x1, s9;
	s6 =	sadd.s32 @!p1 $0x6AD180, s6;
	s11 =	simm.s32 @!p1 $0xB400  }
0x162: {  	[tilespmem:s11], [sflag:$0x2] =	stream.linear.gather @!p1 [hbm4b:s6+s10], $0x800, $0x38;
	[tilespmem:$0x14000] =	vst v63  }
0x163: {  	p1 =	sne.s32 s9, $0x3E  }
.Ltmp2:
0x164: {  	_ = 	snop;
	(pc) =	sbr.rel @p1 .LBB2_2-.Ltmp2, $4  }
0x165: {  	_ = 	snop  }
0x166: {  	s25 =	sshll.u32 s17, $0xB  }
0x167: {  	s6 =	sadd.s32 s15, s25  }
0x168: {  	[hbm4b:s6+s4] =	stream.linear.scatter [tilespmem:s31], [sflag:$0x4], $0x4000, $0x38;
	[tilespmem:$0x14000] =	vst v63  }
0x169: {  	_ =	swait.ge [sflag:s3], $0x4000  }
0x16a: {  	[sflag:s3] =	ssyncset.done $0x0  }
0x16b: {  	[sflag:s3] =	ssyncadd.s32 $0xFFFFC000  }
0x16c: {  	_ =	swait.ge [sflag:s7], $0x4000  }
0x16d: {  	s8 =	sadd.s32 $0x1, s8;
	s6 =	rddreg [dreg:$0x15]  }
0x16e: {  	p1 =	sne.s32 s8, s6  }
.Ltmp3:
0x16f: {  	_ = 	snop;
	(pc) =	sbr.rel @p1 .LBB2_1-.Ltmp3, $3  }
0x170: {  	_ =	sdelay $0x1  }
0x171: {  	[sflag:s7] =	ssyncset.done $0x0  }
0x172: {  	[sflag:s7] =	ssyncadd.s32 $0xFFFFC000  }
0x173: {  	_ =	sfence.sel $0x180000  }
0x174: {  	[bflag:$0x0] =	sbarrier.arrive $0xFFFF  }
0x175: {  	_ =	strace $0x90000047  }
0x176: {  	s0 =	stileid.u32;
	[bflag:$0x2] =	sbarrier.arrive $0xFFFF  }
0x177: {  	p0 =	sne.s32 s0, $0x0;
	s0 =	rddreg [dreg:$0x3]  }
0x178: {  	s0 =	sadd.s32 @!p0 $0x100000, s0  }
0x179: {  	[sflag:s0] =	ssyncadd.tile.s32 @!p0 $0x1;
	_ =	shalt  }
.Lfunc_end2:
_tile_overlayer_lowered:
.L_overlay_start_2:
0x17a: {  	(tag) =	ssettag $0x2  }
0x17b: {  	s0 =	rddreg [dreg:$0x0];
	s2 =	stileid.u32  }
0x17c: {  	s1 =	rddreg [dreg:$0x1];
	p0 =	sne.s32 s2, $0x0  }
0x17d: {  	s3 =	rddreg [dreg:$0x2];
	[bflag:$0x3] =	sbarrier.arrive $0xFFFF;
	s2 =	simm.s32 @!p0 $0x1C05  }
0x17e: {  	[timem:s3], [sflag:s2] =	dma.local @!p0 [hbm:s0], s1  }
0x17f: {  	s0 =	simm.s32 @!p0 $0x5  }
0x180: {  	_ =	swait.ge @!p0 [sflag:s0], s1  }
0x181: {  	s1 =	ssub.s32 @!p0 $0x0, s1;
	[sflag:s0] =	ssyncset.done @!p0 $0x0  }
0x182: {  	[sflag:s0] =	ssyncadd.s32 @!p0 s1  }
0x183: {  	[bflag:$0x3] =	sbarrier.arrive $0xFFFF  }
0x184: {  	_ =	shalt  }

// kernel: kernel.7.cloned.1.call-start
scs
__scs_entry_jumppad:
0x0: {  	(pc) =	sbr.rel $0x88, $3  }
0x1: {  	(tag) =	ssettag $0x0;
	lr =	simm.s32 $0x1  }
0x2: {  	[smem:$0x3F9F] =	sst lr;
	_ =	strace $0xD0000000  }
0x3: {  	_ = 	snop  }
0x4: {  	_ = 	snop  }
0x5: {  	_ = 	snop  }
0x6: {  	_ = 	snop  }
0x7: {  	_ = 	snop  }
__scs_overlays_trampoline_lowered:
0x8: {  	[smem:$0x3FAE] =	sst s0  }
0x9: {  	[smem:$0x3FAF] =	sst s1  }
0xa: {  	[smem:$0x3FB0] =	sst s2  }
0xb: {  	[smem:$0x3FB1] =	sst s3  }
0xc: {  	[smem:$0x3FB2] =	sst s4  }
0xd: {  	[smem:$0x3FB3] =	sst s5  }
0xe: {  	[smem:$0x3FB4] =	sst s6  }
0xf: {  	[smem:$0x3FB5] =	sst s7  }
0x10: {  	[smem:$0x3FB6] =	sst s8  }
0x11: {  	[smem:$0x3FB7] =	sst s9;
	s0 =	simm.s32 @!p0 $0x0  }
0x12: {  	s1 =	sld [smem:$0x3F9D];
	s0 =	simm.s32 @p0 $0x1  }
0x13: {  	[smem:$0x3FB8] =	sst s0;
	s0 =	simm.s32 @!p1 $0x0  }
0x14: {  	s2 =	sld [smem:$0x3F9C];
	s0 =	simm.s32 @p1 $0x1  }
0x15: {  	[smem:$0x3FB9] =	sst s0;
	s0 =	simm.s32 @!p2 $0x0  }
0x16: {  	s3 =	sld [smem:$0x3FDB];
	s0 =	simm.s32 @p2 $0x1  }
0x17: {  	s4 =	simm.s32 $0x1BF5;
	[smem:$0x3FBB] =	sst s0  }
0x18: {  	s0 =	sld [smem:$0x3F9E];
	_ =	swait.ge [sflag:s4], $0x0  }
0x19: {  	s7 =	sld [smem:$0x3F9F]  }
0x1a: {  	s8 =	sadd.s32 $0xFFFFE003, lr  }
0x1b: {  	s9 =	sadd.s32 $0xFFFFFEF7, lr;
	s5 =	simm.s32 $0xFFFFFFFF;
	p2 =	slt.u32 s8, $0xFFFFF086  }
0x1c: {  	p1 =	slt.u32 s9, $0xF7A;
	s5 =	simm.s32 @!p2 $0x0  }
0x1d: {  	s5 =	simm.s32 @p1 $0x1;
	p0 =	seq.s32 s7, s2  }
0x1e: {  	s7 =	smul.u32 @!p0 $0xF7A, s2;
	p2 =	seq.s32 @!p0 s5, $0x0  }
0x1f: {  	s9 =	smul.u32 $0xF7A, s1;
	s8 =	simm.s32 @!p0 $0x1BF5;
	p2 =	por !p2, p0  }
0x20: {  	[sflag:s8] =	ssyncset.s32 @!p0 $0xFFFFF086;
	s6 =	sadd.s32 @!p0 s3, s7;
	s7 =	simm.s32 @!p0 $0x108  }
0x21: {  	s3 =	sadd.s32 s3, s9;
	s6 =	sadd.s32 @!p0 $0x88, s6;
	s7 =	simm.s32 @p2 $0x1082  }
0x22: {  	[simem:s7], [sflag:s8] =	dma.local @!p0 [hbm:s6], $0xF7A  }
0x23: {  	s9 =	sor.u32 $0xD0000000, s2;
	s6 =	simm.s32 $0x108;
	_ =	swait.ge @!p0 [sflag:s8], $0x0  }
0x24: {  	s3 =	sadd.s32 $0x88, s3;
	s6 =	simm.s32 @!p1 $0x1082;
	[sflag:s4] =	ssyncset.s32 $0xFFFFF086  }
0x25: {  	[simem:s6], [sflag:s4] =	dma.local [hbm:s3], $0xF7A  }
0x26: {  	[smem:$0x3F9F] =	sst s1;
	(tag) =	ssettag s2;
	_ =	strace s9  }
0x27: {  	s1 =	sld [smem:$0x3FAF]  }
0x28: {  	s2 =	sld [smem:$0x3FB0]  }
0x29: {  	s4 =	sld [smem:$0x3FB2]  }
0x2a: {  	p0 =	seq.s32 s5, $0x0;
	s5 =	sld [smem:$0x3FB3]  }
0x2b: {  	s6 =	sld [smem:$0x3FB4]  }
0x2c: {  	s7 =	sld [smem:$0x3FB5]  }
0x2d: {  	s3 =	simm.s32 $0x108;
	s8 =	sld [smem:$0x3FB6]  }
0x2e: {  	s3 =	simm.s32 @!p0 $0x1082;
	s9 =	sld [smem:$0x3FB7]  }
0x2f: {  	lr =	sadd.s32 s0, s3;
	s0 =	sld [smem:$0x3FAE]  }
0x30: {  	s3 =	sld [smem:$0x3FB1]  }
0x31: {  	[smem:$0x3FBA] =	sst s10  }
0x32: {  	s10 =	sld [smem:$0x3FB8];
	_ =	sdelay $0x3  }
0x33: {  	p0 =	seq.s32 s10, $0x1;
	s10 =	sld [smem:$0x3FBA];
	_ =	sdelay $0x3  }
0x34: {  	[smem:$0x3FBA] =	sst s10  }
0x35: {  	s10 =	sld [smem:$0x3FB9];
	_ =	sdelay $0x3  }
0x36: {  	p1 =	seq.s32 s10, $0x1;
	s10 =	sld [smem:$0x3FBA];
	_ =	sdelay $0x3  }
0x37: {  	[smem:$0x3FBA] =	sst s10  }
0x38: {  	s10 =	sld [smem:$0x3FBB]  }
0x39: {  	_ = 	snop;
	(pc) =	sbr.ind lr, $3  }
0x3a: {  	_ = 	snop  }
0x3b: {  	_ = 	snop  }
0x3c: {  	p2 =	seq.s32 s10, $0x1;
	s10 =	sld [smem:$0x3FBA]  }
0x3d: {  	_ =	shalt  }
0x3e: {  	_ =	shalt  }
0x3f: {  	_ =	shalt  }
0x40: {  	_ =	shalt  }
0x41: {  	_ =	shalt  }
0x42: {  	_ =	shalt  }
0x43: {  	_ =	shalt  }
0x44: {  	_ =	shalt  }
0x45: {  	_ =	shalt  }
0x46: {  	_ =	shalt  }
0x47: {  	_ =	shalt  }
0x48: {  	_ =	shalt  }
0x49: {  	_ =	shalt  }
0x4a: {  	_ =	shalt  }
0x4b: {  	_ =	shalt  }
0x4c: {  	_ =	shalt  }
0x4d: {  	_ =	shalt  }
0x4e: {  	_ =	shalt  }
0x4f: {  	_ =	shalt  }
0x50: {  	_ =	shalt  }
0x51: {  	_ =	shalt  }
0x52: {  	_ =	shalt  }
0x53: {  	_ =	shalt  }
0x54: {  	_ =	shalt  }
0x55: {  	_ =	shalt  }
0x56: {  	_ =	shalt  }
0x57: {  	_ =	shalt  }
0x58: {  	_ =	shalt  }
0x59: {  	_ =	shalt  }
0x5a: {  	_ =	shalt  }
0x5b: {  	_ =	shalt  }
0x5c: {  	_ =	shalt  }
0x5d: {  	_ =	shalt  }
0x5e: {  	_ =	shalt  }
0x5f: {  	_ =	shalt  }
0x60: {  	_ =	shalt  }
0x61: {  	_ =	shalt  }
0x62: {  	_ =	shalt  }
0x63: {  	_ =	shalt  }
0x64: {  	_ =	shalt  }
0x65: {  	_ =	shalt  }
0x66: {  	_ =	shalt  }
0x67: {  	_ =	shalt  }
0x68: {  	_ =	shalt  }
0x69: {  	_ =	shalt  }
0x6a: {  	_ =	shalt  }
0x6b: {  	_ =	shalt  }
0x6c: {  	_ =	shalt  }
0x6d: {  	_ =	shalt  }
0x6e: {  	_ =	shalt  }
0x6f: {  	_ =	shalt  }
0x70: {  	_ =	shalt  }
0x71: {  	_ =	shalt  }
0x72: {  	_ =	shalt  }
0x73: {  	_ =	shalt  }
0x74: {  	_ =	shalt  }
0x75: {  	_ =	shalt  }
0x76: {  	_ =	shalt  }
0x77: {  	_ =	shalt  }
0x78: {  	_ =	shalt  }
0x79: {  	_ =	shalt  }
0x7a: {  	_ =	shalt  }
0x7b: {  	_ =	shalt  }
0x7c: {  	_ =	shalt  }
0x7d: {  	_ =	shalt  }
0x7e: {  	_ =	shalt  }
0x7f: {  	_ =	shalt  }
0x80: {  	_ =	shalt  }
0x81: {  	_ =	shalt  }
0x82: {  	_ =	shalt  }
0x83: {  	_ =	shalt  }
0x84: {  	_ =	shalt  }
0x85: {  	_ =	shalt  }
0x86: {  	_ =	shalt  }
0x87: {  	_ =	shalt  }
.Lfunc_end0:
.L_simem_size_0:
called_computation.1_lowered:
.L_overlay_start_0:
0x88: {  	s2 =	sld [smem:$0x3FD9]  }
0x89: {  	s3 =	sld [smem:$0x3FFE];
	_ =	sdelay $0x1  }
0x8a: {  	s1 =	srdreg.scid  }
0x8b: {  	s0 =	sand.u32 $0x1, s1  }
0x8c: {  	s17 =	sshll.u32 s0, $0xA;
	s2 =	sadd.s32 s3, s2  }
0x8d: {  	s2 =	sadd.s32 s2, s17  }
0x8e: {  	[smem:$0x3FC6] =	sst s2  }
0x8f: {  	_ = 	snop  }
0x90: {  	s2 =	sld [smem:$0x3FC9]  }
0x91: {  	s18 =	sld [smem:$0x3FD0];
	(tm) =	ssettm $0x1  }
0x92: {  	s4 =	sld [smem:$0x3FFB];
	_ =	sdelay $0x3  }
0x93: {  	_ =	strace s4  }
0x94: {  	s4 =	sld [smem:$0x3FFC];
	_ =	sdelay $0x3  }
0x95: {  	_ =	strace s4  }
0x96: {  	s4 =	sld [smem:$0x3FFD];
	_ =	sdelay $0x3  }
0x97: {  	_ =	strace s4  }
0x98: {  	_ =	strace $0x8FFFFFFF  }
0x99: {  	s19 =	sld [smem:$0x3FDB];
	_ =	sdelay $0x1  }
0x9a: {  	s5 =	simm.s32 $_scs_section_size  }
0x9b: {  	s6 =	simm.s32 $_size__tile_overlayer_lowered;
	s7 =	simm.s32 $_tile_overlayer_lowered  }
0x9c: {  	s22 =	simm.s32 $0x1BFF;
	s21 =	sshll.u32 s7, $0x1;
	s4 =	sadd.s32 s5, s19  }
0x9d: {  	s8 =	simm.s32 $0x0;
	s20 =	sshll.u32 s6, $0x1;
	s6 =	sadd.s32 s21, s4  }
0x9e: {  	[timem:s8], [sflag:s22] =	dma.local [hbm:s6], s20  }
0x9f: {  	_ =	swait.ge [sflag:s22], s20  }
0xa0: {  	s5 =	ssub.s32 $0x0, s20;
	[sflag:s22] =	ssyncset.done $0x0  }
0xa1: {  	[sflag:s22] =	ssyncadd.s32 s5;
	_ =	sdelay $0x1  }
0xa2: {  	s23 =	simm.s32 $0x1B8B  }
0xa3: {  	_ =	swait.ge [sflag:s23], $0x1  }
0xa4: {  	[sflag:s23] =	ssyncset.done $0x0  }
0xa5: {  	s25 =	simm.s32 $0x1B8E;
	s24 =	sld [smem:$0x3FFE];
	[sflag:s23] =	ssyncadd.s32 $0xFFFFFFFF  }
0xa6: {  	s26 =	simm.s32 $execute0_lowered;
	[smem:$0x3FD2] =	sst s25  }
0xa7: {  	s6 =	sshll.u32 s26, $0x1;
	_ =	strace $0x80000049;
	[dreg:$0x1] =	wrdreg $0xFFFFFFFF  }
0xa8: {  	s28 =	simm.s32 $_size_execute0_lowered;
	s4 =	sadd.s32 s4, s6;
	[dreg:$0x0] =	wrdreg $0x0  }
0xa9: {  	s6 =	sshll.u32 s28, $0x1;
	[dreg:$0x2] =	wrdreg s4  }
0xaa: {  	[dreg:$0x3] =	wrdreg s6  }
0xab: {  	[dreg:$0x4] =	wrdreg $0xC0  }
0xac: {  	_ =	task [dreg:s8], $0x5FFFF  }
0xad: {  	[dreg:$0x1] =	wrdreg $0xFFFFFFFF  }
0xae: {  	[dreg:$0x0] =	wrdreg $0x60  }
0xaf: {  	[dreg:$0x2] =	wrdreg s24  }
0xb0: {  	[dreg:$0x3] =	wrdreg s2  }
0xb1: {  	[dreg:$0x4] =	wrdreg s18  }
0xb2: {  	[dreg:$0x5] =	wrdreg $0x9  }
0xb3: {  	_ =	task.clear_ibuf [dreg:s8], $0x6FFFF;
	_ =	strace $0x90000049  }
0xb4: {  	s29 =	simm.s32 $0x9;
	_ =	strace $0x8000004B  }
0xb5: {  	_ =	swait.ge [sflag:s29], $0x1  }
0xb6: {  	[sflag:s29] =	ssyncadd.s32 $0xFFFFFFFF  }
0xb7: {  	_ =	strace $0x9000004B  }
0xb8: {  	_ =	sfence  }
0xb9: {  	s30 =	sld [smem:$0x0];
	_ =	sdelay $0x2  }
0xba: {  	s31 =	sshll.u32 s1, $0xD;
	s1 =	sshrl.u32 s1, $0x2  }
0xbb: {  	s3 =	sand.u32 $0x4000, s31;
	s1 =	sadd.s32 s1, s30  }
0xbc: {  	s0 =	sor.u32 s3, s0;
	s1 =	sshll.u32 s1, $0x11  }
0xbd: {  	s0 =	sor.u32 s1, s0  }
0xbe: {  	s0 =	sadd.s32 $0x8F2B, s0  }
0xbf: {  	[sflag:s0] =	ssyncadd.remote.s32 $0x1  }
0xc0: {  	_ =	sfence.sel $0xFFFF  }
0xc1: {  	[dreg:$0x0] =	wrdreg $0xFFFFFFFF;
	(pc) =	sbr.abs _section_cstart, $3  }
0xc2: {  	[dreg:$0x1] =	wrdreg $0xFFFFFFFF  }
0xc3: {  	_ =	task.clear_ibuf [dreg:s8], $0x2FFFF;
	_ =	strace $0x9FFFFFFF  }
0xc4: {  	(tm) =	ssettm $0x7FFFFFFF  }
0xc5: {  	_ =	shalt  }
tec
execute0_lowered:
.L_overlay_start_1:
0x0: {  	(tag) =	ssettag $0x1  }
0x1: {  	v2 =	vlaneseq.u32;
	vm0 =	vmmov $0xff  }
0x2: {  	v3 =	vimm.s32 $0xB80;
	vm15 =	vcmask $0x300;
	v4 =	vimm.s32 $0x1B80  }
0x3: {  	vm14 =	vcmask $0x704;
	vm13 =	vcmask $0xB08;
	vm12 =	vcmask $0xF0C  }
0x4: {  	vm11 =	vcmask $0x1310;
	vm10 =	vcmask $0x1714;
	vm9 =	vcmask $0x1B18  }
0x5: {  	vm8 =	vcmask $0x1F1C;
	vm7 =	vcmask $0x2320;
	vm6 =	vcmask $0x2724  }
0x6: {  	vm5 =	vcmask $0x2B28;
	vm4 =	vcmask $0x2F2C;
	vm3 =	vcmask $0x3330  }
0x7: {  	vm2 =	vcmask $0x3734;
	vm1 =	vcmask $0x3B38;
	v5 =	vimm.s32 $0x2B80  }
0x8: {  	v6 =	vimm.s32 $0x3B80;
	v7 =	vimm.s32 $0x4B80;
	v8 =	vimm.s32 $0x5B80  }
0x9: {  	v9 =	vimm.s32 $0x6B80;
	v10 =	vimm.s32 $0x7B80;
	v1 =	vshrl.u32 v2, $0x3  }
0xa: {  	v0 =	vand.u32 $0x7, v2;
	v3 =	vsel vm15, $0x0, v3;
	v4 =	vsel vm15, $0x1000, v4  }
0xb: {  	v2 =	vor.u32 $0x8, v2;
	v5 =	vsel vm15, $0x2000, v5;
	v6 =	vsel vm15, $0x3000, v6  }
0xc: {  	v7 =	vsel vm15, $0x4000, v7;
	v8 =	vsel vm15, $0x5000, v8;
	v9 =	vsel vm15, $0x6000, v9  }
0xd: {  	v10 =	vsel vm15, $0x7000, v10;
	v1 =	vmul.u32 $0x8, v1;
	v3 =	vsel vm14, $0x80, v3  }
0xe: {  	v4 =	vsel vm14, $0x1080, v4;
	v5 =	vsel vm14, $0x2080, v5;
	v6 =	vsel vm14, $0x3080, v6  }
0xf: {  	v7 =	vsel vm14, $0x4080, v7;
	v8 =	vsel vm14, $0x5080, v8;
	v9 =	vsel vm14, $0x6080, v9  }
0x10: {  	v10 =	vsel vm14, $0x7080, v10;
	v3 =	vsel vm13, $0x100, v3;
	v4 =	vsel vm13, $0x1100, v4  }
0x11: {  	v5 =	vsel vm13, $0x2100, v5;
	v6 =	vsel vm13, $0x3100, v6;
	v7 =	vsel vm13, $0x4100, v7  }
0x12: {  	v8 =	vsel vm13, $0x5100, v8;
	v9 =	vsel vm13, $0x6100, v9;
	v10 =	vsel vm13, $0x7100, v10  }
0x13: {  	v3 =	vsel vm12, $0x180, v3;
	v4 =	vsel vm12, $0x1180, v4;
	v5 =	vsel vm12, $0x2180, v5  }
0x14: {  	v6 =	vsel vm12, $0x3180, v6;
	v7 =	vsel vm12, $0x4180, v7;
	v8 =	vsel vm12, $0x5180, v8  }
0x15: {  	v9 =	vsel vm12, $0x6180, v9;
	v10 =	vsel vm12, $0x7180, v10;
	v3 =	vsel vm11, $0x200, v3  }
0x16: {  	v4 =	vsel vm11, $0x1200, v4;
	v5 =	vsel vm11, $0x2200, v5;
	v6 =	vsel vm11, $0x3200, v6  }
0x17: {  	v7 =	vsel vm11, $0x4200, v7;
	v8 =	vsel vm11, $0x5200, v8;
	v9 =	vsel vm11, $0x6200, v9  }
0x18: {  	v10 =	vsel vm11, $0x7200, v10;
	v3 =	vsel vm10, $0x280, v3;
	v4 =	vsel vm10, $0x1280, v4  }
0x19: {  	v5 =	vsel vm10, $0x2280, v5;
	v6 =	vsel vm10, $0x3280, v6;
	v7 =	vsel vm10, $0x4280, v7  }
0x1a: {  	v8 =	vsel vm10, $0x5280, v8;
	v9 =	vsel vm10, $0x6280, v9;
	v10 =	vsel vm10, $0x7280, v10  }
0x1b: {  	v3 =	vsel vm9, $0x300, v3;
	v4 =	vsel vm9, $0x1300, v4;
	v5 =	vsel vm9, $0x2300, v5  }
0x1c: {  	v6 =	vsel vm9, $0x3300, v6;
	v7 =	vsel vm9, $0x4300, v7;
	v8 =	vsel vm9, $0x5300, v8  }
0x1d: {  	v9 =	vsel vm9, $0x6300, v9;
	v10 =	vsel vm9, $0x7300, v10;
	v3 =	vsel vm8, $0x380, v3  }
0x1e: {  	v4 =	vsel vm8, $0x1380, v4;
	v5 =	vsel vm8, $0x2380, v5;
	v6 =	vsel vm8, $0x3380, v6  }
0x1f: {  	v7 =	vsel vm8, $0x4380, v7;
	v8 =	vsel vm8, $0x5380, v8;
	v9 =	vsel vm8, $0x6380, v9  }
0x20: {  	v10 =	vsel vm8, $0x7380, v10;
	v3 =	vsel vm7, $0x800, v3;
	v4 =	vsel vm7, $0x1800, v4  }
0x21: {  	v5 =	vsel vm7, $0x2800, v5;
	v6 =	vsel vm7, $0x3800, v6;
	v7 =	vsel vm7, $0x4800, v7  }
0x22: {  	v8 =	vsel vm7, $0x5800, v8;
	v9 =	vsel vm7, $0x6800, v9;
	v10 =	vsel vm7, $0x7800, v10  }
0x23: {  	v3 =	vsel vm6, $0x880, v3;
	v4 =	vsel vm6, $0x1880, v4;
	v5 =	vsel vm6, $0x2880, v5  }
0x24: {  	v6 =	vsel vm6, $0x3880, v6;
	v7 =	vsel vm6, $0x4880, v7;
	v8 =	vsel vm6, $0x5880, v8  }
0x25: {  	v9 =	vsel vm6, $0x6880, v9;
	v10 =	vsel vm6, $0x7880, v10;
	v3 =	vsel vm5, $0x900, v3  }
0x26: {  	v4 =	vsel vm5, $0x1900, v4;
	v5 =	vsel vm5, $0x2900, v5;
	v6 =	vsel vm5, $0x3900, v6  }
0x27: {  	v7 =	vsel vm5, $0x4900, v7;
	v8 =	vsel vm5, $0x5900, v8;
	v9 =	vsel vm5, $0x6900, v9  }
0x28: {  	s0 =	rddreg [dreg:$0x0];
	v10 =	vsel vm5, $0x7900, v10;
	v3 =	vsel vm4, $0x980, v3;
	v4 =	vsel vm4, $0x1980, v4  }
0x29: {  	s1 =	rddreg [dreg:$0x1];
	s2 =	srdreg.scid;
	v5 =	vsel vm4, $0x2980, v5;
	v6 =	vsel vm4, $0x3980, v6;
	v7 =	vsel vm4, $0x4980, v7  }
0x2a: {  	s9 =	rddreg [dreg:$0x2];
	s3 =	stileid.u32;
	s13 =	simm.s32 $0x3800;
	v8 =	vsel vm4, $0x5980, v8;
	v9 =	vsel vm4, $0x6980, v9;
	v10 =	vsel vm4, $0x7980, v10  }
0x2b: {  	s29 =	simm.s32 $0xB800;
	s20 =	simm.s32 $0x1;
	s2 =	sand.u32 $0x1, s2;
	v3 =	vsel vm3, $0xA00, v3;
	v4 =	vsel vm3, $0x1A00, v4;
	v5 =	vsel vm3, $0x2A00, v5  }
0x2c: {  	s22 =	simm.s32 $0x2;
	s4 =	sshll.u32 s3, $0xB;
	s5 =	sshll.u32 s2, $0xA;
	v6 =	vsel vm3, $0x3A00, v6;
	v7 =	vsel vm3, $0x4A00, v7;
	v8 =	vsel vm3, $0x5A00, v8  }
0x2d: {  	s3 =	simm.s32 $0x0;
	s2 =	ssub.s32 $0x2, s2;
	s4 =	sor.u32 s5, s4;
	v9 =	vsel vm3, $0x6A00, v9;
	v10 =	vsel vm3, $0x7A00, v10;
	v3 =	vsel vm2, $0xA80, v3  }
.Ltmp0:
0x2e: {  	s28 =	sshrl.u32 s2, $0x1;
	s6 =	sshrl.u32 s4, $0x3;
	v4 =	vsel vm2, $0x1A80, v4;
	v5 =	vsel vm2, $0x2A80, v5;
	v6 =	vsel vm2, $0x3A80, v6;
	(pc) =	sbr.rel .LBB2_1-.Ltmp0, $4  }
0x2f: {  	[smem:$0x7FF] =	sst s3;
	s2 =	ssub.s32 s2, s28;
	s1 =	sadd.s32 s1, s6;
	v7 =	vsel vm2, $0x4A80, v7;
	v8 =	vsel vm2, $0x5A80, v8;
	v9 =	vsel vm2, $0x6A80, v9  }
0x30: {  	_ =	strace $0x8000004A;
	s31 =	smax.u32 s2, $0x1;
	[dreg:$0x4] =	wrdreg s1;
	v10 =	vsel vm2, $0x7A80, v10;
	v3 =	vsel vm1, $0xB00, v3;
	v4 =	vsel vm1, $0x1B00, v4  }
0x31: {  	s24 =	simm.s32 $0x0;
	s30 =	sadd.s32 $0x6000, s1;
	[dreg:$0x6] =	wrdreg s31;
	v5 =	vsel vm1, $0x2B00, v5;
	v6 =	vsel vm1, $0x3B00, v6;
	v7 =	vsel vm1, $0x4B00, v7  }
0x32: {  	s6 =	sadd.s32 $0x800, s0;
	s2 =	simm.s32 $0x0;
	[dreg:$0x5] =	wrdreg s30;
	v8 =	vsel vm1, $0x5B00, v8;
	v9 =	vsel vm1, $0x6B00, v9;
	v10 =	vsel vm1, $0x7B00, v10  }
.LBB2_13:
0x33: {  	s0 =	simm.s32 $0x3  }
0x34: {  	_ =	swait.ge [sflag:s0], $0x2000  }
0x35: {  	[sflag:s0] =	ssyncset.done $0x0  }
0x36: {  	s1 =	simm.s32 $0x4;
	[sflag:s0] =	ssyncadd.s32 $0xFFFFE000  }
0x37: {  	_ =	swait.ge [sflag:s1], $0x2000  }
0x38: {  	s2 =	rddreg [dreg:$0x7]  }
0x39: {  	s31 =	rddreg [dreg:$0x6];
	s2 =	sadd.s32 $0x1, s2  }
0x3a: {  	p0 =	sne.s32 s2, s31  }
.Ltmp1:
0x3b: {  	_ = 	snop;
	(pc) =	sbr.rel @!p0 .LBB2_14-.Ltmp1, $3  }
0x3c: {  	_ =	sdelay $0x1  }
0x3d: {  	[sflag:s1] =	ssyncset.done $0x0  }
0x3e: {  	[sflag:s1] =	ssyncadd.s32 $0xFFFFE000  }
.LBB2_1:
0x3f: {  	[dreg:$0x7] =	wrdreg s2  }
0x40: {  	s0 =	rddreg [dreg:$0x4];
	s1 =	simm.s32 $0x400;
	s26 =	simm.s32 $0x8000  }
0x41: {  	[tilespmem:s3], [sflag:$0x5] =	stream.strided.gather [hbm4b:s0+s1], $0x1800, s26, s1, $0x38;
	[tilespmem:$0x17800] =	vst v63  }
0x42: {  	s28 =	rddreg [dreg:$0x5];
	s30 =	simm.s32 $0x1800;
	s31 =	simm.s32 $0x5  }
0x43: {  	[tilespmem:s30], [sflag:$0x5] =	stream.linear.gather [hbm4b:s28+s3], $0x100, $0x38;
	[tilespmem:$0x17800] =	vst v63  }
0x44: {  	_ =	swait.ge [sflag:s31], $0x1900  }
0x45: {  	[sflag:s31] =	ssyncset.done $0x0  }
0x46: {  	s1 =	simm.s32 $0x0;
	[sflag:s31] =	ssyncadd.s32 $0xFFFFE700  }
0x47: {  	v12 =	vld [tilespmem:s1+$0x70]  }
0x48: {  	v15 =	vld [tilespmem:s1+$0x0]  }
0x49: {  	v16 =	vld [tilespmem:s1+$0x10]  }
0x4a: {  	v14 =	vld [tilespmem:s1+$0x20]  }
0x4b: {  	v13 =	vld [tilespmem:s1+$0x30]  }
0x4c: {  	v11 =	vld [tilespmem:s1+$0x40];
	v17 =	vshrl.u32 v12, $0x1  }
0x4d: {  	v12 =	vld [tilespmem:s1+$0x50];
	v15 =	vshrl.u32 v15, $0x1;
	[tilespmem:s1+$0x1C70] =	vst v17  }
0x4e: {  	s2 =	simm.s32 $0x400;
	s0 =	simm.s32 $0x80;
	v16 =	vshrl.u32 v16, $0x1;
	[tilespmem:s1+$0x1C00] =	vst v15;
	v15 =	vld [tilespmem:s1+$0x60]  }
.LBB2_2:
0x4f: {  	p0 =	sne.s32 s2, $0x6200;
	v17 =	vld [tilespmem:s0+$0x70];
	[tilespmem:s1+$0x1C10] =	vst v16;
	v14 =	vshrl.u32 v14, $0x1  }
0x50: {  	v16 =	vld [tilespmem:s0+$0x0];
	[tilespmem:s1+$0x1C20] =	vst v14;
	v13 =	vshrl.u32 v13, $0x1  }
0x51: {  	v18 =	vld [tilespmem:s0+$0x10];
	[tilespmem:s1+$0x1C30] =	vst v13;
	v11 =	vshrl.u32 v11, $0x1  }
.Ltmp2:
0x52: {  	v14 =	vld [tilespmem:s0+$0x20];
	[tilespmem:s1+$0x1C40] =	vst v11;
	v11 =	vshrl.u32 v12, $0x1;
	(pc) =	sbr.rel @p0 .LBB2_2-.Ltmp2, $4  }
0x53: {  	v13 =	vld [tilespmem:s0+$0x30];
	[tilespmem:s1+$0x1C50] =	vst v11;
	v12 =	vshrl.u32 v15, $0x1  }
0x54: {  	v11 =	vld [tilespmem:s0+$0x40];
	v15 =	vshrl.u32 v17, $0x1;
	[tilespmem:s1+$0x1C60] =	vst v12;
	s1 =	smov.u32 s0  }
0x55: {  	v16 =	vshrl.u32 v16, $0x1;
	v12 =	vld [tilespmem:s1+$0x50];
	[tilespmem:s1+$0x1C70] =	vst v15  }
0x56: {  	s0 =	sshra.s32 s2, $0x2;
	s2 =	sadd.s32 $0x200, s2;
	[tilespmem:s1+$0x1C00] =	vst v16;
	v16 =	vshrl.u32 v18, $0x1;
	v15 =	vld [tilespmem:s1+$0x60]  }
0x57: {  	v17 =	vld [tilespmem:s0+$0x70];
	[tilespmem:s1+$0x1C10] =	vst v16;
	v14 =	vshrl.u32 v14, $0x1  }
0x58: {  	v16 =	vld [tilespmem:s0+$0x0];
	[tilespmem:s1+$0x1C20] =	vst v14;
	v13 =	vshrl.u32 v13, $0x1  }
0x59: {  	v14 =	vld [tilespmem:s0+$0x10];
	[tilespmem:s1+$0x1C30] =	vst v13;
	v11 =	vshrl.u32 v11, $0x1  }
0x5a: {  	v13 =	vld [tilespmem:s0+$0x20];
	[tilespmem:s1+$0x1C40] =	vst v11;
	v11 =	vshrl.u32 v12, $0x1  }
0x5b: {  	v44 =	vld [tilespmem:s0+$0x30];
	[tilespmem:s1+$0x1C50] =	vst v11;
	v11 =	vshrl.u32 v15, $0x1  }
0x5c: {  	v45 =	vld [tilespmem:s0+$0x40];
	[tilespmem:s1+$0x1C60] =	vst v11;
	v11 =	vshrl.u32 v17, $0x1  }
0x5d: {  	v46 =	vld [tilespmem:s0+$0x50];
	v16 =	vshrl.u32 v16, $0x1;
	[tilespmem:s0+$0x1C70] =	vst v11  }
0x5e: {  	v47 =	vld [tilespmem:s0+$0x60];
	[tilespmem:s0+$0x1C00] =	vst v16;
	v11 =	vshrl.u32 v14, $0x1  }
0x5f: {  	[tilespmem:s0+$0x1C10] =	vst v11;
	v11 =	vshrl.u32 v13, $0x1  }
0x60: {  	[tilespmem:s0+$0x1C20] =	vst v11;
	v11 =	vshrl.u32 v44, $0x1  }
0x61: {  	[tilespmem:s0+$0x1C30] =	vst v11;
	v11 =	vshrl.u32 v45, $0x1  }
0x62: {  	[tilespmem:s0+$0x1C40] =	vst v11;
	v11 =	vshrl.u32 v46, $0x1  }
0x63: {  	[tilespmem:s0+$0x1C50] =	vst v11;
	v11 =	vshrl.u32 v47, $0x1  }
0x64: {  	[tilespmem:s0+$0x1C60] =	vst v11  }
0x65: {  	v11 =	vld [tilespmem:$0x1C00];
	_ =	sdelay $0x4  }
0x66: {  	v48 =	vperm.xlane v11, v0;
	_ =	sdelay $0x1  }
0x67: {  	v11 =	vperm.xlane v11, v2;
	v12 =	vadd.s32 v1, v48;
	_ =	sdelay $0x1  }
0x68: {  	v11 =	vadd.s32 v1, v11;
	_ =	sdelay $0x2  }
0x69: {  	[tilespmem:s13], [sflag:$0x1] =	stream.indirect_vreg.gather [hbm4b:s6+s24], $0x80, v12, vm0, $0xb8;
	[tilespmem:$0x17800] =	vst v63  }
0x6a: {  	s18 =	simm.s32 $0x4000  }
0x6b: {  	[tilespmem:s18], [sflag:$0x1] =	stream.indirect_vreg.gather [hbm4b:s6+s24], $0x80, v11, vm0, $0xb8;
	[tilespmem:$0x17800] =	vst v63  }
0x6c: {  	v11 =	vld [tilespmem:$0x1C10];
	_ =	sdelay $0x4  }
0x6d: {  	v49 =	vperm.xlane v11, v0;
	_ =	sdelay $0x1  }
0x6e: {  	v11 =	vperm.xlane v11, v2;
	v12 =	vadd.s32 v1, v49;
	_ =	sdelay $0x1  }
0x6f: {  	v11 =	vadd.s32 v1, v11;
	_ =	sdelay $0x1  }
0x70: {  	s19 =	simm.s32 $0x4800  }
0x71: {  	[tilespmem:s19], [sflag:$0x1] =	stream.indirect_vreg.gather [hbm4b:s6+s24], $0x80, v12, vm0, $0xb8;
	[tilespmem:$0x17800] =	vst v63  }
0x72: {  	s21 =	simm.s32 $0x5000  }
0x73: {  	[tilespmem:s21], [sflag:$0x1] =	stream.indirect_vreg.gather [hbm4b:s6+s24], $0x80, v11, vm0, $0xb8;
	[tilespmem:$0x17800] =	vst v63  }
0x74: {  	v11 =	vld [tilespmem:$0x1C20];
	_ =	sdelay $0x4  }
0x75: {  	v50 =	vperm.xlane v11, v0;
	_ =	sdelay $0x1  }
0x76: {  	v11 =	vperm.xlane v11, v2;
	v12 =	vadd.s32 v1, v50;
	_ =	sdelay $0x1  }
0x77: {  	v11 =	vadd.s32 v1, v11;
	_ =	sdelay $0x1  }
0x78: {  	s23 =	simm.s32 $0x5800  }
0x79: {  	[tilespmem:s23], [sflag:$0x1] =	stream.indirect_vreg.gather [hbm4b:s6+s24], $0x80, v12, vm0, $0xb8;
	[tilespmem:$0x17800] =	vst v63  }
0x7a: {  	s25 =	simm.s32 $0x6000  }
0x7b: {  	[tilespmem:s25], [sflag:$0x1] =	stream.indirect_vreg.gather [hbm4b:s6+s24], $0x80, v11, vm0, $0xb8;
	[tilespmem:$0x17800] =	vst v63  }
0x7c: {  	v11 =	vld [tilespmem:$0x1C30];
	_ =	sdelay $0x4  }
0x7d: {  	v51 =	vperm.xlane v11, v0;
	_ =	sdelay $0x1  }
0x7e: {  	v11 =	vperm.xlane v11, v2;
	v12 =	vadd.s32 v1, v51;
	_ =	sdelay $0x1  }
0x7f: {  	v11 =	vadd.s32 v1, v11;
	_ =	sdelay $0x1  }
0x80: {  	s26 =	simm.s32 $0x6800  }
0x81: {  	[tilespmem:s26], [sflag:$0x1] =	stream.indirect_vreg.gather [hbm4b:s6+s24], $0x80, v12, vm0, $0xb8;
	[tilespmem:$0x17800] =	vst v63  }
0x82: {  	s28 =	simm.s32 $0x7000  }
0x83: {  	[tilespmem:s28], [sflag:$0x1] =	stream.indirect_vreg.gather [hbm4b:s6+s24], $0x80, v11, vm0, $0xb8;
	[tilespmem:$0x17800] =	vst v63  }
0x84: {  	v11 =	vld [tilespmem:$0x1C40];
	_ =	sdelay $0x4  }
0x85: {  	v52 =	vperm.xlane v11, v0;
	_ =	sdelay $0x1  }
0x86: {  	v11 =	vperm.xlane v11, v2;
	v12 =	vadd.s32 v1, v52;
	_ =	sdelay $0x1  }
0x87: {  	v11 =	vadd.s32 v1, v11;
	_ =	sdelay $0x1  }
0x88: {  	s30 =	simm.s32 $0x7800  }
0x89: {  	[tilespmem:s30], [sflag:$0x1] =	stream.indirect_vreg.gather [hbm4b:s6+s24], $0x80, v12, vm0, $0xb8;
	[tilespmem:$0x17800] =	vst v63  }
0x8a: {  	s31 =	simm.s32 $0x8000  }
0x8b: {  	[tilespmem:s31], [sflag:$0x1] =	stream.indirect_vreg.gather [hbm4b:s6+s24], $0x80, v11, vm0, $0xb8;
	[tilespmem:$0x17800] =	vst v63  }
0x8c: {  	v11 =	vld [tilespmem:$0x1C50];
	_ =	sdelay $0x4  }
0x8d: {  	v53 =	vperm.xlane v11, v0;
	_ =	sdelay $0x1  }
0x8e: {  	v11 =	vperm.xlane v11, v2;
	v12 =	vadd.s32 v1, v53;
	_ =	sdelay $0x1  }
0x8f: {  	v11 =	vadd.s32 v1, v11;
	_ =	sdelay $0x1  }
0x90: {  	s1 =	simm.s32 $0x8800  }
0x91: {  	[tilespmem:s1], [sflag:$0x1] =	stream.indirect_vreg.gather [hbm4b:s6+s24], $0x80, v12, vm0, $0xb8;
	[tilespmem:$0x17800] =	vst v63  }
0x92: {  	s2 =	simm.s32 $0x9000  }
0x93: {  	[tilespmem:s2], [sflag:$0x1] =	stream.indirect_vreg.gather [hbm4b:s6+s24], $0x80, v11, vm0, $0xb8;
	[tilespmem:$0x17800] =	vst v63  }
0x94: {  	v11 =	vld [tilespmem:$0x1C60];
	_ =	sdelay $0x4  }
0x95: {  	v54 =	vperm.xlane v11, v0;
	_ =	sdelay $0x1  }
0x96: {  	v11 =	vperm.xlane v11, v2;
	v12 =	vadd.s32 v1, v54;
	_ =	sdelay $0x1  }
0x97: {  	v11 =	vadd.s32 v1, v11;
	_ =	sdelay $0x1  }
0x98: {  	s5 =	simm.s32 $0x9800  }
0x99: {  	[tilespmem:s5], [sflag:$0x1] =	stream.indirect_vreg.gather [hbm4b:s6+s24], $0x80, v12, vm0, $0xb8;
	[tilespmem:$0x17800] =	vst v63  }
0x9a: {  	s7 =	simm.s32 $0xA000  }
0x9b: {  	[tilespmem:s7], [sflag:$0x1] =	stream.indirect_vreg.gather [hbm4b:s6+s24], $0x80, v11, vm0, $0xb8;
	[tilespmem:$0x17800] =	vst v63  }
0x9c: {  	v11 =	vld [tilespmem:$0x1C70];
	_ =	sdelay $0x4  }
0x9d: {  	v55 =	vperm.xlane v11, v0;
	_ =	sdelay $0x1  }
0x9e: {  	v11 =	vperm.xlane v11, v2;
	v12 =	vadd.s32 v1, v55;
	_ =	sdelay $0x1  }
0x9f: {  	v11 =	vadd.s32 v1, v11;
	_ =	sdelay $0x1  }
0xa0: {  	s8 =	simm.s32 $0xA800  }
0xa1: {  	[tilespmem:s8], [sflag:$0x1] =	stream.indirect_vreg.gather [hbm4b:s6+s24], $0x80, v12, vm0, $0xb8;
	[tilespmem:$0x17800] =	vst v63  }
0xa2: {  	s10 =	simm.s32 $0xB000  }
0xa3: {  	[tilespmem:s10], [sflag:$0x1] =	stream.indirect_vreg.gather [hbm4b:s6+s24], $0x80, v11, vm0, $0xb8;
	[tilespmem:$0x17800] =	vst v63  }
0xa4: {  	v11 =	vld [tilespmem:$0x1C80];
	_ =	sdelay $0x4  }
0xa5: {  	v56 =	vperm.xlane v11, v0;
	_ =	sdelay $0x1  }
0xa6: {  	v11 =	vperm.xlane v11, v2;
	v12 =	vadd.s32 v1, v56;
	_ =	sdelay $0x1  }
0xa7: {  	v11 =	vadd.s32 v1, v11;
	_ =	sdelay $0x2  }
0xa8: {  	[tilespmem:s29], [sflag:$0x2] =	stream.indirect_vreg.gather [hbm4b:s6+s24], $0x80, v12, vm0, $0xb8;
	[tilespmem:$0x17800] =	vst v63  }
0xa9: {  	s11 =	simm.s32 $0xC000  }
0xaa: {  	[tilespmem:s11], [sflag:$0x2] =	stream.indirect_vreg.gather [hbm4b:s6+s24], $0x80, v11, vm0, $0xb8;
	[tilespmem:$0x17800] =	vst v63  }
0xab: {  	v11 =	vld [tilespmem:$0x1C90];
	_ =	sdelay $0x4  }
0xac: {  	v57 =	vperm.xlane v11, v0;
	_ =	sdelay $0x1  }
0xad: {  	v11 =	vperm.xlane v11, v2;
	v12 =	vadd.s32 v1, v57;
	_ =	sdelay $0x1  }
0xae: {  	v11 =	vadd.s32 v1, v11;
	_ =	sdelay $0x1  }
0xaf: {  	s12 =	simm.s32 $0xC800  }
0xb0: {  	[tilespmem:s12], [sflag:$0x2] =	stream.indirect_vreg.gather [hbm4b:s6+s24], $0x80, v12, vm0, $0xb8;
	[tilespmem:$0x17800] =	vst v63  }
0xb1: {  	s14 =	simm.s32 $0xD000  }
0xb2: {  	[tilespmem:s14], [sflag:$0x2] =	stream.indirect_vreg.gather [hbm4b:s6+s24], $0x80, v11, vm0, $0xb8;
	[tilespmem:$0x17800] =	vst v63  }
0xb3: {  	v11 =	vld [tilespmem:$0x1CA0];
	_ =	sdelay $0x4  }
0xb4: {  	v58 =	vperm.xlane v11, v0;
	_ =	sdelay $0x1  }
0xb5: {  	v11 =	vperm.xlane v11, v2;
	v12 =	vadd.s32 v1, v58;
	_ =	sdelay $0x1  }
0xb6: {  	v11 =	vadd.s32 v1, v11;
	_ =	sdelay $0x1  }
0xb7: {  	s15 =	simm.s32 $0xD800  }
0xb8: {  	[tilespmem:s15], [sflag:$0x2] =	stream.indirect_vreg.gather [hbm4b:s6+s24], $0x80, v12, vm0, $0xb8;
	[tilespmem:$0x17800] =	vst v63  }
0xb9: {  	s16 =	simm.s32 $0xE000  }
0xba: {  	[tilespmem:s16], [sflag:$0x2] =	stream.indirect_vreg.gather [hbm4b:s6+s24], $0x80, v11, vm0, $0xb8;
	[tilespmem:$0x17800] =	vst v63  }
0xbb: {  	v11 =	vld [tilespmem:$0x1CB0];
	_ =	sdelay $0x4  }
0xbc: {  	v59 =	vperm.xlane v11, v0;
	_ =	sdelay $0x1  }
0xbd: {  	v11 =	vperm.xlane v11, v2;
	v12 =	vadd.s32 v1, v59;
	_ =	sdelay $0x1  }
0xbe: {  	v11 =	vadd.s32 v1, v11;
	_ =	sdelay $0x1  }
0xbf: {  	s17 =	simm.s32 $0xE800  }
0xc0: {  	[tilespmem:s17], [sflag:$0x2] =	stream.indirect_vreg.gather [hbm4b:s6+s24], $0x80, v12, vm0, $0xb8;
	[tilespmem:$0x17800] =	vst v63  }
0xc1: {  	s18 =	simm.s32 $0xF000  }
0xc2: {  	[tilespmem:s18], [sflag:$0x2] =	stream.indirect_vreg.gather [hbm4b:s6+s24], $0x80, v11, vm0, $0xb8;
	[tilespmem:$0x17800] =	vst v63  }
0xc3: {  	v11 =	vld [tilespmem:$0x1CC0];
	_ =	sdelay $0x4  }
0xc4: {  	v60 =	vperm.xlane v11, v0;
	_ =	sdelay $0x1  }
0xc5: {  	v11 =	vperm.xlane v11, v2;
	v12 =	vadd.s32 v1, v60;
	_ =	sdelay $0x1  }
0xc6: {  	v11 =	vadd.s32 v1, v11;
	_ =	sdelay $0x1  }
0xc7: {  	s19 =	simm.s32 $0xF800  }
0xc8: {  	[tilespmem:s19], [sflag:$0x2] =	stream.indirect_vreg.gather [hbm4b:s6+s24], $0x80, v12, vm0, $0xb8;
	[tilespmem:$0x17800] =	vst v63  }
0xc9: {  	s21 =	simm.s32 $0x10000  }
0xca: {  	[tilespmem:s21], [sflag:$0x2] =	stream.indirect_vreg.gather [hbm4b:s6+s24], $0x80, v11, vm0, $0xb8;
	[tilespmem:$0x17800] =	vst v63  }
0xcb: {  	v11 =	vld [tilespmem:$0x1CD0];
	_ =	sdelay $0x4  }
0xcc: {  	v61 =	vperm.xlane v11, v0;
	_ =	sdelay $0x1  }
0xcd: {  	v11 =	vperm.xlane v11, v2;
	v12 =	vadd.s32 v1, v61;
	_ =	sdelay $0x1  }
0xce: {  	v11 =	vadd.s32 v1, v11;
	_ =	sdelay $0x1  }
0xcf: {  	s23 =	simm.s32 $0x10800  }
0xd0: {  	[tilespmem:s23], [sflag:$0x2] =	stream.indirect_vreg.gather [hbm4b:s6+s24], $0x80, v12, vm0, $0xb8;
	[tilespmem:$0x17800] =	vst v63  }
0xd1: {  	s25 =	simm.s32 $0x11000  }
0xd2: {  	[tilespmem:s25], [sflag:$0x2] =	stream.indirect_vreg.gather [hbm4b:s6+s24], $0x80, v11, vm0, $0xb8;
	[tilespmem:$0x17800] =	vst v63  }
0xd3: {  	v11 =	vld [tilespmem:$0x1CE0];
	_ =	sdelay $0x4  }
0xd4: {  	v62 =	vperm.xlane v11, v0;
	_ =	sdelay $0x1  }
0xd5: {  	v11 =	vperm.xlane v11, v2;
	v12 =	vadd.s32 v1, v62;
	_ =	sdelay $0x1  }
0xd6: {  	v11 =	vadd.s32 v1, v11;
	_ =	sdelay $0x1  }
0xd7: {  	s26 =	simm.s32 $0x11800  }
0xd8: {  	[tilespmem:s26], [sflag:$0x2] =	stream.indirect_vreg.gather [hbm4b:s6+s24], $0x80, v12, vm0, $0xb8;
	[tilespmem:$0x17800] =	vst v63  }
0xd9: {  	s28 =	simm.s32 $0x12000  }
0xda: {  	[tilespmem:s28], [sflag:$0x2] =	stream.indirect_vreg.gather [hbm4b:s6+s24], $0x80, v11, vm0, $0xb8;
	[tilespmem:$0x17800] =	vst v63  }
0xdb: {  	v11 =	vld [tilespmem:$0x1CF0];
	_ =	sdelay $0x4  }
0xdc: {  	v63 =	vperm.xlane v11, v0;
	_ =	sdelay $0x1  }
0xdd: {  	v11 =	vperm.xlane v11, v2;
	v12 =	vadd.s32 v1, v63;
	_ =	sdelay $0x1  }
0xde: {  	v11 =	vadd.s32 v1, v11  }
.Ltmp3:
0xdf: {  	_ = 	snop;
	(pc) =	sbr.rel .LBB2_4-.Ltmp3, $4  }
0xe0: {  	s30 =	simm.s32 $0x12800  }
0xe1: {  	[tilespmem:s30], [sflag:$0x2] =	stream.indirect_vreg.gather [hbm4b:s6+s24], $0x80, v12, vm0, $0xb8;
	[tilespmem:$0x17800] =	vst v63  }
0xe2: {  	s31 =	simm.s32 $0x13000;
	s25 =	simm.s32 $0x0  }
0xe3: {  	[tilespmem:s31], [sflag:$0x2] =	stream.indirect_vreg.gather [hbm4b:s6+s24], $0x80, v11, vm0, $0xb8;
	[tilespmem:$0x17800] =	vst v63  }
.LBB2_12:
0xe4: {  	s25 =	sadd.s32 $0x1, s25  }
0xe5: {  	p0 =	sne.s32 s25, $0x19  }
.Ltmp4:
0xe6: {  	s0 =	sshll.u32 s28, $0x12;
	(pc) =	sbr.rel @!p0 .LBB2_13-.Ltmp4, $4  }
0xe7: {  	s0 =	sor.u32 s4, s0  }
0xe8: {  	s9 =	smov.u32 s10;
	s1 =	simm.s32 $0x400;
	s0 =	sshrl.u32 s0, $0x3  }
0xe9: {  	s2 =	simm.s32 $0x8000;
	s5 =	simm.s32 $0x15800;
	s0 =	sadd.s32 s10, s0  }
0xea: {  	[hbm4b:s0+s1] =	stream.strided.scatter [tilespmem:s5], [sflag:$0x4], $0x2000, s2, s1, $0x38;
	[tilespmem:$0x17800] =	vst v63  }
.LBB2_4:
0xeb: {  	_ =	swait.ge [sflag:s20], $0x4000  }
0xec: {  	p0 =	seq.s32 s25, $0x0;
	[sflag:s20] =	ssyncset.done $0x0  }
0xed: {  	s0 =	simm.s32 @!p0 $0x3;
	[sflag:s20] =	ssyncadd.s32 $0xFFFFC000  }
0xee: {  	_ =	swait.ge @!p0 [sflag:s0], $0x2000  }
0xef: {  	s1 =	sshll.u32 s25, $0x8;
	[sflag:s0] =	ssyncset.done @!p0 $0x0  }
0xf0: {  	s26 =	sand.u32 $0x3FFFFF00, s1;
	[sflag:s0] =	ssyncadd.s32 @!p0 $0xFFFFE000  }
0xf1: {  	v11 =	vld [tilespmem:s26+$0x0];
	_ =	sdelay $0x4  }
0xf2: {  	v11 =	vshll.u32 v11, $0x6  }
0xf3: {  	v11 =	vand.u32 $0x40, v11  }
0xf4: {  	v11 =	vor.u32 v3, v11  }
0xf5: {  	v12 =	vld [tilespmem:s26+$0x10];
	v13 =	vor.u32 s24, v11;
	_ =	sdelay $0x4  }
0xf6: {  	v12 =	vshll.u32 v12, $0x6;
	v13 =	vld.idx.msk [tilespmem:v13+s13+$0x0], $0xffff  }
0xf7: {  	s18 =	simm.s32 $0x1;
	v15 =	vld [tilespmem:s26+$0x20];
	v12 =	vand.u32 $0x40, v12  }
0xf8: {  	v16 =	vld [tilespmem:s26+$0x30];
	v14 =	vor.u32 v4, v12;
	v12 =	vor.u32 s18, v11  }
0xf9: {  	v19 =	vld [tilespmem:s26+$0x40];
	v17 =	vor.u32 s24, v14  }
0xfa: {  	v20 =	vld [tilespmem:s26+$0x50]  }
0xfb: {  	v21 =	vld [tilespmem:s26+$0x60];
	v13 =	vmul.f32 $8.000000000e+00, v13  }
0xfc: {  	s14 =	simm.s32 $0x13840;
	v22 =	vld [tilespmem:s26+$0x70]  }
0xfd: {  	v12 =	vld.idx.msk [tilespmem:v12+s13+$0x0], $0xffff;
	[tilespmem:s14+$0xFFFFFFC0] =	vst v13  }
0xfe: {  	s1 =	simm.s32 $0x2;
	v13 =	vshll.u32 v15, $0x6;
	v15 =	vld.idx.msk [tilespmem:v17+s13+$0x0], $0xffff  }
0xff: {  	v18 =	vor.u32 s1, v11;
	v13 =	vand.u32 $0x40, v13  }
0x100: {  	v17 =	vor.u32 v5, v13;
	v13 =	vor.u32 s18, v14  }
0x101: {  	v23 =	vor.u32 s24, v17  }
0x102: {  	v12 =	vmul.f32 $8.000000000e+00, v12  }
0x103: {  	s31 =	simm.s32 $0x138C0;
	v15 =	vmul.f32 $8.000000000e+00, v15  }
0x104: {  	v24 =	vld.idx.msk [tilespmem:v18+s13+$0x0], $0xffff;
	[tilespmem:s31+$0xFFFFFFC0] =	vst v12  }
0x105: {  	s0 =	simm.s32 $0x3;
	v12 =	vld.idx.msk [tilespmem:v13+s13+$0x0], $0xffff;
	[tilespmem:s14+$0xFFFFFFD0] =	vst v15  }
0x106: {  	v13 =	vshll.u32 v16, $0x6;
	v16 =	vor.u32 s0, v11;
	v15 =	vld.idx.msk [tilespmem:v23+s13+$0x0], $0xffff  }
0x107: {  	v13 =	vand.u32 $0x40, v13;
	v23 =	vor.u32 s1, v14  }
0x108: {  	v18 =	vor.u32 v6, v13;
	v13 =	vor.u32 s18, v17  }
0x109: {  	v24 =	vmul.f32 $8.000000000e+00, v24;
	v25 =	vor.u32 s24, v18  }
0x10a: {  	s28 =	simm.s32 $0x13940;
	v12 =	vmul.f32 $8.000000000e+00, v12  }
0x10b: {  	[tilespmem:s28+$0xFFFFFFC0] =	vst v24;
	v26 =	vld.idx.msk [tilespmem:v16+s13+$0x0], $0xffff;
	v15 =	vmul.f32 $8.000000000e+00, v15  }
0x10c: {  	s7 =	simm.s32 $0x4;
	v23 =	vld.idx.msk [tilespmem:v23+s13+$0x0], $0xffff;
	[tilespmem:s31+$0xFFFFFFD0] =	vst v12  }
0x10d: {  	v12 =	vld.idx.msk [tilespmem:v13+s13+$0x0], $0xffff;
	v13 =	vor.u32 s7, v11;
	[tilespmem:s14+$0xFFFFFFE0] =	vst v15  }
0x10e: {  	v24 =	vor.u32 s0, v14;
	v15 =	vshll.u32 v19, $0x6;
	v19 =	vld.idx.msk [tilespmem:v25+s13+$0x0], $0xffff  }
0x10f: {  	v15 =	vand.u32 $0x40, v15;
	v25 =	vor.u32 s1, v17  }
0x110: {  	v16 =	vor.u32 v7, v15;
	v15 =	vmul.f32 $8.000000000e+00, v26;
	v26 =	vor.u32 s18, v18  }
0x111: {  	s30 =	simm.s32 $0x139C0;
	v23 =	vmul.f32 $8.000000000e+00, v23;
	v27 =	vor.u32 s24, v16  }
0x112: {  	v13 =	vld.idx.msk [tilespmem:v13+s13+$0x0], $0xffff;
	[tilespmem:s30+$0xFFFFFFC0] =	vst v15;
	v12 =	vmul.f32 $8.000000000e+00, v12  }
0x113: {  	s8 =	simm.s32 $0x5;
	v15 =	vld.idx.msk [tilespmem:v24+s13+$0x0], $0xffff;
	[tilespmem:s28+$0xFFFFFFD0] =	vst v23;
	v19 =	vmul.f32 $8.000000000e+00, v19  }
0x114: {  	v23 =	vld.idx.msk [tilespmem:v25+s13+$0x0], $0xffff;
	[tilespmem:s31+$0xFFFFFFE0] =	vst v12;
	v12 =	vor.u32 s8, v11  }
0x115: {  	v24 =	vld.idx.msk [tilespmem:v26+s13+$0x0], $0xffff;
	[tilespmem:s14+$0xFFFFFFF0] =	vst v19;
	v19 =	vor.u32 s7, v14  }
0x116: {  	v20 =	vshll.u32 v20, $0x6;
	v26 =	vor.u32 s0, v17;
	v25 =	vld.idx.msk [tilespmem:v27+s13+$0x0], $0xffff  }
0x117: {  	v20 =	vand.u32 $0x40, v20;
	v28 =	vor.u32 s1, v18;
	v27 =	vmul.f32 $8.000000000e+00, v13  }
0x118: {  	s11 =	simm.s32 $0x13A40;
	v13 =	vor.u32 v8, v20;
	v20 =	vor.u32 s18, v16;
	v15 =	vmul.f32 $8.000000000e+00, v15  }
0x119: {  	v12 =	vld.idx.msk [tilespmem:v12+s13+$0x0], $0xffff;
	[tilespmem:s11+$0xFFFFFFC0] =	vst v27;
	v23 =	vmul.f32 $8.000000000e+00, v23;
	v27 =	vor.u32 s24, v13  }
0x11a: {  	s12 =	simm.s32 $0x6;
	[tilespmem:s30+$0xFFFFFFD0] =	vst v15;
	v15 =	vmul.f32 $8.000000000e+00, v24;
	v19 =	vld.idx.msk [tilespmem:v19+s13+$0x0], $0xffff  }
0x11b: {  	v24 =	vld.idx.msk [tilespmem:v26+s13+$0x0], $0xffff;
	[tilespmem:s28+$0xFFFFFFE0] =	vst v23;
	v23 =	vmul.f32 $8.000000000e+00, v25;
	v25 =	vor.u32 s12, v11  }
0x11c: {  	v26 =	vld.idx.msk [tilespmem:v28+s13+$0x0], $0xffff;
	[tilespmem:s31+$0xFFFFFFF0] =	vst v15;
	v15 =	vor.u32 s8, v14  }
0x11d: {  	v20 =	vld.idx.msk [tilespmem:v20+s13+$0x0], $0xffff;
	[tilespmem:s14+$0x0] =	vst v23;
	v23 =	vor.u32 s7, v17  }
0x11e: {  	v21 =	vshll.u32 v21, $0x6;
	v29 =	vor.u32 s0, v18;
	v28 =	vmul.f32 $8.000000000e+00, v12;
	v27 =	vld.idx.msk [tilespmem:v27+s13+$0x0], $0xffff  }
0x11f: {  	s5 =	simm.s32 $0x13AC0;
	v12 =	vand.u32 $0x40, v21;
	v21 =	vor.u32 s1, v16;
	v19 =	vmul.f32 $8.000000000e+00, v19  }
0x120: {  	v12 =	vor.u32 v9, v12;
	[tilespmem:s5+$0xFFFFFFC0] =	vst v28;
	v24 =	vmul.f32 $8.000000000e+00, v24;
	v28 =	vor.u32 s18, v13;
	v25 =	vld.idx.msk [tilespmem:v25+s13+$0x0], $0xffff  }
0x121: {  	s16 =	simm.s32 $0x7;
	v15 =	vld.idx.msk [tilespmem:v15+s13+$0x0], $0xffff;
	[tilespmem:s11+$0xFFFFFFD0] =	vst v19;
	v19 =	vmul.f32 $8.000000000e+00, v26;
	v26 =	vor.u32 s24, v12  }
0x122: {  	[tilespmem:s30+$0xFFFFFFE0] =	vst v24;
	v20 =	vmul.f32 $8.000000000e+00, v20;
	v24 =	vor.u32 s16, v11;
	v23 =	vld.idx.msk [tilespmem:v23+s13+$0x0], $0xffff  }
0x123: {  	v29 =	vld.idx.msk [tilespmem:v29+s13+$0x0], $0xffff;
	[tilespmem:s28+$0xFFFFFFF0] =	vst v19;
	v19 =	vmul.f32 $8.000000000e+00, v27;
	v27 =	vor.u32 s12, v14  }
0x124: {  	[tilespmem:s31+$0x0] =	vst v20;
	v20 =	vor.u32 s8, v17;
	v21 =	vld.idx.msk [tilespmem:v21+s13+$0x0], $0xffff  }
0x125: {  	v28 =	vld.idx.msk [tilespmem:v28+s13+$0x0], $0xffff;
	[tilespmem:s14+$0x10] =	vst v19;
	v19 =	vmul.f32 $8.000000000e+00, v25;
	v25 =	vor.u32 s7, v18  }
0x126: {  	s15 =	simm.s32 $0x13B40;
	v22 =	vshll.u32 v22, $0x6;
	v31 =	vor.u32 s0, v16;
	v30 =	vmul.f32 $8.000000000e+00, v15;
	v26 =	vld.idx.msk [tilespmem:v26+s13+$0x0], $0xffff  }
0x127: {  	v15 =	vand.u32 $0x40, v22;
	v22 =	vld.idx.msk [tilespmem:v24+s13+$0x0], $0xffff;
	[tilespmem:s15+$0xFFFFFFC0] =	vst v19;
	v19 =	vmul.f32 $8.000000000e+00, v23;
	v23 =	vor.u32 s1, v13  }
0x128: {  	s17 =	simm.s32 $0x8;
	[tilespmem:s5+$0xFFFFFFD0] =	vst v30;
	v24 =	vld.idx.msk [tilespmem:v27+s13+$0x0], $0xffff;
	v27 =	vmul.f32 $8.000000000e+00, v29;
	v29 =	vor.u32 s18, v12  }
0x129: {  	v32 =	vor.u32 s17, v11;
	v15 =	vor.u32 v10, v15;
	v30 =	vld.idx.msk [tilespmem:v20+s13+$0x0], $0xffff;
	[tilespmem:s11+$0xFFFFFFE0] =	vst v19;
	v19 =	vmul.f32 $8.000000000e+00, v21  }
0x12a: {  	v21 =	vor.u32 s24, v15;
	v20 =	vmul.f32 $8.000000000e+00, v28;
	v25 =	vld.idx.msk [tilespmem:v25+s13+$0x0], $0xffff;
	[tilespmem:s30+$0xFFFFFFF0] =	vst v27  }
0x12b: {  	v27 =	vor.u32 s16, v14;
	v31 =	vld.idx.msk [tilespmem:v31+s13+$0x0], $0xffff;
	[tilespmem:s28+$0x0] =	vst v19  }
0x12c: {  	v19 =	vmul.f32 $8.000000000e+00, v26;
	v26 =	vor.u32 s12, v17;
	[tilespmem:s31+$0x10] =	vst v20;
	v33 =	vld.idx.msk [tilespmem:v23+s13+$0x0], $0xffff  }
0x12d: {  	v34 =	vor.u32 s8, v18;
	v22 =	vmul.f32 $8.000000000e+00, v22;
	v20 =	vld.idx.msk [tilespmem:v29+s13+$0x0], $0xffff  }
0x12e: {  	s2 =	simm.s32 $0x13BC0;
	v23 =	vor.u32 s7, v16;
	[tilespmem:s14+$0x20] =	vst v19;
	v19 =	vmul.f32 $8.000000000e+00, v24;
	v29 =	vld.idx.msk [tilespmem:v32+s13+$0x0], $0xffff  }
0x12f: {  	[tilespmem:s2+$0xFFFFFFC0] =	vst v22;
	v30 =	vmul.f32 $8.000000000e+00, v30;
	v22 =	vor.u32 s0, v13;
	v24 =	vld.idx.msk [tilespmem:v21+s13+$0x0], $0xffff  }
0x130: {  	v21 =	vor.u32 s1, v12;
	v28 =	vld.idx.msk [tilespmem:v27+s13+$0x0], $0xffff;
	[tilespmem:s15+$0xFFFFFFD0] =	vst v19;
	v27 =	vmul.f32 $8.000000000e+00, v25  }
0x131: {  	s19 =	simm.s32 $0x9;
	[tilespmem:s5+$0xFFFFFFE0] =	vst v30;
	v19 =	vor.u32 s18, v15;
	v26 =	vld.idx.msk [tilespmem:v26+s13+$0x0], $0xffff;
	v30 =	vmul.f32 $8.000000000e+00, v31  }
0x132: {  	s21 =	simm.s32 $0xA;
	s26 =	sshll.u32 s25, $0x1;
	s18 =	simm.s32 $0x13BC0;
	v31 =	vor.u32 s19, v11;
	v25 =	vld.idx.msk [tilespmem:v34+s13+$0x0], $0xffff;
	[tilespmem:s11+$0xFFFFFFF0] =	vst v27;
	v27 =	vmul.f32 $8.000000000e+00, v33  }
.LBB2_5:
0x133: {  	p1 =	sne.s32 s21, $0x3F;
	v32 =	vor.u32 s17, v14;
	v33 =	vld.idx.msk [tilespmem:v23+s13+$0x0], $0xffff;
	[tilespmem:s30+$0x0] =	vst v30;
	v23 =	vmul.f32 $8.000000000e+00, v20;
	s23 =	smov.u32 s12;
	s12 =	smov.u32 s16  }
0x134: {  	s16 =	smov.u32 s17;
	s17 =	smov.u32 s19;
	s19 =	smov.u32 s21;
	v30 =	vor.u32 s12, v17;
	v34 =	vld.idx.msk [tilespmem:v22+s13+$0x0], $0xffff;
	[tilespmem:s28+$0x10] =	vst v27;
	v22 =	vmul.f32 $8.000000000e+00, v24  }
0x135: {  	v27 =	vmul.f32 $8.000000000e+00, v29;
	v35 =	vor.u32 s23, v18;
	v20 =	vld.idx.msk [tilespmem:v21+s13+$0x0], $0xffff;
	[tilespmem:s31+$0x20] =	vst v23  }
.Ltmp5:
0x136: {  	s2 =	sadd.s32 $0x80, s2;
	v21 =	vmul.f32 $8.000000000e+00, v28;
	v23 =	vor.u32 s8, v16;
	v24 =	vld.idx.msk [tilespmem:v19+s13+$0x0], $0xffff;
	[tilespmem:s14+$0x30] =	vst v22;
	s14 =	smov.u32 s31;
	(pc) =	sbr.rel @p1 .LBB2_5-.Ltmp5, $4  }
0x137: {  	v19 =	vmul.f32 $8.000000000e+00, v26;
	v22 =	vor.u32 s7, v13;
	s31 =	smov.u32 s28;
	s28 =	smov.u32 s30;
	s30 =	smov.u32 s11;
	v29 =	vld.idx.msk [tilespmem:v31+s13+$0x0], $0xffff;
	[tilespmem:s2+$0xFFFFFFC0] =	vst v27  }
0x138: {  	s11 =	smov.u32 s5;
	s5 =	smov.u32 s15;
	s15 =	smov.u32 s18;
	v27 =	vmul.f32 $8.000000000e+00, v25;
	v28 =	vld.idx.msk [tilespmem:v32+s13+$0x0], $0xffff;
	[tilespmem:s18+$0xFFFFFFD0] =	vst v21;
	v21 =	vor.u32 s0, v12  }
0x139: {  	s18 =	smov.u32 s2;
	v26 =	vld.idx.msk [tilespmem:v30+s13+$0x0], $0xffff;
	[tilespmem:s5+$0xFFFFFFE0] =	vst v19;
	v30 =	vmul.f32 $8.000000000e+00, v33;
	v19 =	vor.u32 s1, v15;
	s1 =	smov.u32 s0;
	s0 =	smov.u32 s7  }
0x13a: {  	s21 =	sadd.s32 $0x1, s21;
	v31 =	vor.u32 s19, v11;
	s7 =	smov.u32 s8;
	s8 =	smov.u32 s23;
	v25 =	vld.idx.msk [tilespmem:v35+s13+$0x0], $0xffff;
	[tilespmem:s11+$0xFFFFFFF0] =	vst v27;
	v27 =	vmul.f32 $8.000000000e+00, v34  }
0x13b: {  	_ =	sdelay $0x3  }
0x13c: {  	v11 =	vld.idx.msk [tilespmem:v31+s13+$0x0], $0xffff;
	_ =	sdelay $0x1  }
0x13d: {  	v38 =	vor.u32 s17, v14  }
0x13e: {  	v39 =	vor.u32 s19, v14  }
0x13f: {  	v29 =	vmul.f32 $8.000000000e+00, v29  }
0x140: {  	s21 =	sadd.s32 $0x80, s2;
	v11 =	vmul.f32 $8.000000000e+00, v11  }
0x141: {  	s23 =	sadd.s32 $0x80, s21;
	[tilespmem:s21+$0xFFFFFFC0] =	vst v29  }
0x142: {  	v29 =	vld.idx.msk [tilespmem:v38+s13+$0x0], $0xffff;
	[tilespmem:s23+$0xFFFFFFC0] =	vst v11  }
0x143: {  	v11 =	vld.idx.msk [tilespmem:v39+s13+$0x0], $0xffff  }
0x144: {  	v40 =	vor.u32 s16, v17  }
0x145: {  	v41 =	vor.u32 s17, v17  }
0x146: {  	v42 =	vor.u32 s19, v17;
	v28 =	vmul.f32 $8.000000000e+00, v28  }
0x147: {  	v29 =	vmul.f32 $8.000000000e+00, v29  }
0x148: {  	[tilespmem:s18+$0xFFFFFFD0] =	vst v28;
	v11 =	vmul.f32 $8.000000000e+00, v11  }
0x149: {  	v14 =	vld.idx.msk [tilespmem:v40+s13+$0x0], $0xffff;
	[tilespmem:s21+$0xFFFFFFD0] =	vst v29  }
0x14a: {  	v43 =	vld.idx.msk [tilespmem:v41+s13+$0x0], $0xffff;
	[tilespmem:s23+$0xFFFFFFD0] =	vst v11  }
0x14b: {  	v11 =	vor.u32 s12, v18;
	v17 =	vld.idx.msk [tilespmem:v42+s13+$0x0], $0xffff  }
0x14c: {  	v44 =	vor.u32 s16, v18  }
0x14d: {  	v45 =	vor.u32 s17, v18;
	v26 =	vmul.f32 $8.000000000e+00, v26  }
0x14e: {  	v46 =	vor.u32 s19, v18;
	v14 =	vmul.f32 $8.000000000e+00, v14  }
0x14f: {  	[tilespmem:s15+$0xFFFFFFE0] =	vst v26;
	v47 =	vmul.f32 $8.000000000e+00, v43  }
0x150: {  	[tilespmem:s18+$0xFFFFFFE0] =	vst v14;
	v11 =	vld.idx.msk [tilespmem:v11+s13+$0x0], $0xffff;
	v48 =	vmul.f32 $8.000000000e+00, v17  }
0x151: {  	v49 =	vld.idx.msk [tilespmem:v44+s13+$0x0], $0xffff;
	[tilespmem:s21+$0xFFFFFFE0] =	vst v47  }
0x152: {  	v50 =	vor.u32 s8, v16;
	v51 =	vld.idx.msk [tilespmem:v45+s13+$0x0], $0xffff;
	[tilespmem:s23+$0xFFFFFFE0] =	vst v48  }
0x153: {  	v24 =	vmul.f32 $8.000000000e+00, v24;
	v52 =	vor.u32 s12, v16;
	[tilespmem:s30+$0x0] =	vst v30;
	v18 =	vld.idx.msk [tilespmem:v46+s13+$0x0], $0xffff  }
0x154: {  	v54 =	vor.u32 s16, v16;
	[tilespmem:s28+$0x10] =	vst v27;
	v22 =	vld.idx.msk [tilespmem:v22+s13+$0x0], $0xffff;
	v53 =	vmul.f32 $8.000000000e+00, v25  }
0x155: {  	v55 =	vor.u32 s17, v16;
	[tilespmem:s14+$0x30] =	vst v24;
	v11 =	vmul.f32 $8.000000000e+00, v11  }
0x156: {  	v23 =	vld.idx.msk [tilespmem:v23+s13+$0x0], $0xffff;
	v56 =	vor.u32 s19, v16;
	[tilespmem:s5+$0xFFFFFFF0] =	vst v53;
	v17 =	vmul.f32 $8.000000000e+00, v49  }
0x157: {  	v24 =	vld.idx.msk [tilespmem:v50+s13+$0x0], $0xffff;
	[tilespmem:s15+$0xFFFFFFF0] =	vst v11;
	v11 =	vmul.f32 $8.000000000e+00, v51  }
0x158: {  	v31 =	vor.u32 s0, v12;
	[tilespmem:s18+$0xFFFFFFF0] =	vst v17;
	v14 =	vld.idx.msk [tilespmem:v52+s13+$0x0], $0xffff;
	v57 =	vmul.f32 $8.000000000e+00, v18  }
0x159: {  	v58 =	vor.u32 s7, v13;
	v32 =	vmul.f32 $8.000000000e+00, v22;
	v25 =	vld.idx.msk [tilespmem:v54+s13+$0x0], $0xffff;
	[tilespmem:s21+$0xFFFFFFF0] =	vst v11  }
0x15a: {  	v59 =	vor.u32 s8, v13;
	v11 =	vmul.f32 $8.000000000e+00, v20;
	v60 =	vld.idx.msk [tilespmem:v55+s13+$0x0], $0xffff;
	[tilespmem:s23+$0xFFFFFFF0] =	vst v57  }
0x15b: {  	v62 =	vor.u32 s12, v13;
	v61 =	vmul.f32 $8.000000000e+00, v23;
	[tilespmem:s30+$0x10] =	vst v32;
	v16 =	vld.idx.msk [tilespmem:v56+s13+$0x0], $0xffff  }
0x15c: {  	v63 =	vor.u32 s16, v13;
	v21 =	vld.idx.msk [tilespmem:v21+s13+$0x0], $0xffff;
	[tilespmem:s31+$0x20] =	vst v11;
	v11 =	vmul.f32 $8.000000000e+00, v24  }
0x15d: {  	v28 =	vor.u32 s17, v13;
	[tilespmem:s11+$0x0] =	vst v61;
	v40 =	vld.idx.msk [tilespmem:v31+s13+$0x0], $0xffff;
	v14 =	vmul.f32 $8.000000000e+00, v14  }
0x15e: {  	v29 =	vor.u32 s19, v13;
	v18 =	vld.idx.msk [tilespmem:v58+s13+$0x0], $0xffff;
	[tilespmem:s5+$0x0] =	vst v11;
	v11 =	vmul.f32 $8.000000000e+00, v25  }
0x15f: {  	v44 =	vor.u32 s1, v15;
	v20 =	vld.idx.msk [tilespmem:v59+s13+$0x0], $0xffff;
	[tilespmem:s15+$0x0] =	vst v14;
	v30 =	vmul.f32 $8.000000000e+00, v60  }
0x160: {  	[tilespmem:s18+$0x0] =	vst v11;
	v23 =	vld.idx.msk [tilespmem:v62+s13+$0x0], $0xffff;
	v11 =	vmul.f32 $8.000000000e+00, v16  }
0x161: {  	v33 =	vor.u32 s7, v12;
	v34 =	vmul.f32 $8.000000000e+00, v21;
	v24 =	vld.idx.msk [tilespmem:v63+s13+$0x0], $0xffff;
	[tilespmem:s21+$0x0] =	vst v30  }
0x162: {  	v35 =	vor.u32 s8, v12;
	v17 =	vld.idx.msk [tilespmem:v28+s13+$0x0], $0xffff;
	[tilespmem:s23+$0x0] =	vst v11  }
0x163: {  	v36 =	vor.u32 s12, v12;
	[tilespmem:s28+$0x20] =	vst v34;
	v11 =	vmul.f32 $8.000000000e+00, v18;
	v13 =	vld.idx.msk [tilespmem:v29+s13+$0x0], $0xffff  }
0x164: {  	v39 =	vor.u32 s16, v12;
	v51 =	vld.idx.msk [tilespmem:v44+s13+$0x0], $0xffff;
	v38 =	vmul.f32 $8.000000000e+00, v20  }
0x165: {  	v41 =	vor.u32 s17, v12;
	v37 =	vld.idx.msk [tilespmem:v19+s13+$0x0], $0xffff;
	[tilespmem:s11+$0x10] =	vst v11;
	v11 =	vmul.f32 $8.000000000e+00, v23  }
0x166: {  	v43 =	vor.u32 s19, v12;
	[tilespmem:s5+$0x10] =	vst v38;
	v42 =	vmul.f32 $8.000000000e+00, v24;
	v22 =	vld.idx.msk [tilespmem:v33+s13+$0x0], $0xffff  }
0x167: {  	v21 =	vld.idx.msk [tilespmem:v35+s13+$0x0], $0xffff;
	[tilespmem:s15+$0x10] =	vst v11;
	v11 =	vmul.f32 $8.000000000e+00, v17  }
0x168: {  	v45 =	vor.u32 s0, v15;
	[tilespmem:s18+$0x10] =	vst v42;
	v16 =	vld.idx.msk [tilespmem:v36+s13+$0x0], $0xffff;
	v13 =	vmul.f32 $8.000000000e+00, v13  }
0x169: {  	v47 =	vor.u32 s7, v15;
	v58 =	vmul.f32 $8.000000000e+00, v51;
	v19 =	vld.idx.msk [tilespmem:v39+s13+$0x0], $0xffff;
	[tilespmem:s21+$0x10] =	vst v11  }
0x16a: {  	v48 =	vor.u32 s8, v15;
	v11 =	vmul.f32 $8.000000000e+00, v40;
	v23 =	vld.idx.msk [tilespmem:v41+s13+$0x0], $0xffff;
	[tilespmem:s23+$0x10] =	vst v13  }
0x16b: {  	v50 =	vor.u32 s12, v15;
	[tilespmem:s28+$0x30] =	vst v58;
	v49 =	vmul.f32 $8.000000000e+00, v22;
	v12 =	vld.idx.msk [tilespmem:v43+s13+$0x0], $0xffff  }
0x16c: {  	v52 =	vor.u32 s16, v15;
	[tilespmem:s30+$0x20] =	vst v11;
	v11 =	vmul.f32 $8.000000000e+00, v21  }
0x16d: {  	v54 =	vor.u32 s17, v15;
	v17 =	vld.idx.msk [tilespmem:v45+s13+$0x0], $0xffff;
	[tilespmem:s11+$0x20] =	vst v49;
	v53 =	vmul.f32 $8.000000000e+00, v16  }
0x16e: {  	v55 =	vor.u32 s19, v15;
	[tilespmem:s5+$0x20] =	vst v11;
	v11 =	vmul.f32 $8.000000000e+00, v19;
	v18 =	vld.idx.msk [tilespmem:v47+s13+$0x0], $0xffff  }
0x16f: {  	v56 =	vld.idx.msk [tilespmem:v48+s13+$0x0], $0xffff;
	[tilespmem:s15+$0x20] =	vst v53;
	v57 =	vmul.f32 $8.000000000e+00, v23  }
0x170: {  	[tilespmem:s18+$0x20] =	vst v11;
	v14 =	vld.idx.msk [tilespmem:v50+s13+$0x0], $0xffff;
	v11 =	vmul.f32 $8.000000000e+00, v12  }
0x171: {  	v46 =	vmul.f32 $8.000000000e+00, v37;
	v59 =	vld.idx.msk [tilespmem:v52+s13+$0x0], $0xffff;
	[tilespmem:s21+$0x20] =	vst v57  }
0x172: {  	v60 =	vmul.f32 $8.000000000e+00, v17;
	v16 =	vld.idx.msk [tilespmem:v54+s13+$0x0], $0xffff;
	[tilespmem:s23+$0x20] =	vst v11  }
0x173: {  	[tilespmem:s31+$0x30] =	vst v46;
	v11 =	vmul.f32 $8.000000000e+00, v18;
	v61 =	vld.idx.msk [tilespmem:v55+s13+$0x0], $0xffff  }
0x174: {  	[tilespmem:s30+$0x30] =	vst v60;
	v62 =	vmul.f32 $8.000000000e+00, v56  }
0x175: {  	p1 =	seq.s32 s25, $0x18;
	[tilespmem:s11+$0x30] =	vst v11;
	v11 =	vmul.f32 $8.000000000e+00, v14  }
.Ltmp6:
0x176: {  	[tilespmem:s5+$0x30] =	vst v62;
	v63 =	vmul.f32 $8.000000000e+00, v59;
	(pc) =	sbr.rel @p1 .LBB2_8-.Ltmp6, $4  }
0x177: {  	[tilespmem:s15+$0x30] =	vst v11;
	v11 =	vmul.f32 $8.000000000e+00, v16  }
0x178: {  	[tilespmem:s18+$0x30] =	vst v63;
	v12 =	vmul.f32 $8.000000000e+00, v61  }
0x179: {  	[tilespmem:s21+$0x30] =	vst v11  }
0x17a: {  	[tilespmem:s23+$0x30] =	vst v12  }
0x17b: {  	s0 =	smin.u32 s26, $0x2F  }
0x17c: {  	s0 =	sshll.u32 s0, $0x7  }
0x17d: {  	v11 =	vld [tilespmem:s0+$0x1D00];
	_ =	sdelay $0x4  }
0x17e: {  	v12 =	vperm.xlane v11, v0;
	_ =	sdelay $0x1  }
0x17f: {  	v11 =	vperm.xlane v11, v2;
	v12 =	vadd.s32 v1, v12;
	_ =	sdelay $0x1  }
0x180: {  	v11 =	vadd.s32 v1, v11;
	_ =	sdelay $0x2  }
0x181: {  	[tilespmem:s13], [sflag:$0x1] =	stream.indirect_vreg.gather [hbm4b:s6+s3], $0x80, v12, vm0, $0xb8;
	[tilespmem:$0x17800] =	vst v63  }
0x182: {  	s1 =	simm.s32 $0x4000  }
0x183: {  	[tilespmem:s1], [sflag:$0x1] =	stream.indirect_vreg.gather [hbm4b:s6+s3], $0x80, v11, vm0, $0xb8;
	[tilespmem:$0x17800] =	vst v63  }
0x184: {  	v11 =	vld [tilespmem:s0+$0x1D10];
	_ =	sdelay $0x4  }
0x185: {  	v57 =	vperm.xlane v11, v0;
	_ =	sdelay $0x1  }
0x186: {  	v11 =	vperm.xlane v11, v2;
	v12 =	vadd.s32 v1, v57;
	_ =	sdelay $0x1  }
0x187: {  	v11 =	vadd.s32 v1, v11;
	_ =	sdelay $0x1  }
0x188: {  	s10 =	simm.s32 $0x4800  }
0x189: {  	[tilespmem:s10], [sflag:$0x1] =	stream.indirect_vreg.gather [hbm4b:s6+s3], $0x80, v12, vm0, $0xb8;
	[tilespmem:$0x17800] =	vst v63  }
0x18a: {  	s11 =	simm.s32 $0x5000  }
0x18b: {  	[tilespmem:s11], [sflag:$0x1] =	stream.indirect_vreg.gather [hbm4b:s6+s3], $0x80, v11, vm0, $0xb8;
	[tilespmem:$0x17800] =	vst v63  }
0x18c: {  	v11 =	vld [tilespmem:s0+$0x1D20];
	_ =	sdelay $0x4  }
0x18d: {  	v58 =	vperm.xlane v11, v0;
	_ =	sdelay $0x1  }
0x18e: {  	v11 =	vperm.xlane v11, v2;
	v12 =	vadd.s32 v1, v58;
	_ =	sdelay $0x1  }
0x18f: {  	v11 =	vadd.s32 v1, v11;
	_ =	sdelay $0x1  }
0x190: {  	s12 =	simm.s32 $0x5800  }
0x191: {  	[tilespmem:s12], [sflag:$0x1] =	stream.indirect_vreg.gather [hbm4b:s6+s3], $0x80, v12, vm0, $0xb8;
	[tilespmem:$0x17800] =	vst v63  }
0x192: {  	s14 =	simm.s32 $0x6000  }
0x193: {  	[tilespmem:s14], [sflag:$0x1] =	stream.indirect_vreg.gather [hbm4b:s6+s3], $0x80, v11, vm0, $0xb8;
	[tilespmem:$0x17800] =	vst v63  }
0x194: {  	v11 =	vld [tilespmem:s0+$0x1D30];
	_ =	sdelay $0x4  }
0x195: {  	v59 =	vperm.xlane v11, v0;
	_ =	sdelay $0x1  }
0x196: {  	v11 =	vperm.xlane v11, v2;
	v12 =	vadd.s32 v1, v59;
	_ =	sdelay $0x1  }
0x197: {  	v11 =	vadd.s32 v1, v11;
	_ =	sdelay $0x1  }
0x198: {  	s15 =	simm.s32 $0x6800  }
0x199: {  	[tilespmem:s15], [sflag:$0x1] =	stream.indirect_vreg.gather [hbm4b:s6+s3], $0x80, v12, vm0, $0xb8;
	[tilespmem:$0x17800] =	vst v63  }
0x19a: {  	s16 =	simm.s32 $0x7000  }
0x19b: {  	[tilespmem:s16], [sflag:$0x1] =	stream.indirect_vreg.gather [hbm4b:s6+s3], $0x80, v11, vm0, $0xb8;
	[tilespmem:$0x17800] =	vst v63  }
0x19c: {  	v11 =	vld [tilespmem:s0+$0x1D40];
	_ =	sdelay $0x4  }
0x19d: {  	v60 =	vperm.xlane v11, v0;
	_ =	sdelay $0x1  }
0x19e: {  	v11 =	vperm.xlane v11, v2;
	v12 =	vadd.s32 v1, v60;
	_ =	sdelay $0x1  }
0x19f: {  	v11 =	vadd.s32 v1, v11;
	_ =	sdelay $0x1  }
0x1a0: {  	s17 =	simm.s32 $0x7800  }
0x1a1: {  	[tilespmem:s17], [sflag:$0x1] =	stream.indirect_vreg.gather [hbm4b:s6+s3], $0x80, v12, vm0, $0xb8;
	[tilespmem:$0x17800] =	vst v63  }
0x1a2: {  	s18 =	simm.s32 $0x8000  }
0x1a3: {  	[tilespmem:s18], [sflag:$0x1] =	stream.indirect_vreg.gather [hbm4b:s6+s3], $0x80, v11, vm0, $0xb8;
	[tilespmem:$0x17800] =	vst v63  }
0x1a4: {  	v11 =	vld [tilespmem:s0+$0x1D50];
	_ =	sdelay $0x4  }
0x1a5: {  	v61 =	vperm.xlane v11, v0;
	_ =	sdelay $0x1  }
0x1a6: {  	v11 =	vperm.xlane v11, v2;
	v12 =	vadd.s32 v1, v61;
	_ =	sdelay $0x1  }
0x1a7: {  	v11 =	vadd.s32 v1, v11;
	_ =	sdelay $0x1  }
0x1a8: {  	s19 =	simm.s32 $0x8800  }
0x1a9: {  	[tilespmem:s19], [sflag:$0x1] =	stream.indirect_vreg.gather [hbm4b:s6+s3], $0x80, v12, vm0, $0xb8;
	[tilespmem:$0x17800] =	vst v63  }
0x1aa: {  	s21 =	simm.s32 $0x9000  }
0x1ab: {  	[tilespmem:s21], [sflag:$0x1] =	stream.indirect_vreg.gather [hbm4b:s6+s3], $0x80, v11, vm0, $0xb8;
	[tilespmem:$0x17800] =	vst v63  }
0x1ac: {  	v11 =	vld [tilespmem:s0+$0x1D60];
	_ =	sdelay $0x4  }
0x1ad: {  	v62 =	vperm.xlane v11, v0;
	_ =	sdelay $0x1  }
0x1ae: {  	v11 =	vperm.xlane v11, v2;
	v12 =	vadd.s32 v1, v62;
	_ =	sdelay $0x1  }
0x1af: {  	v11 =	vadd.s32 v1, v11;
	_ =	sdelay $0x1  }
0x1b0: {  	s23 =	simm.s32 $0x9800  }
0x1b1: {  	[tilespmem:s23], [sflag:$0x1] =	stream.indirect_vreg.gather [hbm4b:s6+s3], $0x80, v12, vm0, $0xb8;
	[tilespmem:$0x17800] =	vst v63  }
0x1b2: {  	s28 =	simm.s32 $0xA000  }
0x1b3: {  	[tilespmem:s28], [sflag:$0x1] =	stream.indirect_vreg.gather [hbm4b:s6+s3], $0x80, v11, vm0, $0xb8;
	[tilespmem:$0x17800] =	vst v63  }
0x1b4: {  	v11 =	vld [tilespmem:s0+$0x1D70];
	_ =	sdelay $0x4  }
0x1b5: {  	v63 =	vperm.xlane v11, v0;
	_ =	sdelay $0x1  }
0x1b6: {  	v11 =	vperm.xlane v11, v2;
	v12 =	vadd.s32 v1, v63;
	_ =	sdelay $0x1  }
0x1b7: {  	v11 =	vadd.s32 v1, v11;
	_ =	sdelay $0x1  }
0x1b8: {  	s30 =	simm.s32 $0xA800  }
0x1b9: {  	[tilespmem:s30], [sflag:$0x1] =	stream.indirect_vreg.gather [hbm4b:s6+s3], $0x80, v12, vm0, $0xb8;
	[tilespmem:$0x17800] =	vst v63  }
0x1ba: {  	s31 =	simm.s32 $0xB000  }
0x1bb: {  	[tilespmem:s31], [sflag:$0x1] =	stream.indirect_vreg.gather [hbm4b:s6+s3], $0x80, v11, vm0, $0xb8;
	[tilespmem:$0x17800] =	vst v63  }
.LBB2_8:
0x1bc: {  	s0 =	sshll.u32 s25, $0x13  }
0x1bd: {  	s0 =	sor.u32 s4, s0  }
0x1be: {  	s1 =	simm.s32 $0x400;
	s0 =	sshrl.u32 s0, $0x3  }
0x1bf: {  	s2 =	simm.s32 $0x8000;
	s5 =	simm.s32 $0x13800;
	s0 =	sadd.s32 s9, s0  }
0x1c0: {  	[hbm4b:s0+s1] =	stream.strided.scatter [tilespmem:s5], [sflag:$0x3], $0x2000, s2, s1, $0x38;
	[tilespmem:$0x17800] =	vst v63  }
0x1c1: {  	_ =	swait.ge [sflag:s22], $0x4000  }
0x1c2: {  	[sflag:s22] =	ssyncset.done $0x0  }
0x1c3: {  	s0 =	simm.s32 @!p0 $0x4;
	[sflag:s22] =	ssyncadd.s32 $0xFFFFC000  }
0x1c4: {  	s28 =	sor.u32 $0x1, s26;
	_ =	swait.ge @!p0 [sflag:s0], $0x2000  }
0x1c5: {  	s19 =	sshll.u32 s28, $0x7;
	[sflag:s0] =	ssyncset.done @!p0 $0x0  }
0x1c6: {  	s21 =	sand.u32 $0x3FFFFF80, s19;
	[sflag:s0] =	ssyncadd.s32 @!p0 $0xFFFFE000  }
0x1c7: {  	v11 =	vld [tilespmem:s21+$0x0];
	_ =	sdelay $0x4  }
0x1c8: {  	v11 =	vshll.u32 v11, $0x6  }
0x1c9: {  	v11 =	vand.u32 $0x40, v11  }
0x1ca: {  	s23 =	simm.s32 $0x0;
	v11 =	vor.u32 v3, v11  }
0x1cb: {  	v12 =	vld [tilespmem:s21+$0x10];
	v13 =	vor.u32 s23, v11;
	_ =	sdelay $0x4  }
0x1cc: {  	v12 =	vshll.u32 v12, $0x6;
	v13 =	vld.idx.msk [tilespmem:v13+s29+$0x0], $0xffff  }
0x1cd: {  	s19 =	simm.s32 $0x1;
	v15 =	vld [tilespmem:s21+$0x20];
	v12 =	vand.u32 $0x40, v12  }
0x1ce: {  	v16 =	vld [tilespmem:s21+$0x30];
	v14 =	vor.u32 v4, v12;
	v12 =	vor.u32 s19, v11  }
0x1cf: {  	v19 =	vld [tilespmem:s21+$0x40];
	v17 =	vor.u32 s23, v14  }
0x1d0: {  	v20 =	vld [tilespmem:s21+$0x50]  }
0x1d1: {  	v21 =	vld [tilespmem:s21+$0x60];
	v13 =	vmul.f32 $8.000000000e+00, v13  }
0x1d2: {  	s15 =	simm.s32 $0x15840;
	v22 =	vld [tilespmem:s21+$0x70]  }
0x1d3: {  	v12 =	vld.idx.msk [tilespmem:v12+s29+$0x0], $0xffff;
	[tilespmem:s15+$0xFFFFFFC0] =	vst v13  }
0x1d4: {  	s0 =	simm.s32 $0x2;
	v13 =	vshll.u32 v15, $0x6;
	v15 =	vld.idx.msk [tilespmem:v17+s29+$0x0], $0xffff  }
0x1d5: {  	v18 =	vor.u32 s0, v11;
	v13 =	vand.u32 $0x40, v13  }
0x1d6: {  	v17 =	vor.u32 v5, v13;
	v13 =	vor.u32 s19, v14  }
0x1d7: {  	v23 =	vor.u32 s23, v17  }
0x1d8: {  	v12 =	vmul.f32 $8.000000000e+00, v12  }
0x1d9: {  	s1 =	simm.s32 $0x158C0;
	v15 =	vmul.f32 $8.000000000e+00, v15  }
0x1da: {  	v24 =	vld.idx.msk [tilespmem:v18+s29+$0x0], $0xffff;
	[tilespmem:s1+$0xFFFFFFC0] =	vst v12  }
0x1db: {  	s11 =	simm.s32 $0x3;
	v12 =	vld.idx.msk [tilespmem:v13+s29+$0x0], $0xffff;
	[tilespmem:s15+$0xFFFFFFD0] =	vst v15  }
0x1dc: {  	v13 =	vshll.u32 v16, $0x6;
	v16 =	vor.u32 s11, v11;
	v15 =	vld.idx.msk [tilespmem:v23+s29+$0x0], $0xffff  }
0x1dd: {  	v13 =	vand.u32 $0x40, v13;
	v23 =	vor.u32 s0, v14  }
0x1de: {  	v18 =	vor.u32 v6, v13;
	v13 =	vor.u32 s19, v17  }
0x1df: {  	v24 =	vmul.f32 $8.000000000e+00, v24;
	v25 =	vor.u32 s23, v18  }
0x1e0: {  	s30 =	simm.s32 $0x15940;
	v12 =	vmul.f32 $8.000000000e+00, v12  }
0x1e1: {  	[tilespmem:s30+$0xFFFFFFC0] =	vst v24;
	v26 =	vld.idx.msk [tilespmem:v16+s29+$0x0], $0xffff;
	v15 =	vmul.f32 $8.000000000e+00, v15  }
0x1e2: {  	s8 =	simm.s32 $0x4;
	v23 =	vld.idx.msk [tilespmem:v23+s29+$0x0], $0xffff;
	[tilespmem:s1+$0xFFFFFFD0] =	vst v12  }
0x1e3: {  	v12 =	vld.idx.msk [tilespmem:v13+s29+$0x0], $0xffff;
	v13 =	vor.u32 s8, v11;
	[tilespmem:s15+$0xFFFFFFE0] =	vst v15  }
0x1e4: {  	v24 =	vor.u32 s11, v14;
	v15 =	vshll.u32 v19, $0x6;
	v19 =	vld.idx.msk [tilespmem:v25+s29+$0x0], $0xffff  }
0x1e5: {  	v15 =	vand.u32 $0x40, v15;
	v25 =	vor.u32 s0, v17  }
0x1e6: {  	v16 =	vor.u32 v7, v15;
	v15 =	vmul.f32 $8.000000000e+00, v26;
	v26 =	vor.u32 s19, v18  }
0x1e7: {  	s31 =	simm.s32 $0x159C0;
	v23 =	vmul.f32 $8.000000000e+00, v23;
	v27 =	vor.u32 s23, v16  }
0x1e8: {  	v13 =	vld.idx.msk [tilespmem:v13+s29+$0x0], $0xffff;
	[tilespmem:s31+$0xFFFFFFC0] =	vst v15;
	v12 =	vmul.f32 $8.000000000e+00, v12  }
0x1e9: {  	s5 =	simm.s32 $0x5;
	v15 =	vld.idx.msk [tilespmem:v24+s29+$0x0], $0xffff;
	[tilespmem:s30+$0xFFFFFFD0] =	vst v23;
	v19 =	vmul.f32 $8.000000000e+00, v19  }
0x1ea: {  	v23 =	vld.idx.msk [tilespmem:v25+s29+$0x0], $0xffff;
	[tilespmem:s1+$0xFFFFFFE0] =	vst v12;
	v12 =	vor.u32 s5, v11  }
0x1eb: {  	v24 =	vld.idx.msk [tilespmem:v26+s29+$0x0], $0xffff;
	[tilespmem:s15+$0xFFFFFFF0] =	vst v19;
	v19 =	vor.u32 s8, v14  }
0x1ec: {  	v20 =	vshll.u32 v20, $0x6;
	v26 =	vor.u32 s11, v17;
	v25 =	vld.idx.msk [tilespmem:v27+s29+$0x0], $0xffff  }
0x1ed: {  	v20 =	vand.u32 $0x40, v20;
	v28 =	vor.u32 s0, v18;
	v27 =	vmul.f32 $8.000000000e+00, v13  }
0x1ee: {  	s7 =	simm.s32 $0x15A40;
	v13 =	vor.u32 v8, v20;
	v20 =	vor.u32 s19, v16;
	v15 =	vmul.f32 $8.000000000e+00, v15  }
0x1ef: {  	v12 =	vld.idx.msk [tilespmem:v12+s29+$0x0], $0xffff;
	[tilespmem:s7+$0xFFFFFFC0] =	vst v27;
	v23 =	vmul.f32 $8.000000000e+00, v23;
	v27 =	vor.u32 s23, v13  }
0x1f0: {  	s14 =	simm.s32 $0x6;
	[tilespmem:s31+$0xFFFFFFD0] =	vst v15;
	v15 =	vmul.f32 $8.000000000e+00, v24;
	v19 =	vld.idx.msk [tilespmem:v19+s29+$0x0], $0xffff  }
0x1f1: {  	v24 =	vld.idx.msk [tilespmem:v26+s29+$0x0], $0xffff;
	[tilespmem:s30+$0xFFFFFFE0] =	vst v23;
	v23 =	vmul.f32 $8.000000000e+00, v25;
	v25 =	vor.u32 s14, v11  }
0x1f2: {  	v26 =	vld.idx.msk [tilespmem:v28+s29+$0x0], $0xffff;
	[tilespmem:s1+$0xFFFFFFF0] =	vst v15;
	v15 =	vor.u32 s5, v14  }
0x1f3: {  	v20 =	vld.idx.msk [tilespmem:v20+s29+$0x0], $0xffff;
	[tilespmem:s15+$0x0] =	vst v23;
	v23 =	vor.u32 s8, v17  }
0x1f4: {  	v21 =	vshll.u32 v21, $0x6;
	v29 =	vor.u32 s11, v18;
	v28 =	vmul.f32 $8.000000000e+00, v12;
	v27 =	vld.idx.msk [tilespmem:v27+s29+$0x0], $0xffff  }
0x1f5: {  	s12 =	simm.s32 $0x15AC0;
	v12 =	vand.u32 $0x40, v21;
	v21 =	vor.u32 s0, v16;
	v19 =	vmul.f32 $8.000000000e+00, v19  }
0x1f6: {  	v12 =	vor.u32 v9, v12;
	[tilespmem:s12+$0xFFFFFFC0] =	vst v28;
	v24 =	vmul.f32 $8.000000000e+00, v24;
	v28 =	vor.u32 s19, v13;
	v25 =	vld.idx.msk [tilespmem:v25+s29+$0x0], $0xffff  }
0x1f7: {  	s17 =	simm.s32 $0x7;
	v15 =	vld.idx.msk [tilespmem:v15+s29+$0x0], $0xffff;
	[tilespmem:s7+$0xFFFFFFD0] =	vst v19;
	v19 =	vmul.f32 $8.000000000e+00, v26;
	v26 =	vor.u32 s23, v12  }
0x1f8: {  	[tilespmem:s31+$0xFFFFFFE0] =	vst v24;
	v20 =	vmul.f32 $8.000000000e+00, v20;
	v24 =	vor.u32 s17, v11;
	v23 =	vld.idx.msk [tilespmem:v23+s29+$0x0], $0xffff  }
0x1f9: {  	v29 =	vld.idx.msk [tilespmem:v29+s29+$0x0], $0xffff;
	[tilespmem:s30+$0xFFFFFFF0] =	vst v19;
	v19 =	vmul.f32 $8.000000000e+00, v27;
	v27 =	vor.u32 s14, v14  }
0x1fa: {  	[tilespmem:s1+$0x0] =	vst v20;
	v20 =	vor.u32 s5, v17;
	v21 =	vld.idx.msk [tilespmem:v21+s29+$0x0], $0xffff  }
0x1fb: {  	v28 =	vld.idx.msk [tilespmem:v28+s29+$0x0], $0xffff;
	[tilespmem:s15+$0x10] =	vst v19;
	v19 =	vmul.f32 $8.000000000e+00, v25;
	v25 =	vor.u32 s8, v18  }
0x1fc: {  	s16 =	simm.s32 $0x15B40;
	v22 =	vshll.u32 v22, $0x6;
	v31 =	vor.u32 s11, v16;
	v30 =	vmul.f32 $8.000000000e+00, v15;
	v26 =	vld.idx.msk [tilespmem:v26+s29+$0x0], $0xffff  }
0x1fd: {  	v15 =	vand.u32 $0x40, v22;
	v22 =	vld.idx.msk [tilespmem:v24+s29+$0x0], $0xffff;
	[tilespmem:s16+$0xFFFFFFC0] =	vst v19;
	v19 =	vmul.f32 $8.000000000e+00, v23;
	v23 =	vor.u32 s0, v13  }
0x1fe: {  	s18 =	simm.s32 $0x8;
	[tilespmem:s12+$0xFFFFFFD0] =	vst v30;
	v24 =	vld.idx.msk [tilespmem:v27+s29+$0x0], $0xffff;
	v27 =	vmul.f32 $8.000000000e+00, v29;
	v29 =	vor.u32 s19, v12  }
0x1ff: {  	v32 =	vor.u32 s18, v11;
	v15 =	vor.u32 v10, v15;
	v30 =	vld.idx.msk [tilespmem:v20+s29+$0x0], $0xffff;
	[tilespmem:s7+$0xFFFFFFE0] =	vst v19;
	v19 =	vmul.f32 $8.000000000e+00, v21  }
0x200: {  	v21 =	vor.u32 s23, v15;
	v20 =	vmul.f32 $8.000000000e+00, v28;
	v25 =	vld.idx.msk [tilespmem:v25+s29+$0x0], $0xffff;
	[tilespmem:s31+$0xFFFFFFF0] =	vst v27  }
0x201: {  	v27 =	vor.u32 s17, v14;
	v31 =	vld.idx.msk [tilespmem:v31+s29+$0x0], $0xffff;
	[tilespmem:s30+$0x0] =	vst v19  }
0x202: {  	v19 =	vmul.f32 $8.000000000e+00, v26;
	v26 =	vor.u32 s14, v17;
	[tilespmem:s1+$0x10] =	vst v20;
	v33 =	vld.idx.msk [tilespmem:v23+s29+$0x0], $0xffff  }
0x203: {  	v34 =	vor.u32 s5, v18;
	v22 =	vmul.f32 $8.000000000e+00, v22;
	v20 =	vld.idx.msk [tilespmem:v29+s29+$0x0], $0xffff  }
0x204: {  	s2 =	simm.s32 $0x15BC0;
	v23 =	vor.u32 s8, v16;
	[tilespmem:s15+$0x20] =	vst v19;
	v19 =	vmul.f32 $8.000000000e+00, v24;
	v29 =	vld.idx.msk [tilespmem:v32+s29+$0x0], $0xffff  }
0x205: {  	[tilespmem:s2+$0xFFFFFFC0] =	vst v22;
	v30 =	vmul.f32 $8.000000000e+00, v30;
	v22 =	vor.u32 s11, v13;
	v24 =	vld.idx.msk [tilespmem:v21+s29+$0x0], $0xffff  }
0x206: {  	v21 =	vor.u32 s0, v12;
	v28 =	vld.idx.msk [tilespmem:v27+s29+$0x0], $0xffff;
	[tilespmem:s16+$0xFFFFFFD0] =	vst v19;
	v63 =	vmul.f32 $8.000000000e+00, v25  }
0x207: {  	s21 =	simm.s32 $0x9;
	[tilespmem:s12+$0xFFFFFFE0] =	vst v30;
	v19 =	vor.u32 s19, v15;
	v27 =	vld.idx.msk [tilespmem:v26+s29+$0x0], $0xffff;
	v30 =	vmul.f32 $8.000000000e+00, v31  }
0x208: {  	s10 =	smov.u32 s9;
	s23 =	simm.s32 $0xA;
	s19 =	simm.s32 $0x15BC0;
	v31 =	vor.u32 s21, v11;
	v25 =	vld.idx.msk [tilespmem:v34+s29+$0x0], $0xffff;
	[tilespmem:s7+$0xFFFFFFF0] =	vst v63;
	v26 =	vmul.f32 $8.000000000e+00, v33  }
.LBB2_9:
0x209: {  	p0 =	sne.s32 s23, $0x3F;
	v32 =	vor.u32 s18, v14;
	v33 =	vld.idx.msk [tilespmem:v23+s29+$0x0], $0xffff;
	[tilespmem:s31+$0x0] =	vst v30;
	v23 =	vmul.f32 $8.000000000e+00, v20;
	s9 =	smov.u32 s14;
	s14 =	smov.u32 s17  }
0x20a: {  	s17 =	smov.u32 s18;
	s18 =	smov.u32 s21;
	s21 =	smov.u32 s23;
	v30 =	vor.u32 s14, v17;
	v34 =	vld.idx.msk [tilespmem:v22+s29+$0x0], $0xffff;
	[tilespmem:s30+$0x10] =	vst v26;
	v22 =	vmul.f32 $8.000000000e+00, v24  }
0x20b: {  	v26 =	vmul.f32 $8.000000000e+00, v29;
	v35 =	vor.u32 s9, v18;
	v20 =	vld.idx.msk [tilespmem:v21+s29+$0x0], $0xffff;
	[tilespmem:s1+$0x20] =	vst v23  }
.Ltmp7:
0x20c: {  	s2 =	sadd.s32 $0x80, s2;
	v21 =	vmul.f32 $8.000000000e+00, v28;
	v23 =	vor.u32 s5, v16;
	v24 =	vld.idx.msk [tilespmem:v19+s29+$0x0], $0xffff;
	[tilespmem:s15+$0x30] =	vst v22;
	s15 =	smov.u32 s1;
	(pc) =	sbr.rel @p0 .LBB2_9-.Ltmp7, $4  }
0x20d: {  	v19 =	vmul.f32 $8.000000000e+00, v27;
	v22 =	vor.u32 s8, v13;
	s1 =	smov.u32 s30;
	s30 =	smov.u32 s31;
	s31 =	smov.u32 s7;
	v29 =	vld.idx.msk [tilespmem:v31+s29+$0x0], $0xffff;
	[tilespmem:s2+$0xFFFFFFC0] =	vst v26  }
0x20e: {  	s7 =	smov.u32 s12;
	s12 =	smov.u32 s16;
	s16 =	smov.u32 s19;
	v26 =	vmul.f32 $8.000000000e+00, v25;
	v28 =	vld.idx.msk [tilespmem:v32+s29+$0x0], $0xffff;
	[tilespmem:s19+$0xFFFFFFD0] =	vst v21;
	v21 =	vor.u32 s11, v12  }
0x20f: {  	s19 =	smov.u32 s2;
	v27 =	vld.idx.msk [tilespmem:v30+s29+$0x0], $0xffff;
	[tilespmem:s12+$0xFFFFFFE0] =	vst v19;
	v30 =	vmul.f32 $8.000000000e+00, v33;
	v19 =	vor.u32 s0, v15;
	s0 =	smov.u32 s11;
	s11 =	smov.u32 s8  }
0x210: {  	s23 =	sadd.s32 $0x1, s23;
	v31 =	vor.u32 s21, v11;
	s8 =	smov.u32 s5;
	s5 =	smov.u32 s9;
	v25 =	vld.idx.msk [tilespmem:v35+s29+$0x0], $0xffff;
	[tilespmem:s7+$0xFFFFFFF0] =	vst v26;
	v26 =	vmul.f32 $8.000000000e+00, v34  }
0x211: {  	_ =	sdelay $0x3  }
0x212: {  	v11 =	vld.idx.msk [tilespmem:v31+s29+$0x0], $0xffff;
	_ =	sdelay $0x1  }
0x213: {  	v38 =	vor.u32 s18, v14  }
0x214: {  	v39 =	vor.u32 s21, v14  }
0x215: {  	v29 =	vmul.f32 $8.000000000e+00, v29  }
0x216: {  	s23 =	sadd.s32 $0x80, s2;
	v11 =	vmul.f32 $8.000000000e+00, v11  }
0x217: {  	s2 =	sadd.s32 $0x80, s23;
	[tilespmem:s23+$0xFFFFFFC0] =	vst v29  }
0x218: {  	v29 =	vld.idx.msk [tilespmem:v38+s29+$0x0], $0xffff;
	[tilespmem:s2+$0xFFFFFFC0] =	vst v11  }
0x219: {  	v11 =	vld.idx.msk [tilespmem:v39+s29+$0x0], $0xffff  }
0x21a: {  	v40 =	vor.u32 s17, v17  }
0x21b: {  	v41 =	vor.u32 s18, v17  }
0x21c: {  	v42 =	vor.u32 s21, v17;
	v28 =	vmul.f32 $8.000000000e+00, v28  }
0x21d: {  	v29 =	vmul.f32 $8.000000000e+00, v29  }
0x21e: {  	[tilespmem:s19+$0xFFFFFFD0] =	vst v28;
	v11 =	vmul.f32 $8.000000000e+00, v11  }
0x21f: {  	v14 =	vld.idx.msk [tilespmem:v40+s29+$0x0], $0xffff;
	[tilespmem:s23+$0xFFFFFFD0] =	vst v29  }
0x220: {  	v43 =	vld.idx.msk [tilespmem:v41+s29+$0x0], $0xffff;
	[tilespmem:s2+$0xFFFFFFD0] =	vst v11  }
0x221: {  	v11 =	vor.u32 s14, v18;
	v17 =	vld.idx.msk [tilespmem:v42+s29+$0x0], $0xffff  }
0x222: {  	v44 =	vor.u32 s17, v18  }
0x223: {  	v45 =	vor.u32 s18, v18;
	v27 =	vmul.f32 $8.000000000e+00, v27  }
0x224: {  	v46 =	vor.u32 s21, v18;
	v14 =	vmul.f32 $8.000000000e+00, v14  }
0x225: {  	[tilespmem:s16+$0xFFFFFFE0] =	vst v27;
	v47 =	vmul.f32 $8.000000000e+00, v43  }
0x226: {  	[tilespmem:s19+$0xFFFFFFE0] =	vst v14;
	v11 =	vld.idx.msk [tilespmem:v11+s29+$0x0], $0xffff;
	v48 =	vmul.f32 $8.000000000e+00, v17  }
0x227: {  	v49 =	vld.idx.msk [tilespmem:v44+s29+$0x0], $0xffff;
	[tilespmem:s23+$0xFFFFFFE0] =	vst v47  }
0x228: {  	v50 =	vor.u32 s5, v16;
	v51 =	vld.idx.msk [tilespmem:v45+s29+$0x0], $0xffff;
	[tilespmem:s2+$0xFFFFFFE0] =	vst v48  }
0x229: {  	v24 =	vmul.f32 $8.000000000e+00, v24;
	v52 =	vor.u32 s14, v16;
	[tilespmem:s31+$0x0] =	vst v30;
	v18 =	vld.idx.msk [tilespmem:v46+s29+$0x0], $0xffff  }
0x22a: {  	v54 =	vor.u32 s17, v16;
	[tilespmem:s30+$0x10] =	vst v26;
	v22 =	vld.idx.msk [tilespmem:v22+s29+$0x0], $0xffff;
	v53 =	vmul.f32 $8.000000000e+00, v25  }
0x22b: {  	v55 =	vor.u32 s18, v16;
	[tilespmem:s15+$0x30] =	vst v24;
	v11 =	vmul.f32 $8.000000000e+00, v11  }
0x22c: {  	v23 =	vld.idx.msk [tilespmem:v23+s29+$0x0], $0xffff;
	v56 =	vor.u32 s21, v16;
	[tilespmem:s12+$0xFFFFFFF0] =	vst v53;
	v17 =	vmul.f32 $8.000000000e+00, v49  }
0x22d: {  	v24 =	vld.idx.msk [tilespmem:v50+s29+$0x0], $0xffff;
	[tilespmem:s16+$0xFFFFFFF0] =	vst v11;
	v11 =	vmul.f32 $8.000000000e+00, v51  }
0x22e: {  	v31 =	vor.u32 s11, v12;
	[tilespmem:s19+$0xFFFFFFF0] =	vst v17;
	v14 =	vld.idx.msk [tilespmem:v52+s29+$0x0], $0xffff;
	v57 =	vmul.f32 $8.000000000e+00, v18  }
0x22f: {  	v58 =	vor.u32 s8, v13;
	v32 =	vmul.f32 $8.000000000e+00, v22;
	v25 =	vld.idx.msk [tilespmem:v54+s29+$0x0], $0xffff;
	[tilespmem:s23+$0xFFFFFFF0] =	vst v11  }
0x230: {  	v59 =	vor.u32 s5, v13;
	v11 =	vmul.f32 $8.000000000e+00, v20;
	v60 =	vld.idx.msk [tilespmem:v55+s29+$0x0], $0xffff;
	[tilespmem:s2+$0xFFFFFFF0] =	vst v57  }
0x231: {  	v62 =	vor.u32 s14, v13;
	v61 =	vmul.f32 $8.000000000e+00, v23;
	[tilespmem:s31+$0x10] =	vst v32;
	v16 =	vld.idx.msk [tilespmem:v56+s29+$0x0], $0xffff  }
0x232: {  	v63 =	vor.u32 s17, v13;
	v21 =	vld.idx.msk [tilespmem:v21+s29+$0x0], $0xffff;
	[tilespmem:s1+$0x20] =	vst v11;
	v11 =	vmul.f32 $8.000000000e+00, v24  }
0x233: {  	v28 =	vor.u32 s18, v13;
	[tilespmem:s7+$0x0] =	vst v61;
	v40 =	vld.idx.msk [tilespmem:v31+s29+$0x0], $0xffff;
	v14 =	vmul.f32 $8.000000000e+00, v14  }
0x234: {  	v29 =	vor.u32 s21, v13;
	v18 =	vld.idx.msk [tilespmem:v58+s29+$0x0], $0xffff;
	[tilespmem:s12+$0x0] =	vst v11;
	v11 =	vmul.f32 $8.000000000e+00, v25  }
0x235: {  	v44 =	vor.u32 s0, v15;
	v20 =	vld.idx.msk [tilespmem:v59+s29+$0x0], $0xffff;
	[tilespmem:s16+$0x0] =	vst v14;
	v30 =	vmul.f32 $8.000000000e+00, v60  }
0x236: {  	[tilespmem:s19+$0x0] =	vst v11;
	v23 =	vld.idx.msk [tilespmem:v62+s29+$0x0], $0xffff;
	v11 =	vmul.f32 $8.000000000e+00, v16  }
0x237: {  	v33 =	vor.u32 s8, v12;
	v34 =	vmul.f32 $8.000000000e+00, v21;
	v24 =	vld.idx.msk [tilespmem:v63+s29+$0x0], $0xffff;
	[tilespmem:s23+$0x0] =	vst v30  }
0x238: {  	v35 =	vor.u32 s5, v12;
	v17 =	vld.idx.msk [tilespmem:v28+s29+$0x0], $0xffff;
	[tilespmem:s2+$0x0] =	vst v11  }
0x239: {  	v36 =	vor.u32 s14, v12;
	[tilespmem:s30+$0x20] =	vst v34;
	v11 =	vmul.f32 $8.000000000e+00, v18;
	v13 =	vld.idx.msk [tilespmem:v29+s29+$0x0], $0xffff  }
0x23a: {  	v39 =	vor.u32 s17, v12;
	v51 =	vld.idx.msk [tilespmem:v44+s29+$0x0], $0xffff;
	v38 =	vmul.f32 $8.000000000e+00, v20  }
0x23b: {  	v41 =	vor.u32 s18, v12;
	v37 =	vld.idx.msk [tilespmem:v19+s29+$0x0], $0xffff;
	[tilespmem:s7+$0x10] =	vst v11;
	v11 =	vmul.f32 $8.000000000e+00, v23  }
0x23c: {  	v43 =	vor.u32 s21, v12;
	[tilespmem:s12+$0x10] =	vst v38;
	v42 =	vmul.f32 $8.000000000e+00, v24;
	v22 =	vld.idx.msk [tilespmem:v33+s29+$0x0], $0xffff  }
0x23d: {  	v21 =	vld.idx.msk [tilespmem:v35+s29+$0x0], $0xffff;
	[tilespmem:s16+$0x10] =	vst v11;
	v11 =	vmul.f32 $8.000000000e+00, v17  }
0x23e: {  	v45 =	vor.u32 s11, v15;
	[tilespmem:s19+$0x10] =	vst v42;
	v16 =	vld.idx.msk [tilespmem:v36+s29+$0x0], $0xffff;
	v13 =	vmul.f32 $8.000000000e+00, v13  }
0x23f: {  	v47 =	vor.u32 s8, v15;
	v58 =	vmul.f32 $8.000000000e+00, v51;
	v19 =	vld.idx.msk [tilespmem:v39+s29+$0x0], $0xffff;
	[tilespmem:s23+$0x10] =	vst v11  }
0x240: {  	v48 =	vor.u32 s5, v15;
	v11 =	vmul.f32 $8.000000000e+00, v40;
	v23 =	vld.idx.msk [tilespmem:v41+s29+$0x0], $0xffff;
	[tilespmem:s2+$0x10] =	vst v13  }
0x241: {  	v50 =	vor.u32 s14, v15;
	[tilespmem:s30+$0x30] =	vst v58;
	v49 =	vmul.f32 $8.000000000e+00, v22;
	v12 =	vld.idx.msk [tilespmem:v43+s29+$0x0], $0xffff  }
0x242: {  	v52 =	vor.u32 s17, v15;
	[tilespmem:s31+$0x20] =	vst v11;
	v11 =	vmul.f32 $8.000000000e+00, v21  }
0x243: {  	v54 =	vor.u32 s18, v15;
	v17 =	vld.idx.msk [tilespmem:v45+s29+$0x0], $0xffff;
	[tilespmem:s7+$0x20] =	vst v49;
	v53 =	vmul.f32 $8.000000000e+00, v16  }
0x244: {  	v55 =	vor.u32 s21, v15;
	[tilespmem:s12+$0x20] =	vst v11;
	v11 =	vmul.f32 $8.000000000e+00, v19;
	v18 =	vld.idx.msk [tilespmem:v47+s29+$0x0], $0xffff  }
0x245: {  	v56 =	vld.idx.msk [tilespmem:v48+s29+$0x0], $0xffff;
	[tilespmem:s16+$0x20] =	vst v53;
	v57 =	vmul.f32 $8.000000000e+00, v23  }
0x246: {  	[tilespmem:s19+$0x20] =	vst v11;
	v14 =	vld.idx.msk [tilespmem:v50+s29+$0x0], $0xffff;
	v11 =	vmul.f32 $8.000000000e+00, v12  }
0x247: {  	v46 =	vmul.f32 $8.000000000e+00, v37;
	v59 =	vld.idx.msk [tilespmem:v52+s29+$0x0], $0xffff;
	[tilespmem:s23+$0x20] =	vst v57  }
0x248: {  	v60 =	vmul.f32 $8.000000000e+00, v17;
	v16 =	vld.idx.msk [tilespmem:v54+s29+$0x0], $0xffff;
	[tilespmem:s2+$0x20] =	vst v11  }
0x249: {  	[tilespmem:s1+$0x30] =	vst v46;
	v11 =	vmul.f32 $8.000000000e+00, v18;
	v61 =	vld.idx.msk [tilespmem:v55+s29+$0x0], $0xffff  }
0x24a: {  	[tilespmem:s31+$0x30] =	vst v60;
	v62 =	vmul.f32 $8.000000000e+00, v56  }
0x24b: {  	[tilespmem:s7+$0x30] =	vst v11;
	v11 =	vmul.f32 $8.000000000e+00, v14  }
.Ltmp8:
0x24c: {  	[tilespmem:s12+$0x30] =	vst v62;
	v63 =	vmul.f32 $8.000000000e+00, v59;
	(pc) =	sbr.rel @p1 .LBB2_12-.Ltmp8, $4  }
0x24d: {  	[tilespmem:s16+$0x30] =	vst v11;
	v11 =	vmul.f32 $8.000000000e+00, v16  }
0x24e: {  	[tilespmem:s19+$0x30] =	vst v63;
	v12 =	vmul.f32 $8.000000000e+00, v61  }
0x24f: {  	[tilespmem:s23+$0x30] =	vst v11  }
0x250: {  	[tilespmem:s2+$0x30] =	vst v12  }
0x251: {  	s0 =	smin.u32 s26, $0x2E  }
0x252: {  	s0 =	sshll.u32 s0, $0x7  }
0x253: {  	v11 =	vld [tilespmem:s0+$0x1D80];
	_ =	sdelay $0x4  }
0x254: {  	v12 =	vperm.xlane v11, v0;
	_ =	sdelay $0x1  }
0x255: {  	v11 =	vperm.xlane v11, v2;
	v12 =	vadd.s32 v1, v12;
	_ =	sdelay $0x1  }
0x256: {  	v11 =	vadd.s32 v1, v11;
	_ =	sdelay $0x2  }
0x257: {  	[tilespmem:s29], [sflag:$0x2] =	stream.indirect_vreg.gather [hbm4b:s6+s3], $0x80, v12, vm0, $0xb8;
	[tilespmem:$0x17800] =	vst v63  }
0x258: {  	s1 =	simm.s32 $0xC000  }
0x259: {  	[tilespmem:s1], [sflag:$0x2] =	stream.indirect_vreg.gather [hbm4b:s6+s3], $0x80, v11, vm0, $0xb8;
	[tilespmem:$0x17800] =	vst v63  }
0x25a: {  	v11 =	vld [tilespmem:s0+$0x1D90];
	_ =	sdelay $0x4  }
0x25b: {  	v57 =	vperm.xlane v11, v0;
	_ =	sdelay $0x1  }
0x25c: {  	v11 =	vperm.xlane v11, v2;
	v12 =	vadd.s32 v1, v57;
	_ =	sdelay $0x1  }
0x25d: {  	v11 =	vadd.s32 v1, v11;
	_ =	sdelay $0x1  }
0x25e: {  	s9 =	simm.s32 $0xC800  }
0x25f: {  	[tilespmem:s9], [sflag:$0x2] =	stream.indirect_vreg.gather [hbm4b:s6+s3], $0x80, v12, vm0, $0xb8;
	[tilespmem:$0x17800] =	vst v63  }
0x260: {  	s11 =	simm.s32 $0xD000  }
0x261: {  	[tilespmem:s11], [sflag:$0x2] =	stream.indirect_vreg.gather [hbm4b:s6+s3], $0x80, v11, vm0, $0xb8;
	[tilespmem:$0x17800] =	vst v63  }
0x262: {  	v11 =	vld [tilespmem:s0+$0x1DA0];
	_ =	sdelay $0x4  }
0x263: {  	v58 =	vperm.xlane v11, v0;
	_ =	sdelay $0x1  }
0x264: {  	v11 =	vperm.xlane v11, v2;
	v12 =	vadd.s32 v1, v58;
	_ =	sdelay $0x1  }
0x265: {  	v11 =	vadd.s32 v1, v11;
	_ =	sdelay $0x1  }
0x266: {  	s12 =	simm.s32 $0xD800  }
0x267: {  	[tilespmem:s12], [sflag:$0x2] =	stream.indirect_vreg.gather [hbm4b:s6+s3], $0x80, v12, vm0, $0xb8;
	[tilespmem:$0x17800] =	vst v63  }
0x268: {  	s14 =	simm.s32 $0xE000  }
0x269: {  	[tilespmem:s14], [sflag:$0x2] =	stream.indirect_vreg.gather [hbm4b:s6+s3], $0x80, v11, vm0, $0xb8;
	[tilespmem:$0x17800] =	vst v63  }
0x26a: {  	v11 =	vld [tilespmem:s0+$0x1DB0];
	_ =	sdelay $0x4  }
0x26b: {  	v59 =	vperm.xlane v11, v0;
	_ =	sdelay $0x1  }
0x26c: {  	v11 =	vperm.xlane v11, v2;
	v12 =	vadd.s32 v1, v59;
	_ =	sdelay $0x1  }
0x26d: {  	v11 =	vadd.s32 v1, v11;
	_ =	sdelay $0x1  }
0x26e: {  	s15 =	simm.s32 $0xE800  }
0x26f: {  	[tilespmem:s15], [sflag:$0x2] =	stream.indirect_vreg.gather [hbm4b:s6+s3], $0x80, v12, vm0, $0xb8;
	[tilespmem:$0x17800] =	vst v63  }
0x270: {  	s16 =	simm.s32 $0xF000  }
0x271: {  	[tilespmem:s16], [sflag:$0x2] =	stream.indirect_vreg.gather [hbm4b:s6+s3], $0x80, v11, vm0, $0xb8;
	[tilespmem:$0x17800] =	vst v63  }
0x272: {  	v11 =	vld [tilespmem:s0+$0x1DC0];
	_ =	sdelay $0x4  }
0x273: {  	v60 =	vperm.xlane v11, v0;
	_ =	sdelay $0x1  }
0x274: {  	v11 =	vperm.xlane v11, v2;
	v12 =	vadd.s32 v1, v60;
	_ =	sdelay $0x1  }
0x275: {  	v11 =	vadd.s32 v1, v11;
	_ =	sdelay $0x1  }
0x276: {  	s17 =	simm.s32 $0xF800  }
0x277: {  	[tilespmem:s17], [sflag:$0x2] =	stream.indirect_vreg.gather [hbm4b:s6+s3], $0x80, v12, vm0, $0xb8;
	[tilespmem:$0x17800] =	vst v63  }
0x278: {  	s18 =	simm.s32 $0x10000  }
0x279: {  	[tilespmem:s18], [sflag:$0x2] =	stream.indirect_vreg.gather [hbm4b:s6+s3], $0x80, v11, vm0, $0xb8;
	[tilespmem:$0x17800] =	vst v63  }
0x27a: {  	v11 =	vld [tilespmem:s0+$0x1DD0];
	_ =	sdelay $0x4  }
0x27b: {  	v61 =	vperm.xlane v11, v0;
	_ =	sdelay $0x1  }
0x27c: {  	v11 =	vperm.xlane v11, v2;
	v12 =	vadd.s32 v1, v61;
	_ =	sdelay $0x1  }
0x27d: {  	v11 =	vadd.s32 v1, v11;
	_ =	sdelay $0x1  }
0x27e: {  	s19 =	simm.s32 $0x10800  }
0x27f: {  	[tilespmem:s19], [sflag:$0x2] =	stream.indirect_vreg.gather [hbm4b:s6+s3], $0x80, v12, vm0, $0xb8;
	[tilespmem:$0x17800] =	vst v63  }
0x280: {  	s21 =	simm.s32 $0x11000  }
0x281: {  	[tilespmem:s21], [sflag:$0x2] =	stream.indirect_vreg.gather [hbm4b:s6+s3], $0x80, v11, vm0, $0xb8;
	[tilespmem:$0x17800] =	vst v63  }
0x282: {  	v11 =	vld [tilespmem:s0+$0x1DE0];
	_ =	sdelay $0x4  }
0x283: {  	v62 =	vperm.xlane v11, v0;
	_ =	sdelay $0x1  }
0x284: {  	v11 =	vperm.xlane v11, v2;
	v12 =	vadd.s32 v1, v62;
	_ =	sdelay $0x1  }
0x285: {  	v11 =	vadd.s32 v1, v11;
	_ =	sdelay $0x1  }
0x286: {  	s23 =	simm.s32 $0x11800  }
0x287: {  	[tilespmem:s23], [sflag:$0x2] =	stream.indirect_vreg.gather [hbm4b:s6+s3], $0x80, v12, vm0, $0xb8;
	[tilespmem:$0x17800] =	vst v63  }
0x288: {  	s26 =	simm.s32 $0x12000  }
0x289: {  	[tilespmem:s26], [sflag:$0x2] =	stream.indirect_vreg.gather [hbm4b:s6+s3], $0x80, v11, vm0, $0xb8;
	[tilespmem:$0x17800] =	vst v63  }
0x28a: {  	v11 =	vld [tilespmem:s0+$0x1DF0];
	_ =	sdelay $0x4  }
0x28b: {  	v63 =	vperm.xlane v11, v0;
	_ =	sdelay $0x1  }
0x28c: {  	v11 =	vperm.xlane v11, v2;
	v12 =	vadd.s32 v1, v63;
	_ =	sdelay $0x1  }
0x28d: {  	v11 =	vadd.s32 v1, v11  }
.Ltmp9:
0x28e: {  	_ = 	snop;
	(pc) =	sbr.rel .LBB2_12-.Ltmp9, $4  }
0x28f: {  	s30 =	simm.s32 $0x12800  }
0x290: {  	[tilespmem:s30], [sflag:$0x2] =	stream.indirect_vreg.gather [hbm4b:s6+s3], $0x80, v12, vm0, $0xb8;
	[tilespmem:$0x17800] =	vst v63  }
0x291: {  	s31 =	simm.s32 $0x13000  }
0x292: {  	[tilespmem:s31], [sflag:$0x2] =	stream.indirect_vreg.gather [hbm4b:s6+s3], $0x80, v11, vm0, $0xb8;
	[tilespmem:$0x17800] =	vst v63  }
.LBB2_14:
0x293: {  	_ =	sfence.sel $0x180000  }
0x294: {  	[bflag:$0x0] =	sbarrier.arrive $0xFFFF  }
0x295: {  	_ =	strace $0x9000004A  }
0x296: {  	s0 =	stileid.u32;
	[bflag:$0x2] =	sbarrier.arrive $0xFFFF  }
0x297: {  	p0 =	sne.s32 s0, $0x0;
	s0 =	rddreg [dreg:$0x3]  }
0x298: {  	s0 =	sadd.s32 @!p0 $0x100000, s0  }
0x299: {  	[sflag:s0] =	ssyncadd.tile.s32 @!p0 $0x1;
	_ =	shalt  }
.Lfunc_end2:
_tile_overlayer_lowered:
.L_overlay_start_2:
0x29a: {  	(tag) =	ssettag $0x2  }
0x29b: {  	s0 =	rddreg [dreg:$0x0];
	s2 =	stileid.u32  }
0x29c: {  	s1 =	rddreg [dreg:$0x1];
	p0 =	sne.s32 s2, $0x0  }
0x29d: {  	s3 =	rddreg [dreg:$0x2];
	[bflag:$0x3] =	sbarrier.arrive $0xFFFF;
	s2 =	simm.s32 @!p0 $0x1C05  }
0x29e: {  	[timem:s3], [sflag:s2] =	dma.local @!p0 [hbm:s0], s1  }
0x29f: {  	s0 =	simm.s32 @!p0 $0x5  }
0x2a0: {  	_ =	swait.ge @!p0 [sflag:s0], s1  }
0x2a1: {  	s1 =	ssub.s32 @!p0 $0x0, s1;
	[sflag:s0] =	ssyncset.done @!p0 $0x0  }
0x2a2: {  	[sflag:s0] =	ssyncadd.s32 @!p0 s1  }
0x2a3: {  	[bflag:$0x3] =	sbarrier.arrive $0xFFFF  }
0x2a4: {  	_ =	shalt  }

</sc_bundles>
